<compile_context>
chip_gen: v7x
topology: tpu7x:2x2x1
jax: 0.10.2.dev20260603
libtpu: 0.0.44.dev20260713+nightly
codegen_flags: <defaults>
</compile_context>

<pallas_src>
import functools
import math

import jax
import jax.numpy as jnp
from jax import lax
from jax.experimental import pallas as pl
from jax.experimental.pallas import tpu as pltpu
from jax.experimental.pallas import tpu_sc as plsc

NN = 10000
EE = 320000
HID = 128
NHEAD = 4
DH = 32
NG = 8

NC = 2
NS = 16
NW = NC * NS
EPW = EE // NW
CH = 80
NCHUNK = EPW // CH

_RSQ = 1.0 / math.sqrt(DH)



def _sc_mesh():
    return plsc.VectorSubcoreMesh(core_axis_name="c", subcore_axis_name="s")


def _gather_all(coords16, src, dst, value, i3, j3):
    out_type = (
        jax.ShapeDtypeStruct((EE, 16), jnp.float32),
        jax.ShapeDtypeStruct((EE, 16), jnp.float32),
        jax.ShapeDtypeStruct((EE, HID), jnp.float32),
        jax.ShapeDtypeStruct((EE, HID), jnp.float32),
        jax.ShapeDtypeStruct((EE, HID), jnp.float32),
    )

    widths = (16, 16, HID, HID, HID)
    bufspecs = [pltpu.VMEM((CH, w), jnp.float32) for w in widths] * 2

    @functools.partial(
        pl.kernel,
        out_type=out_type,
        mesh=_sc_mesh(),
        compiler_params=pltpu.CompilerParams(use_tc_tiling_on_sc=False),
        scratch_types=[
            pltpu.VMEM((NCHUNK, CH), jnp.int32),
            pltpu.VMEM((NCHUNK, CH), jnp.int32),
        ] + bufspecs + [
            pltpu.SemaphoreType.DMA, pltpu.SemaphoreType.DMA,
            pltpu.SemaphoreType.DMA, pltpu.SemaphoreType.DMA,
        ],
    )
    def k(c16_h, src_h, dst_h, val_h, i3_h, j3_h,
          ci_h, cj_h, sj_h, di_h, vj_h,
          iv, jv,
          b0s0, b0s1, b0s2, b0s3, b0s4,
          b1s0, b1s1, b1s2, b1s3, b1s4,
          gsem0, gsem1, wsem0, wsem1):
        c = lax.axis_index("c")
        s = lax.axis_index("s")
        wid = s * NC + c
        pltpu.sync_copy(i3_h.at[wid], iv)
        pltpu.sync_copy(j3_h.at[wid], jv)
        base = wid * EPW

        tbls = (c16_h, c16_h, src_h, dst_h, val_h)
        idxs = (iv, jv, jv, iv, jv)
        outs = (ci_h, cj_h, sj_h, di_h, vj_h)
        bufs = ((b0s0, b0s1, b0s2, b0s3, b0s4),
                (b1s0, b1s1, b1s2, b1s3, b1s4))
        gsems = (gsem0, gsem1)
        wsems = (wsem0, wsem1)

        def gd(kk, b, ss):
            return pltpu.make_async_copy(
                tbls[ss].at[idxs[ss].at[kk]], bufs[b][ss], gsems[b])

        def wd(kk, b, ss):
            off = pl.multiple_of(base + kk * CH, CH)
            return pltpu.make_async_copy(
                bufs[b][ss], outs[ss].at[pl.ds(off, CH)], wsems[b])

        for ss in range(5):
            gd(0, 0, ss).start()
        for ss in range(5):
            gd(1, 1, ss).start()

        M = NCHUNK // 2

        def body(m, carry):
            k0 = 2 * m
            k1 = k0 + 1
            for ss in range(5):
                gd(k0, 0, ss).wait()
            for ss in range(5):
                wd(k0, 0, ss).start()
            for ss in range(5):
                gd(k1, 1, ss).wait()
            for ss in range(5):
                wd(k1, 1, ss).start()
            for ss in range(5):
                wd(k0, 0, ss).wait()
            for ss in range(5):
                gd(k0 + 2, 0, ss).start()

            @pl.when(m < M - 1)
            def _():
                for ss in range(5):
                    wd(k1, 1, ss).wait()
                for ss in range(5):
                    gd(k1 + 2, 1, ss).start()

            return carry

        lax.fori_loop(0, M, body, 0)

        last = NCHUNK - 1
        for ss in range(5):
            gd(last, 0, ss).wait()
        for ss in range(5):
            wd(last, 0, ss).start()
        for ss in range(5):
            wd(last - 1, 1, ss).wait()
        for ss in range(5):
            wd(last, 0, ss).wait()

    return k(coords16, src, dst, value, i3, j3)


def _scatter_all(msg, ep, i3, z128, z16):
    out_type = (
        jax.ShapeDtypeStruct((NC, NN, HID), jnp.float32),
        jax.ShapeDtypeStruct((NC, NN, 16), jnp.float32),
    )

    @functools.partial(
        pl.kernel,
        out_type=out_type,
        mesh=_sc_mesh(),
        compiler_params=pltpu.CompilerParams(use_tc_tiling_on_sc=False),
        scratch_types=[
            pltpu.VMEM((NCHUNK, CH), jnp.int32),
            pltpu.VMEM((CH, HID), jnp.float32),
            pltpu.VMEM((CH, 16), jnp.float32),
            pltpu.VMEM((CH, HID), jnp.float32),
            pltpu.VMEM((CH, 16), jnp.float32),
            pltpu.VMEM_SHARED((NN, HID), jnp.float32),
            pltpu.VMEM_SHARED((NN, 16), jnp.float32),
            pltpu.SemaphoreType.DMA, pltpu.SemaphoreType.DMA,
        ],
    )
    def k(msg_h, ep_h, i3_h, z128_h, z16_h, agg_h, ssum_h,
          iv, m0, e0, m1, e1, acc_s, accs_s, lsem0, lsem1):
        c = lax.axis_index("c")
        s = lax.axis_index("s")
        wid = s * NC + c

        @pl.when(s == 0)
        def _():
            pltpu.sync_copy(z128_h, acc_s)
            pltpu.sync_copy(z16_h, accs_s)

        plsc.subcore_barrier()

        pltpu.sync_copy(i3_h.at[wid], iv)
        base = wid * EPW
        bufs = ((m0, e0), (m1, e1))
        lsems = (lsem0, lsem1)

        def ld(kk, b, ss):
            off = pl.multiple_of(base + kk * CH, CH)
            src = (msg_h, ep_h)[ss].at[pl.ds(off, CH)]
            return pltpu.make_async_copy(src, bufs[b][ss], lsems[b])

        for ss in range(2):
            ld(0, 0, ss).start()
        for ss in range(2):
            ld(1, 1, ss).start()

        M = NCHUNK // 2

        def body(m, carry):
            k0 = 2 * m
            k1 = k0 + 1
            for ss in range(2):
                ld(k0, 0, ss).wait()
            pltpu.sync_copy(m0, acc_s.at[iv.at[k0]], add=True)
            pltpu.sync_copy(e0, accs_s.at[iv.at[k0]], add=True)
            for ss in range(2):
                ld(k0 + 2, 0, ss).start()
            for ss in range(2):
                ld(k1, 1, ss).wait()
            pltpu.sync_copy(m1, acc_s.at[iv.at[k1]], add=True)
            pltpu.sync_copy(e1, accs_s.at[iv.at[k1]], add=True)

            @pl.when(m < M - 1)
            def _():
                for ss in range(2):
                    ld(k1 + 2, 1, ss).start()

            return carry

        lax.fori_loop(0, M, body, 0)

        last = NCHUNK - 1
        for ss in range(2):
            ld(last, 0, ss).wait()
        pltpu.sync_copy(m0, acc_s.at[iv.at[last]], add=True)
        pltpu.sync_copy(e0, accs_s.at[iv.at[last]], add=True)

        plsc.subcore_barrier()

        @pl.when(s < NS - 1)
        def _():
            r0 = pl.multiple_of(s * 624, 8)
            pltpu.sync_copy(acc_s.at[pl.ds(r0, 624)], agg_h.at[c].at[pl.ds(r0, 624)])
            pltpu.sync_copy(accs_s.at[pl.ds(r0, 624)], ssum_h.at[c].at[pl.ds(r0, 624)])

        @pl.when(s == NS - 1)
        def _():
            pltpu.sync_copy(acc_s.at[pl.ds(9360, 640)], agg_h.at[c].at[pl.ds(9360, 640)])
            pltpu.sync_copy(accs_s.at[pl.ds(9360, 640)], ssum_h.at[c].at[pl.ds(9360, 640)])

    return k(msg, ep, i3, z128, z16)



def _leaky(x):
    return jnp.maximum(x, 0.01 * x)


def _nodeproj(node, sw, sb, dw, db, vw, vb):
    B = 400
    G = NN // B

    def f(n_ref, sw_r, sb_r, dw_r, db_r, vw_r, vb_r, s_o, d_o, v_o):
        x = n_ref[...]
        s_o[...] = jnp.dot(x, sw_r[...], preferred_element_type=jnp.float32) + sb_r[...]
        d_o[...] = jnp.dot(x, dw_r[...], preferred_element_type=jnp.float32) + db_r[...]
        v_o[...] = jnp.dot(x, vw_r[...], preferred_element_type=jnp.float32) + vb_r[...]

    full = lambda shape: pl.BlockSpec(shape, lambda i: tuple(0 for _ in shape))
    return pl.pallas_call(
        f,
        grid=(G,),
        in_specs=[
            pl.BlockSpec((B, HID), lambda i: (i, 0)),
            full((HID, HID)), full((1, HID)),
            full((HID, HID)), full((1, HID)),
            full((HID, HID)), full((1, HID)),
        ],
        out_specs=[pl.BlockSpec((B, HID), lambda i: (i, 0))] * 3,
        out_shape=[jax.ShapeDtypeStruct((NN, HID), jnp.float32)] * 3,
    )(node, sw, sb, dw, db, vw, vb)


def _edgecompute(edge, cI, cJ, srcJ, dstI, valueJ,
                 e1s, e1d, e1b, e2w, e2b, uew, ueb, hsum, pick):
    B = 800
    G = EE // B

    def f(e_r, ci_r, cj_r, sj_r, di_r, vj_r,
          e1s_r, e1d_r, e1b_r, e2w_r, e2b_r, uew_r, ueb_r, hs_r, pk_r,
          en_o, msg_o, ep_o):
        dd = ci_r[...] - cj_r[...]
        d2 = jnp.sum(dd * dd, axis=1, keepdims=True)
        dist = 0.1 * jnp.sqrt(d2)
        h = (jnp.dot(e_r[...], e1s_r[...], preferred_element_type=jnp.float32)
             + jnp.dot(dist, e1d_r[...], preferred_element_type=jnp.float32)
             + e1b_r[...])
        h = _leaky(h)
        eh = jnp.dot(h, e2w_r[...], preferred_element_type=jnp.float32) + e2b_r[...]
        er = di_r[...] * sj_r[...] * eh
        en_o[...] = jnp.dot(er, uew_r[...], preferred_element_type=jnp.float32) + ueb_r[...]
        sb = jnp.dot(jnp.abs(er), hs_r[...], preferred_element_type=jnp.float32)
        ebx = jnp.exp(sb)
        msg_o[...] = vj_r[...] * ebx
        ep_o[...] = jnp.dot(ebx, pk_r[...], preferred_element_type=jnp.float32)

    full = lambda shape: pl.BlockSpec(shape, lambda i: tuple(0 for _ in shape))
    eb = lambda w: pl.BlockSpec((B, w), lambda i: (i, 0))
    return pl.pallas_call(
        f,
        grid=(G,),
        in_specs=[
            eb(16), eb(16), eb(16), eb(HID), eb(HID), eb(HID),
            full((16, HID)), full((1, HID)), full((1, HID)),
            full((HID, HID)), full((1, HID)),
            full((HID, 16)), full((1, 16)),
            full((HID, HID)), full((HID, 16)),
        ],
        out_specs=[eb(16), eb(HID), eb(16)],
        out_shape=[
            jax.ShapeDtypeStruct((EE, 16), jnp.float32),
            jax.ShapeDtypeStruct((EE, HID), jnp.float32),
            jax.ShapeDtypeStruct((EE, 16), jnp.float32),
        ],
    )(edge, cI, cJ, srcJ, dstI, valueJ, e1s, e1d, e1b, e2w, e2b, uew, ueb,
      hsum, pick)


def _node_a(aggP, ssumP, node, batchb, unw, unb, wnn, wn, gb, ms1):
    B = 400
    G = NN // B

    def f(agg_r, ss_r, n_r, b_r, unw_r, unb_r, wnn_r, wn_r, gb_r, ms1_r,
          x1_o, g_o, mc_o, is_o, S1, S2, CNT):
        i = pl.program_id(0)
        agg = agg_r[0] + agg_r[1]
        ss = ss_r[0] + ss_r[1]
        aggn = jnp.concatenate(
            [agg[:, hh * DH:(hh + 1) * DH] / (ss[:, hh:hh + 1] + 1e-16)
             for hh in range(NHEAD)], axis=1)
        nn = jnp.dot(aggn, unw_r[...], preferred_element_type=jnp.float32) + unb_r[...]
        nd = n_r[...]
        g = jax.nn.sigmoid(
            jnp.dot(nn, wnn_r[...], preferred_element_type=jnp.float32)
            + jnp.dot(nd, wn_r[...], preferred_element_type=jnp.float32)
            + gb_r[...])
        x1 = g * nn + nd
        x1_o[...] = x1
        g_o[...] = g

        @pl.when(i == 0)
        def _():
            S1[...] = jnp.zeros_like(S1)
            S2[...] = jnp.zeros_like(S2)
            CNT[...] = jnp.zeros_like(CNT)

        bb = b_r[...]
        for gph in range(NG):
            m = (bb == gph).astype(jnp.float32)
            xm = x1 * m
            S1[gph:gph + 1, :] += jnp.sum(xm, axis=0, keepdims=True)
            S2[gph:gph + 1, :] += jnp.sum(xm * x1, axis=0, keepdims=True)
            CNT[gph:gph + 1, :] += jnp.sum(m, axis=0, keepdims=True)

        @pl.when(i == G - 1)
        def _():
            cnt = jnp.maximum(CNT[...], 1.0)
            mean = S1[...] / cnt
            mc = mean * ms1_r[...]
            var = S2[...] / cnt - 2.0 * mc * mean + mc * mc
            mc_o[...] = mc
            is_o[...] = 1.0 / jnp.sqrt(var + 1e-5)

    full = lambda shape: pl.BlockSpec(shape, lambda i: tuple(0 for _ in shape))
    return pl.pallas_call(
        f,
        grid=(G,),
        in_specs=[
            pl.BlockSpec((NC, B, HID), lambda i: (0, i, 0)),
            pl.BlockSpec((NC, B, 16), lambda i: (0, i, 0)),
            pl.BlockSpec((B, HID), lambda i: (i, 0)),
            pl.BlockSpec((B, HID), lambda i: (i, 0)),
            full((HID, HID)), full((1, HID)),
            full((HID, HID)), full((HID, HID)), full((1, HID)),
            full((1, HID)),
        ],
        out_specs=[
            pl.BlockSpec((B, HID), lambda i: (i, 0)),
            pl.BlockSpec((B, HID), lambda i: (i, 0)),
            full((NG, HID)), full((NG, HID)),
        ],
        out_shape=[
            jax.ShapeDtypeStruct((NN, HID), jnp.float32),
            jax.ShapeDtypeStruct((NN, HID), jnp.float32),
            jax.ShapeDtypeStruct((NG, HID), jnp.float32),
            jax.ShapeDtypeStruct((NG, HID), jnp.float32),
        ],
        scratch_shapes=[pltpu.VMEM((NG, HID), jnp.float32)] * 3,
    )(aggP, ssumP, node, batchb, unw, unb, wnn, wn, gb, ms1)


def _select_rows(tbl, bb):
    out = jnp.zeros(bb.shape, jnp.float32)
    for gph in range(NG):
        out = jnp.where(bb == gph, tbl[gph:gph + 1, :], out)
    return out


def _node_b(x1, g, batchb, mc1, is1, gw1, gb1, f1w, f1b, f2w, f2b, ms2):
    B = 400
    G = NN // B

    def f(x1_r, g_r, b_r, mc1_r, is1_r, gw1_r, gb1_r,
          f1w_r, f1b_r, f2w_r, f2b_r, ms2_r,
          x2_o, mc_o, is_o, S1, S2, CNT):
        i = pl.program_id(0)
        bb = b_r[...]
        mc = _select_rows(mc1_r[...], bb)
        isd = _select_rows(is1_r[...], bb)
        norm1 = gw1_r[...] * (x1_r[...] - mc) * isd + gb1_r[...]
        fx = _leaky(jnp.dot(norm1, f1w_r[...], preferred_element_type=jnp.float32) + f1b_r[...])
        fix = jnp.dot(fx, f2w_r[...], preferred_element_type=jnp.float32) + f2b_r[...]
        x2 = g_r[...] * fix + norm1
        x2_o[...] = x2

        @pl.when(i == 0)
        def _():
            S1[...] = jnp.zeros_like(S1)
            S2[...] = jnp.zeros_like(S2)
            CNT[...] = jnp.zeros_like(CNT)

        for gph in range(NG):
            m = (bb == gph).astype(jnp.float32)
            xm = x2 * m
            S1[gph:gph + 1, :] += jnp.sum(xm, axis=0, keepdims=True)
            S2[gph:gph + 1, :] += jnp.sum(xm * x2, axis=0, keepdims=True)
            CNT[gph:gph + 1, :] += jnp.sum(m, axis=0, keepdims=True)

        @pl.when(i == G - 1)
        def _():
            cnt = jnp.maximum(CNT[...], 1.0)
            mean = S1[...] / cnt
            mc2 = mean * ms2_r[...]
            var = S2[...] / cnt - 2.0 * mc2 * mean + mc2 * mc2
            mc_o[...] = mc2
            is_o[...] = 1.0 / jnp.sqrt(var + 1e-5)

    full = lambda shape: pl.BlockSpec(shape, lambda i: tuple(0 for _ in shape))
    nb = pl.BlockSpec((B, HID), lambda i: (i, 0))
    return pl.pallas_call(
        f,
        grid=(G,),
        in_specs=[
            nb, nb, nb,
            full((NG, HID)), full((NG, HID)),
            full((1, HID)), full((1, HID)),
            full((HID, HID)), full((1, HID)),
            full((HID, HID)), full((1, HID)),
            full((1, HID)),
        ],
        out_specs=[nb, full((NG, HID)), full((NG, HID))],
        out_shape=[
            jax.ShapeDtypeStruct((NN, HID), jnp.float32),
            jax.ShapeDtypeStruct((NG, HID), jnp.float32),
            jax.ShapeDtypeStruct((NG, HID), jnp.float32),
        ],
        scratch_shapes=[pltpu.VMEM((NG, HID), jnp.float32)] * 3,
    )(x1, g, batchb, mc1, is1, gw1, gb1, f1w, f1b, f2w, f2b, ms2)


def _node_c(x2, batchb, mc2, is2, gw2, gb2):
    B = 400
    G = NN // B

    def f(x2_r, b_r, mc2_r, is2_r, gw2_r, gb2_r, o_r):
        bb = b_r[...]
        mc = _select_rows(mc2_r[...], bb)
        isd = _select_rows(is2_r[...], bb)
        o_r[...] = gw2_r[...] * (x2_r[...] - mc) * isd + gb2_r[...]

    full = lambda shape: pl.BlockSpec(shape, lambda i: tuple(0 for _ in shape))
    nb = pl.BlockSpec((B, HID), lambda i: (i, 0))
    return pl.pallas_call(
        f,
        grid=(G,),
        in_specs=[nb, nb, full((NG, HID)), full((NG, HID)),
                  full((1, HID)), full((1, HID))],
        out_specs=nb,
        out_shape=jax.ShapeDtypeStruct((NN, HID), jnp.float32),
    )(x2, batchb, mc2, is2, gw2, gb2)



def kernel(node, edge, edge_index, coords, batch, params):
    p = params
    i = edge_index[0]
    j = edge_index[1]
    i3 = i.reshape(NW, NCHUNK, CH)
    j3 = j.reshape(NW, NCHUNK, CH)
    coords16 = jnp.pad(coords, ((0, 0), (0, 13)))
    batchb = jnp.broadcast_to(batch[:, None], (NN, HID))

    r1 = lambda v: v.reshape(1, -1)
    e1s = p['e1_w'][:16]
    e1d = p['e1_w'][16:17]
    gw = p['gate_w']
    wnn = gw[:HID] + gw[2 * HID:]
    wn = gw[HID:2 * HID] - gw[2 * HID:]

    src, dst, value = _nodeproj(node, p['src_w'], r1(p['src_b']),
                                p['dst_w'], r1(p['dst_b']),
                                p['val_w'], r1(p['val_b']))

    cI, cJ, srcJ, dstI, valueJ = _gather_all(coords16, src, dst, value, i3, j3)

    lane = jnp.arange(HID, dtype=jnp.int32)
    hsum = (lane[:, None] // DH == lane[None, :] // DH).astype(jnp.float32) * _RSQ
    pick = (lane[:, None] == jnp.arange(16, dtype=jnp.int32)[None, :] * DH
            ).astype(jnp.float32)

    edge_new, msg, ep = _edgecompute(
        edge, cI, cJ, srcJ, dstI, valueJ,
        e1s, e1d, r1(p['e1_b']), p['e2_w'], r1(p['e2_b']),
        p['ue_w'] * _RSQ, r1(p['ue_b']), hsum, pick)

    z128 = jnp.zeros((NN, HID), jnp.float32)
    z16 = jnp.zeros((NN, 16), jnp.float32)
    aggP, ssumP = _scatter_all(msg, ep, i3, z128, z16)

    x1, g, mc1, is1 = _node_a(aggP, ssumP, node, batchb,
                              p['un_w'], r1(p['un_b']), wnn, wn,
                              r1(p['gate_b']), r1(p['gn1_mean_scale']))

    x2, mc2, is2 = _node_b(x1, g, batchb, mc1, is1,
                           r1(p['gn1_weight']), r1(p['gn1_bias']),
                           p['fix1_w'], r1(p['fix1_b']),
                           p['fix2_w'], r1(p['fix2_b']),
                           r1(p['gn2_mean_scale']))

    node_out = _node_c(x2, batchb, mc2, is2,
                       r1(p['gn2_weight']), r1(p['gn2_bias']))

    return (node_out, edge_new, coords)

# --- scband reference (transcript-rebuilt; emitter-appended) ---
"""Pipeline reference for scband-egat-34522947125839 (READ-ONLY COPY).

The authoritative reference and input builder live on the scoring server;
editing this copy changes nothing except your own understanding.
"""

import math
import jax
import jax.numpy as jnp
import numpy as np

N = 10000
E = 320000
DIM_IN = 128
HID = 128
EDGE_IN = 16
EDGE_OUT = 16
NHEAD = 4
DH = HID // NHEAD
NGRAPH = 8

def _linear_params(key, fan_in, fan_out):
    k1, k2 = jax.random.split(key)
    bound = 1.0 / math.sqrt(fan_in)
    w = jax.random.uniform(k1, (fan_in, fan_out), jnp.float32, -bound, bound)
    b = jax.random.uniform(k2, (fan_out,), jnp.float32, -bound, bound)
    return w, b

def _make_params(key):
    ks = jax.random.split(key, 10)
    p = {}
    p['src_w'], p['src_b'] = _linear_params(ks[0], DIM_IN, HID)
    p['dst_w'], p['dst_b'] = _linear_params(ks[1], DIM_IN, HID)
    p['val_w'], p['val_b'] = _linear_params(ks[2], DIM_IN, HID)
    p['e1_w'], p['e1_b'] = _linear_params(ks[3], EDGE_IN + 1, HID)
    p['e2_w'], p['e2_b'] = _linear_params(ks[4], HID, HID)
    p['un_w'], p['un_b'] = _linear_params(ks[5], HID, HID)
    p['ue_w'], p['ue_b'] = _linear_params(ks[6], HID, EDGE_OUT)
    p['gate_w'], p['gate_b'] = _linear_params(ks[7], 3 * HID, HID)
    p['fix1_w'], p['fix1_b'] = _linear_params(ks[8], HID, HID)
    p['fix2_w'], p['fix2_b'] = _linear_params(ks[9], HID, HID)
    for gn in ('gn1', 'gn2'):
        p[gn + '_weight'] = jnp.ones((HID,), jnp.float32)
        p[gn + '_bias'] = jnp.zeros((HID,), jnp.float32)
        p[gn + '_mean_scale'] = jnp.ones((HID,), jnp.float32)
    return p

def _segment_softmax(scores, idx, n):
    m = jax.ops.segment_max(scores, idx, num_segments=n)
    m = jnp.where(jnp.isfinite(m), m, 0.0)
    e = jnp.exp(scores - m[idx])
    s = jax.ops.segment_sum(e, idx, num_segments=n)
    return e / (s[idx] + 1e-16)

def _graph_norm(x, batch, weight, bias, mean_scale, n_graphs):
    counts = jax.ops.segment_sum(jnp.ones((x.shape[0],), x.dtype), batch, num_segments=n_graphs)
    counts = jnp.maximum(counts, 1.0)[:, None]
    mean = jax.ops.segment_sum(x, batch, num_segments=n_graphs) / counts
    out = x - mean[batch] * mean_scale
    var = jax.ops.segment_sum(out * out, batch, num_segments=n_graphs) / counts
    std = jnp.sqrt(var[batch] + 1e-5)
    return weight * out / std + bias

def _forward(node, edge, coords, params, edge_index, batch):
    p = params
    i = edge_index[0]
    j = edge_index[1]
    src = node @ p['src_w'] + p['src_b']
    dst = node @ p['dst_w'] + p['dst_b']
    value = node @ p['val_w'] + p['val_b']
    dist = jnp.linalg.norm(coords[i] - coords[j], axis=-1, keepdims=True) * 0.1
    e_in = jnp.concatenate([edge, dist], axis=-1)
    h = jax.nn.leaky_relu(e_in @ p['e1_w'] + p['e1_b'], 0.01)
    edge_h = h @ p['e2_w'] + p['e2_b']
    edge_key = src[j] * edge_h
    edge_result = ((dst[i] * edge_key) / math.sqrt(DH)).reshape(-1, NHEAD, DH)
    scores = jnp.sum(jnp.abs(edge_result), axis=2)
    edge_weight = _segment_softmax(scores, i, node.shape[0])[:, :, None]
    msg = edge_weight * value[j].reshape(-1, NHEAD, DH)
    agg = jax.ops.segment_sum(msg, i, num_segments=node.shape[0]).reshape(-1, HID)
    node_new = agg @ p['un_w'] + p['un_b']
    edge_new = edge_result.reshape(-1, HID) @ p['ue_w'] + p['ue_b']
    g = jax.nn.sigmoid(jnp.concatenate([node_new, node, node_new - node], axis=-1) @ p['gate_w'] + p['gate_b'])
    node_new = _graph_norm(g * node_new + node, batch, p['gn1_weight'], p['gn1_bias'], p['gn1_mean_scale'], NGRAPH)
    fix = jax.nn.leaky_relu(node_new @ p['fix1_w'] + p['fix1_b'], 0.01) @ p['fix2_w'] + p['fix2_b']
    node_new = _graph_norm(g * fix + node_new, batch, p['gn2_weight'], p['gn2_bias'], p['gn2_mean_scale'], NGRAPH)
    return (node_new, edge_new, coords)

def setup_inputs(seed: int = 0):
    key = jax.random.key(seed)
    k_node, k_edge, k_ei, k_coord, k_batch, k_par = jax.random.split(key, 6)
    node = jax.random.normal(k_node, (N, DIM_IN), jnp.float32)
    edge = jax.random.normal(k_edge, (E, EDGE_IN), jnp.float32)
    edge_index = jax.random.randint(k_ei, (2, E), 0, N, dtype=jnp.int32)
    coords = jax.random.normal(k_coord, (N, 3), jnp.float32)
    batch = jnp.sort(jax.random.randint(k_batch, (N,), 0, NGRAPH, dtype=jnp.int32))
    params = _make_params(k_par)
    return {'node': node, 'edge': edge, 'edge_index': edge_index, 'coords': coords, 'batch': batch, 'params': params}

def reference(node, edge, edge_index, coords, batch, params):
    return _forward(node, edge, coords, params, edge_index, batch)

if __name__ == "__main__":
    import jax
    _d = setup_inputs()
    print(jax.jit(kernel)(*tuple(_d.values())))

</pallas_src>

<mosaic_0001>
#map = affine_map<(d0, d1) -> (0, 0)>
#map1 = affine_map<(d0, d1) -> (0, 0, 0)>
module attributes {stable_mosaic.version = 14 : i64} {
  func.func @k(%arg0: i32, %arg1: i32, %arg2: memref<320000x128xf32, #tpu.memory_space<hbm>>, %arg3: memref<320000x16xf32, #tpu.memory_space<hbm>>, %arg4: memref<32x125x80xi32, #tpu.memory_space<hbm>>, %arg5: memref<10000x128xf32, #tpu.memory_space<hbm>>, %arg6: memref<10000x16xf32, #tpu.memory_space<hbm>>, %arg7: memref<2x10000x128xf32, #tpu.memory_space<hbm>>, %arg8: memref<2x10000x16xf32, #tpu.memory_space<hbm>>, %arg9: memref<125x80xi32, #tpu.memory_space<vmem>>, %arg10: memref<80x128xf32, #tpu.memory_space<vmem>>, %arg11: memref<80x16xf32, #tpu.memory_space<vmem>>, %arg12: memref<80x128xf32, #tpu.memory_space<vmem>>, %arg13: memref<80x16xf32, #tpu.memory_space<vmem>>, %arg14: memref<10000x128xf32, #tpu.memory_space<vmem_shared>>, %arg15: memref<10000x16xf32, #tpu.memory_space<vmem_shared>>, %arg16: memref<!tpu.dma_semaphore, #tpu.memory_space<semaphore_mem>>, %arg17: memref<!tpu.dma_semaphore, #tpu.memory_space<semaphore_mem>>) attributes {dimension_semantics = [#tpu.dimension_semantics<core_parallel>, #tpu.dimension_semantics<subcore_parallel>], iteration_bounds = array<i64: 2, 16>, scalar_prefetch = 0 : i64, scratch_operands = 9 : i64, tpu.core_type = #tpu.core_type<sc_vector_subcore>, window_params = [{transform_indices = #map}, {transform_indices = #map}, {transform_indices = #map1}, {transform_indices = #map}, {transform_indices = #map}, {transform_indices = #map1}, {transform_indices = #map1}]} {
    %mul3A = arith.constant 2 : i32
    %mul3A_0 = arith.muli %arg1, %mul3A : i32
    %add3A = arith.addi %mul3A_0, %arg0 : i32
    %eq3A = arith.constant 0 : i32
    %eq3A_1 = arith.cmpi eq, %arg1, %eq3A : i32
    %convert_element_type3A = arith.extui %eq3A_1 : i1 to i32
    %cond3A = arith.constant 0 : i32
    %cond3A_2 = arith.cmpi ne, %convert_element_type3A, %cond3A : i32
    scf.if %cond3A_2 {
      "tpu.region"() ({
        %run_scoped3A_60 = tpu.sem_alloc : memref<!tpu.dma_semaphore, #tpu.memory_space<semaphore_mem>>
        tpu.enqueue_dma source(%arg5 : memref<10000x128xf32, #tpu.memory_space<hbm>>) target(%arg14 : memref<10000x128xf32, #tpu.memory_space<vmem_shared>>) target_semaphore(%run_scoped3A_60 : memref<!tpu.dma_semaphore, #tpu.memory_space<semaphore_mem>>)
        tpu.wait_dma2 semaphore(%run_scoped3A_60 : memref<!tpu.dma_semaphore, #tpu.memory_space<semaphore_mem>>) src(%arg5 : memref<10000x128xf32, #tpu.memory_space<hbm>>) dst(%arg14 : memref<10000x128xf32, #tpu.memory_space<vmem_shared>>)
        tpu.yield
      }) : () -> ()
      "tpu.region"() ({
        %run_scoped3A_60 = tpu.sem_alloc : memref<!tpu.dma_semaphore, #tpu.memory_space<semaphore_mem>>
        tpu.enqueue_dma source(%arg6 : memref<10000x16xf32, #tpu.memory_space<hbm>>) target(%arg15 : memref<10000x16xf32, #tpu.memory_space<vmem_shared>>) target_semaphore(%run_scoped3A_60 : memref<!tpu.dma_semaphore, #tpu.memory_space<semaphore_mem>>)
        tpu.wait_dma2 semaphore(%run_scoped3A_60 : memref<!tpu.dma_semaphore, #tpu.memory_space<semaphore_mem>>) src(%arg6 : memref<10000x16xf32, #tpu.memory_space<hbm>>) dst(%arg15 : memref<10000x16xf32, #tpu.memory_space<vmem_shared>>)
        tpu.yield
      }) : () -> ()
    } else {
    }
    %barrier3A = arith.constant 0 : index
    tpu.barrier barrier_id(%barrier3A)
    "tpu.region"() ({
      %run_scoped3A_60 = tpu.sem_alloc : memref<!tpu.dma_semaphore, #tpu.memory_space<semaphore_mem>>
      %dma_start3A_61 = arith.constant 0 : i32
      %dma_start3A_62 = arith.constant 0 : i32
      %dma_start3A_63 = tpu.memref_slice %arg4[%add3A, %dma_start3A_61, %dma_start3A_62] : memref<32x125x80xi32, #tpu.memory_space<hbm>> -> memref<1x125x80xi32, #tpu.memory_space<hbm>>
      %dma_start3A_64 = tpu.memref_squeeze %dma_start3A_63 : memref<1x125x80xi32, #tpu.memory_space<hbm>> -> memref<125x80xi32, #tpu.memory_space<hbm>>
      %dma_start3A_65 = arith.constant 0 : i32
      %dma_start3A_66 = arith.constant 0 : i32
      %dma_start3A_67 = tpu.memref_slice %arg4[%add3A, %dma_start3A_65, %dma_start3A_66] : memref<32x125x80xi32, #tpu.memory_space<hbm>> -> memref<1x125x80xi32, #tpu.memory_space<hbm>>
      %dma_start3A_68 = tpu.memref_squeeze %dma_start3A_67 : memref<1x125x80xi32, #tpu.memory_space<hbm>> -> memref<125x80xi32, #tpu.memory_space<hbm>>
      tpu.enqueue_dma source(%dma_start3A_68 : memref<125x80xi32, #tpu.memory_space<hbm>>) target(%arg9 : memref<125x80xi32, #tpu.memory_space<vmem>>) target_semaphore(%run_scoped3A_60 : memref<!tpu.dma_semaphore, #tpu.memory_space<semaphore_mem>>)
      %dma_wait3A_69 = arith.constant 0 : i32
      %dma_wait3A_70 = arith.constant 0 : i32
      %dma_wait3A_71 = tpu.memref_slice %arg4[%add3A, %dma_wait3A_69, %dma_wait3A_70] : memref<32x125x80xi32, #tpu.memory_space<hbm>> -> memref<1x125x80xi32, #tpu.memory_space<hbm>>
      %dma_wait3A_72 = tpu.memref_squeeze %dma_wait3A_71 : memref<1x125x80xi32, #tpu.memory_space<hbm>> -> memref<125x80xi32, #tpu.memory_space<hbm>>
      %dma_wait3A_73 = arith.constant 0 : i32
      %dma_wait3A_74 = arith.constant 0 : i32
      %dma_wait3A_75 = tpu.memref_slice %arg4[%add3A, %dma_wait3A_73, %dma_wait3A_74] : memref<32x125x80xi32, #tpu.memory_space<hbm>> -> memref<1x125x80xi32, #tpu.memory_space<hbm>>
      %dma_wait3A_76 = tpu.memref_squeeze %dma_wait3A_75 : memref<1x125x80xi32, #tpu.memory_space<hbm>> -> memref<125x80xi32, #tpu.memory_space<hbm>>
      tpu.wait_dma2 semaphore(%run_scoped3A_60 : memref<!tpu.dma_semaphore, #tpu.memory_space<semaphore_mem>>) src(%dma_wait3A_76 : memref<125x80xi32, #tpu.memory_space<hbm>>) dst(%arg9 : memref<125x80xi32, #tpu.memory_space<vmem>>)
      tpu.yield
    }) : () -> ()
    %mul3A_3 = arith.constant 10000 : i32
    %mul3A_4 = arith.muli %add3A, %mul3A_3 : i32
    %add3A_5 = arith.constant 0 : i32
    %add3A_6 = arith.addi %mul3A_4, %add3A_5 : i32
    %multiple_of3A = tpu.assume_multiple %add3A_6, 80 : i32
    %dma_start3A = arith.constant 0 : i32
    %dma_start3A_7 = tpu.memref_slice %arg2[%multiple_of3A, %dma_start3A] : memref<320000x128xf32, #tpu.memory_space<hbm>> -> memref<80x128xf32, #tpu.memory_space<hbm>>
    %dma_start3A_8 = arith.constant 0 : i32
    %dma_start3A_9 = tpu.memref_slice %arg2[%multiple_of3A, %dma_start3A_8] : memref<320000x128xf32, #tpu.memory_space<hbm>> -> memref<80x128xf32, #tpu.memory_space<hbm>>
    tpu.enqueue_dma source(%dma_start3A_9 : memref<80x128xf32, #tpu.memory_space<hbm>>) target(%arg10 : memref<80x128xf32, #tpu.memory_space<vmem>>) target_semaphore(%arg16 : memref<!tpu.dma_semaphore, #tpu.memory_space<semaphore_mem>>)
    %add3A_10 = arith.constant 0 : i32
    %add3A_11 = arith.addi %mul3A_4, %add3A_10 : i32
    %multiple_of3A_12 = tpu.assume_multiple %add3A_11, 80 : i32
    %dma_start3A_13 = arith.constant 0 : i32
    %dma_start3A_14 = tpu.memref_slice %arg3[%multiple_of3A_12, %dma_start3A_13] : memref<320000x16xf32, #tpu.memory_space<hbm>> -> memref<80x16xf32, #tpu.memory_space<hbm>>
    %dma_start3A_15 = arith.constant 0 : i32
    %dma_start3A_16 = tpu.memref_slice %arg3[%multiple_of3A_12, %dma_start3A_15] : memref<320000x16xf32, #tpu.memory_space<hbm>> -> memref<80x16xf32, #tpu.memory_space<hbm>>
    tpu.enqueue_dma source(%dma_start3A_16 : memref<80x16xf32, #tpu.memory_space<hbm>>) target(%arg11 : memref<80x16xf32, #tpu.memory_space<vmem>>) target_semaphore(%arg16 : memref<!tpu.dma_semaphore, #tpu.memory_space<semaphore_mem>>)
    %add3A_17 = arith.constant 80 : i32
    %add3A_18 = arith.addi %mul3A_4, %add3A_17 : i32
    %multiple_of3A_19 = tpu.assume_multiple %add3A_18, 80 : i32
    %dma_start3A_20 = arith.constant 0 : i32
    %dma_start3A_21 = tpu.memref_slice %arg2[%multiple_of3A_19, %dma_start3A_20] : memref<320000x128xf32, #tpu.memory_space<hbm>> -> memref<80x128xf32, #tpu.memory_space<hbm>>
    %dma_start3A_22 = arith.constant 0 : i32
    %dma_start3A_23 = tpu.memref_slice %arg2[%multiple_of3A_19, %dma_start3A_22] : memref<320000x128xf32, #tpu.memory_space<hbm>> -> memref<80x128xf32, #tpu.memory_space<hbm>>
    tpu.enqueue_dma source(%dma_start3A_23 : memref<80x128xf32, #tpu.memory_space<hbm>>) target(%arg12 : memref<80x128xf32, #tpu.memory_space<vmem>>) target_semaphore(%arg17 : memref<!tpu.dma_semaphore, #tpu.memory_space<semaphore_mem>>)
    %add3A_24 = arith.constant 80 : i32
    %add3A_25 = arith.addi %mul3A_4, %add3A_24 : i32
    %multiple_of3A_26 = tpu.assume_multiple %add3A_25, 80 : i32
    %dma_start3A_27 = arith.constant 0 : i32
    %dma_start3A_28 = tpu.memref_slice %arg3[%multiple_of3A_26, %dma_start3A_27] : memref<320000x16xf32, #tpu.memory_space<hbm>> -> memref<80x16xf32, #tpu.memory_space<hbm>>
    %dma_start3A_29 = arith.constant 0 : i32
    %dma_start3A_30 = tpu.memref_slice %arg3[%multiple_of3A_26, %dma_start3A_29] : memref<320000x16xf32, #tpu.memory_space<hbm>> -> memref<80x16xf32, #tpu.memory_space<hbm>>
    tpu.enqueue_dma source(%dma_start3A_30 : memref<80x16xf32, #tpu.memory_space<hbm>>) target(%arg13 : memref<80x16xf32, #tpu.memory_space<vmem>>) target_semaphore(%arg17 : memref<!tpu.dma_semaphore, #tpu.memory_space<semaphore_mem>>)
    %scan3A = arith.constant 0 : i32
    %scan3A_31 = arith.constant 0 : i32
    %scan3A_32 = arith.constant 62 : i32
    %scan3A_33 = arith.addi %scan3A_31, %scan3A_32 : i32
    %scan3A_34 = arith.constant 1 : i32
    scf.for %scan3A_60 = %scan3A_31 to %scan3A_33 step %scan3A_34  : i32 {
      %mul3A_61 = arith.constant 2 : i32
      %mul3A_62 = arith.muli %mul3A_61, %scan3A_60 : i32
      %add3A_63 = arith.constant 1 : i32
      %add3A_64 = arith.addi %mul3A_62, %add3A_63 : i32
      %mul3A_65 = arith.constant 80 : i32
      %mul3A_66 = arith.muli %mul3A_62, %mul3A_65 : i32
      %add3A_67 = arith.addi %mul3A_4, %mul3A_66 : i32
      %multiple_of3A_68 = tpu.assume_multiple %add3A_67, 80 : i32
      %dma_wait3A_69 = arith.constant 0 : i32
      %dma_wait3A_70 = tpu.memref_slice %arg2[%multiple_of3A_68, %dma_wait3A_69] : memref<320000x128xf32, #tpu.memory_space<hbm>> -> memref<80x128xf32, #tpu.memory_space<hbm>>
      %dma_wait3A_71 = arith.constant 0 : i32
      %dma_wait3A_72 = tpu.memref_slice %arg2[%multiple_of3A_68, %dma_wait3A_71] : memref<320000x128xf32, #tpu.memory_space<hbm>> -> memref<80x128xf32, #tpu.memory_space<hbm>>
      tpu.wait_dma2 semaphore(%arg16 : memref<!tpu.dma_semaphore, #tpu.memory_space<semaphore_mem>>) src(%dma_wait3A_72 : memref<80x128xf32, #tpu.memory_space<hbm>>) dst(%arg10 : memref<80x128xf32, #tpu.memory_space<vmem>>)
      %mul3A_73 = arith.constant 80 : i32
      %mul3A_74 = arith.muli %mul3A_62, %mul3A_73 : i32
      %add3A_75 = arith.addi %mul3A_4, %mul3A_74 : i32
      %multiple_of3A_76 = tpu.assume_multiple %add3A_75, 80 : i32
      %dma_wait3A_77 = arith.constant 0 : i32
      %dma_wait3A_78 = tpu.memref_slice %arg3[%multiple_of3A_76, %dma_wait3A_77] : memref<320000x16xf32, #tpu.memory_space<hbm>> -> memref<80x16xf32, #tpu.memory_space<hbm>>
      %dma_wait3A_79 = arith.constant 0 : i32
      %dma_wait3A_80 = tpu.memref_slice %arg3[%multiple_of3A_76, %dma_wait3A_79] : memref<320000x16xf32, #tpu.memory_space<hbm>> -> memref<80x16xf32, #tpu.memory_space<hbm>>
      tpu.wait_dma2 semaphore(%arg16 : memref<!tpu.dma_semaphore, #tpu.memory_space<semaphore_mem>>) src(%dma_wait3A_80 : memref<80x16xf32, #tpu.memory_space<hbm>>) dst(%arg11 : memref<80x16xf32, #tpu.memory_space<vmem>>)
      "tpu.region"() ({
        %run_scoped3A_122 = tpu.sem_alloc : memref<!tpu.dma_semaphore, #tpu.memory_space<semaphore_mem>>
        %dma_start3A_123 = arith.constant 0 : i32
        %dma_start3A_124 = tpu.memref_slice %arg9[%mul3A_62, %dma_start3A_123] : memref<125x80xi32, #tpu.memory_space<vmem>> -> memref<1x80xi32, #tpu.memory_space<vmem>>
        %dma_start3A_125 = tpu.memref_squeeze %dma_start3A_124 : memref<1x80xi32, #tpu.memory_space<vmem>> -> memref<80xi32, #tpu.memory_space<vmem>>
        %dma_start3A_126 = arith.constant 0 : i32
        %dma_start3A_127 = arith.constant 0 : i32
        %dma_start3A_128 = tpu.memref_slice %arg14[%dma_start3A_126, %dma_start3A_127] : memref<10000x128xf32, #tpu.memory_space<vmem_shared>> -> memref<10000x128xf32, #tpu.memory_space<vmem_shared>>
        tpu.enqueue_indirect_dma source(%arg10 : memref<80x128xf32, #tpu.memory_space<vmem>>) target(%dma_start3A_128 : memref<10000x128xf32, #tpu.memory_space<vmem_shared>>) offsets(%dma_start3A_125 : memref<80xi32, #tpu.memory_space<vmem>>) semaphore(%run_scoped3A_122 : memref<!tpu.dma_semaphore, #tpu.memory_space<semaphore_mem>>) {add = true}
        %dma_wait3A_129 = arith.constant 0 : i32
        %dma_wait3A_130 = tpu.memref_slice %arg9[%mul3A_62, %dma_wait3A_129] : memref<125x80xi32, #tpu.memory_space<vmem>> -> memref<1x80xi32, #tpu.memory_space<vmem>>
        %dma_wait3A_131 = tpu.memref_squeeze %dma_wait3A_130 : memref<1x80xi32, #tpu.memory_space<vmem>> -> memref<80xi32, #tpu.memory_space<vmem>>
        %dma_wait3A_132 = arith.constant 0 : i32
        %dma_wait3A_133 = arith.constant 0 : i32
        %dma_wait3A_134 = tpu.memref_slice %arg14[%dma_wait3A_132, %dma_wait3A_133] : memref<10000x128xf32, #tpu.memory_space<vmem_shared>> -> memref<10000x128xf32, #tpu.memory_space<vmem_shared>>
        tpu.wait_indirect_dma semaphore(%run_scoped3A_122 : memref<!tpu.dma_semaphore, #tpu.memory_space<semaphore_mem>>) src(%arg10 : memref<80x128xf32, #tpu.memory_space<vmem>>) dst(%dma_wait3A_134 : memref<10000x128xf32, #tpu.memory_space<vmem_shared>>)
        tpu.yield
      }) : () -> ()
      "tpu.region"() ({
        %run_scoped3A_122 = tpu.sem_alloc : memref<!tpu.dma_semaphore, #tpu.memory_space<semaphore_mem>>
        %dma_start3A_123 = arith.constant 0 : i32
        %dma_start3A_124 = tpu.memref_slice %arg9[%mul3A_62, %dma_start3A_123] : memref<125x80xi32, #tpu.memory_space<vmem>> -> memref<1x80xi32, #tpu.memory_space<vmem>>
        %dma_start3A_125 = tpu.memref_squeeze %dma_start3A_124 : memref<1x80xi32, #tpu.memory_space<vmem>> -> memref<80xi32, #tpu.memory_space<vmem>>
        %dma_start3A_126 = arith.constant 0 : i32
        %dma_start3A_127 = arith.constant 0 : i32
        %dma_start3A_128 = tpu.memref_slice %arg15[%dma_start3A_126, %dma_start3A_127] : memref<10000x16xf32, #tpu.memory_space<vmem_shared>> -> memref<10000x16xf32, #tpu.memory_space<vmem_shared>>
        tpu.enqueue_indirect_dma source(%arg11 : memref<80x16xf32, #tpu.memory_space<vmem>>) target(%dma_start3A_128 : memref<10000x16xf32, #tpu.memory_space<vmem_shared>>) offsets(%dma_start3A_125 : memref<80xi32, #tpu.memory_space<vmem>>) semaphore(%run_scoped3A_122 : memref<!tpu.dma_semaphore, #tpu.memory_space<semaphore_mem>>) {add = true}
        %dma_wait3A_129 = arith.constant 0 : i32
        %dma_wait3A_130 = tpu.memref_slice %arg9[%mul3A_62, %dma_wait3A_129] : memref<125x80xi32, #tpu.memory_space<vmem>> -> memref<1x80xi32, #tpu.memory_space<vmem>>
        %dma_wait3A_131 = tpu.memref_squeeze %dma_wait3A_130 : memref<1x80xi32, #tpu.memory_space<vmem>> -> memref<80xi32, #tpu.memory_space<vmem>>
        %dma_wait3A_132 = arith.constant 0 : i32
        %dma_wait3A_133 = arith.constant 0 : i32
        %dma_wait3A_134 = tpu.memref_slice %arg15[%dma_wait3A_132, %dma_wait3A_133] : memref<10000x16xf32, #tpu.memory_space<vmem_shared>> -> memref<10000x16xf32, #tpu.memory_space<vmem_shared>>
        tpu.wait_indirect_dma semaphore(%run_scoped3A_122 : memref<!tpu.dma_semaphore, #tpu.memory_space<semaphore_mem>>) src(%arg11 : memref<80x16xf32, #tpu.memory_space<vmem>>) dst(%dma_wait3A_134 : memref<10000x16xf32, #tpu.memory_space<vmem_shared>>)
        tpu.yield
      }) : () -> ()
      %add3A_81 = arith.constant 2 : i32
      %add3A_82 = arith.addi %mul3A_62, %add3A_81 : i32
      %mul3A_83 = arith.constant 80 : i32
      %mul3A_84 = arith.muli %add3A_82, %mul3A_83 : i32
      %add3A_85 = arith.addi %mul3A_4, %mul3A_84 : i32
      %multiple_of3A_86 = tpu.assume_multiple %add3A_85, 80 : i32
      %dma_start3A_87 = arith.constant 0 : i32
      %dma_start3A_88 = tpu.memref_slice %arg2[%multiple_of3A_86, %dma_start3A_87] : memref<320000x128xf32, #tpu.memory_space<hbm>> -> memref<80x128xf32, #tpu.memory_space<hbm>>
      %dma_start3A_89 = arith.constant 0 : i32
      %dma_start3A_90 = tpu.memref_slice %arg2[%multiple_of3A_86, %dma_start3A_89] : memref<320000x128xf32, #tpu.memory_space<hbm>> -> memref<80x128xf32, #tpu.memory_space<hbm>>
      tpu.enqueue_dma source(%dma_start3A_90 : memref<80x128xf32, #tpu.memory_space<hbm>>) target(%arg10 : memref<80x128xf32, #tpu.memory_space<vmem>>) target_semaphore(%arg16 : memref<!tpu.dma_semaphore, #tpu.memory_space<semaphore_mem>>)
      %add3A_91 = arith.constant 2 : i32
      %add3A_92 = arith.addi %mul3A_62, %add3A_91 : i32
      %mul3A_93 = arith.constant 80 : i32
      %mul3A_94 = arith.muli %add3A_92, %mul3A_93 : i32
      %add3A_95 = arith.addi %mul3A_4, %mul3A_94 : i32
      %multiple_of3A_96 = tpu.assume_multiple %add3A_95, 80 : i32
      %dma_start3A_97 = arith.constant 0 : i32
      %dma_start3A_98 = tpu.memref_slice %arg3[%multiple_of3A_96, %dma_start3A_97] : memref<320000x16xf32, #tpu.memory_space<hbm>> -> memref<80x16xf32, #tpu.memory_space<hbm>>
      %dma_start3A_99 = arith.constant 0 : i32
      %dma_start3A_100 = tpu.memref_slice %arg3[%multiple_of3A_96, %dma_start3A_99] : memref<320000x16xf32, #tpu.memory_space<hbm>> -> memref<80x16xf32, #tpu.memory_space<hbm>>
      tpu.enqueue_dma source(%dma_start3A_100 : memref<80x16xf32, #tpu.memory_space<hbm>>) target(%arg11 : memref<80x16xf32, #tpu.memory_space<vmem>>) target_semaphore(%arg16 : memref<!tpu.dma_semaphore, #tpu.memory_space<semaphore_mem>>)
      %mul3A_101 = arith.constant 80 : i32
      %mul3A_102 = arith.muli %add3A_64, %mul3A_101 : i32
      %add3A_103 = arith.addi %mul3A_4, %mul3A_102 : i32
      %multiple_of3A_104 = tpu.assume_multiple %add3A_103, 80 : i32
      %dma_wait3A_105 = arith.constant 0 : i32
      %dma_wait3A_106 = tpu.memref_slice %arg2[%multiple_of3A_104, %dma_wait3A_105] : memref<320000x128xf32, #tpu.memory_space<hbm>> -> memref<80x128xf32, #tpu.memory_space<hbm>>
      %dma_wait3A_107 = arith.constant 0 : i32
      %dma_wait3A_108 = tpu.memref_slice %arg2[%multiple_of3A_104, %dma_wait3A_107] : memref<320000x128xf32, #tpu.memory_space<hbm>> -> memref<80x128xf32, #tpu.memory_space<hbm>>
      tpu.wait_dma2 semaphore(%arg17 : memref<!tpu.dma_semaphore, #tpu.memory_space<semaphore_mem>>) src(%dma_wait3A_108 : memref<80x128xf32, #tpu.memory_space<hbm>>) dst(%arg12 : memref<80x128xf32, #tpu.memory_space<vmem>>)
      %mul3A_109 = arith.constant 80 : i32
      %mul3A_110 = arith.muli %add3A_64, %mul3A_109 : i32
      %add3A_111 = arith.addi %mul3A_4, %mul3A_110 : i32
      %multiple_of3A_112 = tpu.assume_multiple %add3A_111, 80 : i32
      %dma_wait3A_113 = arith.constant 0 : i32
      %dma_wait3A_114 = tpu.memref_slice %arg3[%multiple_of3A_112, %dma_wait3A_113] : memref<320000x16xf32, #tpu.memory_space<hbm>> -> memref<80x16xf32, #tpu.memory_space<hbm>>
      %dma_wait3A_115 = arith.constant 0 : i32
      %dma_wait3A_116 = tpu.memref_slice %arg3[%multiple_of3A_112, %dma_wait3A_115] : memref<320000x16xf32, #tpu.memory_space<hbm>> -> memref<80x16xf32, #tpu.memory_space<hbm>>
      tpu.wait_dma2 semaphore(%arg17 : memref<!tpu.dma_semaphore, #tpu.memory_space<semaphore_mem>>) src(%dma_wait3A_116 : memref<80x16xf32, #tpu.memory_space<hbm>>) dst(%arg13 : memref<80x16xf32, #tpu.memory_space<vmem>>)
      "tpu.region"() ({
        %run_scoped3A_122 = tpu.sem_alloc : memref<!tpu.dma_semaphore, #tpu.memory_space<semaphore_mem>>
        %dma_start3A_123 = arith.constant 0 : i32
        %dma_start3A_124 = tpu.memref_slice %arg9[%add3A_64, %dma_start3A_123] : memref<125x80xi32, #tpu.memory_space<vmem>> -> memref<1x80xi32, #tpu.memory_space<vmem>>
        %dma_start3A_125 = tpu.memref_squeeze %dma_start3A_124 : memref<1x80xi32, #tpu.memory_space<vmem>> -> memref<80xi32, #tpu.memory_space<vmem>>
        %dma_start3A_126 = arith.constant 0 : i32
        %dma_start3A_127 = arith.constant 0 : i32
        %dma_start3A_128 = tpu.memref_slice %arg14[%dma_start3A_126, %dma_start3A_127] : memref<10000x128xf32, #tpu.memory_space<vmem_shared>> -> memref<10000x128xf32, #tpu.memory_space<vmem_shared>>
        tpu.enqueue_indirect_dma source(%arg12 : memref<80x128xf32, #tpu.memory_space<vmem>>) target(%dma_start3A_128 : memref<10000x128xf32, #tpu.memory_space<vmem_shared>>) offsets(%dma_start3A_125 : memref<80xi32, #tpu.memory_space<vmem>>) semaphore(%run_scoped3A_122 : memref<!tpu.dma_semaphore, #tpu.memory_space<semaphore_mem>>) {add = true}
        %dma_wait3A_129 = arith.constant 0 : i32
        %dma_wait3A_130 = tpu.memref_slice %arg9[%add3A_64, %dma_wait3A_129] : memref<125x80xi32, #tpu.memory_space<vmem>> -> memref<1x80xi32, #tpu.memory_space<vmem>>
        %dma_wait3A_131 = tpu.memref_squeeze %dma_wait3A_130 : memref<1x80xi32, #tpu.memory_space<vmem>> -> memref<80xi32, #tpu.memory_space<vmem>>
        %dma_wait3A_132 = arith.constant 0 : i32
        %dma_wait3A_133 = arith.constant 0 : i32
        %dma_wait3A_134 = tpu.memref_slice %arg14[%dma_wait3A_132, %dma_wait3A_133] : memref<10000x128xf32, #tpu.memory_space<vmem_shared>> -> memref<10000x128xf32, #tpu.memory_space<vmem_shared>>
        tpu.wait_indirect_dma semaphore(%run_scoped3A_122 : memref<!tpu.dma_semaphore, #tpu.memory_space<semaphore_mem>>) src(%arg12 : memref<80x128xf32, #tpu.memory_space<vmem>>) dst(%dma_wait3A_134 : memref<10000x128xf32, #tpu.memory_space<vmem_shared>>)
        tpu.yield
      }) : () -> ()
      "tpu.region"() ({
        %run_scoped3A_122 = tpu.sem_alloc : memref<!tpu.dma_semaphore, #tpu.memory_space<semaphore_mem>>
        %dma_start3A_123 = arith.constant 0 : i32
        %dma_start3A_124 = tpu.memref_slice %arg9[%add3A_64, %dma_start3A_123] : memref<125x80xi32, #tpu.memory_space<vmem>> -> memref<1x80xi32, #tpu.memory_space<vmem>>
        %dma_start3A_125 = tpu.memref_squeeze %dma_start3A_124 : memref<1x80xi32, #tpu.memory_space<vmem>> -> memref<80xi32, #tpu.memory_space<vmem>>
        %dma_start3A_126 = arith.constant 0 : i32
        %dma_start3A_127 = arith.constant 0 : i32
        %dma_start3A_128 = tpu.memref_slice %arg15[%dma_start3A_126, %dma_start3A_127] : memref<10000x16xf32, #tpu.memory_space<vmem_shared>> -> memref<10000x16xf32, #tpu.memory_space<vmem_shared>>
        tpu.enqueue_indirect_dma source(%arg13 : memref<80x16xf32, #tpu.memory_space<vmem>>) target(%dma_start3A_128 : memref<10000x16xf32, #tpu.memory_space<vmem_shared>>) offsets(%dma_start3A_125 : memref<80xi32, #tpu.memory_space<vmem>>) semaphore(%run_scoped3A_122 : memref<!tpu.dma_semaphore, #tpu.memory_space<semaphore_mem>>) {add = true}
        %dma_wait3A_129 = arith.constant 0 : i32
        %dma_wait3A_130 = tpu.memref_slice %arg9[%add3A_64, %dma_wait3A_129] : memref<125x80xi32, #tpu.memory_space<vmem>> -> memref<1x80xi32, #tpu.memory_space<vmem>>
        %dma_wait3A_131 = tpu.memref_squeeze %dma_wait3A_130 : memref<1x80xi32, #tpu.memory_space<vmem>> -> memref<80xi32, #tpu.memory_space<vmem>>
        %dma_wait3A_132 = arith.constant 0 : i32
        %dma_wait3A_133 = arith.constant 0 : i32
        %dma_wait3A_134 = tpu.memref_slice %arg15[%dma_wait3A_132, %dma_wait3A_133] : memref<10000x16xf32, #tpu.memory_space<vmem_shared>> -> memref<10000x16xf32, #tpu.memory_space<vmem_shared>>
        tpu.wait_indirect_dma semaphore(%run_scoped3A_122 : memref<!tpu.dma_semaphore, #tpu.memory_space<semaphore_mem>>) src(%arg13 : memref<80x16xf32, #tpu.memory_space<vmem>>) dst(%dma_wait3A_134 : memref<10000x16xf32, #tpu.memory_space<vmem_shared>>)
        tpu.yield
      }) : () -> ()
      %lt3A_117 = arith.constant 61 : i32
      %lt3A_118 = arith.cmpi slt, %scan3A_60, %lt3A_117 : i32
      %convert_element_type3A_119 = arith.extui %lt3A_118 : i1 to i32
      %cond3A_120 = arith.constant 0 : i32
      %cond3A_121 = arith.cmpi ne, %convert_element_type3A_119, %cond3A_120 : i32
      scf.if %cond3A_121 {
        %add3A_122 = arith.constant 2 : i32
        %add3A_123 = arith.addi %add3A_64, %add3A_122 : i32
        %mul3A_124 = arith.constant 80 : i32
        %mul3A_125 = arith.muli %add3A_123, %mul3A_124 : i32
        %add3A_126 = arith.addi %mul3A_4, %mul3A_125 : i32
        %multiple_of3A_127 = tpu.assume_multiple %add3A_126, 80 : i32
        %dma_start3A_128 = arith.constant 0 : i32
        %dma_start3A_129 = tpu.memref_slice %arg2[%multiple_of3A_127, %dma_start3A_128] : memref<320000x128xf32, #tpu.memory_space<hbm>> -> memref<80x128xf32, #tpu.memory_space<hbm>>
        %dma_start3A_130 = arith.constant 0 : i32
        %dma_start3A_131 = tpu.memref_slice %arg2[%multiple_of3A_127, %dma_start3A_130] : memref<320000x128xf32, #tpu.memory_space<hbm>> -> memref<80x128xf32, #tpu.memory_space<hbm>>
        tpu.enqueue_dma source(%dma_start3A_131 : memref<80x128xf32, #tpu.memory_space<hbm>>) target(%arg12 : memref<80x128xf32, #tpu.memory_space<vmem>>) target_semaphore(%arg17 : memref<!tpu.dma_semaphore, #tpu.memory_space<semaphore_mem>>)
        %add3A_132 = arith.constant 2 : i32
        %add3A_133 = arith.addi %add3A_64, %add3A_132 : i32
        %mul3A_134 = arith.constant 80 : i32
        %mul3A_135 = arith.muli %add3A_133, %mul3A_134 : i32
        %add3A_136 = arith.addi %mul3A_4, %mul3A_135 : i32
        %multiple_of3A_137 = tpu.assume_multiple %add3A_136, 80 : i32
        %dma_start3A_138 = arith.constant 0 : i32
        %dma_start3A_139 = tpu.memref_slice %arg3[%multiple_of3A_137, %dma_start3A_138] : memref<320000x16xf32, #tpu.memory_space<hbm>> -> memref<80x16xf32, #tpu.memory_space<hbm>>
        %dma_start3A_140 = arith.constant 0 : i32
        %dma_start3A_141 = tpu.memref_slice %arg3[%multiple_of3A_137, %dma_start3A_140] : memref<320000x16xf32, #tpu.memory_space<hbm>> -> memref<80x16xf32, #tpu.memory_space<hbm>>
        tpu.enqueue_dma source(%dma_start3A_141 : memref<80x16xf32, #tpu.memory_space<hbm>>) target(%arg13 : memref<80x16xf32, #tpu.memory_space<vmem>>) target_semaphore(%arg17 : memref<!tpu.dma_semaphore, #tpu.memory_space<semaphore_mem>>)
      } else {
      }
    }
    %scan3A_35 = arith.constant 62 : i32
    %add3A_36 = arith.constant 9920 : i32
    %add3A_37 = arith.addi %mul3A_4, %add3A_36 : i32
    %multiple_of3A_38 = tpu.assume_multiple %add3A_37, 80 : i32
    %dma_wait3A = arith.constant 0 : i32
    %dma_wait3A_39 = tpu.memref_slice %arg2[%multiple_of3A_38, %dma_wait3A] : memref<320000x128xf32, #tpu.memory_space<hbm>> -> memref<80x128xf32, #tpu.memory_space<hbm>>
    %dma_wait3A_40 = arith.constant 0 : i32
    %dma_wait3A_41 = tpu.memref_slice %arg2[%multiple_of3A_38, %dma_wait3A_40] : memref<320000x128xf32, #tpu.memory_space<hbm>> -> memref<80x128xf32, #tpu.memory_space<hbm>>
    tpu.wait_dma2 semaphore(%arg16 : memref<!tpu.dma_semaphore, #tpu.memory_space<semaphore_mem>>) src(%dma_wait3A_41 : memref<80x128xf32, #tpu.memory_space<hbm>>) dst(%arg10 : memref<80x128xf32, #tpu.memory_space<vmem>>)
    %add3A_42 = arith.constant 9920 : i32
    %add3A_43 = arith.addi %mul3A_4, %add3A_42 : i32
    %multiple_of3A_44 = tpu.assume_multiple %add3A_43, 80 : i32
    %dma_wait3A_45 = arith.constant 0 : i32
    %dma_wait3A_46 = tpu.memref_slice %arg3[%multiple_of3A_44, %dma_wait3A_45] : memref<320000x16xf32, #tpu.memory_space<hbm>> -> memref<80x16xf32, #tpu.memory_space<hbm>>
    %dma_wait3A_47 = arith.constant 0 : i32
    %dma_wait3A_48 = tpu.memref_slice %arg3[%multiple_of3A_44, %dma_wait3A_47] : memref<320000x16xf32, #tpu.memory_space<hbm>> -> memref<80x16xf32, #tpu.memory_space<hbm>>
    tpu.wait_dma2 semaphore(%arg16 : memref<!tpu.dma_semaphore, #tpu.memory_space<semaphore_mem>>) src(%dma_wait3A_48 : memref<80x16xf32, #tpu.memory_space<hbm>>) dst(%arg11 : memref<80x16xf32, #tpu.memory_space<vmem>>)
    %run_scoped3A = arith.constant 124 : i32
    "tpu.region"() ({
      %run_scoped3A_60 = tpu.sem_alloc : memref<!tpu.dma_semaphore, #tpu.memory_space<semaphore_mem>>
      %dma_start3A_61 = arith.constant 0 : i32
      %dma_start3A_62 = tpu.memref_slice %arg9[%run_scoped3A, %dma_start3A_61] : memref<125x80xi32, #tpu.memory_space<vmem>> -> memref<1x80xi32, #tpu.memory_space<vmem>>
      %dma_start3A_63 = tpu.memref_squeeze %dma_start3A_62 : memref<1x80xi32, #tpu.memory_space<vmem>> -> memref<80xi32, #tpu.memory_space<vmem>>
      %dma_start3A_64 = arith.constant 0 : i32
      %dma_start3A_65 = arith.constant 0 : i32
      %dma_start3A_66 = tpu.memref_slice %arg14[%dma_start3A_64, %dma_start3A_65] : memref<10000x128xf32, #tpu.memory_space<vmem_shared>> -> memref<10000x128xf32, #tpu.memory_space<vmem_shared>>
      tpu.enqueue_indirect_dma source(%arg10 : memref<80x128xf32, #tpu.memory_space<vmem>>) target(%dma_start3A_66 : memref<10000x128xf32, #tpu.memory_space<vmem_shared>>) offsets(%dma_start3A_63 : memref<80xi32, #tpu.memory_space<vmem>>) semaphore(%run_scoped3A_60 : memref<!tpu.dma_semaphore, #tpu.memory_space<semaphore_mem>>) {add = true}
      %dma_wait3A_67 = arith.constant 0 : i32
      %dma_wait3A_68 = tpu.memref_slice %arg9[%run_scoped3A, %dma_wait3A_67] : memref<125x80xi32, #tpu.memory_space<vmem>> -> memref<1x80xi32, #tpu.memory_space<vmem>>
      %dma_wait3A_69 = tpu.memref_squeeze %dma_wait3A_68 : memref<1x80xi32, #tpu.memory_space<vmem>> -> memref<80xi32, #tpu.memory_space<vmem>>
      %dma_wait3A_70 = arith.constant 0 : i32
      %dma_wait3A_71 = arith.constant 0 : i32
      %dma_wait3A_72 = tpu.memref_slice %arg14[%dma_wait3A_70, %dma_wait3A_71] : memref<10000x128xf32, #tpu.memory_space<vmem_shared>> -> memref<10000x128xf32, #tpu.memory_space<vmem_shared>>
      tpu.wait_indirect_dma semaphore(%run_scoped3A_60 : memref<!tpu.dma_semaphore, #tpu.memory_space<semaphore_mem>>) src(%arg10 : memref<80x128xf32, #tpu.memory_space<vmem>>) dst(%dma_wait3A_72 : memref<10000x128xf32, #tpu.memory_space<vmem_shared>>)
      tpu.yield
    }) : () -> ()
    %run_scoped3A_49 = arith.constant 124 : i32
    "tpu.region"() ({
      %run_scoped3A_60 = tpu.sem_alloc : memref<!tpu.dma_semaphore, #tpu.memory_space<semaphore_mem>>
      %dma_start3A_61 = arith.constant 0 : i32
      %dma_start3A_62 = tpu.memref_slice %arg9[%run_scoped3A_49, %dma_start3A_61] : memref<125x80xi32, #tpu.memory_space<vmem>> -> memref<1x80xi32, #tpu.memory_space<vmem>>
      %dma_start3A_63 = tpu.memref_squeeze %dma_start3A_62 : memref<1x80xi32, #tpu.memory_space<vmem>> -> memref<80xi32, #tpu.memory_space<vmem>>
      %dma_start3A_64 = arith.constant 0 : i32
      %dma_start3A_65 = arith.constant 0 : i32
      %dma_start3A_66 = tpu.memref_slice %arg15[%dma_start3A_64, %dma_start3A_65] : memref<10000x16xf32, #tpu.memory_space<vmem_shared>> -> memref<10000x16xf32, #tpu.memory_space<vmem_shared>>
      tpu.enqueue_indirect_dma source(%arg11 : memref<80x16xf32, #tpu.memory_space<vmem>>) target(%dma_start3A_66 : memref<10000x16xf32, #tpu.memory_space<vmem_shared>>) offsets(%dma_start3A_63 : memref<80xi32, #tpu.memory_space<vmem>>) semaphore(%run_scoped3A_60 : memref<!tpu.dma_semaphore, #tpu.memory_space<semaphore_mem>>) {add = true}
      %dma_wait3A_67 = arith.constant 0 : i32
      %dma_wait3A_68 = tpu.memref_slice %arg9[%run_scoped3A_49, %dma_wait3A_67] : memref<125x80xi32, #tpu.memory_space<vmem>> -> memref<1x80xi32, #tpu.memory_space<vmem>>
      %dma_wait3A_69 = tpu.memref_squeeze %dma_wait3A_68 : memref<1x80xi32, #tpu.memory_space<vmem>> -> memref<80xi32, #tpu.memory_space<vmem>>
      %dma_wait3A_70 = arith.constant 0 : i32
      %dma_wait3A_71 = arith.constant 0 : i32
      %dma_wait3A_72 = tpu.memref_slice %arg15[%dma_wait3A_70, %dma_wait3A_71] : memref<10000x16xf32, #tpu.memory_space<vmem_shared>> -> memref<10000x16xf32, #tpu.memory_space<vmem_shared>>
      tpu.wait_indirect_dma semaphore(%run_scoped3A_60 : memref<!tpu.dma_semaphore, #tpu.memory_space<semaphore_mem>>) src(%arg11 : memref<80x16xf32, #tpu.memory_space<vmem>>) dst(%dma_wait3A_72 : memref<10000x16xf32, #tpu.memory_space<vmem_shared>>)
      tpu.yield
    }) : () -> ()
    %barrier3A_50 = arith.constant 0 : index
    tpu.barrier barrier_id(%barrier3A_50)
    %lt3A = arith.constant 15 : i32
    %lt3A_51 = arith.cmpi slt, %arg1, %lt3A : i32
    %convert_element_type3A_52 = arith.extui %lt3A_51 : i1 to i32
    %cond3A_53 = arith.constant 0 : i32
    %cond3A_54 = arith.cmpi ne, %convert_element_type3A_52, %cond3A_53 : i32
    scf.if %cond3A_54 {
      %mul3A_60 = arith.constant 624 : i32
      %mul3A_61 = arith.muli %arg1, %mul3A_60 : i32
      %multiple_of3A_62 = tpu.assume_multiple %mul3A_61, 8 : i32
      "tpu.region"() ({
        %run_scoped3A_63 = tpu.sem_alloc : memref<!tpu.dma_semaphore, #tpu.memory_space<semaphore_mem>>
        %dma_start3A_64 = arith.constant 0 : i32
        %dma_start3A_65 = arith.constant 0 : i32
        %dma_start3A_66 = tpu.memref_slice %arg7[%arg0, %dma_start3A_64, %dma_start3A_65] : memref<2x10000x128xf32, #tpu.memory_space<hbm>> -> memref<1x10000x128xf32, #tpu.memory_space<hbm>>
        %dma_start3A_67 = tpu.memref_squeeze %dma_start3A_66 : memref<1x10000x128xf32, #tpu.memory_space<hbm>> -> memref<10000x128xf32, #tpu.memory_space<hbm>>
        %dma_start3A_68 = arith.constant 0 : i32
        %dma_start3A_69 = tpu.memref_slice %dma_start3A_67[%multiple_of3A_62, %dma_start3A_68] : memref<10000x128xf32, #tpu.memory_space<hbm>> -> memref<624x128xf32, #tpu.memory_space<hbm>>
        %dma_start3A_70 = arith.constant 0 : i32
        %dma_start3A_71 = tpu.memref_slice %arg14[%multiple_of3A_62, %dma_start3A_70] : memref<10000x128xf32, #tpu.memory_space<vmem_shared>> -> memref<624x128xf32, #tpu.memory_space<vmem_shared>>
        tpu.enqueue_dma source(%dma_start3A_71 : memref<624x128xf32, #tpu.memory_space<vmem_shared>>) target(%dma_start3A_69 : memref<624x128xf32, #tpu.memory_space<hbm>>) target_semaphore(%run_scoped3A_63 : memref<!tpu.dma_semaphore, #tpu.memory_space<semaphore_mem>>)
        %dma_wait3A_72 = arith.constant 0 : i32
        %dma_wait3A_73 = arith.constant 0 : i32
        %dma_wait3A_74 = tpu.memref_slice %arg7[%arg0, %dma_wait3A_72, %dma_wait3A_73] : memref<2x10000x128xf32, #tpu.memory_space<hbm>> -> memref<1x10000x128xf32, #tpu.memory_space<hbm>>
        %dma_wait3A_75 = tpu.memref_squeeze %dma_wait3A_74 : memref<1x10000x128xf32, #tpu.memory_space<hbm>> -> memref<10000x128xf32, #tpu.memory_space<hbm>>
        %dma_wait3A_76 = arith.constant 0 : i32
        %dma_wait3A_77 = tpu.memref_slice %dma_wait3A_75[%multiple_of3A_62, %dma_wait3A_76] : memref<10000x128xf32, #tpu.memory_space<hbm>> -> memref<624x128xf32, #tpu.memory_space<hbm>>
        %dma_wait3A_78 = arith.constant 0 : i32
        %dma_wait3A_79 = tpu.memref_slice %arg14[%multiple_of3A_62, %dma_wait3A_78] : memref<10000x128xf32, #tpu.memory_space<vmem_shared>> -> memref<624x128xf32, #tpu.memory_space<vmem_shared>>
        tpu.wait_dma2 semaphore(%run_scoped3A_63 : memref<!tpu.dma_semaphore, #tpu.memory_space<semaphore_mem>>) src(%dma_wait3A_79 : memref<624x128xf32, #tpu.memory_space<vmem_shared>>) dst(%dma_wait3A_77 : memref<624x128xf32, #tpu.memory_space<hbm>>)
        tpu.yield
      }) : () -> ()
      "tpu.region"() ({
        %run_scoped3A_63 = tpu.sem_alloc : memref<!tpu.dma_semaphore, #tpu.memory_space<semaphore_mem>>
        %dma_start3A_64 = arith.constant 0 : i32
        %dma_start3A_65 = arith.constant 0 : i32
        %dma_start3A_66 = tpu.memref_slice %arg8[%arg0, %dma_start3A_64, %dma_start3A_65] : memref<2x10000x16xf32, #tpu.memory_space<hbm>> -> memref<1x10000x16xf32, #tpu.memory_space<hbm>>
        %dma_start3A_67 = tpu.memref_squeeze %dma_start3A_66 : memref<1x10000x16xf32, #tpu.memory_space<hbm>> -> memref<10000x16xf32, #tpu.memory_space<hbm>>
        %dma_start3A_68 = arith.constant 0 : i32
        %dma_start3A_69 = tpu.memref_slice %dma_start3A_67[%multiple_of3A_62, %dma_start3A_68] : memref<10000x16xf32, #tpu.memory_space<hbm>> -> memref<624x16xf32, #tpu.memory_space<hbm>>
        %dma_start3A_70 = arith.constant 0 : i32
        %dma_start3A_71 = tpu.memref_slice %arg15[%multiple_of3A_62, %dma_start3A_70] : memref<10000x16xf32, #tpu.memory_space<vmem_shared>> -> memref<624x16xf32, #tpu.memory_space<vmem_shared>>
        tpu.enqueue_dma source(%dma_start3A_71 : memref<624x16xf32, #tpu.memory_space<vmem_shared>>) target(%dma_start3A_69 : memref<624x16xf32, #tpu.memory_space<hbm>>) target_semaphore(%run_scoped3A_63 : memref<!tpu.dma_semaphore, #tpu.memory_space<semaphore_mem>>)
        %dma_wait3A_72 = arith.constant 0 : i32
        %dma_wait3A_73 = arith.constant 0 : i32
        %dma_wait3A_74 = tpu.memref_slice %arg8[%arg0, %dma_wait3A_72, %dma_wait3A_73] : memref<2x10000x16xf32, #tpu.memory_space<hbm>> -> memref<1x10000x16xf32, #tpu.memory_space<hbm>>
        %dma_wait3A_75 = tpu.memref_squeeze %dma_wait3A_74 : memref<1x10000x16xf32, #tpu.memory_space<hbm>> -> memref<10000x16xf32, #tpu.memory_space<hbm>>
        %dma_wait3A_76 = arith.constant 0 : i32
        %dma_wait3A_77 = tpu.memref_slice %dma_wait3A_75[%multiple_of3A_62, %dma_wait3A_76] : memref<10000x16xf32, #tpu.memory_space<hbm>> -> memref<624x16xf32, #tpu.memory_space<hbm>>
        %dma_wait3A_78 = arith.constant 0 : i32
        %dma_wait3A_79 = tpu.memref_slice %arg15[%multiple_of3A_62, %dma_wait3A_78] : memref<10000x16xf32, #tpu.memory_space<vmem_shared>> -> memref<624x16xf32, #tpu.memory_space<vmem_shared>>
        tpu.wait_dma2 semaphore(%run_scoped3A_63 : memref<!tpu.dma_semaphore, #tpu.memory_space<semaphore_mem>>) src(%dma_wait3A_79 : memref<624x16xf32, #tpu.memory_space<vmem_shared>>) dst(%dma_wait3A_77 : memref<624x16xf32, #tpu.memory_space<hbm>>)
        tpu.yield
      }) : () -> ()
    } else {
    }
    %eq3A_55 = arith.constant 15 : i32
    %eq3A_56 = arith.cmpi eq, %arg1, %eq3A_55 : i32
    %convert_element_type3A_57 = arith.extui %eq3A_56 : i1 to i32
    %cond3A_58 = arith.constant 0 : i32
    %cond3A_59 = arith.cmpi ne, %convert_element_type3A_57, %cond3A_58 : i32
    scf.if %cond3A_59 {
      "tpu.region"() ({
        %run_scoped3A_60 = tpu.sem_alloc : memref<!tpu.dma_semaphore, #tpu.memory_space<semaphore_mem>>
        %dma_start3A_61 = arith.constant 0 : i32
        %dma_start3A_62 = arith.constant 0 : i32
        %dma_start3A_63 = tpu.memref_slice %arg7[%arg0, %dma_start3A_61, %dma_start3A_62] : memref<2x10000x128xf32, #tpu.memory_space<hbm>> -> memref<1x10000x128xf32, #tpu.memory_space<hbm>>
        %dma_start3A_64 = tpu.memref_squeeze %dma_start3A_63 : memref<1x10000x128xf32, #tpu.memory_space<hbm>> -> memref<10000x128xf32, #tpu.memory_space<hbm>>
        %dma_start3A_65 = arith.constant 9360 : i32
        %dma_start3A_66 = arith.constant 0 : i32
        %dma_start3A_67 = tpu.memref_slice %dma_start3A_64[%dma_start3A_65, %dma_start3A_66] : memref<10000x128xf32, #tpu.memory_space<hbm>> -> memref<640x128xf32, #tpu.memory_space<hbm>>
        %dma_start3A_68 = arith.constant 9360 : i32
        %dma_start3A_69 = arith.constant 0 : i32
        %dma_start3A_70 = tpu.memref_slice %arg14[%dma_start3A_68, %dma_start3A_69] : memref<10000x128xf32, #tpu.memory_space<vmem_shared>> -> memref<640x128xf32, #tpu.memory_space<vmem_shared>>
        tpu.enqueue_dma source(%dma_start3A_70 : memref<640x128xf32, #tpu.memory_space<vmem_shared>>) target(%dma_start3A_67 : memref<640x128xf32, #tpu.memory_space<hbm>>) target_semaphore(%run_scoped3A_60 : memref<!tpu.dma_semaphore, #tpu.memory_space<semaphore_mem>>)
        %dma_wait3A_71 = arith.constant 0 : i32
        %dma_wait3A_72 = arith.constant 0 : i32
        %dma_wait3A_73 = tpu.memref_slice %arg7[%arg0, %dma_wait3A_71, %dma_wait3A_72] : memref<2x10000x128xf32, #tpu.memory_space<hbm>> -> memref<1x10000x128xf32, #tpu.memory_space<hbm>>
        %dma_wait3A_74 = tpu.memref_squeeze %dma_wait3A_73 : memref<1x10000x128xf32, #tpu.memory_space<hbm>> -> memref<10000x128xf32, #tpu.memory_space<hbm>>
        %dma_wait3A_75 = arith.constant 9360 : i32
        %dma_wait3A_76 = arith.constant 0 : i32
        %dma_wait3A_77 = tpu.memref_slice %dma_wait3A_74[%dma_wait3A_75, %dma_wait3A_76] : memref<10000x128xf32, #tpu.memory_space<hbm>> -> memref<640x128xf32, #tpu.memory_space<hbm>>
        %dma_wait3A_78 = arith.constant 9360 : i32
        %dma_wait3A_79 = arith.constant 0 : i32
        %dma_wait3A_80 = tpu.memref_slice %arg14[%dma_wait3A_78, %dma_wait3A_79] : memref<10000x128xf32, #tpu.memory_space<vmem_shared>> -> memref<640x128xf32, #tpu.memory_space<vmem_shared>>
        tpu.wait_dma2 semaphore(%run_scoped3A_60 : memref<!tpu.dma_semaphore, #tpu.memory_space<semaphore_mem>>) src(%dma_wait3A_80 : memref<640x128xf32, #tpu.memory_space<vmem_shared>>) dst(%dma_wait3A_77 : memref<640x128xf32, #tpu.memory_space<hbm>>)
        tpu.yield
      }) : () -> ()
      "tpu.region"() ({
        %run_scoped3A_60 = tpu.sem_alloc : memref<!tpu.dma_semaphore, #tpu.memory_space<semaphore_mem>>
        %dma_start3A_61 = arith.constant 0 : i32
        %dma_start3A_62 = arith.constant 0 : i32
        %dma_start3A_63 = tpu.memref_slice %arg8[%arg0, %dma_start3A_61, %dma_start3A_62] : memref<2x10000x16xf32, #tpu.memory_space<hbm>> -> memref<1x10000x16xf32, #tpu.memory_space<hbm>>
        %dma_start3A_64 = tpu.memref_squeeze %dma_start3A_63 : memref<1x10000x16xf32, #tpu.memory_space<hbm>> -> memref<10000x16xf32, #tpu.memory_space<hbm>>
        %dma_start3A_65 = arith.constant 9360 : i32
        %dma_start3A_66 = arith.constant 0 : i32
        %dma_start3A_67 = tpu.memref_slice %dma_start3A_64[%dma_start3A_65, %dma_start3A_66] : memref<10000x16xf32, #tpu.memory_space<hbm>> -> memref<640x16xf32, #tpu.memory_space<hbm>>
        %dma_start3A_68 = arith.constant 9360 : i32
        %dma_start3A_69 = arith.constant 0 : i32
        %dma_start3A_70 = tpu.memref_slice %arg15[%dma_start3A_68, %dma_start3A_69] : memref<10000x16xf32, #tpu.memory_space<vmem_shared>> -> memref<640x16xf32, #tpu.memory_space<vmem_shared>>
        tpu.enqueue_dma source(%dma_start3A_70 : memref<640x16xf32, #tpu.memory_space<vmem_shared>>) target(%dma_start3A_67 : memref<640x16xf32, #tpu.memory_space<hbm>>) target_semaphore(%run_scoped3A_60 : memref<!tpu.dma_semaphore, #tpu.memory_space<semaphore_mem>>)
        %dma_wait3A_71 = arith.constant 0 : i32
        %dma_wait3A_72 = arith.constant 0 : i32
        %dma_wait3A_73 = tpu.memref_slice %arg8[%arg0, %dma_wait3A_71, %dma_wait3A_72] : memref<2x10000x16xf32, #tpu.memory_space<hbm>> -> memref<1x10000x16xf32, #tpu.memory_space<hbm>>
        %dma_wait3A_74 = tpu.memref_squeeze %dma_wait3A_73 : memref<1x10000x16xf32, #tpu.memory_space<hbm>> -> memref<10000x16xf32, #tpu.memory_space<hbm>>
        %dma_wait3A_75 = arith.constant 9360 : i32
        %dma_wait3A_76 = arith.constant 0 : i32
        %dma_wait3A_77 = tpu.memref_slice %dma_wait3A_74[%dma_wait3A_75, %dma_wait3A_76] : memref<10000x16xf32, #tpu.memory_space<hbm>> -> memref<640x16xf32, #tpu.memory_space<hbm>>
        %dma_wait3A_78 = arith.constant 9360 : i32
        %dma_wait3A_79 = arith.constant 0 : i32
        %dma_wait3A_80 = tpu.memref_slice %arg15[%dma_wait3A_78, %dma_wait3A_79] : memref<10000x16xf32, #tpu.memory_space<vmem_shared>> -> memref<640x16xf32, #tpu.memory_space<vmem_shared>>
        tpu.wait_dma2 semaphore(%run_scoped3A_60 : memref<!tpu.dma_semaphore, #tpu.memory_space<semaphore_mem>>) src(%dma_wait3A_80 : memref<640x16xf32, #tpu.memory_space<vmem_shared>>) dst(%dma_wait3A_77 : memref<640x16xf32, #tpu.memory_space<hbm>>)
        tpu.yield
      }) : () -> ()
    } else {
    }
    return
  }
}

#map = affine_map<(d0, d1) -> (0, 0)>
#map1 = affine_map<(d0, d1) -> (0, 0, 0)>
module attributes {stable_mosaic.version = 14 : i64} {
  func.func @k(%arg0: i32, %arg1: i32, %arg2: memref<10000x16xf32, #tpu.memory_space<hbm>>, %arg3: memref<10000x128xf32, #tpu.memory_space<hbm>>, %arg4: memref<10000x128xf32, #tpu.memory_space<hbm>>, %arg5: memref<10000x128xf32, #tpu.memory_space<hbm>>, %arg6: memref<32x125x80xi32, #tpu.memory_space<hbm>>, %arg7: memref<32x125x80xi32, #tpu.memory_space<hbm>>, %arg8: memref<320000x16xf32, #tpu.memory_space<hbm>>, %arg9: memref<320000x16xf32, #tpu.memory_space<hbm>>, %arg10: memref<320000x128xf32, #tpu.memory_space<hbm>>, %arg11: memref<320000x128xf32, #tpu.memory_space<hbm>>, %arg12: memref<320000x128xf32, #tpu.memory_space<hbm>>, %arg13: memref<125x80xi32, #tpu.memory_space<vmem>>, %arg14: memref<125x80xi32, #tpu.memory_space<vmem>>, %arg15: memref<80x16xf32, #tpu.memory_space<vmem>>, %arg16: memref<80x16xf32, #tpu.memory_space<vmem>>, %arg17: memref<80x128xf32, #tpu.memory_space<vmem>>, %arg18: memref<80x128xf32, #tpu.memory_space<vmem>>, %arg19: memref<80x128xf32, #tpu.memory_space<vmem>>, %arg20: memref<80x16xf32, #tpu.memory_space<vmem>>, %arg21: memref<80x16xf32, #tpu.memory_space<vmem>>, %arg22: memref<80x128xf32, #tpu.memory_space<vmem>>, %arg23: memref<80x128xf32, #tpu.memory_space<vmem>>, %arg24: memref<80x128xf32, #tpu.memory_space<vmem>>, %arg25: memref<!tpu.dma_semaphore, #tpu.memory_space<semaphore_mem>>, %arg26: memref<!tpu.dma_semaphore, #tpu.memory_space<semaphore_mem>>, %arg27: memref<!tpu.dma_semaphore, #tpu.memory_space<semaphore_mem>>, %arg28: memref<!tpu.dma_semaphore, #tpu.memory_space<semaphore_mem>>) attributes {dimension_semantics = [#tpu.dimension_semantics<core_parallel>, #tpu.dimension_semantics<subcore_parallel>], iteration_bounds = array<i64: 2, 16>, scalar_prefetch = 0 : i64, scratch_operands = 16 : i64, tpu.core_type = #tpu.core_type<sc_vector_subcore>, window_params = [{transform_indices = #map}, {transform_indices = #map}, {transform_indices = #map}, {transform_indices = #map}, {transform_indices = #map1}, {transform_indices = #map1}, {transform_indices = #map}, {transform_indices = #map}, {transform_indices = #map}, {transform_indices = #map}, {transform_indices = #map}]} {
    %mul3A = arith.constant 2 : i32
    %mul3A_0 = arith.muli %arg1, %mul3A : i32
    %add3A = arith.addi %mul3A_0, %arg0 : i32
    "tpu.region"() ({
      %run_scoped3A = tpu.sem_alloc : memref<!tpu.dma_semaphore, #tpu.memory_space<semaphore_mem>>
      %dma_start3A_215 = arith.constant 0 : i32
      %dma_start3A_216 = arith.constant 0 : i32
      %dma_start3A_217 = tpu.memref_slice %arg6[%add3A, %dma_start3A_215, %dma_start3A_216] : memref<32x125x80xi32, #tpu.memory_space<hbm>> -> memref<1x125x80xi32, #tpu.memory_space<hbm>>
      %dma_start3A_218 = tpu.memref_squeeze %dma_start3A_217 : memref<1x125x80xi32, #tpu.memory_space<hbm>> -> memref<125x80xi32, #tpu.memory_space<hbm>>
      %dma_start3A_219 = arith.constant 0 : i32
      %dma_start3A_220 = arith.constant 0 : i32
      %dma_start3A_221 = tpu.memref_slice %arg6[%add3A, %dma_start3A_219, %dma_start3A_220] : memref<32x125x80xi32, #tpu.memory_space<hbm>> -> memref<1x125x80xi32, #tpu.memory_space<hbm>>
      %dma_start3A_222 = tpu.memref_squeeze %dma_start3A_221 : memref<1x125x80xi32, #tpu.memory_space<hbm>> -> memref<125x80xi32, #tpu.memory_space<hbm>>
      tpu.enqueue_dma source(%dma_start3A_222 : memref<125x80xi32, #tpu.memory_space<hbm>>) target(%arg13 : memref<125x80xi32, #tpu.memory_space<vmem>>) target_semaphore(%run_scoped3A : memref<!tpu.dma_semaphore, #tpu.memory_space<semaphore_mem>>)
      %dma_wait3A_223 = arith.constant 0 : i32
      %dma_wait3A_224 = arith.constant 0 : i32
      %dma_wait3A_225 = tpu.memref_slice %arg6[%add3A, %dma_wait3A_223, %dma_wait3A_224] : memref<32x125x80xi32, #tpu.memory_space<hbm>> -> memref<1x125x80xi32, #tpu.memory_space<hbm>>
      %dma_wait3A_226 = tpu.memref_squeeze %dma_wait3A_225 : memref<1x125x80xi32, #tpu.memory_space<hbm>> -> memref<125x80xi32, #tpu.memory_space<hbm>>
      %dma_wait3A_227 = arith.constant 0 : i32
      %dma_wait3A_228 = arith.constant 0 : i32
      %dma_wait3A_229 = tpu.memref_slice %arg6[%add3A, %dma_wait3A_227, %dma_wait3A_228] : memref<32x125x80xi32, #tpu.memory_space<hbm>> -> memref<1x125x80xi32, #tpu.memory_space<hbm>>
      %dma_wait3A_230 = tpu.memref_squeeze %dma_wait3A_229 : memref<1x125x80xi32, #tpu.memory_space<hbm>> -> memref<125x80xi32, #tpu.memory_space<hbm>>
      tpu.wait_dma2 semaphore(%run_scoped3A : memref<!tpu.dma_semaphore, #tpu.memory_space<semaphore_mem>>) src(%dma_wait3A_230 : memref<125x80xi32, #tpu.memory_space<hbm>>) dst(%arg13 : memref<125x80xi32, #tpu.memory_space<vmem>>)
      tpu.yield
    }) : () -> ()
    "tpu.region"() ({
      %run_scoped3A = tpu.sem_alloc : memref<!tpu.dma_semaphore, #tpu.memory_space<semaphore_mem>>
      %dma_start3A_215 = arith.constant 0 : i32
      %dma_start3A_216 = arith.constant 0 : i32
      %dma_start3A_217 = tpu.memref_slice %arg7[%add3A, %dma_start3A_215, %dma_start3A_216] : memref<32x125x80xi32, #tpu.memory_space<hbm>> -> memref<1x125x80xi32, #tpu.memory_space<hbm>>
      %dma_start3A_218 = tpu.memref_squeeze %dma_start3A_217 : memref<1x125x80xi32, #tpu.memory_space<hbm>> -> memref<125x80xi32, #tpu.memory_space<hbm>>
      %dma_start3A_219 = arith.constant 0 : i32
      %dma_start3A_220 = arith.constant 0 : i32
      %dma_start3A_221 = tpu.memref_slice %arg7[%add3A, %dma_start3A_219, %dma_start3A_220] : memref<32x125x80xi32, #tpu.memory_space<hbm>> -> memref<1x125x80xi32, #tpu.memory_space<hbm>>
      %dma_start3A_222 = tpu.memref_squeeze %dma_start3A_221 : memref<1x125x80xi32, #tpu.memory_space<hbm>> -> memref<125x80xi32, #tpu.memory_space<hbm>>
      tpu.enqueue_dma source(%dma_start3A_222 : memref<125x80xi32, #tpu.memory_space<hbm>>) target(%arg14 : memref<125x80xi32, #tpu.memory_space<vmem>>) target_semaphore(%run_scoped3A : memref<!tpu.dma_semaphore, #tpu.memory_space<semaphore_mem>>)
      %dma_wait3A_223 = arith.constant 0 : i32
      %dma_wait3A_224 = arith.constant 0 : i32
      %dma_wait3A_225 = tpu.memref_slice %arg7[%add3A, %dma_wait3A_223, %dma_wait3A_224] : memref<32x125x80xi32, #tpu.memory_space<hbm>> -> memref<1x125x80xi32, #tpu.memory_space<hbm>>
      %dma_wait3A_226 = tpu.memref_squeeze %dma_wait3A_225 : memref<1x125x80xi32, #tpu.memory_space<hbm>> -> memref<125x80xi32, #tpu.memory_space<hbm>>
      %dma_wait3A_227 = arith.constant 0 : i32
      %dma_wait3A_228 = arith.constant 0 : i32
      %dma_wait3A_229 = tpu.memref_slice %arg7[%add3A, %dma_wait3A_227, %dma_wait3A_228] : memref<32x125x80xi32, #tpu.memory_space<hbm>> -> memref<1x125x80xi32, #tpu.memory_space<hbm>>
      %dma_wait3A_230 = tpu.memref_squeeze %dma_wait3A_229 : memref<1x125x80xi32, #tpu.memory_space<hbm>> -> memref<125x80xi32, #tpu.memory_space<hbm>>
      tpu.wait_dma2 semaphore(%run_scoped3A : memref<!tpu.dma_semaphore, #tpu.memory_space<semaphore_mem>>) src(%dma_wait3A_230 : memref<125x80xi32, #tpu.memory_space<hbm>>) dst(%arg14 : memref<125x80xi32, #tpu.memory_space<vmem>>)
      tpu.yield
    }) : () -> ()
    %mul3A_1 = arith.constant 10000 : i32
    %mul3A_2 = arith.muli %add3A, %mul3A_1 : i32
    %dma_start3A = arith.constant 0 : i32
    %dma_start3A_3 = arith.constant 0 : i32
    %dma_start3A_4 = tpu.memref_slice %arg13[%dma_start3A, %dma_start3A_3] : memref<125x80xi32, #tpu.memory_space<vmem>> -> memref<1x80xi32, #tpu.memory_space<vmem>>
    %dma_start3A_5 = tpu.memref_squeeze %dma_start3A_4 : memref<1x80xi32, #tpu.memory_space<vmem>> -> memref<80xi32, #tpu.memory_space<vmem>>
    %dma_start3A_6 = arith.constant 0 : i32
    %dma_start3A_7 = arith.constant 0 : i32
    %dma_start3A_8 = tpu.memref_slice %arg2[%dma_start3A_6, %dma_start3A_7] : memref<10000x16xf32, #tpu.memory_space<hbm>> -> memref<10000x16xf32, #tpu.memory_space<hbm>>
    tpu.enqueue_indirect_dma source(%dma_start3A_8 : memref<10000x16xf32, #tpu.memory_space<hbm>>) target(%arg15 : memref<80x16xf32, #tpu.memory_space<vmem>>) offsets(%dma_start3A_5 : memref<80xi32, #tpu.memory_space<vmem>>) semaphore(%arg25 : memref<!tpu.dma_semaphore, #tpu.memory_space<semaphore_mem>>)
    %dma_start3A_9 = arith.constant 0 : i32
    %dma_start3A_10 = arith.constant 0 : i32
    %dma_start3A_11 = tpu.memref_slice %arg14[%dma_start3A_9, %dma_start3A_10] : memref<125x80xi32, #tpu.memory_space<vmem>> -> memref<1x80xi32, #tpu.memory_space<vmem>>
    %dma_start3A_12 = tpu.memref_squeeze %dma_start3A_11 : memref<1x80xi32, #tpu.memory_space<vmem>> -> memref<80xi32, #tpu.memory_space<vmem>>
    %dma_start3A_13 = arith.constant 0 : i32
    %dma_start3A_14 = arith.constant 0 : i32
    %dma_start3A_15 = tpu.memref_slice %arg2[%dma_start3A_13, %dma_start3A_14] : memref<10000x16xf32, #tpu.memory_space<hbm>> -> memref<10000x16xf32, #tpu.memory_space<hbm>>
    tpu.enqueue_indirect_dma source(%dma_start3A_15 : memref<10000x16xf32, #tpu.memory_space<hbm>>) target(%arg16 : memref<80x16xf32, #tpu.memory_space<vmem>>) offsets(%dma_start3A_12 : memref<80xi32, #tpu.memory_space<vmem>>) semaphore(%arg25 : memref<!tpu.dma_semaphore, #tpu.memory_space<semaphore_mem>>)
    %dma_start3A_16 = arith.constant 0 : i32
    %dma_start3A_17 = arith.constant 0 : i32
    %dma_start3A_18 = tpu.memref_slice %arg14[%dma_start3A_16, %dma_start3A_17] : memref<125x80xi32, #tpu.memory_space<vmem>> -> memref<1x80xi32, #tpu.memory_space<vmem>>
    %dma_start3A_19 = tpu.memref_squeeze %dma_start3A_18 : memref<1x80xi32, #tpu.memory_space<vmem>> -> memref<80xi32, #tpu.memory_space<vmem>>
    %dma_start3A_20 = arith.constant 0 : i32
    %dma_start3A_21 = arith.constant 0 : i32
    %dma_start3A_22 = tpu.memref_slice %arg3[%dma_start3A_20, %dma_start3A_21] : memref<10000x128xf32, #tpu.memory_space<hbm>> -> memref<10000x128xf32, #tpu.memory_space<hbm>>
    tpu.enqueue_indirect_dma source(%dma_start3A_22 : memref<10000x128xf32, #tpu.memory_space<hbm>>) target(%arg17 : memref<80x128xf32, #tpu.memory_space<vmem>>) offsets(%dma_start3A_19 : memref<80xi32, #tpu.memory_space<vmem>>) semaphore(%arg25 : memref<!tpu.dma_semaphore, #tpu.memory_space<semaphore_mem>>)
    %dma_start3A_23 = arith.constant 0 : i32
    %dma_start3A_24 = arith.constant 0 : i32
    %dma_start3A_25 = tpu.memref_slice %arg13[%dma_start3A_23, %dma_start3A_24] : memref<125x80xi32, #tpu.memory_space<vmem>> -> memref<1x80xi32, #tpu.memory_space<vmem>>
    %dma_start3A_26 = tpu.memref_squeeze %dma_start3A_25 : memref<1x80xi32, #tpu.memory_space<vmem>> -> memref<80xi32, #tpu.memory_space<vmem>>
    %dma_start3A_27 = arith.constant 0 : i32
    %dma_start3A_28 = arith.constant 0 : i32
    %dma_start3A_29 = tpu.memref_slice %arg4[%dma_start3A_27, %dma_start3A_28] : memref<10000x128xf32, #tpu.memory_space<hbm>> -> memref<10000x128xf32, #tpu.memory_space<hbm>>
    tpu.enqueue_indirect_dma source(%dma_start3A_29 : memref<10000x128xf32, #tpu.memory_space<hbm>>) target(%arg18 : memref<80x128xf32, #tpu.memory_space<vmem>>) offsets(%dma_start3A_26 : memref<80xi32, #tpu.memory_space<vmem>>) semaphore(%arg25 : memref<!tpu.dma_semaphore, #tpu.memory_space<semaphore_mem>>)
    %dma_start3A_30 = arith.constant 0 : i32
    %dma_start3A_31 = arith.constant 0 : i32
    %dma_start3A_32 = tpu.memref_slice %arg14[%dma_start3A_30, %dma_start3A_31] : memref<125x80xi32, #tpu.memory_space<vmem>> -> memref<1x80xi32, #tpu.memory_space<vmem>>
    %dma_start3A_33 = tpu.memref_squeeze %dma_start3A_32 : memref<1x80xi32, #tpu.memory_space<vmem>> -> memref<80xi32, #tpu.memory_space<vmem>>
    %dma_start3A_34 = arith.constant 0 : i32
    %dma_start3A_35 = arith.constant 0 : i32
    %dma_start3A_36 = tpu.memref_slice %arg5[%dma_start3A_34, %dma_start3A_35] : memref<10000x128xf32, #tpu.memory_space<hbm>> -> memref<10000x128xf32, #tpu.memory_space<hbm>>
    tpu.enqueue_indirect_dma source(%dma_start3A_36 : memref<10000x128xf32, #tpu.memory_space<hbm>>) target(%arg19 : memref<80x128xf32, #tpu.memory_space<vmem>>) offsets(%dma_start3A_33 : memref<80xi32, #tpu.memory_space<vmem>>) semaphore(%arg25 : memref<!tpu.dma_semaphore, #tpu.memory_space<semaphore_mem>>)
    %dma_start3A_37 = arith.constant 1 : i32
    %dma_start3A_38 = arith.constant 0 : i32
    %dma_start3A_39 = tpu.memref_slice %arg13[%dma_start3A_37, %dma_start3A_38] : memref<125x80xi32, #tpu.memory_space<vmem>> -> memref<1x80xi32, #tpu.memory_space<vmem>>
    %dma_start3A_40 = tpu.memref_squeeze %dma_start3A_39 : memref<1x80xi32, #tpu.memory_space<vmem>> -> memref<80xi32, #tpu.memory_space<vmem>>
    %dma_start3A_41 = arith.constant 0 : i32
    %dma_start3A_42 = arith.constant 0 : i32
    %dma_start3A_43 = tpu.memref_slice %arg2[%dma_start3A_41, %dma_start3A_42] : memref<10000x16xf32, #tpu.memory_space<hbm>> -> memref<10000x16xf32, #tpu.memory_space<hbm>>
    tpu.enqueue_indirect_dma source(%dma_start3A_43 : memref<10000x16xf32, #tpu.memory_space<hbm>>) target(%arg20 : memref<80x16xf32, #tpu.memory_space<vmem>>) offsets(%dma_start3A_40 : memref<80xi32, #tpu.memory_space<vmem>>) semaphore(%arg26 : memref<!tpu.dma_semaphore, #tpu.memory_space<semaphore_mem>>)
    %dma_start3A_44 = arith.constant 1 : i32
    %dma_start3A_45 = arith.constant 0 : i32
    %dma_start3A_46 = tpu.memref_slice %arg14[%dma_start3A_44, %dma_start3A_45] : memref<125x80xi32, #tpu.memory_space<vmem>> -> memref<1x80xi32, #tpu.memory_space<vmem>>
    %dma_start3A_47 = tpu.memref_squeeze %dma_start3A_46 : memref<1x80xi32, #tpu.memory_space<vmem>> -> memref<80xi32, #tpu.memory_space<vmem>>
    %dma_start3A_48 = arith.constant 0 : i32
    %dma_start3A_49 = arith.constant 0 : i32
    %dma_start3A_50 = tpu.memref_slice %arg2[%dma_start3A_48, %dma_start3A_49] : memref<10000x16xf32, #tpu.memory_space<hbm>> -> memref<10000x16xf32, #tpu.memory_space<hbm>>
    tpu.enqueue_indirect_dma source(%dma_start3A_50 : memref<10000x16xf32, #tpu.memory_space<hbm>>) target(%arg21 : memref<80x16xf32, #tpu.memory_space<vmem>>) offsets(%dma_start3A_47 : memref<80xi32, #tpu.memory_space<vmem>>) semaphore(%arg26 : memref<!tpu.dma_semaphore, #tpu.memory_space<semaphore_mem>>)
    %dma_start3A_51 = arith.constant 1 : i32
    %dma_start3A_52 = arith.constant 0 : i32
    %dma_start3A_53 = tpu.memref_slice %arg14[%dma_start3A_51, %dma_start3A_52] : memref<125x80xi32, #tpu.memory_space<vmem>> -> memref<1x80xi32, #tpu.memory_space<vmem>>
    %dma_start3A_54 = tpu.memref_squeeze %dma_start3A_53 : memref<1x80xi32, #tpu.memory_space<vmem>> -> memref<80xi32, #tpu.memory_space<vmem>>
    %dma_start3A_55 = arith.constant 0 : i32
    %dma_start3A_56 = arith.constant 0 : i32
    %dma_start3A_57 = tpu.memref_slice %arg3[%dma_start3A_55, %dma_start3A_56] : memref<10000x128xf32, #tpu.memory_space<hbm>> -> memref<10000x128xf32, #tpu.memory_space<hbm>>
    tpu.enqueue_indirect_dma source(%dma_start3A_57 : memref<10000x128xf32, #tpu.memory_space<hbm>>) target(%arg22 : memref<80x128xf32, #tpu.memory_space<vmem>>) offsets(%dma_start3A_54 : memref<80xi32, #tpu.memory_space<vmem>>) semaphore(%arg26 : memref<!tpu.dma_semaphore, #tpu.memory_space<semaphore_mem>>)
    %dma_start3A_58 = arith.constant 1 : i32
    %dma_start3A_59 = arith.constant 0 : i32
    %dma_start3A_60 = tpu.memref_slice %arg13[%dma_start3A_58, %dma_start3A_59] : memref<125x80xi32, #tpu.memory_space<vmem>> -> memref<1x80xi32, #tpu.memory_space<vmem>>
    %dma_start3A_61 = tpu.memref_squeeze %dma_start3A_60 : memref<1x80xi32, #tpu.memory_space<vmem>> -> memref<80xi32, #tpu.memory_space<vmem>>
    %dma_start3A_62 = arith.constant 0 : i32
    %dma_start3A_63 = arith.constant 0 : i32
    %dma_start3A_64 = tpu.memref_slice %arg4[%dma_start3A_62, %dma_start3A_63] : memref<10000x128xf32, #tpu.memory_space<hbm>> -> memref<10000x128xf32, #tpu.memory_space<hbm>>
    tpu.enqueue_indirect_dma source(%dma_start3A_64 : memref<10000x128xf32, #tpu.memory_space<hbm>>) target(%arg23 : memref<80x128xf32, #tpu.memory_space<vmem>>) offsets(%dma_start3A_61 : memref<80xi32, #tpu.memory_space<vmem>>) semaphore(%arg26 : memref<!tpu.dma_semaphore, #tpu.memory_space<semaphore_mem>>)
    %dma_start3A_65 = arith.constant 1 : i32
    %dma_start3A_66 = arith.constant 0 : i32
    %dma_start3A_67 = tpu.memref_slice %arg14[%dma_start3A_65, %dma_start3A_66] : memref<125x80xi32, #tpu.memory_space<vmem>> -> memref<1x80xi32, #tpu.memory_space<vmem>>
    %dma_start3A_68 = tpu.memref_squeeze %dma_start3A_67 : memref<1x80xi32, #tpu.memory_space<vmem>> -> memref<80xi32, #tpu.memory_space<vmem>>
    %dma_start3A_69 = arith.constant 0 : i32
    %dma_start3A_70 = arith.constant 0 : i32
    %dma_start3A_71 = tpu.memref_slice %arg5[%dma_start3A_69, %dma_start3A_70] : memref<10000x128xf32, #tpu.memory_space<hbm>> -> memref<10000x128xf32, #tpu.memory_space<hbm>>
    tpu.enqueue_indirect_dma source(%dma_start3A_71 : memref<10000x128xf32, #tpu.memory_space<hbm>>) target(%arg24 : memref<80x128xf32, #tpu.memory_space<vmem>>) offsets(%dma_start3A_68 : memref<80xi32, #tpu.memory_space<vmem>>) semaphore(%arg26 : memref<!tpu.dma_semaphore, #tpu.memory_space<semaphore_mem>>)
    %scan3A = arith.constant 0 : i32
    %scan3A_72 = arith.constant 0 : i32
    %scan3A_73 = arith.constant 62 : i32
    %scan3A_74 = arith.addi %scan3A_72, %scan3A_73 : i32
    %scan3A_75 = arith.constant 1 : i32
    scf.for %scan3A_215 = %scan3A_72 to %scan3A_74 step %scan3A_75  : i32 {
      %mul3A_216 = arith.constant 2 : i32
      %mul3A_217 = arith.muli %mul3A_216, %scan3A_215 : i32
      %add3A_218 = arith.constant 1 : i32
      %add3A_219 = arith.addi %mul3A_217, %add3A_218 : i32
      %dma_wait3A_220 = arith.constant 0 : i32
      %dma_wait3A_221 = tpu.memref_slice %arg13[%mul3A_217, %dma_wait3A_220] : memref<125x80xi32, #tpu.memory_space<vmem>> -> memref<1x80xi32, #tpu.memory_space<vmem>>
      %dma_wait3A_222 = tpu.memref_squeeze %dma_wait3A_221 : memref<1x80xi32, #tpu.memory_space<vmem>> -> memref<80xi32, #tpu.memory_space<vmem>>
      %dma_wait3A_223 = arith.constant 0 : i32
      %dma_wait3A_224 = arith.constant 0 : i32
      %dma_wait3A_225 = tpu.memref_slice %arg2[%dma_wait3A_223, %dma_wait3A_224] : memref<10000x16xf32, #tpu.memory_space<hbm>> -> memref<10000x16xf32, #tpu.memory_space<hbm>>
      tpu.wait_indirect_dma semaphore(%arg25 : memref<!tpu.dma_semaphore, #tpu.memory_space<semaphore_mem>>) src(%dma_wait3A_225 : memref<10000x16xf32, #tpu.memory_space<hbm>>) dst(%arg15 : memref<80x16xf32, #tpu.memory_space<vmem>>)
      %dma_wait3A_226 = arith.constant 0 : i32
      %dma_wait3A_227 = tpu.memref_slice %arg14[%mul3A_217, %dma_wait3A_226] : memref<125x80xi32, #tpu.memory_space<vmem>> -> memref<1x80xi32, #tpu.memory_space<vmem>>
      %dma_wait3A_228 = tpu.memref_squeeze %dma_wait3A_227 : memref<1x80xi32, #tpu.memory_space<vmem>> -> memref<80xi32, #tpu.memory_space<vmem>>
      %dma_wait3A_229 = arith.constant 0 : i32
      %dma_wait3A_230 = arith.constant 0 : i32
      %dma_wait3A_231 = tpu.memref_slice %arg2[%dma_wait3A_229, %dma_wait3A_230] : memref<10000x16xf32, #tpu.memory_space<hbm>> -> memref<10000x16xf32, #tpu.memory_space<hbm>>
      tpu.wait_indirect_dma semaphore(%arg25 : memref<!tpu.dma_semaphore, #tpu.memory_space<semaphore_mem>>) src(%dma_wait3A_231 : memref<10000x16xf32, #tpu.memory_space<hbm>>) dst(%arg16 : memref<80x16xf32, #tpu.memory_space<vmem>>)
      %dma_wait3A_232 = arith.constant 0 : i32
      %dma_wait3A_233 = tpu.memref_slice %arg14[%mul3A_217, %dma_wait3A_232] : memref<125x80xi32, #tpu.memory_space<vmem>> -> memref<1x80xi32, #tpu.memory_space<vmem>>
      %dma_wait3A_234 = tpu.memref_squeeze %dma_wait3A_233 : memref<1x80xi32, #tpu.memory_space<vmem>> -> memref<80xi32, #tpu.memory_space<vmem>>
      %dma_wait3A_235 = arith.constant 0 : i32
      %dma_wait3A_236 = arith.constant 0 : i32
      %dma_wait3A_237 = tpu.memref_slice %arg3[%dma_wait3A_235, %dma_wait3A_236] : memref<10000x128xf32, #tpu.memory_space<hbm>> -> memref<10000x128xf32, #tpu.memory_space<hbm>>
      tpu.wait_indirect_dma semaphore(%arg25 : memref<!tpu.dma_semaphore, #tpu.memory_space<semaphore_mem>>) src(%dma_wait3A_237 : memref<10000x128xf32, #tpu.memory_space<hbm>>) dst(%arg17 : memref<80x128xf32, #tpu.memory_space<vmem>>)
      %dma_wait3A_238 = arith.constant 0 : i32
      %dma_wait3A_239 = tpu.memref_slice %arg13[%mul3A_217, %dma_wait3A_238] : memref<125x80xi32, #tpu.memory_space<vmem>> -> memref<1x80xi32, #tpu.memory_space<vmem>>
      %dma_wait3A_240 = tpu.memref_squeeze %dma_wait3A_239 : memref<1x80xi32, #tpu.memory_space<vmem>> -> memref<80xi32, #tpu.memory_space<vmem>>
      %dma_wait3A_241 = arith.constant 0 : i32
      %dma_wait3A_242 = arith.constant 0 : i32
      %dma_wait3A_243 = tpu.memref_slice %arg4[%dma_wait3A_241, %dma_wait3A_242] : memref<10000x128xf32, #tpu.memory_space<hbm>> -> memref<10000x128xf32, #tpu.memory_space<hbm>>
      tpu.wait_indirect_dma semaphore(%arg25 : memref<!tpu.dma_semaphore, #tpu.memory_space<semaphore_mem>>) src(%dma_wait3A_243 : memref<10000x128xf32, #tpu.memory_space<hbm>>) dst(%arg18 : memref<80x128xf32, #tpu.memory_space<vmem>>)
      %dma_wait3A_244 = arith.constant 0 : i32
      %dma_wait3A_245 = tpu.memref_slice %arg14[%mul3A_217, %dma_wait3A_244] : memref<125x80xi32, #tpu.memory_space<vmem>> -> memref<1x80xi32, #tpu.memory_space<vmem>>
      %dma_wait3A_246 = tpu.memref_squeeze %dma_wait3A_245 : memref<1x80xi32, #tpu.memory_space<vmem>> -> memref<80xi32, #tpu.memory_space<vmem>>
      %dma_wait3A_247 = arith.constant 0 : i32
      %dma_wait3A_248 = arith.constant 0 : i32
      %dma_wait3A_249 = tpu.memref_slice %arg5[%dma_wait3A_247, %dma_wait3A_248] : memref<10000x128xf32, #tpu.memory_space<hbm>> -> memref<10000x128xf32, #tpu.memory_space<hbm>>
      tpu.wait_indirect_dma semaphore(%arg25 : memref<!tpu.dma_semaphore, #tpu.memory_space<semaphore_mem>>) src(%dma_wait3A_249 : memref<10000x128xf32, #tpu.memory_space<hbm>>) dst(%arg19 : memref<80x128xf32, #tpu.memory_space<vmem>>)
      %mul3A_250 = arith.constant 80 : i32
      %mul3A_251 = arith.muli %mul3A_217, %mul3A_250 : i32
      %add3A_252 = arith.addi %mul3A_2, %mul3A_251 : i32
      %multiple_of3A_253 = tpu.assume_multiple %add3A_252, 80 : i32
      %dma_start3A_254 = arith.constant 0 : i32
      %dma_start3A_255 = tpu.memref_slice %arg8[%multiple_of3A_253, %dma_start3A_254] : memref<320000x16xf32, #tpu.memory_space<hbm>> -> memref<80x16xf32, #tpu.memory_space<hbm>>
      %dma_start3A_256 = arith.constant 0 : i32
      %dma_start3A_257 = tpu.memref_slice %arg8[%multiple_of3A_253, %dma_start3A_256] : memref<320000x16xf32, #tpu.memory_space<hbm>> -> memref<80x16xf32, #tpu.memory_space<hbm>>
      tpu.enqueue_dma source(%arg15 : memref<80x16xf32, #tpu.memory_space<vmem>>) target(%dma_start3A_257 : memref<80x16xf32, #tpu.memory_space<hbm>>) target_semaphore(%arg27 : memref<!tpu.dma_semaphore, #tpu.memory_space<semaphore_mem>>)
      %mul3A_258 = arith.constant 80 : i32
      %mul3A_259 = arith.muli %mul3A_217, %mul3A_258 : i32
      %add3A_260 = arith.addi %mul3A_2, %mul3A_259 : i32
      %multiple_of3A_261 = tpu.assume_multiple %add3A_260, 80 : i32
      %dma_start3A_262 = arith.constant 0 : i32
      %dma_start3A_263 = tpu.memref_slice %arg9[%multiple_of3A_261, %dma_start3A_262] : memref<320000x16xf32, #tpu.memory_space<hbm>> -> memref<80x16xf32, #tpu.memory_space<hbm>>
      %dma_start3A_264 = arith.constant 0 : i32
      %dma_start3A_265 = tpu.memref_slice %arg9[%multiple_of3A_261, %dma_start3A_264] : memref<320000x16xf32, #tpu.memory_space<hbm>> -> memref<80x16xf32, #tpu.memory_space<hbm>>
      tpu.enqueue_dma source(%arg16 : memref<80x16xf32, #tpu.memory_space<vmem>>) target(%dma_start3A_265 : memref<80x16xf32, #tpu.memory_space<hbm>>) target_semaphore(%arg27 : memref<!tpu.dma_semaphore, #tpu.memory_space<semaphore_mem>>)
      %mul3A_266 = arith.constant 80 : i32
      %mul3A_267 = arith.muli %mul3A_217, %mul3A_266 : i32
      %add3A_268 = arith.addi %mul3A_2, %mul3A_267 : i32
      %multiple_of3A_269 = tpu.assume_multiple %add3A_268, 80 : i32
      %dma_start3A_270 = arith.constant 0 : i32
      %dma_start3A_271 = tpu.memref_slice %arg10[%multiple_of3A_269, %dma_start3A_270] : memref<320000x128xf32, #tpu.memory_space<hbm>> -> memref<80x128xf32, #tpu.memory_space<hbm>>
      %dma_start3A_272 = arith.constant 0 : i32
      %dma_start3A_273 = tpu.memref_slice %arg10[%multiple_of3A_269, %dma_start3A_272] : memref<320000x128xf32, #tpu.memory_space<hbm>> -> memref<80x128xf32, #tpu.memory_space<hbm>>
      tpu.enqueue_dma source(%arg17 : memref<80x128xf32, #tpu.memory_space<vmem>>) target(%dma_start3A_273 : memref<80x128xf32, #tpu.memory_space<hbm>>) target_semaphore(%arg27 : memref<!tpu.dma_semaphore, #tpu.memory_space<semaphore_mem>>)
      %mul3A_274 = arith.constant 80 : i32
      %mul3A_275 = arith.muli %mul3A_217, %mul3A_274 : i32
      %add3A_276 = arith.addi %mul3A_2, %mul3A_275 : i32
      %multiple_of3A_277 = tpu.assume_multiple %add3A_276, 80 : i32
      %dma_start3A_278 = arith.constant 0 : i32
      %dma_start3A_279 = tpu.memref_slice %arg11[%multiple_of3A_277, %dma_start3A_278] : memref<320000x128xf32, #tpu.memory_space<hbm>> -> memref<80x128xf32, #tpu.memory_space<hbm>>
      %dma_start3A_280 = arith.constant 0 : i32
      %dma_start3A_281 = tpu.memref_slice %arg11[%multiple_of3A_277, %dma_start3A_280] : memref<320000x128xf32, #tpu.memory_space<hbm>> -> memref<80x128xf32, #tpu.memory_space<hbm>>
      tpu.enqueue_dma source(%arg18 : memref<80x128xf32, #tpu.memory_space<vmem>>) target(%dma_start3A_281 : memref<80x128xf32, #tpu.memory_space<hbm>>) target_semaphore(%arg27 : memref<!tpu.dma_semaphore, #tpu.memory_space<semaphore_mem>>)
      %mul3A_282 = arith.constant 80 : i32
      %mul3A_283 = arith.muli %mul3A_217, %mul3A_282 : i32
      %add3A_284 = arith.addi %mul3A_2, %mul3A_283 : i32
      %multiple_of3A_285 = tpu.assume_multiple %add3A_284, 80 : i32
      %dma_start3A_286 = arith.constant 0 : i32
      %dma_start3A_287 = tpu.memref_slice %arg12[%multiple_of3A_285, %dma_start3A_286] : memref<320000x128xf32, #tpu.memory_space<hbm>> -> memref<80x128xf32, #tpu.memory_space<hbm>>
      %dma_start3A_288 = arith.constant 0 : i32
      %dma_start3A_289 = tpu.memref_slice %arg12[%multiple_of3A_285, %dma_start3A_288] : memref<320000x128xf32, #tpu.memory_space<hbm>> -> memref<80x128xf32, #tpu.memory_space<hbm>>
      tpu.enqueue_dma source(%arg19 : memref<80x128xf32, #tpu.memory_space<vmem>>) target(%dma_start3A_289 : memref<80x128xf32, #tpu.memory_space<hbm>>) target_semaphore(%arg27 : memref<!tpu.dma_semaphore, #tpu.memory_space<semaphore_mem>>)
      %dma_wait3A_290 = arith.constant 0 : i32
      %dma_wait3A_291 = tpu.memref_slice %arg13[%add3A_219, %dma_wait3A_290] : memref<125x80xi32, #tpu.memory_space<vmem>> -> memref<1x80xi32, #tpu.memory_space<vmem>>
      %dma_wait3A_292 = tpu.memref_squeeze %dma_wait3A_291 : memref<1x80xi32, #tpu.memory_space<vmem>> -> memref<80xi32, #tpu.memory_space<vmem>>
      %dma_wait3A_293 = arith.constant 0 : i32
      %dma_wait3A_294 = arith.constant 0 : i32
      %dma_wait3A_295 = tpu.memref_slice %arg2[%dma_wait3A_293, %dma_wait3A_294] : memref<10000x16xf32, #tpu.memory_space<hbm>> -> memref<10000x16xf32, #tpu.memory_space<hbm>>
      tpu.wait_indirect_dma semaphore(%arg26 : memref<!tpu.dma_semaphore, #tpu.memory_space<semaphore_mem>>) src(%dma_wait3A_295 : memref<10000x16xf32, #tpu.memory_space<hbm>>) dst(%arg20 : memref<80x16xf32, #tpu.memory_space<vmem>>)
      %dma_wait3A_296 = arith.constant 0 : i32
      %dma_wait3A_297 = tpu.memref_slice %arg14[%add3A_219, %dma_wait3A_296] : memref<125x80xi32, #tpu.memory_space<vmem>> -> memref<1x80xi32, #tpu.memory_space<vmem>>
      %dma_wait3A_298 = tpu.memref_squeeze %dma_wait3A_297 : memref<1x80xi32, #tpu.memory_space<vmem>> -> memref<80xi32, #tpu.memory_space<vmem>>
      %dma_wait3A_299 = arith.constant 0 : i32
      %dma_wait3A_300 = arith.constant 0 : i32
      %dma_wait3A_301 = tpu.memref_slice %arg2[%dma_wait3A_299, %dma_wait3A_300] : memref<10000x16xf32, #tpu.memory_space<hbm>> -> memref<10000x16xf32, #tpu.memory_space<hbm>>
      tpu.wait_indirect_dma semaphore(%arg26 : memref<!tpu.dma_semaphore, #tpu.memory_space<semaphore_mem>>) src(%dma_wait3A_301 : memref<10000x16xf32, #tpu.memory_space<hbm>>) dst(%arg21 : memref<80x16xf32, #tpu.memory_space<vmem>>)
      %dma_wait3A_302 = arith.constant 0 : i32
      %dma_wait3A_303 = tpu.memref_slice %arg14[%add3A_219, %dma_wait3A_302] : memref<125x80xi32, #tpu.memory_space<vmem>> -> memref<1x80xi32, #tpu.memory_space<vmem>>
      %dma_wait3A_304 = tpu.memref_squeeze %dma_wait3A_303 : memref<1x80xi32, #tpu.memory_space<vmem>> -> memref<80xi32, #tpu.memory_space<vmem>>
      %dma_wait3A_305 = arith.constant 0 : i32
      %dma_wait3A_306 = arith.constant 0 : i32
      %dma_wait3A_307 = tpu.memref_slice %arg3[%dma_wait3A_305, %dma_wait3A_306] : memref<10000x128xf32, #tpu.memory_space<hbm>> -> memref<10000x128xf32, #tpu.memory_space<hbm>>
      tpu.wait_indirect_dma semaphore(%arg26 : memref<!tpu.dma_semaphore, #tpu.memory_space<semaphore_mem>>) src(%dma_wait3A_307 : memref<10000x128xf32, #tpu.memory_space<hbm>>) dst(%arg22 : memref<80x128xf32, #tpu.memory_space<vmem>>)
      %dma_wait3A_308 = arith.constant 0 : i32
      %dma_wait3A_309 = tpu.memref_slice %arg13[%add3A_219, %dma_wait3A_308] : memref<125x80xi32, #tpu.memory_space<vmem>> -> memref<1x80xi32, #tpu.memory_space<vmem>>
      %dma_wait3A_310 = tpu.memref_squeeze %dma_wait3A_309 : memref<1x80xi32, #tpu.memory_space<vmem>> -> memref<80xi32, #tpu.memory_space<vmem>>
      %dma_wait3A_311 = arith.constant 0 : i32
      %dma_wait3A_312 = arith.constant 0 : i32
      %dma_wait3A_313 = tpu.memref_slice %arg4[%dma_wait3A_311, %dma_wait3A_312] : memref<10000x128xf32, #tpu.memory_space<hbm>> -> memref<10000x128xf32, #tpu.memory_space<hbm>>
      tpu.wait_indirect_dma semaphore(%arg26 : memref<!tpu.dma_semaphore, #tpu.memory_space<semaphore_mem>>) src(%dma_wait3A_313 : memref<10000x128xf32, #tpu.memory_space<hbm>>) dst(%arg23 : memref<80x128xf32, #tpu.memory_space<vmem>>)
      %dma_wait3A_314 = arith.constant 0 : i32
      %dma_wait3A_315 = tpu.memref_slice %arg14[%add3A_219, %dma_wait3A_314] : memref<125x80xi32, #tpu.memory_space<vmem>> -> memref<1x80xi32, #tpu.memory_space<vmem>>
      %dma_wait3A_316 = tpu.memref_squeeze %dma_wait3A_315 : memref<1x80xi32, #tpu.memory_space<vmem>> -> memref<80xi32, #tpu.memory_space<vmem>>
      %dma_wait3A_317 = arith.constant 0 : i32
      %dma_wait3A_318 = arith.constant 0 : i32
      %dma_wait3A_319 = tpu.memref_slice %arg5[%dma_wait3A_317, %dma_wait3A_318] : memref<10000x128xf32, #tpu.memory_space<hbm>> -> memref<10000x128xf32, #tpu.memory_space<hbm>>
      tpu.wait_indirect_dma semaphore(%arg26 : memref<!tpu.dma_semaphore, #tpu.memory_space<semaphore_mem>>) src(%dma_wait3A_319 : memref<10000x128xf32, #tpu.memory_space<hbm>>) dst(%arg24 : memref<80x128xf32, #tpu.memory_space<vmem>>)
      %mul3A_320 = arith.constant 80 : i32
      %mul3A_321 = arith.muli %add3A_219, %mul3A_320 : i32
      %add3A_322 = arith.addi %mul3A_2, %mul3A_321 : i32
      %multiple_of3A_323 = tpu.assume_multiple %add3A_322, 80 : i32
      %dma_start3A_324 = arith.constant 0 : i32
      %dma_start3A_325 = tpu.memref_slice %arg8[%multiple_of3A_323, %dma_start3A_324] : memref<320000x16xf32, #tpu.memory_space<hbm>> -> memref<80x16xf32, #tpu.memory_space<hbm>>
      %dma_start3A_326 = arith.constant 0 : i32
      %dma_start3A_327 = tpu.memref_slice %arg8[%multiple_of3A_323, %dma_start3A_326] : memref<320000x16xf32, #tpu.memory_space<hbm>> -> memref<80x16xf32, #tpu.memory_space<hbm>>
      tpu.enqueue_dma source(%arg20 : memref<80x16xf32, #tpu.memory_space<vmem>>) target(%dma_start3A_327 : memref<80x16xf32, #tpu.memory_space<hbm>>) target_semaphore(%arg28 : memref<!tpu.dma_semaphore, #tpu.memory_space<semaphore_mem>>)
      %mul3A_328 = arith.constant 80 : i32
      %mul3A_329 = arith.muli %add3A_219, %mul3A_328 : i32
      %add3A_330 = arith.addi %mul3A_2, %mul3A_329 : i32
      %multiple_of3A_331 = tpu.assume_multiple %add3A_330, 80 : i32
      %dma_start3A_332 = arith.constant 0 : i32
      %dma_start3A_333 = tpu.memref_slice %arg9[%multiple_of3A_331, %dma_start3A_332] : memref<320000x16xf32, #tpu.memory_space<hbm>> -> memref<80x16xf32, #tpu.memory_space<hbm>>
      %dma_start3A_334 = arith.constant 0 : i32
      %dma_start3A_335 = tpu.memref_slice %arg9[%multiple_of3A_331, %dma_start3A_334] : memref<320000x16xf32, #tpu.memory_space<hbm>> -> memref<80x16xf32, #tpu.memory_space<hbm>>
      tpu.enqueue_dma source(%arg21 : memref<80x16xf32, #tpu.memory_space<vmem>>) target(%dma_start3A_335 : memref<80x16xf32, #tpu.memory_space<hbm>>) target_semaphore(%arg28 : memref<!tpu.dma_semaphore, #tpu.memory_space<semaphore_mem>>)
      %mul3A_336 = arith.constant 80 : i32
      %mul3A_337 = arith.muli %add3A_219, %mul3A_336 : i32
      %add3A_338 = arith.addi %mul3A_2, %mul3A_337 : i32
      %multiple_of3A_339 = tpu.assume_multiple %add3A_338, 80 : i32
      %dma_start3A_340 = arith.constant 0 : i32
      %dma_start3A_341 = tpu.memref_slice %arg10[%multiple_of3A_339, %dma_start3A_340] : memref<320000x128xf32, #tpu.memory_space<hbm>> -> memref<80x128xf32, #tpu.memory_space<hbm>>
      %dma_start3A_342 = arith.constant 0 : i32
      %dma_start3A_343 = tpu.memref_slice %arg10[%multiple_of3A_339, %dma_start3A_342] : memref<320000x128xf32, #tpu.memory_space<hbm>> -> memref<80x128xf32, #tpu.memory_space<hbm>>
      tpu.enqueue_dma source(%arg22 : memref<80x128xf32, #tpu.memory_space<vmem>>) target(%dma_start3A_343 : memref<80x128xf32, #tpu.memory_space<hbm>>) target_semaphore(%arg28 : memref<!tpu.dma_semaphore, #tpu.memory_space<semaphore_mem>>)
      %mul3A_344 = arith.constant 80 : i32
      %mul3A_345 = arith.muli %add3A_219, %mul3A_344 : i32
      %add3A_346 = arith.addi %mul3A_2, %mul3A_345 : i32
      %multiple_of3A_347 = tpu.assume_multiple %add3A_346, 80 : i32
      %dma_start3A_348 = arith.constant 0 : i32
      %dma_start3A_349 = tpu.memref_slice %arg11[%multiple_of3A_347, %dma_start3A_348] : memref<320000x128xf32, #tpu.memory_space<hbm>> -> memref<80x128xf32, #tpu.memory_space<hbm>>
      %dma_start3A_350 = arith.constant 0 : i32
      %dma_start3A_351 = tpu.memref_slice %arg11[%multiple_of3A_347, %dma_start3A_350] : memref<320000x128xf32, #tpu.memory_space<hbm>> -> memref<80x128xf32, #tpu.memory_space<hbm>>
      tpu.enqueue_dma source(%arg23 : memref<80x128xf32, #tpu.memory_space<vmem>>) target(%dma_start3A_351 : memref<80x128xf32, #tpu.memory_space<hbm>>) target_semaphore(%arg28 : memref<!tpu.dma_semaphore, #tpu.memory_space<semaphore_mem>>)
      %mul3A_352 = arith.constant 80 : i32
      %mul3A_353 = arith.muli %add3A_219, %mul3A_352 : i32
      %add3A_354 = arith.addi %mul3A_2, %mul3A_353 : i32
      %multiple_of3A_355 = tpu.assume_multiple %add3A_354, 80 : i32
      %dma_start3A_356 = arith.constant 0 : i32
      %dma_start3A_357 = tpu.memref_slice %arg12[%multiple_of3A_355, %dma_start3A_356] : memref<320000x128xf32, #tpu.memory_space<hbm>> -> memref<80x128xf32, #tpu.memory_space<hbm>>
      %dma_start3A_358 = arith.constant 0 : i32
      %dma_start3A_359 = tpu.memref_slice %arg12[%multiple_of3A_355, %dma_start3A_358] : memref<320000x128xf32, #tpu.memory_space<hbm>> -> memref<80x128xf32, #tpu.memory_space<hbm>>
      tpu.enqueue_dma source(%arg24 : memref<80x128xf32, #tpu.memory_space<vmem>>) target(%dma_start3A_359 : memref<80x128xf32, #tpu.memory_space<hbm>>) target_semaphore(%arg28 : memref<!tpu.dma_semaphore, #tpu.memory_space<semaphore_mem>>)
      %mul3A_360 = arith.constant 80 : i32
      %mul3A_361 = arith.muli %mul3A_217, %mul3A_360 : i32
      %add3A_362 = arith.addi %mul3A_2, %mul3A_361 : i32
      %multiple_of3A_363 = tpu.assume_multiple %add3A_362, 80 : i32
      %dma_wait3A_364 = arith.constant 0 : i32
      %dma_wait3A_365 = tpu.memref_slice %arg8[%multiple_of3A_363, %dma_wait3A_364] : memref<320000x16xf32, #tpu.memory_space<hbm>> -> memref<80x16xf32, #tpu.memory_space<hbm>>
      %dma_wait3A_366 = arith.constant 0 : i32
      %dma_wait3A_367 = tpu.memref_slice %arg8[%multiple_of3A_363, %dma_wait3A_366] : memref<320000x16xf32, #tpu.memory_space<hbm>> -> memref<80x16xf32, #tpu.memory_space<hbm>>
      tpu.wait_dma2 semaphore(%arg27 : memref<!tpu.dma_semaphore, #tpu.memory_space<semaphore_mem>>) src(%arg15 : memref<80x16xf32, #tpu.memory_space<vmem>>) dst(%dma_wait3A_367 : memref<80x16xf32, #tpu.memory_space<hbm>>)
      %mul3A_368 = arith.constant 80 : i32
      %mul3A_369 = arith.muli %mul3A_217, %mul3A_368 : i32
      %add3A_370 = arith.addi %mul3A_2, %mul3A_369 : i32
      %multiple_of3A_371 = tpu.assume_multiple %add3A_370, 80 : i32
      %dma_wait3A_372 = arith.constant 0 : i32
      %dma_wait3A_373 = tpu.memref_slice %arg9[%multiple_of3A_371, %dma_wait3A_372] : memref<320000x16xf32, #tpu.memory_space<hbm>> -> memref<80x16xf32, #tpu.memory_space<hbm>>
      %dma_wait3A_374 = arith.constant 0 : i32
      %dma_wait3A_375 = tpu.memref_slice %arg9[%multiple_of3A_371, %dma_wait3A_374] : memref<320000x16xf32, #tpu.memory_space<hbm>> -> memref<80x16xf32, #tpu.memory_space<hbm>>
      tpu.wait_dma2 semaphore(%arg27 : memref<!tpu.dma_semaphore, #tpu.memory_space<semaphore_mem>>) src(%arg16 : memref<80x16xf32, #tpu.memory_space<vmem>>) dst(%dma_wait3A_375 : memref<80x16xf32, #tpu.memory_space<hbm>>)
      %mul3A_376 = arith.constant 80 : i32
      %mul3A_377 = arith.muli %mul3A_217, %mul3A_376 : i32
      %add3A_378 = arith.addi %mul3A_2, %mul3A_377 : i32
      %multiple_of3A_379 = tpu.assume_multiple %add3A_378, 80 : i32
      %dma_wait3A_380 = arith.constant 0 : i32
      %dma_wait3A_381 = tpu.memref_slice %arg10[%multiple_of3A_379, %dma_wait3A_380] : memref<320000x128xf32, #tpu.memory_space<hbm>> -> memref<80x128xf32, #tpu.memory_space<hbm>>
      %dma_wait3A_382 = arith.constant 0 : i32
      %dma_wait3A_383 = tpu.memref_slice %arg10[%multiple_of3A_379, %dma_wait3A_382] : memref<320000x128xf32, #tpu.memory_space<hbm>> -> memref<80x128xf32, #tpu.memory_space<hbm>>
      tpu.wait_dma2 semaphore(%arg27 : memref<!tpu.dma_semaphore, #tpu.memory_space<semaphore_mem>>) src(%arg17 : memref<80x128xf32, #tpu.memory_space<vmem>>) dst(%dma_wait3A_383 : memref<80x128xf32, #tpu.memory_space<hbm>>)
      %mul3A_384 = arith.constant 80 : i32
      %mul3A_385 = arith.muli %mul3A_217, %mul3A_384 : i32
      %add3A_386 = arith.addi %mul3A_2, %mul3A_385 : i32
      %multiple_of3A_387 = tpu.assume_multiple %add3A_386, 80 : i32
      %dma_wait3A_388 = arith.constant 0 : i32
      %dma_wait3A_389 = tpu.memref_slice %arg11[%multiple_of3A_387, %dma_wait3A_388] : memref<320000x128xf32, #tpu.memory_space<hbm>> -> memref<80x128xf32, #tpu.memory_space<hbm>>
      %dma_wait3A_390 = arith.constant 0 : i32
      %dma_wait3A_391 = tpu.memref_slice %arg11[%multiple_of3A_387, %dma_wait3A_390] : memref<320000x128xf32, #tpu.memory_space<hbm>> -> memref<80x128xf32, #tpu.memory_space<hbm>>
      tpu.wait_dma2 semaphore(%arg27 : memref<!tpu.dma_semaphore, #tpu.memory_space<semaphore_mem>>) src(%arg18 : memref<80x128xf32, #tpu.memory_space<vmem>>) dst(%dma_wait3A_391 : memref<80x128xf32, #tpu.memory_space<hbm>>)
      %mul3A_392 = arith.constant 80 : i32
      %mul3A_393 = arith.muli %mul3A_217, %mul3A_392 : i32
      %add3A_394 = arith.addi %mul3A_2, %mul3A_393 : i32
      %multiple_of3A_395 = tpu.assume_multiple %add3A_394, 80 : i32
      %dma_wait3A_396 = arith.constant 0 : i32
      %dma_wait3A_397 = tpu.memref_slice %arg12[%multiple_of3A_395, %dma_wait3A_396] : memref<320000x128xf32, #tpu.memory_space<hbm>> -> memref<80x128xf32, #tpu.memory_space<hbm>>
      %dma_wait3A_398 = arith.constant 0 : i32
      %dma_wait3A_399 = tpu.memref_slice %arg12[%multiple_of3A_395, %dma_wait3A_398] : memref<320000x128xf32, #tpu.memory_space<hbm>> -> memref<80x128xf32, #tpu.memory_space<hbm>>
      tpu.wait_dma2 semaphore(%arg27 : memref<!tpu.dma_semaphore, #tpu.memory_space<semaphore_mem>>) src(%arg19 : memref<80x128xf32, #tpu.memory_space<vmem>>) dst(%dma_wait3A_399 : memref<80x128xf32, #tpu.memory_space<hbm>>)
      %add3A_400 = arith.constant 2 : i32
      %add3A_401 = arith.addi %mul3A_217, %add3A_400 : i32
      %dma_start3A_402 = arith.constant 0 : i32
      %dma_start3A_403 = tpu.memref_slice %arg13[%add3A_401, %dma_start3A_402] : memref<125x80xi32, #tpu.memory_space<vmem>> -> memref<1x80xi32, #tpu.memory_space<vmem>>
      %dma_start3A_404 = tpu.memref_squeeze %dma_start3A_403 : memref<1x80xi32, #tpu.memory_space<vmem>> -> memref<80xi32, #tpu.memory_space<vmem>>
      %dma_start3A_405 = arith.constant 0 : i32
      %dma_start3A_406 = arith.constant 0 : i32
      %dma_start3A_407 = tpu.memref_slice %arg2[%dma_start3A_405, %dma_start3A_406] : memref<10000x16xf32, #tpu.memory_space<hbm>> -> memref<10000x16xf32, #tpu.memory_space<hbm>>
      tpu.enqueue_indirect_dma source(%dma_start3A_407 : memref<10000x16xf32, #tpu.memory_space<hbm>>) target(%arg15 : memref<80x16xf32, #tpu.memory_space<vmem>>) offsets(%dma_start3A_404 : memref<80xi32, #tpu.memory_space<vmem>>) semaphore(%arg25 : memref<!tpu.dma_semaphore, #tpu.memory_space<semaphore_mem>>)
      %add3A_408 = arith.constant 2 : i32
      %add3A_409 = arith.addi %mul3A_217, %add3A_408 : i32
      %dma_start3A_410 = arith.constant 0 : i32
      %dma_start3A_411 = tpu.memref_slice %arg14[%add3A_409, %dma_start3A_410] : memref<125x80xi32, #tpu.memory_space<vmem>> -> memref<1x80xi32, #tpu.memory_space<vmem>>
      %dma_start3A_412 = tpu.memref_squeeze %dma_start3A_411 : memref<1x80xi32, #tpu.memory_space<vmem>> -> memref<80xi32, #tpu.memory_space<vmem>>
      %dma_start3A_413 = arith.constant 0 : i32
      %dma_start3A_414 = arith.constant 0 : i32
      %dma_start3A_415 = tpu.memref_slice %arg2[%dma_start3A_413, %dma_start3A_414] : memref<10000x16xf32, #tpu.memory_space<hbm>> -> memref<10000x16xf32, #tpu.memory_space<hbm>>
      tpu.enqueue_indirect_dma source(%dma_start3A_415 : memref<10000x16xf32, #tpu.memory_space<hbm>>) target(%arg16 : memref<80x16xf32, #tpu.memory_space<vmem>>) offsets(%dma_start3A_412 : memref<80xi32, #tpu.memory_space<vmem>>) semaphore(%arg25 : memref<!tpu.dma_semaphore, #tpu.memory_space<semaphore_mem>>)
      %add3A_416 = arith.constant 2 : i32
      %add3A_417 = arith.addi %mul3A_217, %add3A_416 : i32
      %dma_start3A_418 = arith.constant 0 : i32
      %dma_start3A_419 = tpu.memref_slice %arg14[%add3A_417, %dma_start3A_418] : memref<125x80xi32, #tpu.memory_space<vmem>> -> memref<1x80xi32, #tpu.memory_space<vmem>>
      %dma_start3A_420 = tpu.memref_squeeze %dma_start3A_419 : memref<1x80xi32, #tpu.memory_space<vmem>> -> memref<80xi32, #tpu.memory_space<vmem>>
      %dma_start3A_421 = arith.constant 0 : i32
      %dma_start3A_422 = arith.constant 0 : i32
      %dma_start3A_423 = tpu.memref_slice %arg3[%dma_start3A_421, %dma_start3A_422] : memref<10000x128xf32, #tpu.memory_space<hbm>> -> memref<10000x128xf32, #tpu.memory_space<hbm>>
      tpu.enqueue_indirect_dma source(%dma_start3A_423 : memref<10000x128xf32, #tpu.memory_space<hbm>>) target(%arg17 : memref<80x128xf32, #tpu.memory_space<vmem>>) offsets(%dma_start3A_420 : memref<80xi32, #tpu.memory_space<vmem>>) semaphore(%arg25 : memref<!tpu.dma_semaphore, #tpu.memory_space<semaphore_mem>>)
      %add3A_424 = arith.constant 2 : i32
      %add3A_425 = arith.addi %mul3A_217, %add3A_424 : i32
      %dma_start3A_426 = arith.constant 0 : i32
      %dma_start3A_427 = tpu.memref_slice %arg13[%add3A_425, %dma_start3A_426] : memref<125x80xi32, #tpu.memory_space<vmem>> -> memref<1x80xi32, #tpu.memory_space<vmem>>
      %dma_start3A_428 = tpu.memref_squeeze %dma_start3A_427 : memref<1x80xi32, #tpu.memory_space<vmem>> -> memref<80xi32, #tpu.memory_space<vmem>>
      %dma_start3A_429 = arith.constant 0 : i32
      %dma_start3A_430 = arith.constant 0 : i32
      %dma_start3A_431 = tpu.memref_slice %arg4[%dma_start3A_429, %dma_start3A_430] : memref<10000x128xf32, #tpu.memory_space<hbm>> -> memref<10000x128xf32, #tpu.memory_space<hbm>>
      tpu.enqueue_indirect_dma source(%dma_start3A_431 : memref<10000x128xf32, #tpu.memory_space<hbm>>) target(%arg18 : memref<80x128xf32, #tpu.memory_space<vmem>>) offsets(%dma_start3A_428 : memref<80xi32, #tpu.memory_space<vmem>>) semaphore(%arg25 : memref<!tpu.dma_semaphore, #tpu.memory_space<semaphore_mem>>)
      %add3A_432 = arith.constant 2 : i32
      %add3A_433 = arith.addi %mul3A_217, %add3A_432 : i32
      %dma_start3A_434 = arith.constant 0 : i32
      %dma_start3A_435 = tpu.memref_slice %arg14[%add3A_433, %dma_start3A_434] : memref<125x80xi32, #tpu.memory_space<vmem>> -> memref<1x80xi32, #tpu.memory_space<vmem>>
      %dma_start3A_436 = tpu.memref_squeeze %dma_start3A_435 : memref<1x80xi32, #tpu.memory_space<vmem>> -> memref<80xi32, #tpu.memory_space<vmem>>
      %dma_start3A_437 = arith.constant 0 : i32
      %dma_start3A_438 = arith.constant 0 : i32
      %dma_start3A_439 = tpu.memref_slice %arg5[%dma_start3A_437, %dma_start3A_438] : memref<10000x128xf32, #tpu.memory_space<hbm>> -> memref<10000x128xf32, #tpu.memory_space<hbm>>
      tpu.enqueue_indirect_dma source(%dma_start3A_439 : memref<10000x128xf32, #tpu.memory_space<hbm>>) target(%arg19 : memref<80x128xf32, #tpu.memory_space<vmem>>) offsets(%dma_start3A_436 : memref<80xi32, #tpu.memory_space<vmem>>) semaphore(%arg25 : memref<!tpu.dma_semaphore, #tpu.memory_space<semaphore_mem>>)
      %lt3A = arith.constant 61 : i32
      %lt3A_440 = arith.cmpi slt, %scan3A_215, %lt3A : i32
      %convert_element_type3A = arith.extui %lt3A_440 : i1 to i32
      %cond3A = arith.constant 0 : i32
      %cond3A_441 = arith.cmpi ne, %convert_element_type3A, %cond3A : i32
      scf.if %cond3A_441 {
        %mul3A_442 = arith.constant 80 : i32
        %mul3A_443 = arith.muli %add3A_219, %mul3A_442 : i32
        %add3A_444 = arith.addi %mul3A_2, %mul3A_443 : i32
        %multiple_of3A_445 = tpu.assume_multiple %add3A_444, 80 : i32
        %dma_wait3A_446 = arith.constant 0 : i32
        %dma_wait3A_447 = tpu.memref_slice %arg8[%multiple_of3A_445, %dma_wait3A_446] : memref<320000x16xf32, #tpu.memory_space<hbm>> -> memref<80x16xf32, #tpu.memory_space<hbm>>
        %dma_wait3A_448 = arith.constant 0 : i32
        %dma_wait3A_449 = tpu.memref_slice %arg8[%multiple_of3A_445, %dma_wait3A_448] : memref<320000x16xf32, #tpu.memory_space<hbm>> -> memref<80x16xf32, #tpu.memory_space<hbm>>
        tpu.wait_dma2 semaphore(%arg28 : memref<!tpu.dma_semaphore, #tpu.memory_space<semaphore_mem>>) src(%arg20 : memref<80x16xf32, #tpu.memory_space<vmem>>) dst(%dma_wait3A_449 : memref<80x16xf32, #tpu.memory_space<hbm>>)
        %mul3A_450 = arith.constant 80 : i32
        %mul3A_451 = arith.muli %add3A_219, %mul3A_450 : i32
        %add3A_452 = arith.addi %mul3A_2, %mul3A_451 : i32
        %multiple_of3A_453 = tpu.assume_multiple %add3A_452, 80 : i32
        %dma_wait3A_454 = arith.constant 0 : i32
        %dma_wait3A_455 = tpu.memref_slice %arg9[%multiple_of3A_453, %dma_wait3A_454] : memref<320000x16xf32, #tpu.memory_space<hbm>> -> memref<80x16xf32, #tpu.memory_space<hbm>>
        %dma_wait3A_456 = arith.constant 0 : i32
        %dma_wait3A_457 = tpu.memref_slice %arg9[%multiple_of3A_453, %dma_wait3A_456] : memref<320000x16xf32, #tpu.memory_space<hbm>> -> memref<80x16xf32, #tpu.memory_space<hbm>>
        tpu.wait_dma2 semaphore(%arg28 : memref<!tpu.dma_semaphore, #tpu.memory_space<semaphore_mem>>) src(%arg21 : memref<80x16xf32, #tpu.memory_space<vmem>>) dst(%dma_wait3A_457 : memref<80x16xf32, #tpu.memory_space<hbm>>)
        %mul3A_458 = arith.constant 80 : i32
        %mul3A_459 = arith.muli %add3A_219, %mul3A_458 : i32
        %add3A_460 = arith.addi %mul3A_2, %mul3A_459 : i32
        %multiple_of3A_461 = tpu.assume_multiple %add3A_460, 80 : i32
        %dma_wait3A_462 = arith.constant 0 : i32
        %dma_wait3A_463 = tpu.memref_slice %arg10[%multiple_of3A_461, %dma_wait3A_462] : memref<320000x128xf32, #tpu.memory_space<hbm>> -> memref<80x128xf32, #tpu.memory_space<hbm>>
        %dma_wait3A_464 = arith.constant 0 : i32
        %dma_wait3A_465 = tpu.memref_slice %arg10[%multiple_of3A_461, %dma_wait3A_464] : memref<320000x128xf32, #tpu.memory_space<hbm>> -> memref<80x128xf32, #tpu.memory_space<hbm>>
        tpu.wait_dma2 semaphore(%arg28 : memref<!tpu.dma_semaphore, #tpu.memory_space<semaphore_mem>>) src(%arg22 : memref<80x128xf32, #tpu.memory_space<vmem>>) dst(%dma_wait3A_465 : memref<80x128xf32, #tpu.memory_space<hbm>>)
        %mul3A_466 = arith.constant 80 : i32
        %mul3A_467 = arith.muli %add3A_219, %mul3A_466 : i32
        %add3A_468 = arith.addi %mul3A_2, %mul3A_467 : i32
        %multiple_of3A_469 = tpu.assume_multiple %add3A_468, 80 : i32
        %dma_wait3A_470 = arith.constant 0 : i32
        %dma_wait3A_471 = tpu.memref_slice %arg11[%multiple_of3A_469, %dma_wait3A_470] : memref<320000x128xf32, #tpu.memory_space<hbm>> -> memref<80x128xf32, #tpu.memory_space<hbm>>
        %dma_wait3A_472 = arith.constant 0 : i32
        %dma_wait3A_473 = tpu.memref_slice %arg11[%multiple_of3A_469, %dma_wait3A_472] : memref<320000x128xf32, #tpu.memory_space<hbm>> -> memref<80x128xf32, #tpu.memory_space<hbm>>
        tpu.wait_dma2 semaphore(%arg28 : memref<!tpu.dma_semaphore, #tpu.memory_space<semaphore_mem>>) src(%arg23 : memref<80x128xf32, #tpu.memory_space<vmem>>) dst(%dma_wait3A_473 : memref<80x128xf32, #tpu.memory_space<hbm>>)
        %mul3A_474 = arith.constant 80 : i32
        %mul3A_475 = arith.muli %add3A_219, %mul3A_474 : i32
        %add3A_476 = arith.addi %mul3A_2, %mul3A_475 : i32
        %multiple_of3A_477 = tpu.assume_multiple %add3A_476, 80 : i32
        %dma_wait3A_478 = arith.constant 0 : i32
        %dma_wait3A_479 = tpu.memref_slice %arg12[%multiple_of3A_477, %dma_wait3A_478] : memref<320000x128xf32, #tpu.memory_space<hbm>> -> memref<80x128xf32, #tpu.memory_space<hbm>>
        %dma_wait3A_480 = arith.constant 0 : i32
        %dma_wait3A_481 = tpu.memref_slice %arg12[%multiple_of3A_477, %dma_wait3A_480] : memref<320000x128xf32, #tpu.memory_space<hbm>> -> memref<80x128xf32, #tpu.memory_space<hbm>>
        tpu.wait_dma2 semaphore(%arg28 : memref<!tpu.dma_semaphore, #tpu.memory_space<semaphore_mem>>) src(%arg24 : memref<80x128xf32, #tpu.memory_space<vmem>>) dst(%dma_wait3A_481 : memref<80x128xf32, #tpu.memory_space<hbm>>)
        %add3A_482 = arith.constant 2 : i32
        %add3A_483 = arith.addi %add3A_219, %add3A_482 : i32
        %dma_start3A_484 = arith.constant 0 : i32
        %dma_start3A_485 = tpu.memref_slice %arg13[%add3A_483, %dma_start3A_484] : memref<125x80xi32, #tpu.memory_space<vmem>> -> memref<1x80xi32, #tpu.memory_space<vmem>>
        %dma_start3A_486 = tpu.memref_squeeze %dma_start3A_485 : memref<1x80xi32, #tpu.memory_space<vmem>> -> memref<80xi32, #tpu.memory_space<vmem>>
        %dma_start3A_487 = arith.constant 0 : i32
        %dma_start3A_488 = arith.constant 0 : i32
        %dma_start3A_489 = tpu.memref_slice %arg2[%dma_start3A_487, %dma_start3A_488] : memref<10000x16xf32, #tpu.memory_space<hbm>> -> memref<10000x16xf32, #tpu.memory_space<hbm>>
        tpu.enqueue_indirect_dma source(%dma_start3A_489 : memref<10000x16xf32, #tpu.memory_space<hbm>>) target(%arg20 : memref<80x16xf32, #tpu.memory_space<vmem>>) offsets(%dma_start3A_486 : memref<80xi32, #tpu.memory_space<vmem>>) semaphore(%arg26 : memref<!tpu.dma_semaphore, #tpu.memory_space<semaphore_mem>>)
        %add3A_490 = arith.constant 2 : i32
        %add3A_491 = arith.addi %add3A_219, %add3A_490 : i32
        %dma_start3A_492 = arith.constant 0 : i32
        %dma_start3A_493 = tpu.memref_slice %arg14[%add3A_491, %dma_start3A_492] : memref<125x80xi32, #tpu.memory_space<vmem>> -> memref<1x80xi32, #tpu.memory_space<vmem>>
        %dma_start3A_494 = tpu.memref_squeeze %dma_start3A_493 : memref<1x80xi32, #tpu.memory_space<vmem>> -> memref<80xi32, #tpu.memory_space<vmem>>
        %dma_start3A_495 = arith.constant 0 : i32
        %dma_start3A_496 = arith.constant 0 : i32
        %dma_start3A_497 = tpu.memref_slice %arg2[%dma_start3A_495, %dma_start3A_496] : memref<10000x16xf32, #tpu.memory_space<hbm>> -> memref<10000x16xf32, #tpu.memory_space<hbm>>
        tpu.enqueue_indirect_dma source(%dma_start3A_497 : memref<10000x16xf32, #tpu.memory_space<hbm>>) target(%arg21 : memref<80x16xf32, #tpu.memory_space<vmem>>) offsets(%dma_start3A_494 : memref<80xi32, #tpu.memory_space<vmem>>) semaphore(%arg26 : memref<!tpu.dma_semaphore, #tpu.memory_space<semaphore_mem>>)
        %add3A_498 = arith.constant 2 : i32
        %add3A_499 = arith.addi %add3A_219, %add3A_498 : i32
        %dma_start3A_500 = arith.constant 0 : i32
        %dma_start3A_501 = tpu.memref_slice %arg14[%add3A_499, %dma_start3A_500] : memref<125x80xi32, #tpu.memory_space<vmem>> -> memref<1x80xi32, #tpu.memory_space<vmem>>
        %dma_start3A_502 = tpu.memref_squeeze %dma_start3A_501 : memref<1x80xi32, #tpu.memory_space<vmem>> -> memref<80xi32, #tpu.memory_space<vmem>>
        %dma_start3A_503 = arith.constant 0 : i32
        %dma_start3A_504 = arith.constant 0 : i32
        %dma_start3A_505 = tpu.memref_slice %arg3[%dma_start3A_503, %dma_start3A_504] : memref<10000x128xf32, #tpu.memory_space<hbm>> -> memref<10000x128xf32, #tpu.memory_space<hbm>>
        tpu.enqueue_indirect_dma source(%dma_start3A_505 : memref<10000x128xf32, #tpu.memory_space<hbm>>) target(%arg22 : memref<80x128xf32, #tpu.memory_space<vmem>>) offsets(%dma_start3A_502 : memref<80xi32, #tpu.memory_space<vmem>>) semaphore(%arg26 : memref<!tpu.dma_semaphore, #tpu.memory_space<semaphore_mem>>)
        %add3A_506 = arith.constant 2 : i32
        %add3A_507 = arith.addi %add3A_219, %add3A_506 : i32
        %dma_start3A_508 = arith.constant 0 : i32
        %dma_start3A_509 = tpu.memref_slice %arg13[%add3A_507, %dma_start3A_508] : memref<125x80xi32, #tpu.memory_space<vmem>> -> memref<1x80xi32, #tpu.memory_space<vmem>>
        %dma_start3A_510 = tpu.memref_squeeze %dma_start3A_509 : memref<1x80xi32, #tpu.memory_space<vmem>> -> memref<80xi32, #tpu.memory_space<vmem>>
        %dma_start3A_511 = arith.constant 0 : i32
        %dma_start3A_512 = arith.constant 0 : i32
        %dma_start3A_513 = tpu.memref_slice %arg4[%dma_start3A_511, %dma_start3A_512] : memref<10000x128xf32, #tpu.memory_space<hbm>> -> memref<10000x128xf32, #tpu.memory_space<hbm>>
        tpu.enqueue_indirect_dma source(%dma_start3A_513 : memref<10000x128xf32, #tpu.memory_space<hbm>>) target(%arg23 : memref<80x128xf32, #tpu.memory_space<vmem>>) offsets(%dma_start3A_510 : memref<80xi32, #tpu.memory_space<vmem>>) semaphore(%arg26 : memref<!tpu.dma_semaphore, #tpu.memory_space<semaphore_mem>>)
        %add3A_514 = arith.constant 2 : i32
        %add3A_515 = arith.addi %add3A_219, %add3A_514 : i32
        %dma_start3A_516 = arith.constant 0 : i32
        %dma_start3A_517 = tpu.memref_slice %arg14[%add3A_515, %dma_start3A_516] : memref<125x80xi32, #tpu.memory_space<vmem>> -> memref<1x80xi32, #tpu.memory_space<vmem>>
        %dma_start3A_518 = tpu.memref_squeeze %dma_start3A_517 : memref<1x80xi32, #tpu.memory_space<vmem>> -> memref<80xi32, #tpu.memory_space<vmem>>
        %dma_start3A_519 = arith.constant 0 : i32
        %dma_start3A_520 = arith.constant 0 : i32
        %dma_start3A_521 = tpu.memref_slice %arg5[%dma_start3A_519, %dma_start3A_520] : memref<10000x128xf32, #tpu.memory_space<hbm>> -> memref<10000x128xf32, #tpu.memory_space<hbm>>
        tpu.enqueue_indirect_dma source(%dma_start3A_521 : memref<10000x128xf32, #tpu.memory_space<hbm>>) target(%arg24 : memref<80x128xf32, #tpu.memory_space<vmem>>) offsets(%dma_start3A_518 : memref<80xi32, #tpu.memory_space<vmem>>) semaphore(%arg26 : memref<!tpu.dma_semaphore, #tpu.memory_space<semaphore_mem>>)
      } else {
      }
    }
    %scan3A_76 = arith.constant 62 : i32
    %dma_wait3A = arith.constant 124 : i32
    %dma_wait3A_77 = arith.constant 0 : i32
    %dma_wait3A_78 = tpu.memref_slice %arg13[%dma_wait3A, %dma_wait3A_77] : memref<125x80xi32, #tpu.memory_space<vmem>> -> memref<1x80xi32, #tpu.memory_space<vmem>>
    %dma_wait3A_79 = tpu.memref_squeeze %dma_wait3A_78 : memref<1x80xi32, #tpu.memory_space<vmem>> -> memref<80xi32, #tpu.memory_space<vmem>>
    %dma_wait3A_80 = arith.constant 0 : i32
    %dma_wait3A_81 = arith.constant 0 : i32
    %dma_wait3A_82 = tpu.memref_slice %arg2[%dma_wait3A_80, %dma_wait3A_81] : memref<10000x16xf32, #tpu.memory_space<hbm>> -> memref<10000x16xf32, #tpu.memory_space<hbm>>
    tpu.wait_indirect_dma semaphore(%arg25 : memref<!tpu.dma_semaphore, #tpu.memory_space<semaphore_mem>>) src(%dma_wait3A_82 : memref<10000x16xf32, #tpu.memory_space<hbm>>) dst(%arg15 : memref<80x16xf32, #tpu.memory_space<vmem>>)
    %dma_wait3A_83 = arith.constant 124 : i32
    %dma_wait3A_84 = arith.constant 0 : i32
    %dma_wait3A_85 = tpu.memref_slice %arg14[%dma_wait3A_83, %dma_wait3A_84] : memref<125x80xi32, #tpu.memory_space<vmem>> -> memref<1x80xi32, #tpu.memory_space<vmem>>
    %dma_wait3A_86 = tpu.memref_squeeze %dma_wait3A_85 : memref<1x80xi32, #tpu.memory_space<vmem>> -> memref<80xi32, #tpu.memory_space<vmem>>
    %dma_wait3A_87 = arith.constant 0 : i32
    %dma_wait3A_88 = arith.constant 0 : i32
    %dma_wait3A_89 = tpu.memref_slice %arg2[%dma_wait3A_87, %dma_wait3A_88] : memref<10000x16xf32, #tpu.memory_space<hbm>> -> memref<10000x16xf32, #tpu.memory_space<hbm>>
    tpu.wait_indirect_dma semaphore(%arg25 : memref<!tpu.dma_semaphore, #tpu.memory_space<semaphore_mem>>) src(%dma_wait3A_89 : memref<10000x16xf32, #tpu.memory_space<hbm>>) dst(%arg16 : memref<80x16xf32, #tpu.memory_space<vmem>>)
    %dma_wait3A_90 = arith.constant 124 : i32
    %dma_wait3A_91 = arith.constant 0 : i32
    %dma_wait3A_92 = tpu.memref_slice %arg14[%dma_wait3A_90, %dma_wait3A_91] : memref<125x80xi32, #tpu.memory_space<vmem>> -> memref<1x80xi32, #tpu.memory_space<vmem>>
    %dma_wait3A_93 = tpu.memref_squeeze %dma_wait3A_92 : memref<1x80xi32, #tpu.memory_space<vmem>> -> memref<80xi32, #tpu.memory_space<vmem>>
    %dma_wait3A_94 = arith.constant 0 : i32
    %dma_wait3A_95 = arith.constant 0 : i32
    %dma_wait3A_96 = tpu.memref_slice %arg3[%dma_wait3A_94, %dma_wait3A_95] : memref<10000x128xf32, #tpu.memory_space<hbm>> -> memref<10000x128xf32, #tpu.memory_space<hbm>>
    tpu.wait_indirect_dma semaphore(%arg25 : memref<!tpu.dma_semaphore, #tpu.memory_space<semaphore_mem>>) src(%dma_wait3A_96 : memref<10000x128xf32, #tpu.memory_space<hbm>>) dst(%arg17 : memref<80x128xf32, #tpu.memory_space<vmem>>)
    %dma_wait3A_97 = arith.constant 124 : i32
    %dma_wait3A_98 = arith.constant 0 : i32
    %dma_wait3A_99 = tpu.memref_slice %arg13[%dma_wait3A_97, %dma_wait3A_98] : memref<125x80xi32, #tpu.memory_space<vmem>> -> memref<1x80xi32, #tpu.memory_space<vmem>>
    %dma_wait3A_100 = tpu.memref_squeeze %dma_wait3A_99 : memref<1x80xi32, #tpu.memory_space<vmem>> -> memref<80xi32, #tpu.memory_space<vmem>>
    %dma_wait3A_101 = arith.constant 0 : i32
    %dma_wait3A_102 = arith.constant 0 : i32
    %dma_wait3A_103 = tpu.memref_slice %arg4[%dma_wait3A_101, %dma_wait3A_102] : memref<10000x128xf32, #tpu.memory_space<hbm>> -> memref<10000x128xf32, #tpu.memory_space<hbm>>
    tpu.wait_indirect_dma semaphore(%arg25 : memref<!tpu.dma_semaphore, #tpu.memory_space<semaphore_mem>>) src(%dma_wait3A_103 : memref<10000x128xf32, #tpu.memory_space<hbm>>) dst(%arg18 : memref<80x128xf32, #tpu.memory_space<vmem>>)
    %dma_wait3A_104 = arith.constant 124 : i32
    %dma_wait3A_105 = arith.constant 0 : i32
    %dma_wait3A_106 = tpu.memref_slice %arg14[%dma_wait3A_104, %dma_wait3A_105] : memref<125x80xi32, #tpu.memory_space<vmem>> -> memref<1x80xi32, #tpu.memory_space<vmem>>
    %dma_wait3A_107 = tpu.memref_squeeze %dma_wait3A_106 : memref<1x80xi32, #tpu.memory_space<vmem>> -> memref<80xi32, #tpu.memory_space<vmem>>
    %dma_wait3A_108 = arith.constant 0 : i32
    %dma_wait3A_109 = arith.constant 0 : i32
    %dma_wait3A_110 = tpu.memref_slice %arg5[%dma_wait3A_108, %dma_wait3A_109] : memref<10000x128xf32, #tpu.memory_space<hbm>> -> memref<10000x128xf32, #tpu.memory_space<hbm>>
    tpu.wait_indirect_dma semaphore(%arg25 : memref<!tpu.dma_semaphore, #tpu.memory_space<semaphore_mem>>) src(%dma_wait3A_110 : memref<10000x128xf32, #tpu.memory_space<hbm>>) dst(%arg19 : memref<80x128xf32, #tpu.memory_space<vmem>>)
    %add3A_111 = arith.constant 9920 : i32
    %add3A_112 = arith.addi %mul3A_2, %add3A_111 : i32
    %multiple_of3A = tpu.assume_multiple %add3A_112, 80 : i32
    %dma_start3A_113 = arith.constant 0 : i32
    %dma_start3A_114 = tpu.memref_slice %arg8[%multiple_of3A, %dma_start3A_113] : memref<320000x16xf32, #tpu.memory_space<hbm>> -> memref<80x16xf32, #tpu.memory_space<hbm>>
    %dma_start3A_115 = arith.constant 0 : i32
    %dma_start3A_116 = tpu.memref_slice %arg8[%multiple_of3A, %dma_start3A_115] : memref<320000x16xf32, #tpu.memory_space<hbm>> -> memref<80x16xf32, #tpu.memory_space<hbm>>
    tpu.enqueue_dma source(%arg15 : memref<80x16xf32, #tpu.memory_space<vmem>>) target(%dma_start3A_116 : memref<80x16xf32, #tpu.memory_space<hbm>>) target_semaphore(%arg27 : memref<!tpu.dma_semaphore, #tpu.memory_space<semaphore_mem>>)
    %add3A_117 = arith.constant 9920 : i32
    %add3A_118 = arith.addi %mul3A_2, %add3A_117 : i32
    %multiple_of3A_119 = tpu.assume_multiple %add3A_118, 80 : i32
    %dma_start3A_120 = arith.constant 0 : i32
    %dma_start3A_121 = tpu.memref_slice %arg9[%multiple_of3A_119, %dma_start3A_120] : memref<320000x16xf32, #tpu.memory_space<hbm>> -> memref<80x16xf32, #tpu.memory_space<hbm>>
    %dma_start3A_122 = arith.constant 0 : i32
    %dma_start3A_123 = tpu.memref_slice %arg9[%multiple_of3A_119, %dma_start3A_122] : memref<320000x16xf32, #tpu.memory_space<hbm>> -> memref<80x16xf32, #tpu.memory_space<hbm>>
    tpu.enqueue_dma source(%arg16 : memref<80x16xf32, #tpu.memory_space<vmem>>) target(%dma_start3A_123 : memref<80x16xf32, #tpu.memory_space<hbm>>) target_semaphore(%arg27 : memref<!tpu.dma_semaphore, #tpu.memory_space<semaphore_mem>>)
    %add3A_124 = arith.constant 9920 : i32
    %add3A_125 = arith.addi %mul3A_2, %add3A_124 : i32
    %multiple_of3A_126 = tpu.assume_multiple %add3A_125, 80 : i32
    %dma_start3A_127 = arith.constant 0 : i32
    %dma_start3A_128 = tpu.memref_slice %arg10[%multiple_of3A_126, %dma_start3A_127] : memref<320000x128xf32, #tpu.memory_space<hbm>> -> memref<80x128xf32, #tpu.memory_space<hbm>>
    %dma_start3A_129 = arith.constant 0 : i32
    %dma_start3A_130 = tpu.memref_slice %arg10[%multiple_of3A_126, %dma_start3A_129] : memref<320000x128xf32, #tpu.memory_space<hbm>> -> memref<80x128xf32, #tpu.memory_space<hbm>>
    tpu.enqueue_dma source(%arg17 : memref<80x128xf32, #tpu.memory_space<vmem>>) target(%dma_start3A_130 : memref<80x128xf32, #tpu.memory_space<hbm>>) target_semaphore(%arg27 : memref<!tpu.dma_semaphore, #tpu.memory_space<semaphore_mem>>)
    %add3A_131 = arith.constant 9920 : i32
    %add3A_132 = arith.addi %mul3A_2, %add3A_131 : i32
    %multiple_of3A_133 = tpu.assume_multiple %add3A_132, 80 : i32
    %dma_start3A_134 = arith.constant 0 : i32
    %dma_start3A_135 = tpu.memref_slice %arg11[%multiple_of3A_133, %dma_start3A_134] : memref<320000x128xf32, #tpu.memory_space<hbm>> -> memref<80x128xf32, #tpu.memory_space<hbm>>
    %dma_start3A_136 = arith.constant 0 : i32
    %dma_start3A_137 = tpu.memref_slice %arg11[%multiple_of3A_133, %dma_start3A_136] : memref<320000x128xf32, #tpu.memory_space<hbm>> -> memref<80x128xf32, #tpu.memory_space<hbm>>
    tpu.enqueue_dma source(%arg18 : memref<80x128xf32, #tpu.memory_space<vmem>>) target(%dma_start3A_137 : memref<80x128xf32, #tpu.memory_space<hbm>>) target_semaphore(%arg27 : memref<!tpu.dma_semaphore, #tpu.memory_space<semaphore_mem>>)
    %add3A_138 = arith.constant 9920 : i32
    %add3A_139 = arith.addi %mul3A_2, %add3A_138 : i32
    %multiple_of3A_140 = tpu.assume_multiple %add3A_139, 80 : i32
    %dma_start3A_141 = arith.constant 0 : i32
    %dma_start3A_142 = tpu.memref_slice %arg12[%multiple_of3A_140, %dma_start3A_141] : memref<320000x128xf32, #tpu.memory_space<hbm>> -> memref<80x128xf32, #tpu.memory_space<hbm>>
    %dma_start3A_143 = arith.constant 0 : i32
    %dma_start3A_144 = tpu.memref_slice %arg12[%multiple_of3A_140, %dma_start3A_143] : memref<320000x128xf32, #tpu.memory_space<hbm>> -> memref<80x128xf32, #tpu.memory_space<hbm>>
    tpu.enqueue_dma source(%arg19 : memref<80x128xf32, #tpu.memory_space<vmem>>) target(%dma_start3A_144 : memref<80x128xf32, #tpu.memory_space<hbm>>) target_semaphore(%arg27 : memref<!tpu.dma_semaphore, #tpu.memory_space<semaphore_mem>>)
    %add3A_145 = arith.constant 9840 : i32
    %add3A_146 = arith.addi %mul3A_2, %add3A_145 : i32
    %multiple_of3A_147 = tpu.assume_multiple %add3A_146, 80 : i32
    %dma_wait3A_148 = arith.constant 0 : i32
    %dma_wait3A_149 = tpu.memref_slice %arg8[%multiple_of3A_147, %dma_wait3A_148] : memref<320000x16xf32, #tpu.memory_space<hbm>> -> memref<80x16xf32, #tpu.memory_space<hbm>>
    %dma_wait3A_150 = arith.constant 0 : i32
    %dma_wait3A_151 = tpu.memref_slice %arg8[%multiple_of3A_147, %dma_wait3A_150] : memref<320000x16xf32, #tpu.memory_space<hbm>> -> memref<80x16xf32, #tpu.memory_space<hbm>>
    tpu.wait_dma2 semaphore(%arg28 : memref<!tpu.dma_semaphore, #tpu.memory_space<semaphore_mem>>) src(%arg20 : memref<80x16xf32, #tpu.memory_space<vmem>>) dst(%dma_wait3A_151 : memref<80x16xf32, #tpu.memory_space<hbm>>)
    %add3A_152 = arith.constant 9840 : i32
    %add3A_153 = arith.addi %mul3A_2, %add3A_152 : i32
    %multiple_of3A_154 = tpu.assume_multiple %add3A_153, 80 : i32
    %dma_wait3A_155 = arith.constant 0 : i32
    %dma_wait3A_156 = tpu.memref_slice %arg9[%multiple_of3A_154, %dma_wait3A_155] : memref<320000x16xf32, #tpu.memory_space<hbm>> -> memref<80x16xf32, #tpu.memory_space<hbm>>
    %dma_wait3A_157 = arith.constant 0 : i32
    %dma_wait3A_158 = tpu.memref_slice %arg9[%multiple_of3A_154, %dma_wait3A_157] : memref<320000x16xf32, #tpu.memory_space<hbm>> -> memref<80x16xf32, #tpu.memory_space<hbm>>
    tpu.wait_dma2 semaphore(%arg28 : memref<!tpu.dma_semaphore, #tpu.memory_space<semaphore_mem>>) src(%arg21 : memref<80x16xf32, #tpu.memory_space<vmem>>) dst(%dma_wait3A_158 : memref<80x16xf32, #tpu.memory_space<hbm>>)
    %add3A_159 = arith.constant 9840 : i32
    %add3A_160 = arith.addi %mul3A_2, %add3A_159 : i32
    %multiple_of3A_161 = tpu.assume_multiple %add3A_160, 80 : i32
    %dma_wait3A_162 = arith.constant 0 : i32
    %dma_wait3A_163 = tpu.memref_slice %arg10[%multiple_of3A_161, %dma_wait3A_162] : memref<320000x128xf32, #tpu.memory_space<hbm>> -> memref<80x128xf32, #tpu.memory_space<hbm>>
    %dma_wait3A_164 = arith.constant 0 : i32
    %dma_wait3A_165 = tpu.memref_slice %arg10[%multiple_of3A_161, %dma_wait3A_164] : memref<320000x128xf32, #tpu.memory_space<hbm>> -> memref<80x128xf32, #tpu.memory_space<hbm>>
    tpu.wait_dma2 semaphore(%arg28 : memref<!tpu.dma_semaphore, #tpu.memory_space<semaphore_mem>>) src(%arg22 : memref<80x128xf32, #tpu.memory_space<vmem>>) dst(%dma_wait3A_165 : memref<80x128xf32, #tpu.memory_space<hbm>>)
    %add3A_166 = arith.constant 9840 : i32
    %add3A_167 = arith.addi %mul3A_2, %add3A_166 : i32
    %multiple_of3A_168 = tpu.assume_multiple %add3A_167, 80 : i32
    %dma_wait3A_169 = arith.constant 0 : i32
    %dma_wait3A_170 = tpu.memref_slice %arg11[%multiple_of3A_168, %dma_wait3A_169] : memref<320000x128xf32, #tpu.memory_space<hbm>> -> memref<80x128xf32, #tpu.memory_space<hbm>>
    %dma_wait3A_171 = arith.constant 0 : i32
    %dma_wait3A_172 = tpu.memref_slice %arg11[%multiple_of3A_168, %dma_wait3A_171] : memref<320000x128xf32, #tpu.memory_space<hbm>> -> memref<80x128xf32, #tpu.memory_space<hbm>>
    tpu.wait_dma2 semaphore(%arg28 : memref<!tpu.dma_semaphore, #tpu.memory_space<semaphore_mem>>) src(%arg23 : memref<80x128xf32, #tpu.memory_space<vmem>>) dst(%dma_wait3A_172 : memref<80x128xf32, #tpu.memory_space<hbm>>)
    %add3A_173 = arith.constant 9840 : i32
    %add3A_174 = arith.addi %mul3A_2, %add3A_173 : i32
    %multiple_of3A_175 = tpu.assume_multiple %add3A_174, 80 : i32
    %dma_wait3A_176 = arith.constant 0 : i32
    %dma_wait3A_177 = tpu.memref_slice %arg12[%multiple_of3A_175, %dma_wait3A_176] : memref<320000x128xf32, #tpu.memory_space<hbm>> -> memref<80x128xf32, #tpu.memory_space<hbm>>
    %dma_wait3A_178 = arith.constant 0 : i32
    %dma_wait3A_179 = tpu.memref_slice %arg12[%multiple_of3A_175, %dma_wait3A_178] : memref<320000x128xf32, #tpu.memory_space<hbm>> -> memref<80x128xf32, #tpu.memory_space<hbm>>
    tpu.wait_dma2 semaphore(%arg28 : memref<!tpu.dma_semaphore, #tpu.memory_space<semaphore_mem>>) src(%arg24 : memref<80x128xf32, #tpu.memory_space<vmem>>) dst(%dma_wait3A_179 : memref<80x128xf32, #tpu.memory_space<hbm>>)
    %add3A_180 = arith.constant 9920 : i32
    %add3A_181 = arith.addi %mul3A_2, %add3A_180 : i32
    %multiple_of3A_182 = tpu.assume_multiple %add3A_181, 80 : i32
    %dma_wait3A_183 = arith.constant 0 : i32
    %dma_wait3A_184 = tpu.memref_slice %arg8[%multiple_of3A_182, %dma_wait3A_183] : memref<320000x16xf32, #tpu.memory_space<hbm>> -> memref<80x16xf32, #tpu.memory_space<hbm>>
    %dma_wait3A_185 = arith.constant 0 : i32
    %dma_wait3A_186 = tpu.memref_slice %arg8[%multiple_of3A_182, %dma_wait3A_185] : memref<320000x16xf32, #tpu.memory_space<hbm>> -> memref<80x16xf32, #tpu.memory_space<hbm>>
    tpu.wait_dma2 semaphore(%arg27 : memref<!tpu.dma_semaphore, #tpu.memory_space<semaphore_mem>>) src(%arg15 : memref<80x16xf32, #tpu.memory_space<vmem>>) dst(%dma_wait3A_186 : memref<80x16xf32, #tpu.memory_space<hbm>>)
    %add3A_187 = arith.constant 9920 : i32
    %add3A_188 = arith.addi %mul3A_2, %add3A_187 : i32
    %multiple_of3A_189 = tpu.assume_multiple %add3A_188, 80 : i32
    %dma_wait3A_190 = arith.constant 0 : i32
    %dma_wait3A_191 = tpu.memref_slice %arg9[%multiple_of3A_189, %dma_wait3A_190] : memref<320000x16xf32, #tpu.memory_space<hbm>> -> memref<80x16xf32, #tpu.memory_space<hbm>>
    %dma_wait3A_192 = arith.constant 0 : i32
    %dma_wait3A_193 = tpu.memref_slice %arg9[%multiple_of3A_189, %dma_wait3A_192] : memref<320000x16xf32, #tpu.memory_space<hbm>> -> memref<80x16xf32, #tpu.memory_space<hbm>>
    tpu.wait_dma2 semaphore(%arg27 : memref<!tpu.dma_semaphore, #tpu.memory_space<semaphore_mem>>) src(%arg16 : memref<80x16xf32, #tpu.memory_space<vmem>>) dst(%dma_wait3A_193 : memref<80x16xf32, #tpu.memory_space<hbm>>)
    %add3A_194 = arith.constant 9920 : i32
    %add3A_195 = arith.addi %mul3A_2, %add3A_194 : i32
    %multiple_of3A_196 = tpu.assume_multiple %add3A_195, 80 : i32
    %dma_wait3A_197 = arith.constant 0 : i32
    %dma_wait3A_198 = tpu.memref_slice %arg10[%multiple_of3A_196, %dma_wait3A_197] : memref<320000x128xf32, #tpu.memory_space<hbm>> -> memref<80x128xf32, #tpu.memory_space<hbm>>
    %dma_wait3A_199 = arith.constant 0 : i32
    %dma_wait3A_200 = tpu.memref_slice %arg10[%multiple_of3A_196, %dma_wait3A_199] : memref<320000x128xf32, #tpu.memory_space<hbm>> -> memref<80x128xf32, #tpu.memory_space<hbm>>
    tpu.wait_dma2 semaphore(%arg27 : memref<!tpu.dma_semaphore, #tpu.memory_space<semaphore_mem>>) src(%arg17 : memref<80x128xf32, #tpu.memory_space<vmem>>) dst(%dma_wait3A_200 : memref<80x128xf32, #tpu.memory_space<hbm>>)
    %add3A_201 = arith.constant 9920 : i32
    %add3A_202 = arith.addi %mul3A_2, %add3A_201 : i32
    %multiple_of3A_203 = tpu.assume_multiple %add3A_202, 80 : i32
    %dma_wait3A_204 = arith.constant 0 : i32
    %dma_wait3A_205 = tpu.memref_slice %arg11[%multiple_of3A_203, %dma_wait3A_204] : memref<320000x128xf32, #tpu.memory_space<hbm>> -> memref<80x128xf32, #tpu.memory_space<hbm>>
    %dma_wait3A_206 = arith.constant 0 : i32
    %dma_wait3A_207 = tpu.memref_slice %arg11[%multiple_of3A_203, %dma_wait3A_206] : memref<320000x128xf32, #tpu.memory_space<hbm>> -> memref<80x128xf32, #tpu.memory_space<hbm>>
    tpu.wait_dma2 semaphore(%arg27 : memref<!tpu.dma_semaphore, #tpu.memory_space<semaphore_mem>>) src(%arg18 : memref<80x128xf32, #tpu.memory_space<vmem>>) dst(%dma_wait3A_207 : memref<80x128xf32, #tpu.memory_space<hbm>>)
    %add3A_208 = arith.constant 9920 : i32
    %add3A_209 = arith.addi %mul3A_2, %add3A_208 : i32
    %multiple_of3A_210 = tpu.assume_multiple %add3A_209, 80 : i32
    %dma_wait3A_211 = arith.constant 0 : i32
    %dma_wait3A_212 = tpu.memref_slice %arg12[%multiple_of3A_210, %dma_wait3A_211] : memref<320000x128xf32, #tpu.memory_space<hbm>> -> memref<80x128xf32, #tpu.memory_space<hbm>>
    %dma_wait3A_213 = arith.constant 0 : i32
    %dma_wait3A_214 = tpu.memref_slice %arg12[%multiple_of3A_210, %dma_wait3A_213] : memref<320000x128xf32, #tpu.memory_space<hbm>> -> memref<80x128xf32, #tpu.memory_space<hbm>>
    tpu.wait_dma2 semaphore(%arg27 : memref<!tpu.dma_semaphore, #tpu.memory_space<semaphore_mem>>) src(%arg19 : memref<80x128xf32, #tpu.memory_space<vmem>>) dst(%dma_wait3A_214 : memref<80x128xf32, #tpu.memory_space<hbm>>)
    return
  }
}

module attributes {stable_mosaic.version = 14 : i64} {
  func.func @f(%arg0: i32, %arg1: memref<400x128xf32, #tpu.memory_space<vmem>>, %arg2: memref<128x128xf32, #tpu.memory_space<vmem>>, %arg3: memref<1x128xf32, #tpu.memory_space<vmem>>, %arg4: memref<128x128xf32, #tpu.memory_space<vmem>>, %arg5: memref<1x128xf32, #tpu.memory_space<vmem>>, %arg6: memref<128x128xf32, #tpu.memory_space<vmem>>, %arg7: memref<1x128xf32, #tpu.memory_space<vmem>>, %arg8: memref<400x128xf32, #tpu.memory_space<vmem>>, %arg9: memref<400x128xf32, #tpu.memory_space<vmem>>, %arg10: memref<400x128xf32, #tpu.memory_space<vmem>>) attributes {dimension_semantics = [#tpu.dimension_semantics<arbitrary>], iteration_bounds = array<i64: 25>, scalar_prefetch = 0 : i64, scratch_operands = 0 : i64, tpu.core_type = #tpu.core_type<tc>, window_params = [{transform_indices = @transform_0, window_bounds = array<i64: 400, 128>}, {pipeline_mode = #tpu.pipeline_mode<synchronous>, transform_indices = @transform_1, window_bounds = array<i64: 128, 128>}, {pipeline_mode = #tpu.pipeline_mode<synchronous>, transform_indices = @transform_2, window_bounds = array<i64: 1, 128>}, {pipeline_mode = #tpu.pipeline_mode<synchronous>, transform_indices = @transform_3, window_bounds = array<i64: 128, 128>}, {pipeline_mode = #tpu.pipeline_mode<synchronous>, transform_indices = @transform_4, window_bounds = array<i64: 1, 128>}, {pipeline_mode = #tpu.pipeline_mode<synchronous>, transform_indices = @transform_5, window_bounds = array<i64: 128, 128>}, {pipeline_mode = #tpu.pipeline_mode<synchronous>, transform_indices = @transform_6, window_bounds = array<i64: 1, 128>}, {transform_indices = @transform_7, window_bounds = array<i64: 400, 128>}, {transform_indices = @transform_8, window_bounds = array<i64: 400, 128>}, {transform_indices = @transform_9, window_bounds = array<i64: 400, 128>}]} {
    %get3A = arith.constant 0 : index
    %get3A_0 = arith.constant 0 : index
    %get3A_1 = vector.load %arg1[%get3A, %get3A_0] : memref<400x128xf32, #tpu.memory_space<vmem>>, vector<400x128xf32>
    %get3A_2 = arith.constant 0 : index
    %get3A_3 = arith.constant 0 : index
    %get3A_4 = vector.load %arg2[%get3A_2, %get3A_3] : memref<128x128xf32, #tpu.memory_space<vmem>>, vector<128x128xf32>
    %dot_general3A = arith.constant dense<0.000000e+00> : vector<400x128xf32>
    %dot_general3A_5 = tpu.matmul %get3A_1, %get3A_4, %dot_general3A {dimension_numbers = #tpu.dot_dimension_numbers<[1], [0], [0], [1], [0, 0, 1, 1], [], []>, transpose_lhs_hint = false} : vector<400x128xf32>, vector<128x128xf32>, vector<400x128xf32> -> vector<400x128xf32>
    %get3A_6 = arith.constant 0 : index
    %get3A_7 = arith.constant 0 : index
    %get3A_8 = vector.load %arg3[%get3A_6, %get3A_7] : memref<1x128xf32, #tpu.memory_space<vmem>>, vector<1x128xf32>
    %add3A = vector.broadcast %get3A_8 : vector<1x128xf32> to vector<400x128xf32>
    %add3A_9 = arith.addf %dot_general3A_5, %add3A : vector<400x128xf32>
    %swap3A = arith.constant 0 : index
    %swap3A_10 = arith.constant 0 : index
    %swap3A_11 = vector.load %arg8[%swap3A, %swap3A_10] : memref<400x128xf32, #tpu.memory_space<vmem>>, vector<400x128xf32>
    tpu.vector_store %arg8[%swap3A, %swap3A_10], %add3A_9 {strides = array<i32>} : memref<400x128xf32, #tpu.memory_space<vmem>>, vector<400x128xf32>,
    %get3A_12 = arith.constant 0 : index
    %get3A_13 = arith.constant 0 : index
    %get3A_14 = vector.load %arg4[%get3A_12, %get3A_13] : memref<128x128xf32, #tpu.memory_space<vmem>>, vector<128x128xf32>
    %dot_general3A_15 = arith.constant dense<0.000000e+00> : vector<400x128xf32>
    %dot_general3A_16 = tpu.matmul %get3A_1, %get3A_14, %dot_general3A_15 {dimension_numbers = #tpu.dot_dimension_numbers<[1], [0], [0], [1], [0, 0, 1, 1], [], []>, transpose_lhs_hint = false} : vector<400x128xf32>, vector<128x128xf32>, vector<400x128xf32> -> vector<400x128xf32>
    %get3A_17 = arith.constant 0 : index
    %get3A_18 = arith.constant 0 : index
    %get3A_19 = vector.load %arg5[%get3A_17, %get3A_18] : memref<1x128xf32, #tpu.memory_space<vmem>>, vector<1x128xf32>
    %add3A_20 = vector.broadcast %get3A_19 : vector<1x128xf32> to vector<400x128xf32>
    %add3A_21 = arith.addf %dot_general3A_16, %add3A_20 : vector<400x128xf32>
    %swap3A_22 = arith.constant 0 : index
    %swap3A_23 = arith.constant 0 : index
    %swap3A_24 = vector.load %arg9[%swap3A_22, %swap3A_23] : memref<400x128xf32, #tpu.memory_space<vmem>>, vector<400x128xf32>
    tpu.vector_store %arg9[%swap3A_22, %swap3A_23], %add3A_21 {strides = array<i32>} : memref<400x128xf32, #tpu.memory_space<vmem>>, vector<400x128xf32>,
    %get3A_25 = arith.constant 0 : index
    %get3A_26 = arith.constant 0 : index
    %get3A_27 = vector.load %arg6[%get3A_25, %get3A_26] : memref<128x128xf32, #tpu.memory_space<vmem>>, vector<128x128xf32>
    %dot_general3A_28 = arith.constant dense<0.000000e+00> : vector<400x128xf32>
    %dot_general3A_29 = tpu.matmul %get3A_1, %get3A_27, %dot_general3A_28 {dimension_numbers = #tpu.dot_dimension_numbers<[1], [0], [0], [1], [0, 0, 1, 1], [], []>, transpose_lhs_hint = false} : vector<400x128xf32>, vector<128x128xf32>, vector<400x128xf32> -> vector<400x128xf32>
    %get3A_30 = arith.constant 0 : index
    %get3A_31 = arith.constant 0 : index
    %get3A_32 = vector.load %arg7[%get3A_30, %get3A_31] : memref<1x128xf32, #tpu.memory_space<vmem>>, vector<1x128xf32>
    %add3A_33 = vector.broadcast %get3A_32 : vector<1x128xf32> to vector<400x128xf32>
    %add3A_34 = arith.addf %dot_general3A_29, %add3A_33 : vector<400x128xf32>
    %swap3A_35 = arith.constant 0 : index
    %swap3A_36 = arith.constant 0 : index
    %swap3A_37 = vector.load %arg10[%swap3A_35, %swap3A_36] : memref<400x128xf32, #tpu.memory_space<vmem>>, vector<400x128xf32>
    tpu.vector_store %arg10[%swap3A_35, %swap3A_36], %add3A_34 {strides = array<i32>} : memref<400x128xf32, #tpu.memory_space<vmem>>, vector<400x128xf32>,
    return
  }
  func.func @transform_0(%arg0: i32) -> (i32, i32) {
    %c0_i32 = arith.constant 0 : i32
    %c0_i32_0 = arith.constant 0 : i32
    return %arg0, %c0_i32 : i32, i32
  }
  func.func @transform_1(%arg0: i32) -> (i32, i32) {
    %c0_i32 = arith.constant 0 : i32
    %c0_i32_0 = arith.constant 0 : i32
    %c0_i32_1 = arith.constant 0 : i32
    return %c0_i32, %c0_i32_0 : i32, i32
  }
  func.func @transform_2(%arg0: i32) -> (i32, i32) {
    %c0_i32 = arith.constant 0 : i32
    %c0_i32_0 = arith.constant 0 : i32
    %c0_i32_1 = arith.constant 0 : i32
    return %c0_i32, %c0_i32_0 : i32, i32
  }
  func.func @transform_3(%arg0: i32) -> (i32, i32) {
    %c0_i32 = arith.constant 0 : i32
    %c0_i32_0 = arith.constant 0 : i32
    %c0_i32_1 = arith.constant 0 : i32
    return %c0_i32, %c0_i32_0 : i32, i32
  }
  func.func @transform_4(%arg0: i32) -> (i32, i32) {
    %c0_i32 = arith.constant 0 : i32
    %c0_i32_0 = arith.constant 0 : i32
    %c0_i32_1 = arith.constant 0 : i32
    return %c0_i32, %c0_i32_0 : i32, i32
  }
  func.func @transform_5(%arg0: i32) -> (i32, i32) {
    %c0_i32 = arith.constant 0 : i32
    %c0_i32_0 = arith.constant 0 : i32
    %c0_i32_1 = arith.constant 0 : i32
    return %c0_i32, %c0_i32_0 : i32, i32
  }
  func.func @transform_6(%arg0: i32) -> (i32, i32) {
    %c0_i32 = arith.constant 0 : i32
    %c0_i32_0 = arith.constant 0 : i32
    %c0_i32_1 = arith.constant 0 : i32
    return %c0_i32, %c0_i32_0 : i32, i32
  }
  func.func @transform_7(%arg0: i32) -> (i32, i32) {
    %c0_i32 = arith.constant 0 : i32
    %c0_i32_0 = arith.constant 0 : i32
    return %arg0, %c0_i32 : i32, i32
  }
  func.func @transform_8(%arg0: i32) -> (i32, i32) {
    %c0_i32 = arith.constant 0 : i32
    %c0_i32_0 = arith.constant 0 : i32
    return %arg0, %c0_i32 : i32, i32
  }
  func.func @transform_9(%arg0: i32) -> (i32, i32) {
    %c0_i32 = arith.constant 0 : i32
    %c0_i32_0 = arith.constant 0 : i32
    return %arg0, %c0_i32 : i32, i32
  }
}

module attributes {stable_mosaic.version = 14 : i64} {
  func.func @f(%arg0: i32, %arg1: memref<800x16xf32, #tpu.memory_space<vmem>>, %arg2: memref<800x16xf32, #tpu.memory_space<vmem>>, %arg3: memref<800x16xf32, #tpu.memory_space<vmem>>, %arg4: memref<800x128xf32, #tpu.memory_space<vmem>>, %arg5: memref<800x128xf32, #tpu.memory_space<vmem>>, %arg6: memref<800x128xf32, #tpu.memory_space<vmem>>, %arg7: memref<16x128xf32, #tpu.memory_space<vmem>>, %arg8: memref<1x128xf32, #tpu.memory_space<vmem>>, %arg9: memref<1x128xf32, #tpu.memory_space<vmem>>, %arg10: memref<128x128xf32, #tpu.memory_space<vmem>>, %arg11: memref<1x128xf32, #tpu.memory_space<vmem>>, %arg12: memref<128x16xf32, #tpu.memory_space<vmem>>, %arg13: memref<1x16xf32, #tpu.memory_space<vmem>>, %arg14: memref<128x128xf32, #tpu.memory_space<vmem>>, %arg15: memref<128x16xf32, #tpu.memory_space<vmem>>, %arg16: memref<800x16xf32, #tpu.memory_space<vmem>>, %arg17: memref<800x128xf32, #tpu.memory_space<vmem>>, %arg18: memref<800x16xf32, #tpu.memory_space<vmem>>) attributes {dimension_semantics = [#tpu.dimension_semantics<arbitrary>], iteration_bounds = array<i64: 400>, scalar_prefetch = 0 : i64, scratch_operands = 0 : i64, tpu.core_type = #tpu.core_type<tc>, window_params = [{transform_indices = @transform_0, window_bounds = array<i64: 800, 16>}, {transform_indices = @transform_1, window_bounds = array<i64: 800, 16>}, {transform_indices = @transform_2, window_bounds = array<i64: 800, 16>}, {transform_indices = @transform_3, window_bounds = array<i64: 800, 128>}, {transform_indices = @transform_4, window_bounds = array<i64: 800, 128>}, {transform_indices = @transform_5, window_bounds = array<i64: 800, 128>}, {pipeline_mode = #tpu.pipeline_mode<synchronous>, transform_indices = @transform_6, window_bounds = array<i64: 16, 128>}, {pipeline_mode = #tpu.pipeline_mode<synchronous>, transform_indices = @transform_7, window_bounds = array<i64: 1, 128>}, {pipeline_mode = #tpu.pipeline_mode<synchronous>, transform_indices = @transform_8, window_bounds = array<i64: 1, 128>}, {pipeline_mode = #tpu.pipeline_mode<synchronous>, transform_indices = @transform_9, window_bounds = array<i64: 128, 128>}, {pipeline_mode = #tpu.pipeline_mode<synchronous>, transform_indices = @transform_10, window_bounds = array<i64: 1, 128>}, {pipeline_mode = #tpu.pipeline_mode<synchronous>, transform_indices = @transform_11, window_bounds = array<i64: 128, 16>}, {pipeline_mode = #tpu.pipeline_mode<synchronous>, transform_indices = @transform_12, window_bounds = array<i64: 1, 16>}, {pipeline_mode = #tpu.pipeline_mode<synchronous>, transform_indices = @transform_13, window_bounds = array<i64: 128, 128>}, {pipeline_mode = #tpu.pipeline_mode<synchronous>, transform_indices = @transform_14, window_bounds = array<i64: 128, 16>}, {transform_indices = @transform_15, window_bounds = array<i64: 800, 16>}, {transform_indices = @transform_16, window_bounds = array<i64: 800, 128>}, {transform_indices = @transform_17, window_bounds = array<i64: 800, 16>}]} {
    %get3A = arith.constant 0 : index
    %get3A_0 = arith.constant 0 : index
    %get3A_1 = vector.load %arg2[%get3A, %get3A_0] : memref<800x16xf32, #tpu.memory_space<vmem>>, vector<800x16xf32>
    %get3A_2 = arith.constant 0 : index
    %get3A_3 = arith.constant 0 : index
    %get3A_4 = vector.load %arg3[%get3A_2, %get3A_3] : memref<800x16xf32, #tpu.memory_space<vmem>>, vector<800x16xf32>
    %sub3A = arith.subf %get3A_1, %get3A_4 : vector<800x16xf32>
    %mul3A = arith.mulf %sub3A, %sub3A : vector<800x16xf32>
    %reduce_sum3A = arith.constant dense<0.000000e+00> : vector<800xf32>
    %reduce_sum3A_5 = vector.multi_reduction <add>, %mul3A, %reduce_sum3A [1] : vector<800x16xf32> to vector<800xf32>
    %broadcast_in_dim3A = vector.shape_cast %reduce_sum3A_5 : vector<800xf32> to vector<800x1xf32>
    %sqrt3A = math.sqrt %broadcast_in_dim3A : vector<800x1xf32>
    %mul3A_6 = arith.constant 1.000000e-01 : f32
    %mul3A_7 = vector.broadcast %mul3A_6 : f32 to vector<800x1xf32>
    %mul3A_8 = arith.mulf %mul3A_7, %sqrt3A : vector<800x1xf32>
    %get3A_9 = arith.constant 0 : index
    %get3A_10 = arith.constant 0 : index
    %get3A_11 = vector.load %arg1[%get3A_9, %get3A_10] : memref<800x16xf32, #tpu.memory_space<vmem>>, vector<800x16xf32>
    %get3A_12 = arith.constant 0 : index
    %get3A_13 = arith.constant 0 : index
    %get3A_14 = vector.load %arg7[%get3A_12, %get3A_13] : memref<16x128xf32, #tpu.memory_space<vmem>>, vector<16x128xf32>
    %dot_general3A = arith.constant dense<0.000000e+00> : vector<800x128xf32>
    %dot_general3A_15 = tpu.matmul %get3A_11, %get3A_14, %dot_general3A {dimension_numbers = #tpu.dot_dimension_numbers<[1], [0], [0], [1], [0, 0, 1, 1], [], []>, transpose_lhs_hint = false} : vector<800x16xf32>, vector<16x128xf32>, vector<800x128xf32> -> vector<800x128xf32>
    %get3A_16 = arith.constant 0 : index
    %get3A_17 = arith.constant 0 : index
    %get3A_18 = vector.load %arg8[%get3A_16, %get3A_17] : memref<1x128xf32, #tpu.memory_space<vmem>>, vector<1x128xf32>
    %dot_general3A_19 = arith.constant dense<0.000000e+00> : vector<800x128xf32>
    %dot_general3A_20 = tpu.matmul %mul3A_8, %get3A_18, %dot_general3A_19 {dimension_numbers = #tpu.dot_dimension_numbers<[1], [0], [0], [1], [0, 0, 1, 1], [], []>, transpose_lhs_hint = false} : vector<800x1xf32>, vector<1x128xf32>, vector<800x128xf32> -> vector<800x128xf32>
    %add3A = arith.addf %dot_general3A_15, %dot_general3A_20 : vector<800x128xf32>
    %get3A_21 = arith.constant 0 : index
    %get3A_22 = arith.constant 0 : index
    %get3A_23 = vector.load %arg9[%get3A_21, %get3A_22] : memref<1x128xf32, #tpu.memory_space<vmem>>, vector<1x128xf32>
    %add3A_24 = vector.broadcast %get3A_23 : vector<1x128xf32> to vector<800x128xf32>
    %add3A_25 = arith.addf %add3A, %add3A_24 : vector<800x128xf32>
    %mul3A_26 = arith.constant 0.00999999977 : f32
    %mul3A_27 = vector.broadcast %mul3A_26 : f32 to vector<800x128xf32>
    %mul3A_28 = arith.mulf %mul3A_27, %add3A_25 : vector<800x128xf32>
    %max3A = arith.maximumf %add3A_25, %mul3A_28 : vector<800x128xf32>
    %get3A_29 = arith.constant 0 : index
    %get3A_30 = arith.constant 0 : index
    %get3A_31 = vector.load %arg10[%get3A_29, %get3A_30] : memref<128x128xf32, #tpu.memory_space<vmem>>, vector<128x128xf32>
    %dot_general3A_32 = arith.constant dense<0.000000e+00> : vector<800x128xf32>
    %dot_general3A_33 = tpu.matmul %max3A, %get3A_31, %dot_general3A_32 {dimension_numbers = #tpu.dot_dimension_numbers<[1], [0], [0], [1], [0, 0, 1, 1], [], []>, transpose_lhs_hint = false} : vector<800x128xf32>, vector<128x128xf32>, vector<800x128xf32> -> vector<800x128xf32>
    %get3A_34 = arith.constant 0 : index
    %get3A_35 = arith.constant 0 : index
    %get3A_36 = vector.load %arg11[%get3A_34, %get3A_35] : memref<1x128xf32, #tpu.memory_space<vmem>>, vector<1x128xf32>
    %add3A_37 = vector.broadcast %get3A_36 : vector<1x128xf32> to vector<800x128xf32>
    %add3A_38 = arith.addf %dot_general3A_33, %add3A_37 : vector<800x128xf32>
    %get3A_39 = arith.constant 0 : index
    %get3A_40 = arith.constant 0 : index
    %get3A_41 = vector.load %arg5[%get3A_39, %get3A_40] : memref<800x128xf32, #tpu.memory_space<vmem>>, vector<800x128xf32>
    %get3A_42 = arith.constant 0 : index
    %get3A_43 = arith.constant 0 : index
    %get3A_44 = vector.load %arg4[%get3A_42, %get3A_43] : memref<800x128xf32, #tpu.memory_space<vmem>>, vector<800x128xf32>
    %mul3A_45 = arith.mulf %get3A_41, %get3A_44 : vector<800x128xf32>
    %mul3A_46 = arith.mulf %mul3A_45, %add3A_38 : vector<800x128xf32>
    %get3A_47 = arith.constant 0 : index
    %get3A_48 = arith.constant 0 : index
    %get3A_49 = vector.load %arg12[%get3A_47, %get3A_48] : memref<128x16xf32, #tpu.memory_space<vmem>>, vector<128x16xf32>
    %dot_general3A_50 = arith.constant dense<0.000000e+00> : vector<800x16xf32>
    %dot_general3A_51 = tpu.matmul %mul3A_46, %get3A_49, %dot_general3A_50 {dimension_numbers = #tpu.dot_dimension_numbers<[1], [0], [0], [1], [0, 0, 1, 1], [], []>, transpose_lhs_hint = false} : vector<800x128xf32>, vector<128x16xf32>, vector<800x16xf32> -> vector<800x16xf32>
    %get3A_52 = arith.constant 0 : index
    %get3A_53 = arith.constant 0 : index
    %get3A_54 = vector.load %arg13[%get3A_52, %get3A_53] : memref<1x16xf32, #tpu.memory_space<vmem>>, vector<1x16xf32>
    %add3A_55 = vector.broadcast %get3A_54 : vector<1x16xf32> to vector<800x16xf32>
    %add3A_56 = arith.addf %dot_general3A_51, %add3A_55 : vector<800x16xf32>
    %swap3A = arith.constant 0 : index
    %swap3A_57 = arith.constant 0 : index
    %swap3A_58 = vector.load %arg16[%swap3A, %swap3A_57] : memref<800x16xf32, #tpu.memory_space<vmem>>, vector<800x16xf32>
    tpu.vector_store %arg16[%swap3A, %swap3A_57], %add3A_56 {strides = array<i32>} : memref<800x16xf32, #tpu.memory_space<vmem>>, vector<800x16xf32>,
    %abs3A = math.absf %mul3A_46 : vector<800x128xf32>
    %get3A_59 = arith.constant 0 : index
    %get3A_60 = arith.constant 0 : index
    %get3A_61 = vector.load %arg14[%get3A_59, %get3A_60] : memref<128x128xf32, #tpu.memory_space<vmem>>, vector<128x128xf32>
    %dot_general3A_62 = arith.constant dense<0.000000e+00> : vector<800x128xf32>
    %dot_general3A_63 = tpu.matmul %abs3A, %get3A_61, %dot_general3A_62 {dimension_numbers = #tpu.dot_dimension_numbers<[1], [0], [0], [1], [0, 0, 1, 1], [], []>, transpose_lhs_hint = false} : vector<800x128xf32>, vector<128x128xf32>, vector<800x128xf32> -> vector<800x128xf32>
    %exp3A = math.exp %dot_general3A_63 : vector<800x128xf32>
    %get3A_64 = arith.constant 0 : index
    %get3A_65 = arith.constant 0 : index
    %get3A_66 = vector.load %arg6[%get3A_64, %get3A_65] : memref<800x128xf32, #tpu.memory_space<vmem>>, vector<800x128xf32>
    %mul3A_67 = arith.mulf %get3A_66, %exp3A : vector<800x128xf32>
    %swap3A_68 = arith.constant 0 : index
    %swap3A_69 = arith.constant 0 : index
    %swap3A_70 = vector.load %arg17[%swap3A_68, %swap3A_69] : memref<800x128xf32, #tpu.memory_space<vmem>>, vector<800x128xf32>
    tpu.vector_store %arg17[%swap3A_68, %swap3A_69], %mul3A_67 {strides = array<i32>} : memref<800x128xf32, #tpu.memory_space<vmem>>, vector<800x128xf32>,
    %get3A_71 = arith.constant 0 : index
    %get3A_72 = arith.constant 0 : index
    %get3A_73 = vector.load %arg15[%get3A_71, %get3A_72] : memref<128x16xf32, #tpu.memory_space<vmem>>, vector<128x16xf32>
    %dot_general3A_74 = arith.constant dense<0.000000e+00> : vector<800x16xf32>
    %dot_general3A_75 = tpu.matmul %exp3A, %get3A_73, %dot_general3A_74 {dimension_numbers = #tpu.dot_dimension_numbers<[1], [0], [0], [1], [0, 0, 1, 1], [], []>, transpose_lhs_hint = false} : vector<800x128xf32>, vector<128x16xf32>, vector<800x16xf32> -> vector<800x16xf32>
    %swap3A_76 = arith.constant 0 : index
    %swap3A_77 = arith.constant 0 : index
    %swap3A_78 = vector.load %arg18[%swap3A_76, %swap3A_77] : memref<800x16xf32, #tpu.memory_space<vmem>>, vector<800x16xf32>
    tpu.vector_store %arg18[%swap3A_76, %swap3A_77], %dot_general3A_75 {strides = array<i32>} : memref<800x16xf32, #tpu.memory_space<vmem>>, vector<800x16xf32>,
    return
  }
  func.func @transform_0(%arg0: i32) -> (i32, i32) {
    %c0_i32 = arith.constant 0 : i32
    %c0_i32_0 = arith.constant 0 : i32
    return %arg0, %c0_i32 : i32, i32
  }
  func.func @transform_1(%arg0: i32) -> (i32, i32) {
    %c0_i32 = arith.constant 0 : i32
    %c0_i32_0 = arith.constant 0 : i32
    return %arg0, %c0_i32 : i32, i32
  }
  func.func @transform_2(%arg0: i32) -> (i32, i32) {
    %c0_i32 = arith.constant 0 : i32
    %c0_i32_0 = arith.constant 0 : i32
    return %arg0, %c0_i32 : i32, i32
  }
  func.func @transform_3(%arg0: i32) -> (i32, i32) {
    %c0_i32 = arith.constant 0 : i32
    %c0_i32_0 = arith.constant 0 : i32
    return %arg0, %c0_i32 : i32, i32
  }
  func.func @transform_4(%arg0: i32) -> (i32, i32) {
    %c0_i32 = arith.constant 0 : i32
    %c0_i32_0 = arith.constant 0 : i32
    return %arg0, %c0_i32 : i32, i32
  }
  func.func @transform_5(%arg0: i32) -> (i32, i32) {
    %c0_i32 = arith.constant 0 : i32
    %c0_i32_0 = arith.constant 0 : i32
    return %arg0, %c0_i32 : i32, i32
  }
  func.func @transform_6(%arg0: i32) -> (i32, i32) {
    %c0_i32 = arith.constant 0 : i32
    %c0_i32_0 = arith.constant 0 : i32
    %c0_i32_1 = arith.constant 0 : i32
    return %c0_i32, %c0_i32_0 : i32, i32
  }
  func.func @transform_7(%arg0: i32) -> (i32, i32) {
    %c0_i32 = arith.constant 0 : i32
    %c0_i32_0 = arith.constant 0 : i32
    %c0_i32_1 = arith.constant 0 : i32
    return %c0_i32, %c0_i32_0 : i32, i32
  }
  func.func @transform_8(%arg0: i32) -> (i32, i32) {
    %c0_i32 = arith.constant 0 : i32
    %c0_i32_0 = arith.constant 0 : i32
    %c0_i32_1 = arith.constant 0 : i32
    return %c0_i32, %c0_i32_0 : i32, i32
  }
  func.func @transform_9(%arg0: i32) -> (i32, i32) {
    %c0_i32 = arith.constant 0 : i32
    %c0_i32_0 = arith.constant 0 : i32
    %c0_i32_1 = arith.constant 0 : i32
    return %c0_i32, %c0_i32_0 : i32, i32
  }
  func.func @transform_10(%arg0: i32) -> (i32, i32) {
    %c0_i32 = arith.constant 0 : i32
    %c0_i32_0 = arith.constant 0 : i32
    %c0_i32_1 = arith.constant 0 : i32
    return %c0_i32, %c0_i32_0 : i32, i32
  }
  func.func @transform_11(%arg0: i32) -> (i32, i32) {
    %c0_i32 = arith.constant 0 : i32
    %c0_i32_0 = arith.constant 0 : i32
    %c0_i32_1 = arith.constant 0 : i32
    return %c0_i32, %c0_i32_0 : i32, i32
  }
  func.func @transform_12(%arg0: i32) -> (i32, i32) {
    %c0_i32 = arith.constant 0 : i32
    %c0_i32_0 = arith.constant 0 : i32
    %c0_i32_1 = arith.constant 0 : i32
    return %c0_i32, %c0_i32_0 : i32, i32
  }
  func.func @transform_13(%arg0: i32) -> (i32, i32) {
    %c0_i32 = arith.constant 0 : i32
    %c0_i32_0 = arith.constant 0 : i32
    %c0_i32_1 = arith.constant 0 : i32
    return %c0_i32, %c0_i32_0 : i32, i32
  }
  func.func @transform_14(%arg0: i32) -> (i32, i32) {
    %c0_i32 = arith.constant 0 : i32
    %c0_i32_0 = arith.constant 0 : i32
    %c0_i32_1 = arith.constant 0 : i32
    return %c0_i32, %c0_i32_0 : i32, i32
  }
  func.func @transform_15(%arg0: i32) -> (i32, i32) {
    %c0_i32 = arith.constant 0 : i32
    %c0_i32_0 = arith.constant 0 : i32
    return %arg0, %c0_i32 : i32, i32
  }
  func.func @transform_16(%arg0: i32) -> (i32, i32) {
    %c0_i32 = arith.constant 0 : i32
    %c0_i32_0 = arith.constant 0 : i32
    return %arg0, %c0_i32 : i32, i32
  }
  func.func @transform_17(%arg0: i32) -> (i32, i32) {
    %c0_i32 = arith.constant 0 : i32
    %c0_i32_0 = arith.constant 0 : i32
    return %arg0, %c0_i32 : i32, i32
  }
}

module attributes {stable_mosaic.version = 14 : i64} {
  func.func @f(%arg0: i32, %arg1: memref<2x400x128xf32, #tpu.memory_space<vmem>>, %arg2: memref<2x400x16xf32, #tpu.memory_space<vmem>>, %arg3: memref<400x128xf32, #tpu.memory_space<vmem>>, %arg4: memref<400x128xi32, #tpu.memory_space<vmem>>, %arg5: memref<128x128xf32, #tpu.memory_space<vmem>>, %arg6: memref<1x128xf32, #tpu.memory_space<vmem>>, %arg7: memref<128x128xf32, #tpu.memory_space<vmem>>, %arg8: memref<128x128xf32, #tpu.memory_space<vmem>>, %arg9: memref<1x128xf32, #tpu.memory_space<vmem>>, %arg10: memref<1x128xf32, #tpu.memory_space<vmem>>, %arg11: memref<400x128xf32, #tpu.memory_space<vmem>>, %arg12: memref<400x128xf32, #tpu.memory_space<vmem>>, %arg13: memref<8x128xf32, #tpu.memory_space<vmem>>, %arg14: memref<8x128xf32, #tpu.memory_space<vmem>>, %arg15: memref<8x128xf32, #tpu.memory_space<vmem>>, %arg16: memref<8x128xf32, #tpu.memory_space<vmem>>, %arg17: memref<8x128xf32, #tpu.memory_space<vmem>>) attributes {dimension_semantics = [#tpu.dimension_semantics<arbitrary>], iteration_bounds = array<i64: 25>, scalar_prefetch = 0 : i64, scratch_operands = 3 : i64, tpu.core_type = #tpu.core_type<tc>, window_params = [{transform_indices = @transform_0, window_bounds = array<i64: 2, 400, 128>}, {transform_indices = @transform_1, window_bounds = array<i64: 2, 400, 16>}, {transform_indices = @transform_2, window_bounds = array<i64: 400, 128>}, {transform_indices = @transform_3, window_bounds = array<i64: 400, 128>}, {pipeline_mode = #tpu.pipeline_mode<synchronous>, transform_indices = @transform_4, window_bounds = array<i64: 128, 128>}, {pipeline_mode = #tpu.pipeline_mode<synchronous>, transform_indices = @transform_5, window_bounds = array<i64: 1, 128>}, {pipeline_mode = #tpu.pipeline_mode<synchronous>, transform_indices = @transform_6, window_bounds = array<i64: 128, 128>}, {pipeline_mode = #tpu.pipeline_mode<synchronous>, transform_indices = @transform_7, window_bounds = array<i64: 128, 128>}, {pipeline_mode = #tpu.pipeline_mode<synchronous>, transform_indices = @transform_8, window_bounds = array<i64: 1, 128>}, {pipeline_mode = #tpu.pipeline_mode<synchronous>, transform_indices = @transform_9, window_bounds = array<i64: 1, 128>}, {transform_indices = @transform_10, window_bounds = array<i64: 400, 128>}, {transform_indices = @transform_11, window_bounds = array<i64: 400, 128>}, {pipeline_mode = #tpu.pipeline_mode<synchronous>, transform_indices = @transform_12, window_bounds = array<i64: 8, 128>}, {pipeline_mode = #tpu.pipeline_mode<synchronous>, transform_indices = @transform_13, window_bounds = array<i64: 8, 128>}]} {
    %get3A = arith.constant 0 : index
    %get3A_0 = arith.constant 0 : index
    %get3A_1 = arith.constant 0 : index
    %get3A_2 = vector.load %arg1[%get3A, %get3A_0, %get3A_1] : memref<2x400x128xf32, #tpu.memory_space<vmem>>, vector<1x400x128xf32>
    %get3A_3 = vector.shape_cast %get3A_2 : vector<1x400x128xf32> to vector<400x128xf32>
    %get3A_4 = arith.constant 1 : index
    %get3A_5 = arith.constant 0 : index
    %get3A_6 = arith.constant 0 : index
    %get3A_7 = vector.load %arg1[%get3A_4, %get3A_5, %get3A_6] : memref<2x400x128xf32, #tpu.memory_space<vmem>>, vector<1x400x128xf32>
    %get3A_8 = vector.shape_cast %get3A_7 : vector<1x400x128xf32> to vector<400x128xf32>
    %add3A = arith.addf %get3A_3, %get3A_8 : vector<400x128xf32>
    %get3A_9 = arith.constant 0 : index
    %get3A_10 = arith.constant 0 : index
    %get3A_11 = arith.constant 0 : index
    %get3A_12 = vector.load %arg2[%get3A_9, %get3A_10, %get3A_11] : memref<2x400x16xf32, #tpu.memory_space<vmem>>, vector<1x400x16xf32>
    %get3A_13 = vector.shape_cast %get3A_12 : vector<1x400x16xf32> to vector<400x16xf32>
    %get3A_14 = arith.constant 1 : index
    %get3A_15 = arith.constant 0 : index
    %get3A_16 = arith.constant 0 : index
    %get3A_17 = vector.load %arg2[%get3A_14, %get3A_15, %get3A_16] : memref<2x400x16xf32, #tpu.memory_space<vmem>>, vector<1x400x16xf32>
    %get3A_18 = vector.shape_cast %get3A_17 : vector<1x400x16xf32> to vector<400x16xf32>
    %add3A_19 = arith.addf %get3A_13, %get3A_18 : vector<400x16xf32>
    %slice3A = vector.extract_strided_slice %add3A {offsets = [0, 0], sizes = [400, 32], strides = [1, 1]} : vector<400x128xf32> to vector<400x32xf32>
    %slice3A_20 = vector.extract_strided_slice %add3A_19 {offsets = [0, 0], sizes = [400, 1], strides = [1, 1]} : vector<400x16xf32> to vector<400x1xf32>
    %add3A_21 = arith.constant 1.000000e-16 : f32
    %add3A_22 = vector.broadcast %add3A_21 : f32 to vector<400x1xf32>
    %add3A_23 = arith.addf %slice3A_20, %add3A_22 : vector<400x1xf32>
    %div3A = vector.broadcast %add3A_23 : vector<400x1xf32> to vector<400x32xf32>
    %div3A_24 = arith.divf %slice3A, %div3A : vector<400x32xf32>
    %slice3A_25 = vector.extract_strided_slice %add3A {offsets = [0, 32], sizes = [400, 32], strides = [1, 1]} : vector<400x128xf32> to vector<400x32xf32>
    %slice3A_26 = vector.extract_strided_slice %add3A_19 {offsets = [0, 1], sizes = [400, 1], strides = [1, 1]} : vector<400x16xf32> to vector<400x1xf32>
    %add3A_27 = arith.constant 1.000000e-16 : f32
    %add3A_28 = vector.broadcast %add3A_27 : f32 to vector<400x1xf32>
    %add3A_29 = arith.addf %slice3A_26, %add3A_28 : vector<400x1xf32>
    %div3A_30 = vector.broadcast %add3A_29 : vector<400x1xf32> to vector<400x32xf32>
    %div3A_31 = arith.divf %slice3A_25, %div3A_30 : vector<400x32xf32>
    %slice3A_32 = vector.extract_strided_slice %add3A {offsets = [0, 64], sizes = [400, 32], strides = [1, 1]} : vector<400x128xf32> to vector<400x32xf32>
    %slice3A_33 = vector.extract_strided_slice %add3A_19 {offsets = [0, 2], sizes = [400, 1], strides = [1, 1]} : vector<400x16xf32> to vector<400x1xf32>
    %add3A_34 = arith.constant 1.000000e-16 : f32
    %add3A_35 = vector.broadcast %add3A_34 : f32 to vector<400x1xf32>
    %add3A_36 = arith.addf %slice3A_33, %add3A_35 : vector<400x1xf32>
    %div3A_37 = vector.broadcast %add3A_36 : vector<400x1xf32> to vector<400x32xf32>
    %div3A_38 = arith.divf %slice3A_32, %div3A_37 : vector<400x32xf32>
    %slice3A_39 = vector.extract_strided_slice %add3A {offsets = [0, 96], sizes = [400, 32], strides = [1, 1]} : vector<400x128xf32> to vector<400x32xf32>
    %slice3A_40 = vector.extract_strided_slice %add3A_19 {offsets = [0, 3], sizes = [400, 1], strides = [1, 1]} : vector<400x16xf32> to vector<400x1xf32>
    %add3A_41 = arith.constant 1.000000e-16 : f32
    %add3A_42 = vector.broadcast %add3A_41 : f32 to vector<400x1xf32>
    %add3A_43 = arith.addf %slice3A_40, %add3A_42 : vector<400x1xf32>
    %div3A_44 = vector.broadcast %add3A_43 : vector<400x1xf32> to vector<400x32xf32>
    %div3A_45 = arith.divf %slice3A_39, %div3A_44 : vector<400x32xf32>
    %concatenate3A = tpu.concatenate %div3A_24, %div3A_31, %div3A_38, %div3A_45 in 1 : vector<400x32xf32>, vector<400x32xf32>, vector<400x32xf32>, vector<400x32xf32> -> vector<400x128xf32>
    %get3A_46 = arith.constant 0 : index
    %get3A_47 = arith.constant 0 : index
    %get3A_48 = vector.load %arg5[%get3A_46, %get3A_47] : memref<128x128xf32, #tpu.memory_space<vmem>>, vector<128x128xf32>
    %dot_general3A = arith.constant dense<0.000000e+00> : vector<400x128xf32>
    %dot_general3A_49 = tpu.matmul %concatenate3A, %get3A_48, %dot_general3A {dimension_numbers = #tpu.dot_dimension_numbers<[1], [0], [0], [1], [0, 0, 1, 1], [], []>, transpose_lhs_hint = false} : vector<400x128xf32>, vector<128x128xf32>, vector<400x128xf32> -> vector<400x128xf32>
    %get3A_50 = arith.constant 0 : index
    %get3A_51 = arith.constant 0 : index
    %get3A_52 = vector.load %arg6[%get3A_50, %get3A_51] : memref<1x128xf32, #tpu.memory_space<vmem>>, vector<1x128xf32>
    %add3A_53 = vector.broadcast %get3A_52 : vector<1x128xf32> to vector<400x128xf32>
    %add3A_54 = arith.addf %dot_general3A_49, %add3A_53 : vector<400x128xf32>
    %get3A_55 = arith.constant 0 : index
    %get3A_56 = arith.constant 0 : index
    %get3A_57 = vector.load %arg3[%get3A_55, %get3A_56] : memref<400x128xf32, #tpu.memory_space<vmem>>, vector<400x128xf32>
    %get3A_58 = arith.constant 0 : index
    %get3A_59 = arith.constant 0 : index
    %get3A_60 = vector.load %arg7[%get3A_58, %get3A_59] : memref<128x128xf32, #tpu.memory_space<vmem>>, vector<128x128xf32>
    %dot_general3A_61 = arith.constant dense<0.000000e+00> : vector<400x128xf32>
    %dot_general3A_62 = tpu.matmul %add3A_54, %get3A_60, %dot_general3A_61 {dimension_numbers = #tpu.dot_dimension_numbers<[1], [0], [0], [1], [0, 0, 1, 1], [], []>, transpose_lhs_hint = false} : vector<400x128xf32>, vector<128x128xf32>, vector<400x128xf32> -> vector<400x128xf32>
    %get3A_63 = arith.constant 0 : index
    %get3A_64 = arith.constant 0 : index
    %get3A_65 = vector.load %arg8[%get3A_63, %get3A_64] : memref<128x128xf32, #tpu.memory_space<vmem>>, vector<128x128xf32>
    %dot_general3A_66 = arith.constant dense<0.000000e+00> : vector<400x128xf32>
    %dot_general3A_67 = tpu.matmul %get3A_57, %get3A_65, %dot_general3A_66 {dimension_numbers = #tpu.dot_dimension_numbers<[1], [0], [0], [1], [0, 0, 1, 1], [], []>, transpose_lhs_hint = false} : vector<400x128xf32>, vector<128x128xf32>, vector<400x128xf32> -> vector<400x128xf32>
    %add3A_68 = arith.addf %dot_general3A_62, %dot_general3A_67 : vector<400x128xf32>
    %get3A_69 = arith.constant 0 : index
    %get3A_70 = arith.constant 0 : index
    %get3A_71 = vector.load %arg9[%get3A_69, %get3A_70] : memref<1x128xf32, #tpu.memory_space<vmem>>, vector<1x128xf32>
    %add3A_72 = vector.broadcast %get3A_71 : vector<1x128xf32> to vector<400x128xf32>
    %add3A_73 = arith.addf %add3A_68, %add3A_72 : vector<400x128xf32>
    %logistic3A = arith.negf %add3A_73 : vector<400x128xf32>
    %logistic3A_74 = math.exp %logistic3A : vector<400x128xf32>
    %logistic3A_75 = arith.constant 1.000000e+00 : f32
    %logistic3A_76 = vector.broadcast %logistic3A_75 : f32 to vector<400x128xf32>
    %logistic3A_77 = arith.addf %logistic3A_76, %logistic3A_74 : vector<400x128xf32>
    %logistic3A_78 = arith.divf %logistic3A_76, %logistic3A_77 : vector<400x128xf32>
    %mul3A = arith.mulf %logistic3A_78, %add3A_54 : vector<400x128xf32>
    %add3A_79 = arith.addf %mul3A, %get3A_57 : vector<400x128xf32>
    %swap3A = arith.constant 0 : index
    %swap3A_80 = arith.constant 0 : index
    %swap3A_81 = vector.load %arg11[%swap3A, %swap3A_80] : memref<400x128xf32, #tpu.memory_space<vmem>>, vector<400x128xf32>
    tpu.vector_store %arg11[%swap3A, %swap3A_80], %add3A_79 {strides = array<i32>} : memref<400x128xf32, #tpu.memory_space<vmem>>, vector<400x128xf32>,
    %swap3A_82 = arith.constant 0 : index
    %swap3A_83 = arith.constant 0 : index
    %swap3A_84 = vector.load %arg12[%swap3A_82, %swap3A_83] : memref<400x128xf32, #tpu.memory_space<vmem>>, vector<400x128xf32>
    tpu.vector_store %arg12[%swap3A_82, %swap3A_83], %logistic3A_78 {strides = array<i32>} : memref<400x128xf32, #tpu.memory_space<vmem>>, vector<400x128xf32>,
    %eq3A = arith.constant 0 : i32
    %eq3A_85 = arith.cmpi eq, %arg0, %eq3A : i32
    %convert_element_type3A = arith.extui %eq3A_85 : i1 to i32
    %cond3A = arith.constant 0 : i32
    %cond3A_86 = arith.cmpi ne, %convert_element_type3A, %cond3A : i32
    scf.if %cond3A_86 {
      %broadcast_in_dim3A_389 = arith.constant 0.000000e+00 : f32
      %broadcast_in_dim3A_390 = vector.broadcast %broadcast_in_dim3A_389 : f32 to vector<8x128xf32>
      %swap3A_391 = arith.constant 0 : index
      %swap3A_392 = arith.constant 0 : index
      %swap3A_393 = vector.load %arg15[%swap3A_391, %swap3A_392] : memref<8x128xf32, #tpu.memory_space<vmem>>, vector<8x128xf32>
      tpu.vector_store %arg15[%swap3A_391, %swap3A_392], %broadcast_in_dim3A_390 {strides = array<i32>} : memref<8x128xf32, #tpu.memory_space<vmem>>, vector<8x128xf32>,
      %broadcast_in_dim3A_394 = arith.constant 0.000000e+00 : f32
      %broadcast_in_dim3A_395 = vector.broadcast %broadcast_in_dim3A_394 : f32 to vector<8x128xf32>
      %swap3A_396 = arith.constant 0 : index
      %swap3A_397 = arith.constant 0 : index
      %swap3A_398 = vector.load %arg16[%swap3A_396, %swap3A_397] : memref<8x128xf32, #tpu.memory_space<vmem>>, vector<8x128xf32>
      tpu.vector_store %arg16[%swap3A_396, %swap3A_397], %broadcast_in_dim3A_395 {strides = array<i32>} : memref<8x128xf32, #tpu.memory_space<vmem>>, vector<8x128xf32>,
      %broadcast_in_dim3A_399 = arith.constant 0.000000e+00 : f32
      %broadcast_in_dim3A_400 = vector.broadcast %broadcast_in_dim3A_399 : f32 to vector<8x128xf32>
      %swap3A_401 = arith.constant 0 : index
      %swap3A_402 = arith.constant 0 : index
      %swap3A_403 = vector.load %arg17[%swap3A_401, %swap3A_402] : memref<8x128xf32, #tpu.memory_space<vmem>>, vector<8x128xf32>
      tpu.vector_store %arg17[%swap3A_401, %swap3A_402], %broadcast_in_dim3A_400 {strides = array<i32>} : memref<8x128xf32, #tpu.memory_space<vmem>>, vector<8x128xf32>,
    } else {
    }
    %get3A_87 = arith.constant 0 : index
    %get3A_88 = arith.constant 0 : index
    %get3A_89 = vector.load %arg4[%get3A_87, %get3A_88] : memref<400x128xi32, #tpu.memory_space<vmem>>, vector<400x128xi32>
    %eq3A_90 = arith.constant 0 : i32
    %eq3A_91 = vector.broadcast %eq3A_90 : i32 to vector<400x128xi32>
    %eq3A_92 = arith.cmpi eq, %get3A_89, %eq3A_91 : vector<400x128xi32>
    %convert_element_type3A_93 = arith.extui %eq3A_92 : vector<400x128xi1> to vector<400x128xi32>
    %convert_element_type3A_94 = arith.sitofp %convert_element_type3A_93 : vector<400x128xi32> to vector<400x128xf32>
    %mul3A_95 = arith.mulf %add3A_79, %convert_element_type3A_94 : vector<400x128xf32>
    %get3A_96 = arith.constant 0 : index
    %get3A_97 = arith.constant 0 : index
    %get3A_98 = vector.load %arg15[%get3A_96, %get3A_97] : memref<8x128xf32, #tpu.memory_space<vmem>>, vector<1x128xf32>
    %reduce_sum3A = arith.constant dense<0.000000e+00> : vector<128xf32>
    %reduce_sum3A_99 = vector.multi_reduction <add>, %mul3A_95, %reduce_sum3A [0] : vector<400x128xf32> to vector<128xf32>
    %broadcast_in_dim3A = vector.shape_cast %reduce_sum3A_99 : vector<128xf32> to vector<1x128xf32>
    %add3A_100 = arith.addf %get3A_98, %broadcast_in_dim3A : vector<1x128xf32>
    %swap3A_101 = arith.constant 0 : index
    %swap3A_102 = arith.constant 0 : index
    %swap3A_103 = vector.load %arg15[%swap3A_101, %swap3A_102] : memref<8x128xf32, #tpu.memory_space<vmem>>, vector<1x128xf32>
    tpu.vector_store %arg15[%swap3A_101, %swap3A_102], %add3A_100 {strides = array<i32>} : memref<8x128xf32, #tpu.memory_space<vmem>>, vector<1x128xf32>,
    %get3A_104 = arith.constant 0 : index
    %get3A_105 = arith.constant 0 : index
    %get3A_106 = vector.load %arg16[%get3A_104, %get3A_105] : memref<8x128xf32, #tpu.memory_space<vmem>>, vector<1x128xf32>
    %mul3A_107 = arith.mulf %mul3A_95, %add3A_79 : vector<400x128xf32>
    %reduce_sum3A_108 = arith.constant dense<0.000000e+00> : vector<128xf32>
    %reduce_sum3A_109 = vector.multi_reduction <add>, %mul3A_107, %reduce_sum3A_108 [0] : vector<400x128xf32> to vector<128xf32>
    %broadcast_in_dim3A_110 = vector.shape_cast %reduce_sum3A_109 : vector<128xf32> to vector<1x128xf32>
    %add3A_111 = arith.addf %get3A_106, %broadcast_in_dim3A_110 : vector<1x128xf32>
    %swap3A_112 = arith.constant 0 : index
    %swap3A_113 = arith.constant 0 : index
    %swap3A_114 = vector.load %arg16[%swap3A_112, %swap3A_113] : memref<8x128xf32, #tpu.memory_space<vmem>>, vector<1x128xf32>
    tpu.vector_store %arg16[%swap3A_112, %swap3A_113], %add3A_111 {strides = array<i32>} : memref<8x128xf32, #tpu.memory_space<vmem>>, vector<1x128xf32>,
    %get3A_115 = arith.constant 0 : index
    %get3A_116 = arith.constant 0 : index
    %get3A_117 = vector.load %arg17[%get3A_115, %get3A_116] : memref<8x128xf32, #tpu.memory_space<vmem>>, vector<1x128xf32>
    %reduce_sum3A_118 = arith.constant dense<0.000000e+00> : vector<128xf32>
    %reduce_sum3A_119 = vector.multi_reduction <add>, %convert_element_type3A_94, %reduce_sum3A_118 [0] : vector<400x128xf32> to vector<128xf32>
    %broadcast_in_dim3A_120 = vector.shape_cast %reduce_sum3A_119 : vector<128xf32> to vector<1x128xf32>
    %add3A_121 = arith.addf %get3A_117, %broadcast_in_dim3A_120 : vector<1x128xf32>
    %swap3A_122 = arith.constant 0 : index
    %swap3A_123 = arith.constant 0 : index
    %swap3A_124 = vector.load %arg17[%swap3A_122, %swap3A_123] : memref<8x128xf32, #tpu.memory_space<vmem>>, vector<1x128xf32>
    tpu.vector_store %arg17[%swap3A_122, %swap3A_123], %add3A_121 {strides = array<i32>} : memref<8x128xf32, #tpu.memory_space<vmem>>, vector<1x128xf32>,
    %eq3A_125 = arith.constant 1 : i32
    %eq3A_126 = vector.broadcast %eq3A_125 : i32 to vector<400x128xi32>
    %eq3A_127 = arith.cmpi eq, %get3A_89, %eq3A_126 : vector<400x128xi32>
    %convert_element_type3A_128 = arith.extui %eq3A_127 : vector<400x128xi1> to vector<400x128xi32>
    %convert_element_type3A_129 = arith.sitofp %convert_element_type3A_128 : vector<400x128xi32> to vector<400x128xf32>
    %mul3A_130 = arith.mulf %add3A_79, %convert_element_type3A_129 : vector<400x128xf32>
    %get3A_131 = arith.constant 1 : index
    %get3A_132 = arith.constant 0 : index
    %get3A_133 = vector.load %arg15[%get3A_131, %get3A_132] : memref<8x128xf32, #tpu.memory_space<vmem>>, vector<1x128xf32>
    %reduce_sum3A_134 = arith.constant dense<0.000000e+00> : vector<128xf32>
    %reduce_sum3A_135 = vector.multi_reduction <add>, %mul3A_130, %reduce_sum3A_134 [0] : vector<400x128xf32> to vector<128xf32>
    %broadcast_in_dim3A_136 = vector.shape_cast %reduce_sum3A_135 : vector<128xf32> to vector<1x128xf32>
    %add3A_137 = arith.addf %get3A_133, %broadcast_in_dim3A_136 : vector<1x128xf32>
    %swap3A_138 = arith.constant 1 : index
    %swap3A_139 = arith.constant 0 : index
    %swap3A_140 = vector.load %arg15[%swap3A_138, %swap3A_139] : memref<8x128xf32, #tpu.memory_space<vmem>>, vector<1x128xf32>
    tpu.vector_store %arg15[%swap3A_138, %swap3A_139], %add3A_137 {strides = array<i32>} : memref<8x128xf32, #tpu.memory_space<vmem>>, vector<1x128xf32>,
    %get3A_141 = arith.constant 1 : index
    %get3A_142 = arith.constant 0 : index
    %get3A_143 = vector.load %arg16[%get3A_141, %get3A_142] : memref<8x128xf32, #tpu.memory_space<vmem>>, vector<1x128xf32>
    %mul3A_144 = arith.mulf %mul3A_130, %add3A_79 : vector<400x128xf32>
    %reduce_sum3A_145 = arith.constant dense<0.000000e+00> : vector<128xf32>
    %reduce_sum3A_146 = vector.multi_reduction <add>, %mul3A_144, %reduce_sum3A_145 [0] : vector<400x128xf32> to vector<128xf32>
    %broadcast_in_dim3A_147 = vector.shape_cast %reduce_sum3A_146 : vector<128xf32> to vector<1x128xf32>
    %add3A_148 = arith.addf %get3A_143, %broadcast_in_dim3A_147 : vector<1x128xf32>
    %swap3A_149 = arith.constant 1 : index
    %swap3A_150 = arith.constant 0 : index
    %swap3A_151 = vector.load %arg16[%swap3A_149, %swap3A_150] : memref<8x128xf32, #tpu.memory_space<vmem>>, vector<1x128xf32>
    tpu.vector_store %arg16[%swap3A_149, %swap3A_150], %add3A_148 {strides = array<i32>} : memref<8x128xf32, #tpu.memory_space<vmem>>, vector<1x128xf32>,
    %get3A_152 = arith.constant 1 : index
    %get3A_153 = arith.constant 0 : index
    %get3A_154 = vector.load %arg17[%get3A_152, %get3A_153] : memref<8x128xf32, #tpu.memory_space<vmem>>, vector<1x128xf32>
    %reduce_sum3A_155 = arith.constant dense<0.000000e+00> : vector<128xf32>
    %reduce_sum3A_156 = vector.multi_reduction <add>, %convert_element_type3A_129, %reduce_sum3A_155 [0] : vector<400x128xf32> to vector<128xf32>
    %broadcast_in_dim3A_157 = vector.shape_cast %reduce_sum3A_156 : vector<128xf32> to vector<1x128xf32>
    %add3A_158 = arith.addf %get3A_154, %broadcast_in_dim3A_157 : vector<1x128xf32>
    %swap3A_159 = arith.constant 1 : index
    %swap3A_160 = arith.constant 0 : index
    %swap3A_161 = vector.load %arg17[%swap3A_159, %swap3A_160] : memref<8x128xf32, #tpu.memory_space<vmem>>, vector<1x128xf32>
    tpu.vector_store %arg17[%swap3A_159, %swap3A_160], %add3A_158 {strides = array<i32>} : memref<8x128xf32, #tpu.memory_space<vmem>>, vector<1x128xf32>,
    %eq3A_162 = arith.constant 2 : i32
    %eq3A_163 = vector.broadcast %eq3A_162 : i32 to vector<400x128xi32>
    %eq3A_164 = arith.cmpi eq, %get3A_89, %eq3A_163 : vector<400x128xi32>
    %convert_element_type3A_165 = arith.extui %eq3A_164 : vector<400x128xi1> to vector<400x128xi32>
    %convert_element_type3A_166 = arith.sitofp %convert_element_type3A_165 : vector<400x128xi32> to vector<400x128xf32>
    %mul3A_167 = arith.mulf %add3A_79, %convert_element_type3A_166 : vector<400x128xf32>
    %get3A_168 = arith.constant 2 : index
    %get3A_169 = arith.constant 0 : index
    %get3A_170 = vector.load %arg15[%get3A_168, %get3A_169] : memref<8x128xf32, #tpu.memory_space<vmem>>, vector<1x128xf32>
    %reduce_sum3A_171 = arith.constant dense<0.000000e+00> : vector<128xf32>
    %reduce_sum3A_172 = vector.multi_reduction <add>, %mul3A_167, %reduce_sum3A_171 [0] : vector<400x128xf32> to vector<128xf32>
    %broadcast_in_dim3A_173 = vector.shape_cast %reduce_sum3A_172 : vector<128xf32> to vector<1x128xf32>
    %add3A_174 = arith.addf %get3A_170, %broadcast_in_dim3A_173 : vector<1x128xf32>
    %swap3A_175 = arith.constant 2 : index
    %swap3A_176 = arith.constant 0 : index
    %swap3A_177 = vector.load %arg15[%swap3A_175, %swap3A_176] : memref<8x128xf32, #tpu.memory_space<vmem>>, vector<1x128xf32>
    tpu.vector_store %arg15[%swap3A_175, %swap3A_176], %add3A_174 {strides = array<i32>} : memref<8x128xf32, #tpu.memory_space<vmem>>, vector<1x128xf32>,
    %get3A_178 = arith.constant 2 : index
    %get3A_179 = arith.constant 0 : index
    %get3A_180 = vector.load %arg16[%get3A_178, %get3A_179] : memref<8x128xf32, #tpu.memory_space<vmem>>, vector<1x128xf32>
    %mul3A_181 = arith.mulf %mul3A_167, %add3A_79 : vector<400x128xf32>
    %reduce_sum3A_182 = arith.constant dense<0.000000e+00> : vector<128xf32>
    %reduce_sum3A_183 = vector.multi_reduction <add>, %mul3A_181, %reduce_sum3A_182 [0] : vector<400x128xf32> to vector<128xf32>
    %broadcast_in_dim3A_184 = vector.shape_cast %reduce_sum3A_183 : vector<128xf32> to vector<1x128xf32>
    %add3A_185 = arith.addf %get3A_180, %broadcast_in_dim3A_184 : vector<1x128xf32>
    %swap3A_186 = arith.constant 2 : index
    %swap3A_187 = arith.constant 0 : index
    %swap3A_188 = vector.load %arg16[%swap3A_186, %swap3A_187] : memref<8x128xf32, #tpu.memory_space<vmem>>, vector<1x128xf32>
    tpu.vector_store %arg16[%swap3A_186, %swap3A_187], %add3A_185 {strides = array<i32>} : memref<8x128xf32, #tpu.memory_space<vmem>>, vector<1x128xf32>,
    %get3A_189 = arith.constant 2 : index
    %get3A_190 = arith.constant 0 : index
    %get3A_191 = vector.load %arg17[%get3A_189, %get3A_190] : memref<8x128xf32, #tpu.memory_space<vmem>>, vector<1x128xf32>
    %reduce_sum3A_192 = arith.constant dense<0.000000e+00> : vector<128xf32>
    %reduce_sum3A_193 = vector.multi_reduction <add>, %convert_element_type3A_166, %reduce_sum3A_192 [0] : vector<400x128xf32> to vector<128xf32>
    %broadcast_in_dim3A_194 = vector.shape_cast %reduce_sum3A_193 : vector<128xf32> to vector<1x128xf32>
    %add3A_195 = arith.addf %get3A_191, %broadcast_in_dim3A_194 : vector<1x128xf32>
    %swap3A_196 = arith.constant 2 : index
    %swap3A_197 = arith.constant 0 : index
    %swap3A_198 = vector.load %arg17[%swap3A_196, %swap3A_197] : memref<8x128xf32, #tpu.memory_space<vmem>>, vector<1x128xf32>
    tpu.vector_store %arg17[%swap3A_196, %swap3A_197], %add3A_195 {strides = array<i32>} : memref<8x128xf32, #tpu.memory_space<vmem>>, vector<1x128xf32>,
    %eq3A_199 = arith.constant 3 : i32
    %eq3A_200 = vector.broadcast %eq3A_199 : i32 to vector<400x128xi32>
    %eq3A_201 = arith.cmpi eq, %get3A_89, %eq3A_200 : vector<400x128xi32>
    %convert_element_type3A_202 = arith.extui %eq3A_201 : vector<400x128xi1> to vector<400x128xi32>
    %convert_element_type3A_203 = arith.sitofp %convert_element_type3A_202 : vector<400x128xi32> to vector<400x128xf32>
    %mul3A_204 = arith.mulf %add3A_79, %convert_element_type3A_203 : vector<400x128xf32>
    %get3A_205 = arith.constant 3 : index
    %get3A_206 = arith.constant 0 : index
    %get3A_207 = vector.load %arg15[%get3A_205, %get3A_206] : memref<8x128xf32, #tpu.memory_space<vmem>>, vector<1x128xf32>
    %reduce_sum3A_208 = arith.constant dense<0.000000e+00> : vector<128xf32>
    %reduce_sum3A_209 = vector.multi_reduction <add>, %mul3A_204, %reduce_sum3A_208 [0] : vector<400x128xf32> to vector<128xf32>
    %broadcast_in_dim3A_210 = vector.shape_cast %reduce_sum3A_209 : vector<128xf32> to vector<1x128xf32>
    %add3A_211 = arith.addf %get3A_207, %broadcast_in_dim3A_210 : vector<1x128xf32>
    %swap3A_212 = arith.constant 3 : index
    %swap3A_213 = arith.constant 0 : index
    %swap3A_214 = vector.load %arg15[%swap3A_212, %swap3A_213] : memref<8x128xf32, #tpu.memory_space<vmem>>, vector<1x128xf32>
    tpu.vector_store %arg15[%swap3A_212, %swap3A_213], %add3A_211 {strides = array<i32>} : memref<8x128xf32, #tpu.memory_space<vmem>>, vector<1x128xf32>,
    %get3A_215 = arith.constant 3 : index
    %get3A_216 = arith.constant 0 : index
    %get3A_217 = vector.load %arg16[%get3A_215, %get3A_216] : memref<8x128xf32, #tpu.memory_space<vmem>>, vector<1x128xf32>
    %mul3A_218 = arith.mulf %mul3A_204, %add3A_79 : vector<400x128xf32>
    %reduce_sum3A_219 = arith.constant dense<0.000000e+00> : vector<128xf32>
    %reduce_sum3A_220 = vector.multi_reduction <add>, %mul3A_218, %reduce_sum3A_219 [0] : vector<400x128xf32> to vector<128xf32>
    %broadcast_in_dim3A_221 = vector.shape_cast %reduce_sum3A_220 : vector<128xf32> to vector<1x128xf32>
    %add3A_222 = arith.addf %get3A_217, %broadcast_in_dim3A_221 : vector<1x128xf32>
    %swap3A_223 = arith.constant 3 : index
    %swap3A_224 = arith.constant 0 : index
    %swap3A_225 = vector.load %arg16[%swap3A_223, %swap3A_224] : memref<8x128xf32, #tpu.memory_space<vmem>>, vector<1x128xf32>
    tpu.vector_store %arg16[%swap3A_223, %swap3A_224], %add3A_222 {strides = array<i32>} : memref<8x128xf32, #tpu.memory_space<vmem>>, vector<1x128xf32>,
    %get3A_226 = arith.constant 3 : index
    %get3A_227 = arith.constant 0 : index
    %get3A_228 = vector.load %arg17[%get3A_226, %get3A_227] : memref<8x128xf32, #tpu.memory_space<vmem>>, vector<1x128xf32>
    %reduce_sum3A_229 = arith.constant dense<0.000000e+00> : vector<128xf32>
    %reduce_sum3A_230 = vector.multi_reduction <add>, %convert_element_type3A_203, %reduce_sum3A_229 [0] : vector<400x128xf32> to vector<128xf32>
    %broadcast_in_dim3A_231 = vector.shape_cast %reduce_sum3A_230 : vector<128xf32> to vector<1x128xf32>
    %add3A_232 = arith.addf %get3A_228, %broadcast_in_dim3A_231 : vector<1x128xf32>
    %swap3A_233 = arith.constant 3 : index
    %swap3A_234 = arith.constant 0 : index
    %swap3A_235 = vector.load %arg17[%swap3A_233, %swap3A_234] : memref<8x128xf32, #tpu.memory_space<vmem>>, vector<1x128xf32>
    tpu.vector_store %arg17[%swap3A_233, %swap3A_234], %add3A_232 {strides = array<i32>} : memref<8x128xf32, #tpu.memory_space<vmem>>, vector<1x128xf32>,
    %eq3A_236 = arith.constant 4 : i32
    %eq3A_237 = vector.broadcast %eq3A_236 : i32 to vector<400x128xi32>
    %eq3A_238 = arith.cmpi eq, %get3A_89, %eq3A_237 : vector<400x128xi32>
    %convert_element_type3A_239 = arith.extui %eq3A_238 : vector<400x128xi1> to vector<400x128xi32>
    %convert_element_type3A_240 = arith.sitofp %convert_element_type3A_239 : vector<400x128xi32> to vector<400x128xf32>
    %mul3A_241 = arith.mulf %add3A_79, %convert_element_type3A_240 : vector<400x128xf32>
    %get3A_242 = arith.constant 4 : index
    %get3A_243 = arith.constant 0 : index
    %get3A_244 = vector.load %arg15[%get3A_242, %get3A_243] : memref<8x128xf32, #tpu.memory_space<vmem>>, vector<1x128xf32>
    %reduce_sum3A_245 = arith.constant dense<0.000000e+00> : vector<128xf32>
    %reduce_sum3A_246 = vector.multi_reduction <add>, %mul3A_241, %reduce_sum3A_245 [0] : vector<400x128xf32> to vector<128xf32>
    %broadcast_in_dim3A_247 = vector.shape_cast %reduce_sum3A_246 : vector<128xf32> to vector<1x128xf32>
    %add3A_248 = arith.addf %get3A_244, %broadcast_in_dim3A_247 : vector<1x128xf32>
    %swap3A_249 = arith.constant 4 : index
    %swap3A_250 = arith.constant 0 : index
    %swap3A_251 = vector.load %arg15[%swap3A_249, %swap3A_250] : memref<8x128xf32, #tpu.memory_space<vmem>>, vector<1x128xf32>
    tpu.vector_store %arg15[%swap3A_249, %swap3A_250], %add3A_248 {strides = array<i32>} : memref<8x128xf32, #tpu.memory_space<vmem>>, vector<1x128xf32>,
    %get3A_252 = arith.constant 4 : index
    %get3A_253 = arith.constant 0 : index
    %get3A_254 = vector.load %arg16[%get3A_252, %get3A_253] : memref<8x128xf32, #tpu.memory_space<vmem>>, vector<1x128xf32>
    %mul3A_255 = arith.mulf %mul3A_241, %add3A_79 : vector<400x128xf32>
    %reduce_sum3A_256 = arith.constant dense<0.000000e+00> : vector<128xf32>
    %reduce_sum3A_257 = vector.multi_reduction <add>, %mul3A_255, %reduce_sum3A_256 [0] : vector<400x128xf32> to vector<128xf32>
    %broadcast_in_dim3A_258 = vector.shape_cast %reduce_sum3A_257 : vector<128xf32> to vector<1x128xf32>
    %add3A_259 = arith.addf %get3A_254, %broadcast_in_dim3A_258 : vector<1x128xf32>
    %swap3A_260 = arith.constant 4 : index
    %swap3A_261 = arith.constant 0 : index
    %swap3A_262 = vector.load %arg16[%swap3A_260, %swap3A_261] : memref<8x128xf32, #tpu.memory_space<vmem>>, vector<1x128xf32>
    tpu.vector_store %arg16[%swap3A_260, %swap3A_261], %add3A_259 {strides = array<i32>} : memref<8x128xf32, #tpu.memory_space<vmem>>, vector<1x128xf32>,
    %get3A_263 = arith.constant 4 : index
    %get3A_264 = arith.constant 0 : index
    %get3A_265 = vector.load %arg17[%get3A_263, %get3A_264] : memref<8x128xf32, #tpu.memory_space<vmem>>, vector<1x128xf32>
    %reduce_sum3A_266 = arith.constant dense<0.000000e+00> : vector<128xf32>
    %reduce_sum3A_267 = vector.multi_reduction <add>, %convert_element_type3A_240, %reduce_sum3A_266 [0] : vector<400x128xf32> to vector<128xf32>
    %broadcast_in_dim3A_268 = vector.shape_cast %reduce_sum3A_267 : vector<128xf32> to vector<1x128xf32>
    %add3A_269 = arith.addf %get3A_265, %broadcast_in_dim3A_268 : vector<1x128xf32>
    %swap3A_270 = arith.constant 4 : index
    %swap3A_271 = arith.constant 0 : index
    %swap3A_272 = vector.load %arg17[%swap3A_270, %swap3A_271] : memref<8x128xf32, #tpu.memory_space<vmem>>, vector<1x128xf32>
    tpu.vector_store %arg17[%swap3A_270, %swap3A_271], %add3A_269 {strides = array<i32>} : memref<8x128xf32, #tpu.memory_space<vmem>>, vector<1x128xf32>,
    %eq3A_273 = arith.constant 5 : i32
    %eq3A_274 = vector.broadcast %eq3A_273 : i32 to vector<400x128xi32>
    %eq3A_275 = arith.cmpi eq, %get3A_89, %eq3A_274 : vector<400x128xi32>
    %convert_element_type3A_276 = arith.extui %eq3A_275 : vector<400x128xi1> to vector<400x128xi32>
    %convert_element_type3A_277 = arith.sitofp %convert_element_type3A_276 : vector<400x128xi32> to vector<400x128xf32>
    %mul3A_278 = arith.mulf %add3A_79, %convert_element_type3A_277 : vector<400x128xf32>
    %get3A_279 = arith.constant 5 : index
    %get3A_280 = arith.constant 0 : index
    %get3A_281 = vector.load %arg15[%get3A_279, %get3A_280] : memref<8x128xf32, #tpu.memory_space<vmem>>, vector<1x128xf32>
    %reduce_sum3A_282 = arith.constant dense<0.000000e+00> : vector<128xf32>
    %reduce_sum3A_283 = vector.multi_reduction <add>, %mul3A_278, %reduce_sum3A_282 [0] : vector<400x128xf32> to vector<128xf32>
    %broadcast_in_dim3A_284 = vector.shape_cast %reduce_sum3A_283 : vector<128xf32> to vector<1x128xf32>
    %add3A_285 = arith.addf %get3A_281, %broadcast_in_dim3A_284 : vector<1x128xf32>
    %swap3A_286 = arith.constant 5 : index
    %swap3A_287 = arith.constant 0 : index
    %swap3A_288 = vector.load %arg15[%swap3A_286, %swap3A_287] : memref<8x128xf32, #tpu.memory_space<vmem>>, vector<1x128xf32>
    tpu.vector_store %arg15[%swap3A_286, %swap3A_287], %add3A_285 {strides = array<i32>} : memref<8x128xf32, #tpu.memory_space<vmem>>, vector<1x128xf32>,
    %get3A_289 = arith.constant 5 : index
    %get3A_290 = arith.constant 0 : index
    %get3A_291 = vector.load %arg16[%get3A_289, %get3A_290] : memref<8x128xf32, #tpu.memory_space<vmem>>, vector<1x128xf32>
    %mul3A_292 = arith.mulf %mul3A_278, %add3A_79 : vector<400x128xf32>
    %reduce_sum3A_293 = arith.constant dense<0.000000e+00> : vector<128xf32>
    %reduce_sum3A_294 = vector.multi_reduction <add>, %mul3A_292, %reduce_sum3A_293 [0] : vector<400x128xf32> to vector<128xf32>
    %broadcast_in_dim3A_295 = vector.shape_cast %reduce_sum3A_294 : vector<128xf32> to vector<1x128xf32>
    %add3A_296 = arith.addf %get3A_291, %broadcast_in_dim3A_295 : vector<1x128xf32>
    %swap3A_297 = arith.constant 5 : index
    %swap3A_298 = arith.constant 0 : index
    %swap3A_299 = vector.load %arg16[%swap3A_297, %swap3A_298] : memref<8x128xf32, #tpu.memory_space<vmem>>, vector<1x128xf32>
    tpu.vector_store %arg16[%swap3A_297, %swap3A_298], %add3A_296 {strides = array<i32>} : memref<8x128xf32, #tpu.memory_space<vmem>>, vector<1x128xf32>,
    %get3A_300 = arith.constant 5 : index
    %get3A_301 = arith.constant 0 : index
    %get3A_302 = vector.load %arg17[%get3A_300, %get3A_301] : memref<8x128xf32, #tpu.memory_space<vmem>>, vector<1x128xf32>
    %reduce_sum3A_303 = arith.constant dense<0.000000e+00> : vector<128xf32>
    %reduce_sum3A_304 = vector.multi_reduction <add>, %convert_element_type3A_277, %reduce_sum3A_303 [0] : vector<400x128xf32> to vector<128xf32>
    %broadcast_in_dim3A_305 = vector.shape_cast %reduce_sum3A_304 : vector<128xf32> to vector<1x128xf32>
    %add3A_306 = arith.addf %get3A_302, %broadcast_in_dim3A_305 : vector<1x128xf32>
    %swap3A_307 = arith.constant 5 : index
    %swap3A_308 = arith.constant 0 : index
    %swap3A_309 = vector.load %arg17[%swap3A_307, %swap3A_308] : memref<8x128xf32, #tpu.memory_space<vmem>>, vector<1x128xf32>
    tpu.vector_store %arg17[%swap3A_307, %swap3A_308], %add3A_306 {strides = array<i32>} : memref<8x128xf32, #tpu.memory_space<vmem>>, vector<1x128xf32>,
    %eq3A_310 = arith.constant 6 : i32
    %eq3A_311 = vector.broadcast %eq3A_310 : i32 to vector<400x128xi32>
    %eq3A_312 = arith.cmpi eq, %get3A_89, %eq3A_311 : vector<400x128xi32>
    %convert_element_type3A_313 = arith.extui %eq3A_312 : vector<400x128xi1> to vector<400x128xi32>
    %convert_element_type3A_314 = arith.sitofp %convert_element_type3A_313 : vector<400x128xi32> to vector<400x128xf32>
    %mul3A_315 = arith.mulf %add3A_79, %convert_element_type3A_314 : vector<400x128xf32>
    %get3A_316 = arith.constant 6 : index
    %get3A_317 = arith.constant 0 : index
    %get3A_318 = vector.load %arg15[%get3A_316, %get3A_317] : memref<8x128xf32, #tpu.memory_space<vmem>>, vector<1x128xf32>
    %reduce_sum3A_319 = arith.constant dense<0.000000e+00> : vector<128xf32>
    %reduce_sum3A_320 = vector.multi_reduction <add>, %mul3A_315, %reduce_sum3A_319 [0] : vector<400x128xf32> to vector<128xf32>
    %broadcast_in_dim3A_321 = vector.shape_cast %reduce_sum3A_320 : vector<128xf32> to vector<1x128xf32>
    %add3A_322 = arith.addf %get3A_318, %broadcast_in_dim3A_321 : vector<1x128xf32>
    %swap3A_323 = arith.constant 6 : index
    %swap3A_324 = arith.constant 0 : index
    %swap3A_325 = vector.load %arg15[%swap3A_323, %swap3A_324] : memref<8x128xf32, #tpu.memory_space<vmem>>, vector<1x128xf32>
    tpu.vector_store %arg15[%swap3A_323, %swap3A_324], %add3A_322 {strides = array<i32>} : memref<8x128xf32, #tpu.memory_space<vmem>>, vector<1x128xf32>,
    %get3A_326 = arith.constant 6 : index
    %get3A_327 = arith.constant 0 : index
    %get3A_328 = vector.load %arg16[%get3A_326, %get3A_327] : memref<8x128xf32, #tpu.memory_space<vmem>>, vector<1x128xf32>
    %mul3A_329 = arith.mulf %mul3A_315, %add3A_79 : vector<400x128xf32>
    %reduce_sum3A_330 = arith.constant dense<0.000000e+00> : vector<128xf32>
    %reduce_sum3A_331 = vector.multi_reduction <add>, %mul3A_329, %reduce_sum3A_330 [0] : vector<400x128xf32> to vector<128xf32>
    %broadcast_in_dim3A_332 = vector.shape_cast %reduce_sum3A_331 : vector<128xf32> to vector<1x128xf32>
    %add3A_333 = arith.addf %get3A_328, %broadcast_in_dim3A_332 : vector<1x128xf32>
    %swap3A_334 = arith.constant 6 : index
    %swap3A_335 = arith.constant 0 : index
    %swap3A_336 = vector.load %arg16[%swap3A_334, %swap3A_335] : memref<8x128xf32, #tpu.memory_space<vmem>>, vector<1x128xf32>
    tpu.vector_store %arg16[%swap3A_334, %swap3A_335], %add3A_333 {strides = array<i32>} : memref<8x128xf32, #tpu.memory_space<vmem>>, vector<1x128xf32>,
    %get3A_337 = arith.constant 6 : index
    %get3A_338 = arith.constant 0 : index
    %get3A_339 = vector.load %arg17[%get3A_337, %get3A_338] : memref<8x128xf32, #tpu.memory_space<vmem>>, vector<1x128xf32>
    %reduce_sum3A_340 = arith.constant dense<0.000000e+00> : vector<128xf32>
    %reduce_sum3A_341 = vector.multi_reduction <add>, %convert_element_type3A_314, %reduce_sum3A_340 [0] : vector<400x128xf32> to vector<128xf32>
    %broadcast_in_dim3A_342 = vector.shape_cast %reduce_sum3A_341 : vector<128xf32> to vector<1x128xf32>
    %add3A_343 = arith.addf %get3A_339, %broadcast_in_dim3A_342 : vector<1x128xf32>
    %swap3A_344 = arith.constant 6 : index
    %swap3A_345 = arith.constant 0 : index
    %swap3A_346 = vector.load %arg17[%swap3A_344, %swap3A_345] : memref<8x128xf32, #tpu.memory_space<vmem>>, vector<1x128xf32>
    tpu.vector_store %arg17[%swap3A_344, %swap3A_345], %add3A_343 {strides = array<i32>} : memref<8x128xf32, #tpu.memory_space<vmem>>, vector<1x128xf32>,
    %eq3A_347 = arith.constant 7 : i32
    %eq3A_348 = vector.broadcast %eq3A_347 : i32 to vector<400x128xi32>
    %eq3A_349 = arith.cmpi eq, %get3A_89, %eq3A_348 : vector<400x128xi32>
    %convert_element_type3A_350 = arith.extui %eq3A_349 : vector<400x128xi1> to vector<400x128xi32>
    %convert_element_type3A_351 = arith.sitofp %convert_element_type3A_350 : vector<400x128xi32> to vector<400x128xf32>
    %mul3A_352 = arith.mulf %add3A_79, %convert_element_type3A_351 : vector<400x128xf32>
    %get3A_353 = arith.constant 7 : index
    %get3A_354 = arith.constant 0 : index
    %get3A_355 = vector.load %arg15[%get3A_353, %get3A_354] : memref<8x128xf32, #tpu.memory_space<vmem>>, vector<1x128xf32>
    %reduce_sum3A_356 = arith.constant dense<0.000000e+00> : vector<128xf32>
    %reduce_sum3A_357 = vector.multi_reduction <add>, %mul3A_352, %reduce_sum3A_356 [0] : vector<400x128xf32> to vector<128xf32>
    %broadcast_in_dim3A_358 = vector.shape_cast %reduce_sum3A_357 : vector<128xf32> to vector<1x128xf32>
    %add3A_359 = arith.addf %get3A_355, %broadcast_in_dim3A_358 : vector<1x128xf32>
    %swap3A_360 = arith.constant 7 : index
    %swap3A_361 = arith.constant 0 : index
    %swap3A_362 = vector.load %arg15[%swap3A_360, %swap3A_361] : memref<8x128xf32, #tpu.memory_space<vmem>>, vector<1x128xf32>
    tpu.vector_store %arg15[%swap3A_360, %swap3A_361], %add3A_359 {strides = array<i32>} : memref<8x128xf32, #tpu.memory_space<vmem>>, vector<1x128xf32>,
    %get3A_363 = arith.constant 7 : index
    %get3A_364 = arith.constant 0 : index
    %get3A_365 = vector.load %arg16[%get3A_363, %get3A_364] : memref<8x128xf32, #tpu.memory_space<vmem>>, vector<1x128xf32>
    %mul3A_366 = arith.mulf %mul3A_352, %add3A_79 : vector<400x128xf32>
    %reduce_sum3A_367 = arith.constant dense<0.000000e+00> : vector<128xf32>
    %reduce_sum3A_368 = vector.multi_reduction <add>, %mul3A_366, %reduce_sum3A_367 [0] : vector<400x128xf32> to vector<128xf32>
    %broadcast_in_dim3A_369 = vector.shape_cast %reduce_sum3A_368 : vector<128xf32> to vector<1x128xf32>
    %add3A_370 = arith.addf %get3A_365, %broadcast_in_dim3A_369 : vector<1x128xf32>
    %swap3A_371 = arith.constant 7 : index
    %swap3A_372 = arith.constant 0 : index
    %swap3A_373 = vector.load %arg16[%swap3A_371, %swap3A_372] : memref<8x128xf32, #tpu.memory_space<vmem>>, vector<1x128xf32>
    tpu.vector_store %arg16[%swap3A_371, %swap3A_372], %add3A_370 {strides = array<i32>} : memref<8x128xf32, #tpu.memory_space<vmem>>, vector<1x128xf32>,
    %get3A_374 = arith.constant 7 : index
    %get3A_375 = arith.constant 0 : index
    %get3A_376 = vector.load %arg17[%get3A_374, %get3A_375] : memref<8x128xf32, #tpu.memory_space<vmem>>, vector<1x128xf32>
    %reduce_sum3A_377 = arith.constant dense<0.000000e+00> : vector<128xf32>
    %reduce_sum3A_378 = vector.multi_reduction <add>, %convert_element_type3A_351, %reduce_sum3A_377 [0] : vector<400x128xf32> to vector<128xf32>
    %broadcast_in_dim3A_379 = vector.shape_cast %reduce_sum3A_378 : vector<128xf32> to vector<1x128xf32>
    %add3A_380 = arith.addf %get3A_376, %broadcast_in_dim3A_379 : vector<1x128xf32>
    %swap3A_381 = arith.constant 7 : index
    %swap3A_382 = arith.constant 0 : index
    %swap3A_383 = vector.load %arg17[%swap3A_381, %swap3A_382] : memref<8x128xf32, #tpu.memory_space<vmem>>, vector<1x128xf32>
    tpu.vector_store %arg17[%swap3A_381, %swap3A_382], %add3A_380 {strides = array<i32>} : memref<8x128xf32, #tpu.memory_space<vmem>>, vector<1x128xf32>,
    %eq3A_384 = arith.constant 24 : i32
    %eq3A_385 = arith.cmpi eq, %arg0, %eq3A_384 : i32
    %convert_element_type3A_386 = arith.extui %eq3A_385 : i1 to i32
    %cond3A_387 = arith.constant 0 : i32
    %cond3A_388 = arith.cmpi ne, %convert_element_type3A_386, %cond3A_387 : i32
    scf.if %cond3A_388 {
      %get3A_389 = arith.constant 0 : index
      %get3A_390 = arith.constant 0 : index
      %get3A_391 = vector.load %arg17[%get3A_389, %get3A_390] : memref<8x128xf32, #tpu.memory_space<vmem>>, vector<8x128xf32>
      %max3A = arith.constant 1.000000e+00 : f32
      %max3A_392 = vector.broadcast %max3A : f32 to vector<8x128xf32>
      %max3A_393 = arith.maximumf %get3A_391, %max3A_392 : vector<8x128xf32>
      %get3A_394 = arith.constant 0 : index
      %get3A_395 = arith.constant 0 : index
      %get3A_396 = vector.load %arg15[%get3A_394, %get3A_395] : memref<8x128xf32, #tpu.memory_space<vmem>>, vector<8x128xf32>
      %div3A_397 = arith.divf %get3A_396, %max3A_393 : vector<8x128xf32>
      %get3A_398 = arith.constant 0 : index
      %get3A_399 = arith.constant 0 : index
      %get3A_400 = vector.load %arg10[%get3A_398, %get3A_399] : memref<1x128xf32, #tpu.memory_space<vmem>>, vector<1x128xf32>
      %mul3A_401 = vector.broadcast %get3A_400 : vector<1x128xf32> to vector<8x128xf32>
      %mul3A_402 = arith.mulf %div3A_397, %mul3A_401 : vector<8x128xf32>
      %get3A_403 = arith.constant 0 : index
      %get3A_404 = arith.constant 0 : index
      %get3A_405 = vector.load %arg16[%get3A_403, %get3A_404] : memref<8x128xf32, #tpu.memory_space<vmem>>, vector<8x128xf32>
      %div3A_406 = arith.divf %get3A_405, %max3A_393 : vector<8x128xf32>
      %mul3A_407 = arith.constant 2.000000e+00 : f32
      %mul3A_408 = vector.broadcast %mul3A_407 : f32 to vector<8x128xf32>
      %mul3A_409 = arith.mulf %mul3A_408, %mul3A_402 : vector<8x128xf32>
      %mul3A_410 = arith.mulf %mul3A_409, %div3A_397 : vector<8x128xf32>
      %sub3A = arith.subf %div3A_406, %mul3A_410 : vector<8x128xf32>
      %mul3A_411 = arith.mulf %mul3A_402, %mul3A_402 : vector<8x128xf32>
      %add3A_412 = arith.addf %sub3A, %mul3A_411 : vector<8x128xf32>
      %swap3A_413 = arith.constant 0 : index
      %swap3A_414 = arith.constant 0 : index
      %swap3A_415 = vector.load %arg13[%swap3A_413, %swap3A_414] : memref<8x128xf32, #tpu.memory_space<vmem>>, vector<8x128xf32>
      tpu.vector_store %arg13[%swap3A_413, %swap3A_414], %mul3A_402 {strides = array<i32>} : memref<8x128xf32, #tpu.memory_space<vmem>>, vector<8x128xf32>,
      %add3A_416 = arith.constant 9.99999974E-6 : f32
      %add3A_417 = vector.broadcast %add3A_416 : f32 to vector<8x128xf32>
      %add3A_418 = arith.addf %add3A_412, %add3A_417 : vector<8x128xf32>
      %sqrt3A = math.sqrt %add3A_418 : vector<8x128xf32>
      %div3A_419 = arith.constant 1.000000e+00 : f32
      %div3A_420 = vector.broadcast %div3A_419 : f32 to vector<8x128xf32>
      %div3A_421 = arith.divf %div3A_420, %sqrt3A : vector<8x128xf32>
      %swap3A_422 = arith.constant 0 : index
      %swap3A_423 = arith.constant 0 : index
      %swap3A_424 = vector.load %arg14[%swap3A_422, %swap3A_423] : memref<8x128xf32, #tpu.memory_space<vmem>>, vector<8x128xf32>
      tpu.vector_store %arg14[%swap3A_422, %swap3A_423], %div3A_421 {strides = array<i32>} : memref<8x128xf32, #tpu.memory_space<vmem>>, vector<8x128xf32>,
    } else {
    }
    return
  }
  func.func @transform_0(%arg0: i32) -> (i32, i32, i32) {
    %c0_i32 = arith.constant 0 : i32
    %c0_i32_0 = arith.constant 0 : i32
    %c0_i32_1 = arith.constant 0 : i32
    return %c0_i32, %arg0, %c0_i32_0 : i32, i32, i32
  }
  func.func @transform_1(%arg0: i32) -> (i32, i32, i32) {
    %c0_i32 = arith.constant 0 : i32
    %c0_i32_0 = arith.constant 0 : i32
    %c0_i32_1 = arith.constant 0 : i32
    return %c0_i32, %arg0, %c0_i32_0 : i32, i32, i32
  }
  func.func @transform_2(%arg0: i32) -> (i32, i32) {
    %c0_i32 = arith.constant 0 : i32
    %c0_i32_0 = arith.constant 0 : i32
    return %arg0, %c0_i32 : i32, i32
  }
  func.func @transform_3(%arg0: i32) -> (i32, i32) {
    %c0_i32 = arith.constant 0 : i32
    %c0_i32_0 = arith.constant 0 : i32
    return %arg0, %c0_i32 : i32, i32
  }
  func.func @transform_4(%arg0: i32) -> (i32, i32) {
    %c0_i32 = arith.constant 0 : i32
    %c0_i32_0 = arith.constant 0 : i32
    %c0_i32_1 = arith.constant 0 : i32
    return %c0_i32, %c0_i32_0 : i32, i32
  }
  func.func @transform_5(%arg0: i32) -> (i32, i32) {
    %c0_i32 = arith.constant 0 : i32
    %c0_i32_0 = arith.constant 0 : i32
    %c0_i32_1 = arith.constant 0 : i32
    return %c0_i32, %c0_i32_0 : i32, i32
  }
  func.func @transform_6(%arg0: i32) -> (i32, i32) {
    %c0_i32 = arith.constant 0 : i32
    %c0_i32_0 = arith.constant 0 : i32
    %c0_i32_1 = arith.constant 0 : i32
    return %c0_i32, %c0_i32_0 : i32, i32
  }
  func.func @transform_7(%arg0: i32) -> (i32, i32) {
    %c0_i32 = arith.constant 0 : i32
    %c0_i32_0 = arith.constant 0 : i32
    %c0_i32_1 = arith.constant 0 : i32
    return %c0_i32, %c0_i32_0 : i32, i32
  }
  func.func @transform_8(%arg0: i32) -> (i32, i32) {
    %c0_i32 = arith.constant 0 : i32
    %c0_i32_0 = arith.constant 0 : i32
    %c0_i32_1 = arith.constant 0 : i32
    return %c0_i32, %c0_i32_0 : i32, i32
  }
  func.func @transform_9(%arg0: i32) -> (i32, i32) {
    %c0_i32 = arith.constant 0 : i32
    %c0_i32_0 = arith.constant 0 : i32
    %c0_i32_1 = arith.constant 0 : i32
    return %c0_i32, %c0_i32_0 : i32, i32
  }
  func.func @transform_10(%arg0: i32) -> (i32, i32) {
    %c0_i32 = arith.constant 0 : i32
    %c0_i32_0 = arith.constant 0 : i32
    return %arg0, %c0_i32 : i32, i32
  }
  func.func @transform_11(%arg0: i32) -> (i32, i32) {
    %c0_i32 = arith.constant 0 : i32
    %c0_i32_0 = arith.constant 0 : i32
    return %arg0, %c0_i32 : i32, i32
  }
  func.func @transform_12(%arg0: i32) -> (i32, i32) {
    %c0_i32 = arith.constant 0 : i32
    %c0_i32_0 = arith.constant 0 : i32
    %c0_i32_1 = arith.constant 0 : i32
    return %c0_i32, %c0_i32_0 : i32, i32
  }
  func.func @transform_13(%arg0: i32) -> (i32, i32) {
    %c0_i32 = arith.constant 0 : i32
    %c0_i32_0 = arith.constant 0 : i32
    %c0_i32_1 = arith.constant 0 : i32
    return %c0_i32, %c0_i32_0 : i32, i32
  }
}

module attributes {stable_mosaic.version = 14 : i64} {
  func.func @f(%arg0: i32, %arg1: memref<400x128xf32, #tpu.memory_space<vmem>>, %arg2: memref<400x128xf32, #tpu.memory_space<vmem>>, %arg3: memref<400x128xi32, #tpu.memory_space<vmem>>, %arg4: memref<8x128xf32, #tpu.memory_space<vmem>>, %arg5: memref<8x128xf32, #tpu.memory_space<vmem>>, %arg6: memref<1x128xf32, #tpu.memory_space<vmem>>, %arg7: memref<1x128xf32, #tpu.memory_space<vmem>>, %arg8: memref<128x128xf32, #tpu.memory_space<vmem>>, %arg9: memref<1x128xf32, #tpu.memory_space<vmem>>, %arg10: memref<128x128xf32, #tpu.memory_space<vmem>>, %arg11: memref<1x128xf32, #tpu.memory_space<vmem>>, %arg12: memref<1x128xf32, #tpu.memory_space<vmem>>, %arg13: memref<400x128xf32, #tpu.memory_space<vmem>>, %arg14: memref<8x128xf32, #tpu.memory_space<vmem>>, %arg15: memref<8x128xf32, #tpu.memory_space<vmem>>, %arg16: memref<8x128xf32, #tpu.memory_space<vmem>>, %arg17: memref<8x128xf32, #tpu.memory_space<vmem>>, %arg18: memref<8x128xf32, #tpu.memory_space<vmem>>) attributes {dimension_semantics = [#tpu.dimension_semantics<arbitrary>], iteration_bounds = array<i64: 25>, scalar_prefetch = 0 : i64, scratch_operands = 3 : i64, tpu.core_type = #tpu.core_type<tc>, window_params = [{transform_indices = @transform_0, window_bounds = array<i64: 400, 128>}, {transform_indices = @transform_1, window_bounds = array<i64: 400, 128>}, {transform_indices = @transform_2, window_bounds = array<i64: 400, 128>}, {pipeline_mode = #tpu.pipeline_mode<synchronous>, transform_indices = @transform_3, window_bounds = array<i64: 8, 128>}, {pipeline_mode = #tpu.pipeline_mode<synchronous>, transform_indices = @transform_4, window_bounds = array<i64: 8, 128>}, {pipeline_mode = #tpu.pipeline_mode<synchronous>, transform_indices = @transform_5, window_bounds = array<i64: 1, 128>}, {pipeline_mode = #tpu.pipeline_mode<synchronous>, transform_indices = @transform_6, window_bounds = array<i64: 1, 128>}, {pipeline_mode = #tpu.pipeline_mode<synchronous>, transform_indices = @transform_7, window_bounds = array<i64: 128, 128>}, {pipeline_mode = #tpu.pipeline_mode<synchronous>, transform_indices = @transform_8, window_bounds = array<i64: 1, 128>}, {pipeline_mode = #tpu.pipeline_mode<synchronous>, transform_indices = @transform_9, window_bounds = array<i64: 128, 128>}, {pipeline_mode = #tpu.pipeline_mode<synchronous>, transform_indices = @transform_10, window_bounds = array<i64: 1, 128>}, {pipeline_mode = #tpu.pipeline_mode<synchronous>, transform_indices = @transform_11, window_bounds = array<i64: 1, 128>}, {transform_indices = @transform_12, window_bounds = array<i64: 400, 128>}, {pipeline_mode = #tpu.pipeline_mode<synchronous>, transform_indices = @transform_13, window_bounds = array<i64: 8, 128>}, {pipeline_mode = #tpu.pipeline_mode<synchronous>, transform_indices = @transform_14, window_bounds = array<i64: 8, 128>}]} {
    %get3A = arith.constant 0 : index
    %get3A_0 = arith.constant 0 : index
    %get3A_1 = vector.load %arg3[%get3A, %get3A_0] : memref<400x128xi32, #tpu.memory_space<vmem>>, vector<400x128xi32>
    %get3A_2 = arith.constant 0 : index
    %get3A_3 = arith.constant 0 : index
    %get3A_4 = vector.load %arg4[%get3A_2, %get3A_3] : memref<8x128xf32, #tpu.memory_space<vmem>>, vector<8x128xf32>
    %broadcast_in_dim3A = arith.constant 0.000000e+00 : f32
    %broadcast_in_dim3A_5 = vector.broadcast %broadcast_in_dim3A : f32 to vector<400x128xf32>
    %eq3A = arith.constant 0 : i32
    %eq3A_6 = vector.broadcast %eq3A : i32 to vector<400x128xi32>
    %eq3A_7 = arith.cmpi eq, %get3A_1, %eq3A_6 : vector<400x128xi32>
    %slice3A = vector.extract_strided_slice %get3A_4 {offsets = [0, 0], sizes = [1, 128], strides = [1, 1]} : vector<8x128xf32> to vector<1x128xf32>
    %broadcast_in_dim3A_8 = vector.shape_cast %slice3A : vector<1x128xf32> to vector<1x128xf32>
    %broadcast_in_dim3A_9 = vector.broadcast %broadcast_in_dim3A_8 : vector<1x128xf32> to vector<400x128xf32>
    %select_n3A = arith.select %eq3A_7, %broadcast_in_dim3A_9, %broadcast_in_dim3A_5 : vector<400x128xi1>, vector<400x128xf32>
    %eq3A_10 = arith.constant 1 : i32
    %eq3A_11 = vector.broadcast %eq3A_10 : i32 to vector<400x128xi32>
    %eq3A_12 = arith.cmpi eq, %get3A_1, %eq3A_11 : vector<400x128xi32>
    %slice3A_13 = vector.extract_strided_slice %get3A_4 {offsets = [1, 0], sizes = [1, 128], strides = [1, 1]} : vector<8x128xf32> to vector<1x128xf32>
    %broadcast_in_dim3A_14 = vector.shape_cast %slice3A_13 : vector<1x128xf32> to vector<1x128xf32>
    %broadcast_in_dim3A_15 = vector.broadcast %broadcast_in_dim3A_14 : vector<1x128xf32> to vector<400x128xf32>
    %select_n3A_16 = arith.select %eq3A_12, %broadcast_in_dim3A_15, %select_n3A : vector<400x128xi1>, vector<400x128xf32>
    %eq3A_17 = arith.constant 2 : i32
    %eq3A_18 = vector.broadcast %eq3A_17 : i32 to vector<400x128xi32>
    %eq3A_19 = arith.cmpi eq, %get3A_1, %eq3A_18 : vector<400x128xi32>
    %slice3A_20 = vector.extract_strided_slice %get3A_4 {offsets = [2, 0], sizes = [1, 128], strides = [1, 1]} : vector<8x128xf32> to vector<1x128xf32>
    %broadcast_in_dim3A_21 = vector.shape_cast %slice3A_20 : vector<1x128xf32> to vector<1x128xf32>
    %broadcast_in_dim3A_22 = vector.broadcast %broadcast_in_dim3A_21 : vector<1x128xf32> to vector<400x128xf32>
    %select_n3A_23 = arith.select %eq3A_19, %broadcast_in_dim3A_22, %select_n3A_16 : vector<400x128xi1>, vector<400x128xf32>
    %eq3A_24 = arith.constant 3 : i32
    %eq3A_25 = vector.broadcast %eq3A_24 : i32 to vector<400x128xi32>
    %eq3A_26 = arith.cmpi eq, %get3A_1, %eq3A_25 : vector<400x128xi32>
    %slice3A_27 = vector.extract_strided_slice %get3A_4 {offsets = [3, 0], sizes = [1, 128], strides = [1, 1]} : vector<8x128xf32> to vector<1x128xf32>
    %broadcast_in_dim3A_28 = vector.shape_cast %slice3A_27 : vector<1x128xf32> to vector<1x128xf32>
    %broadcast_in_dim3A_29 = vector.broadcast %broadcast_in_dim3A_28 : vector<1x128xf32> to vector<400x128xf32>
    %select_n3A_30 = arith.select %eq3A_26, %broadcast_in_dim3A_29, %select_n3A_23 : vector<400x128xi1>, vector<400x128xf32>
    %eq3A_31 = arith.constant 4 : i32
    %eq3A_32 = vector.broadcast %eq3A_31 : i32 to vector<400x128xi32>
    %eq3A_33 = arith.cmpi eq, %get3A_1, %eq3A_32 : vector<400x128xi32>
    %slice3A_34 = vector.extract_strided_slice %get3A_4 {offsets = [4, 0], sizes = [1, 128], strides = [1, 1]} : vector<8x128xf32> to vector<1x128xf32>
    %broadcast_in_dim3A_35 = vector.shape_cast %slice3A_34 : vector<1x128xf32> to vector<1x128xf32>
    %broadcast_in_dim3A_36 = vector.broadcast %broadcast_in_dim3A_35 : vector<1x128xf32> to vector<400x128xf32>
    %select_n3A_37 = arith.select %eq3A_33, %broadcast_in_dim3A_36, %select_n3A_30 : vector<400x128xi1>, vector<400x128xf32>
    %eq3A_38 = arith.constant 5 : i32
    %eq3A_39 = vector.broadcast %eq3A_38 : i32 to vector<400x128xi32>
    %eq3A_40 = arith.cmpi eq, %get3A_1, %eq3A_39 : vector<400x128xi32>
    %slice3A_41 = vector.extract_strided_slice %get3A_4 {offsets = [5, 0], sizes = [1, 128], strides = [1, 1]} : vector<8x128xf32> to vector<1x128xf32>
    %broadcast_in_dim3A_42 = vector.shape_cast %slice3A_41 : vector<1x128xf32> to vector<1x128xf32>
    %broadcast_in_dim3A_43 = vector.broadcast %broadcast_in_dim3A_42 : vector<1x128xf32> to vector<400x128xf32>
    %select_n3A_44 = arith.select %eq3A_40, %broadcast_in_dim3A_43, %select_n3A_37 : vector<400x128xi1>, vector<400x128xf32>
    %eq3A_45 = arith.constant 6 : i32
    %eq3A_46 = vector.broadcast %eq3A_45 : i32 to vector<400x128xi32>
    %eq3A_47 = arith.cmpi eq, %get3A_1, %eq3A_46 : vector<400x128xi32>
    %slice3A_48 = vector.extract_strided_slice %get3A_4 {offsets = [6, 0], sizes = [1, 128], strides = [1, 1]} : vector<8x128xf32> to vector<1x128xf32>
    %broadcast_in_dim3A_49 = vector.shape_cast %slice3A_48 : vector<1x128xf32> to vector<1x128xf32>
    %broadcast_in_dim3A_50 = vector.broadcast %broadcast_in_dim3A_49 : vector<1x128xf32> to vector<400x128xf32>
    %select_n3A_51 = arith.select %eq3A_47, %broadcast_in_dim3A_50, %select_n3A_44 : vector<400x128xi1>, vector<400x128xf32>
    %eq3A_52 = arith.constant 7 : i32
    %eq3A_53 = vector.broadcast %eq3A_52 : i32 to vector<400x128xi32>
    %eq3A_54 = arith.cmpi eq, %get3A_1, %eq3A_53 : vector<400x128xi32>
    %slice3A_55 = vector.extract_strided_slice %get3A_4 {offsets = [7, 0], sizes = [1, 128], strides = [1, 1]} : vector<8x128xf32> to vector<1x128xf32>
    %broadcast_in_dim3A_56 = vector.shape_cast %slice3A_55 : vector<1x128xf32> to vector<1x128xf32>
    %broadcast_in_dim3A_57 = vector.broadcast %broadcast_in_dim3A_56 : vector<1x128xf32> to vector<400x128xf32>
    %select_n3A_58 = arith.select %eq3A_54, %broadcast_in_dim3A_57, %select_n3A_51 : vector<400x128xi1>, vector<400x128xf32>
    %get3A_59 = arith.constant 0 : index
    %get3A_60 = arith.constant 0 : index
    %get3A_61 = vector.load %arg5[%get3A_59, %get3A_60] : memref<8x128xf32, #tpu.memory_space<vmem>>, vector<8x128xf32>
    %broadcast_in_dim3A_62 = arith.constant 0.000000e+00 : f32
    %broadcast_in_dim3A_63 = vector.broadcast %broadcast_in_dim3A_62 : f32 to vector<400x128xf32>
    %eq3A_64 = arith.constant 0 : i32
    %eq3A_65 = vector.broadcast %eq3A_64 : i32 to vector<400x128xi32>
    %eq3A_66 = arith.cmpi eq, %get3A_1, %eq3A_65 : vector<400x128xi32>
    %slice3A_67 = vector.extract_strided_slice %get3A_61 {offsets = [0, 0], sizes = [1, 128], strides = [1, 1]} : vector<8x128xf32> to vector<1x128xf32>
    %broadcast_in_dim3A_68 = vector.shape_cast %slice3A_67 : vector<1x128xf32> to vector<1x128xf32>
    %broadcast_in_dim3A_69 = vector.broadcast %broadcast_in_dim3A_68 : vector<1x128xf32> to vector<400x128xf32>
    %select_n3A_70 = arith.select %eq3A_66, %broadcast_in_dim3A_69, %broadcast_in_dim3A_63 : vector<400x128xi1>, vector<400x128xf32>
    %eq3A_71 = arith.constant 1 : i32
    %eq3A_72 = vector.broadcast %eq3A_71 : i32 to vector<400x128xi32>
    %eq3A_73 = arith.cmpi eq, %get3A_1, %eq3A_72 : vector<400x128xi32>
    %slice3A_74 = vector.extract_strided_slice %get3A_61 {offsets = [1, 0], sizes = [1, 128], strides = [1, 1]} : vector<8x128xf32> to vector<1x128xf32>
    %broadcast_in_dim3A_75 = vector.shape_cast %slice3A_74 : vector<1x128xf32> to vector<1x128xf32>
    %broadcast_in_dim3A_76 = vector.broadcast %broadcast_in_dim3A_75 : vector<1x128xf32> to vector<400x128xf32>
    %select_n3A_77 = arith.select %eq3A_73, %broadcast_in_dim3A_76, %select_n3A_70 : vector<400x128xi1>, vector<400x128xf32>
    %eq3A_78 = arith.constant 2 : i32
    %eq3A_79 = vector.broadcast %eq3A_78 : i32 to vector<400x128xi32>
    %eq3A_80 = arith.cmpi eq, %get3A_1, %eq3A_79 : vector<400x128xi32>
    %slice3A_81 = vector.extract_strided_slice %get3A_61 {offsets = [2, 0], sizes = [1, 128], strides = [1, 1]} : vector<8x128xf32> to vector<1x128xf32>
    %broadcast_in_dim3A_82 = vector.shape_cast %slice3A_81 : vector<1x128xf32> to vector<1x128xf32>
    %broadcast_in_dim3A_83 = vector.broadcast %broadcast_in_dim3A_82 : vector<1x128xf32> to vector<400x128xf32>
    %select_n3A_84 = arith.select %eq3A_80, %broadcast_in_dim3A_83, %select_n3A_77 : vector<400x128xi1>, vector<400x128xf32>
    %eq3A_85 = arith.constant 3 : i32
    %eq3A_86 = vector.broadcast %eq3A_85 : i32 to vector<400x128xi32>
    %eq3A_87 = arith.cmpi eq, %get3A_1, %eq3A_86 : vector<400x128xi32>
    %slice3A_88 = vector.extract_strided_slice %get3A_61 {offsets = [3, 0], sizes = [1, 128], strides = [1, 1]} : vector<8x128xf32> to vector<1x128xf32>
    %broadcast_in_dim3A_89 = vector.shape_cast %slice3A_88 : vector<1x128xf32> to vector<1x128xf32>
    %broadcast_in_dim3A_90 = vector.broadcast %broadcast_in_dim3A_89 : vector<1x128xf32> to vector<400x128xf32>
    %select_n3A_91 = arith.select %eq3A_87, %broadcast_in_dim3A_90, %select_n3A_84 : vector<400x128xi1>, vector<400x128xf32>
    %eq3A_92 = arith.constant 4 : i32
    %eq3A_93 = vector.broadcast %eq3A_92 : i32 to vector<400x128xi32>
    %eq3A_94 = arith.cmpi eq, %get3A_1, %eq3A_93 : vector<400x128xi32>
    %slice3A_95 = vector.extract_strided_slice %get3A_61 {offsets = [4, 0], sizes = [1, 128], strides = [1, 1]} : vector<8x128xf32> to vector<1x128xf32>
    %broadcast_in_dim3A_96 = vector.shape_cast %slice3A_95 : vector<1x128xf32> to vector<1x128xf32>
    %broadcast_in_dim3A_97 = vector.broadcast %broadcast_in_dim3A_96 : vector<1x128xf32> to vector<400x128xf32>
    %select_n3A_98 = arith.select %eq3A_94, %broadcast_in_dim3A_97, %select_n3A_91 : vector<400x128xi1>, vector<400x128xf32>
    %eq3A_99 = arith.constant 5 : i32
    %eq3A_100 = vector.broadcast %eq3A_99 : i32 to vector<400x128xi32>
    %eq3A_101 = arith.cmpi eq, %get3A_1, %eq3A_100 : vector<400x128xi32>
    %slice3A_102 = vector.extract_strided_slice %get3A_61 {offsets = [5, 0], sizes = [1, 128], strides = [1, 1]} : vector<8x128xf32> to vector<1x128xf32>
    %broadcast_in_dim3A_103 = vector.shape_cast %slice3A_102 : vector<1x128xf32> to vector<1x128xf32>
    %broadcast_in_dim3A_104 = vector.broadcast %broadcast_in_dim3A_103 : vector<1x128xf32> to vector<400x128xf32>
    %select_n3A_105 = arith.select %eq3A_101, %broadcast_in_dim3A_104, %select_n3A_98 : vector<400x128xi1>, vector<400x128xf32>
    %eq3A_106 = arith.constant 6 : i32
    %eq3A_107 = vector.broadcast %eq3A_106 : i32 to vector<400x128xi32>
    %eq3A_108 = arith.cmpi eq, %get3A_1, %eq3A_107 : vector<400x128xi32>
    %slice3A_109 = vector.extract_strided_slice %get3A_61 {offsets = [6, 0], sizes = [1, 128], strides = [1, 1]} : vector<8x128xf32> to vector<1x128xf32>
    %broadcast_in_dim3A_110 = vector.shape_cast %slice3A_109 : vector<1x128xf32> to vector<1x128xf32>
    %broadcast_in_dim3A_111 = vector.broadcast %broadcast_in_dim3A_110 : vector<1x128xf32> to vector<400x128xf32>
    %select_n3A_112 = arith.select %eq3A_108, %broadcast_in_dim3A_111, %select_n3A_105 : vector<400x128xi1>, vector<400x128xf32>
    %eq3A_113 = arith.constant 7 : i32
    %eq3A_114 = vector.broadcast %eq3A_113 : i32 to vector<400x128xi32>
    %eq3A_115 = arith.cmpi eq, %get3A_1, %eq3A_114 : vector<400x128xi32>
    %slice3A_116 = vector.extract_strided_slice %get3A_61 {offsets = [7, 0], sizes = [1, 128], strides = [1, 1]} : vector<8x128xf32> to vector<1x128xf32>
    %broadcast_in_dim3A_117 = vector.shape_cast %slice3A_116 : vector<1x128xf32> to vector<1x128xf32>
    %broadcast_in_dim3A_118 = vector.broadcast %broadcast_in_dim3A_117 : vector<1x128xf32> to vector<400x128xf32>
    %select_n3A_119 = arith.select %eq3A_115, %broadcast_in_dim3A_118, %select_n3A_112 : vector<400x128xi1>, vector<400x128xf32>
    %get3A_120 = arith.constant 0 : index
    %get3A_121 = arith.constant 0 : index
    %get3A_122 = vector.load %arg6[%get3A_120, %get3A_121] : memref<1x128xf32, #tpu.memory_space<vmem>>, vector<1x128xf32>
    %get3A_123 = arith.constant 0 : index
    %get3A_124 = arith.constant 0 : index
    %get3A_125 = vector.load %arg1[%get3A_123, %get3A_124] : memref<400x128xf32, #tpu.memory_space<vmem>>, vector<400x128xf32>
    %sub3A = arith.subf %get3A_125, %select_n3A_58 : vector<400x128xf32>
    %mul3A = vector.broadcast %get3A_122 : vector<1x128xf32> to vector<400x128xf32>
    %mul3A_126 = arith.mulf %mul3A, %sub3A : vector<400x128xf32>
    %mul3A_127 = arith.mulf %mul3A_126, %select_n3A_119 : vector<400x128xf32>
    %get3A_128 = arith.constant 0 : index
    %get3A_129 = arith.constant 0 : index
    %get3A_130 = vector.load %arg7[%get3A_128, %get3A_129] : memref<1x128xf32, #tpu.memory_space<vmem>>, vector<1x128xf32>
    %add3A = vector.broadcast %get3A_130 : vector<1x128xf32> to vector<400x128xf32>
    %add3A_131 = arith.addf %mul3A_127, %add3A : vector<400x128xf32>
    %get3A_132 = arith.constant 0 : index
    %get3A_133 = arith.constant 0 : index
    %get3A_134 = vector.load %arg8[%get3A_132, %get3A_133] : memref<128x128xf32, #tpu.memory_space<vmem>>, vector<128x128xf32>
    %dot_general3A = arith.constant dense<0.000000e+00> : vector<400x128xf32>
    %dot_general3A_135 = tpu.matmul %add3A_131, %get3A_134, %dot_general3A {dimension_numbers = #tpu.dot_dimension_numbers<[1], [0], [0], [1], [0, 0, 1, 1], [], []>, transpose_lhs_hint = false} : vector<400x128xf32>, vector<128x128xf32>, vector<400x128xf32> -> vector<400x128xf32>
    %get3A_136 = arith.constant 0 : index
    %get3A_137 = arith.constant 0 : index
    %get3A_138 = vector.load %arg9[%get3A_136, %get3A_137] : memref<1x128xf32, #tpu.memory_space<vmem>>, vector<1x128xf32>
    %add3A_139 = vector.broadcast %get3A_138 : vector<1x128xf32> to vector<400x128xf32>
    %add3A_140 = arith.addf %dot_general3A_135, %add3A_139 : vector<400x128xf32>
    %mul3A_141 = arith.constant 0.00999999977 : f32
    %mul3A_142 = vector.broadcast %mul3A_141 : f32 to vector<400x128xf32>
    %mul3A_143 = arith.mulf %mul3A_142, %add3A_140 : vector<400x128xf32>
    %max3A = arith.maximumf %add3A_140, %mul3A_143 : vector<400x128xf32>
    %get3A_144 = arith.constant 0 : index
    %get3A_145 = arith.constant 0 : index
    %get3A_146 = vector.load %arg10[%get3A_144, %get3A_145] : memref<128x128xf32, #tpu.memory_space<vmem>>, vector<128x128xf32>
    %dot_general3A_147 = arith.constant dense<0.000000e+00> : vector<400x128xf32>
    %dot_general3A_148 = tpu.matmul %max3A, %get3A_146, %dot_general3A_147 {dimension_numbers = #tpu.dot_dimension_numbers<[1], [0], [0], [1], [0, 0, 1, 1], [], []>, transpose_lhs_hint = false} : vector<400x128xf32>, vector<128x128xf32>, vector<400x128xf32> -> vector<400x128xf32>
    %get3A_149 = arith.constant 0 : index
    %get3A_150 = arith.constant 0 : index
    %get3A_151 = vector.load %arg11[%get3A_149, %get3A_150] : memref<1x128xf32, #tpu.memory_space<vmem>>, vector<1x128xf32>
    %add3A_152 = vector.broadcast %get3A_151 : vector<1x128xf32> to vector<400x128xf32>
    %add3A_153 = arith.addf %dot_general3A_148, %add3A_152 : vector<400x128xf32>
    %get3A_154 = arith.constant 0 : index
    %get3A_155 = arith.constant 0 : index
    %get3A_156 = vector.load %arg2[%get3A_154, %get3A_155] : memref<400x128xf32, #tpu.memory_space<vmem>>, vector<400x128xf32>
    %mul3A_157 = arith.mulf %get3A_156, %add3A_153 : vector<400x128xf32>
    %add3A_158 = arith.addf %mul3A_157, %add3A_131 : vector<400x128xf32>
    %swap3A = arith.constant 0 : index
    %swap3A_159 = arith.constant 0 : index
    %swap3A_160 = vector.load %arg13[%swap3A, %swap3A_159] : memref<400x128xf32, #tpu.memory_space<vmem>>, vector<400x128xf32>
    tpu.vector_store %arg13[%swap3A, %swap3A_159], %add3A_158 {strides = array<i32>} : memref<400x128xf32, #tpu.memory_space<vmem>>, vector<400x128xf32>,
    %eq3A_161 = arith.constant 0 : i32
    %eq3A_162 = arith.cmpi eq, %arg0, %eq3A_161 : i32
    %convert_element_type3A = arith.extui %eq3A_162 : i1 to i32
    %cond3A = arith.constant 0 : i32
    %cond3A_163 = arith.cmpi ne, %convert_element_type3A, %cond3A : i32
    scf.if %cond3A_163 {
      %broadcast_in_dim3A_464 = arith.constant 0.000000e+00 : f32
      %broadcast_in_dim3A_465 = vector.broadcast %broadcast_in_dim3A_464 : f32 to vector<8x128xf32>
      %swap3A_466 = arith.constant 0 : index
      %swap3A_467 = arith.constant 0 : index
      %swap3A_468 = vector.load %arg16[%swap3A_466, %swap3A_467] : memref<8x128xf32, #tpu.memory_space<vmem>>, vector<8x128xf32>
      tpu.vector_store %arg16[%swap3A_466, %swap3A_467], %broadcast_in_dim3A_465 {strides = array<i32>} : memref<8x128xf32, #tpu.memory_space<vmem>>, vector<8x128xf32>,
      %broadcast_in_dim3A_469 = arith.constant 0.000000e+00 : f32
      %broadcast_in_dim3A_470 = vector.broadcast %broadcast_in_dim3A_469 : f32 to vector<8x128xf32>
      %swap3A_471 = arith.constant 0 : index
      %swap3A_472 = arith.constant 0 : index
      %swap3A_473 = vector.load %arg17[%swap3A_471, %swap3A_472] : memref<8x128xf32, #tpu.memory_space<vmem>>, vector<8x128xf32>
      tpu.vector_store %arg17[%swap3A_471, %swap3A_472], %broadcast_in_dim3A_470 {strides = array<i32>} : memref<8x128xf32, #tpu.memory_space<vmem>>, vector<8x128xf32>,
      %broadcast_in_dim3A_474 = arith.constant 0.000000e+00 : f32
      %broadcast_in_dim3A_475 = vector.broadcast %broadcast_in_dim3A_474 : f32 to vector<8x128xf32>
      %swap3A_476 = arith.constant 0 : index
      %swap3A_477 = arith.constant 0 : index
      %swap3A_478 = vector.load %arg18[%swap3A_476, %swap3A_477] : memref<8x128xf32, #tpu.memory_space<vmem>>, vector<8x128xf32>
      tpu.vector_store %arg18[%swap3A_476, %swap3A_477], %broadcast_in_dim3A_475 {strides = array<i32>} : memref<8x128xf32, #tpu.memory_space<vmem>>, vector<8x128xf32>,
    } else {
    }
    %eq3A_164 = arith.constant 0 : i32
    %eq3A_165 = vector.broadcast %eq3A_164 : i32 to vector<400x128xi32>
    %eq3A_166 = arith.cmpi eq, %get3A_1, %eq3A_165 : vector<400x128xi32>
    %convert_element_type3A_167 = arith.extui %eq3A_166 : vector<400x128xi1> to vector<400x128xi32>
    %convert_element_type3A_168 = arith.sitofp %convert_element_type3A_167 : vector<400x128xi32> to vector<400x128xf32>
    %mul3A_169 = arith.mulf %add3A_158, %convert_element_type3A_168 : vector<400x128xf32>
    %get3A_170 = arith.constant 0 : index
    %get3A_171 = arith.constant 0 : index
    %get3A_172 = vector.load %arg16[%get3A_170, %get3A_171] : memref<8x128xf32, #tpu.memory_space<vmem>>, vector<1x128xf32>
    %reduce_sum3A = arith.constant dense<0.000000e+00> : vector<128xf32>
    %reduce_sum3A_173 = vector.multi_reduction <add>, %mul3A_169, %reduce_sum3A [0] : vector<400x128xf32> to vector<128xf32>
    %broadcast_in_dim3A_174 = vector.shape_cast %reduce_sum3A_173 : vector<128xf32> to vector<1x128xf32>
    %add3A_175 = arith.addf %get3A_172, %broadcast_in_dim3A_174 : vector<1x128xf32>
    %swap3A_176 = arith.constant 0 : index
    %swap3A_177 = arith.constant 0 : index
    %swap3A_178 = vector.load %arg16[%swap3A_176, %swap3A_177] : memref<8x128xf32, #tpu.memory_space<vmem>>, vector<1x128xf32>
    tpu.vector_store %arg16[%swap3A_176, %swap3A_177], %add3A_175 {strides = array<i32>} : memref<8x128xf32, #tpu.memory_space<vmem>>, vector<1x128xf32>,
    %get3A_179 = arith.constant 0 : index
    %get3A_180 = arith.constant 0 : index
    %get3A_181 = vector.load %arg17[%get3A_179, %get3A_180] : memref<8x128xf32, #tpu.memory_space<vmem>>, vector<1x128xf32>
    %mul3A_182 = arith.mulf %mul3A_169, %add3A_158 : vector<400x128xf32>
    %reduce_sum3A_183 = arith.constant dense<0.000000e+00> : vector<128xf32>
    %reduce_sum3A_184 = vector.multi_reduction <add>, %mul3A_182, %reduce_sum3A_183 [0] : vector<400x128xf32> to vector<128xf32>
    %broadcast_in_dim3A_185 = vector.shape_cast %reduce_sum3A_184 : vector<128xf32> to vector<1x128xf32>
    %add3A_186 = arith.addf %get3A_181, %broadcast_in_dim3A_185 : vector<1x128xf32>
    %swap3A_187 = arith.constant 0 : index
    %swap3A_188 = arith.constant 0 : index
    %swap3A_189 = vector.load %arg17[%swap3A_187, %swap3A_188] : memref<8x128xf32, #tpu.memory_space<vmem>>, vector<1x128xf32>
    tpu.vector_store %arg17[%swap3A_187, %swap3A_188], %add3A_186 {strides = array<i32>} : memref<8x128xf32, #tpu.memory_space<vmem>>, vector<1x128xf32>,
    %get3A_190 = arith.constant 0 : index
    %get3A_191 = arith.constant 0 : index
    %get3A_192 = vector.load %arg18[%get3A_190, %get3A_191] : memref<8x128xf32, #tpu.memory_space<vmem>>, vector<1x128xf32>
    %reduce_sum3A_193 = arith.constant dense<0.000000e+00> : vector<128xf32>
    %reduce_sum3A_194 = vector.multi_reduction <add>, %convert_element_type3A_168, %reduce_sum3A_193 [0] : vector<400x128xf32> to vector<128xf32>
    %broadcast_in_dim3A_195 = vector.shape_cast %reduce_sum3A_194 : vector<128xf32> to vector<1x128xf32>
    %add3A_196 = arith.addf %get3A_192, %broadcast_in_dim3A_195 : vector<1x128xf32>
    %swap3A_197 = arith.constant 0 : index
    %swap3A_198 = arith.constant 0 : index
    %swap3A_199 = vector.load %arg18[%swap3A_197, %swap3A_198] : memref<8x128xf32, #tpu.memory_space<vmem>>, vector<1x128xf32>
    tpu.vector_store %arg18[%swap3A_197, %swap3A_198], %add3A_196 {strides = array<i32>} : memref<8x128xf32, #tpu.memory_space<vmem>>, vector<1x128xf32>,
    %eq3A_200 = arith.constant 1 : i32
    %eq3A_201 = vector.broadcast %eq3A_200 : i32 to vector<400x128xi32>
    %eq3A_202 = arith.cmpi eq, %get3A_1, %eq3A_201 : vector<400x128xi32>
    %convert_element_type3A_203 = arith.extui %eq3A_202 : vector<400x128xi1> to vector<400x128xi32>
    %convert_element_type3A_204 = arith.sitofp %convert_element_type3A_203 : vector<400x128xi32> to vector<400x128xf32>
    %mul3A_205 = arith.mulf %add3A_158, %convert_element_type3A_204 : vector<400x128xf32>
    %get3A_206 = arith.constant 1 : index
    %get3A_207 = arith.constant 0 : index
    %get3A_208 = vector.load %arg16[%get3A_206, %get3A_207] : memref<8x128xf32, #tpu.memory_space<vmem>>, vector<1x128xf32>
    %reduce_sum3A_209 = arith.constant dense<0.000000e+00> : vector<128xf32>
    %reduce_sum3A_210 = vector.multi_reduction <add>, %mul3A_205, %reduce_sum3A_209 [0] : vector<400x128xf32> to vector<128xf32>
    %broadcast_in_dim3A_211 = vector.shape_cast %reduce_sum3A_210 : vector<128xf32> to vector<1x128xf32>
    %add3A_212 = arith.addf %get3A_208, %broadcast_in_dim3A_211 : vector<1x128xf32>
    %swap3A_213 = arith.constant 1 : index
    %swap3A_214 = arith.constant 0 : index
    %swap3A_215 = vector.load %arg16[%swap3A_213, %swap3A_214] : memref<8x128xf32, #tpu.memory_space<vmem>>, vector<1x128xf32>
    tpu.vector_store %arg16[%swap3A_213, %swap3A_214], %add3A_212 {strides = array<i32>} : memref<8x128xf32, #tpu.memory_space<vmem>>, vector<1x128xf32>,
    %get3A_216 = arith.constant 1 : index
    %get3A_217 = arith.constant 0 : index
    %get3A_218 = vector.load %arg17[%get3A_216, %get3A_217] : memref<8x128xf32, #tpu.memory_space<vmem>>, vector<1x128xf32>
    %mul3A_219 = arith.mulf %mul3A_205, %add3A_158 : vector<400x128xf32>
    %reduce_sum3A_220 = arith.constant dense<0.000000e+00> : vector<128xf32>
    %reduce_sum3A_221 = vector.multi_reduction <add>, %mul3A_219, %reduce_sum3A_220 [0] : vector<400x128xf32> to vector<128xf32>
    %broadcast_in_dim3A_222 = vector.shape_cast %reduce_sum3A_221 : vector<128xf32> to vector<1x128xf32>
    %add3A_223 = arith.addf %get3A_218, %broadcast_in_dim3A_222 : vector<1x128xf32>
    %swap3A_224 = arith.constant 1 : index
    %swap3A_225 = arith.constant 0 : index
    %swap3A_226 = vector.load %arg17[%swap3A_224, %swap3A_225] : memref<8x128xf32, #tpu.memory_space<vmem>>, vector<1x128xf32>
    tpu.vector_store %arg17[%swap3A_224, %swap3A_225], %add3A_223 {strides = array<i32>} : memref<8x128xf32, #tpu.memory_space<vmem>>, vector<1x128xf32>,
    %get3A_227 = arith.constant 1 : index
    %get3A_228 = arith.constant 0 : index
    %get3A_229 = vector.load %arg18[%get3A_227, %get3A_228] : memref<8x128xf32, #tpu.memory_space<vmem>>, vector<1x128xf32>
    %reduce_sum3A_230 = arith.constant dense<0.000000e+00> : vector<128xf32>
    %reduce_sum3A_231 = vector.multi_reduction <add>, %convert_element_type3A_204, %reduce_sum3A_230 [0] : vector<400x128xf32> to vector<128xf32>
    %broadcast_in_dim3A_232 = vector.shape_cast %reduce_sum3A_231 : vector<128xf32> to vector<1x128xf32>
    %add3A_233 = arith.addf %get3A_229, %broadcast_in_dim3A_232 : vector<1x128xf32>
    %swap3A_234 = arith.constant 1 : index
    %swap3A_235 = arith.constant 0 : index
    %swap3A_236 = vector.load %arg18[%swap3A_234, %swap3A_235] : memref<8x128xf32, #tpu.memory_space<vmem>>, vector<1x128xf32>
    tpu.vector_store %arg18[%swap3A_234, %swap3A_235], %add3A_233 {strides = array<i32>} : memref<8x128xf32, #tpu.memory_space<vmem>>, vector<1x128xf32>,
    %eq3A_237 = arith.constant 2 : i32
    %eq3A_238 = vector.broadcast %eq3A_237 : i32 to vector<400x128xi32>
    %eq3A_239 = arith.cmpi eq, %get3A_1, %eq3A_238 : vector<400x128xi32>
    %convert_element_type3A_240 = arith.extui %eq3A_239 : vector<400x128xi1> to vector<400x128xi32>
    %convert_element_type3A_241 = arith.sitofp %convert_element_type3A_240 : vector<400x128xi32> to vector<400x128xf32>
    %mul3A_242 = arith.mulf %add3A_158, %convert_element_type3A_241 : vector<400x128xf32>
    %get3A_243 = arith.constant 2 : index
    %get3A_244 = arith.constant 0 : index
    %get3A_245 = vector.load %arg16[%get3A_243, %get3A_244] : memref<8x128xf32, #tpu.memory_space<vmem>>, vector<1x128xf32>
    %reduce_sum3A_246 = arith.constant dense<0.000000e+00> : vector<128xf32>
    %reduce_sum3A_247 = vector.multi_reduction <add>, %mul3A_242, %reduce_sum3A_246 [0] : vector<400x128xf32> to vector<128xf32>
    %broadcast_in_dim3A_248 = vector.shape_cast %reduce_sum3A_247 : vector<128xf32> to vector<1x128xf32>
    %add3A_249 = arith.addf %get3A_245, %broadcast_in_dim3A_248 : vector<1x128xf32>
    %swap3A_250 = arith.constant 2 : index
    %swap3A_251 = arith.constant 0 : index
    %swap3A_252 = vector.load %arg16[%swap3A_250, %swap3A_251] : memref<8x128xf32, #tpu.memory_space<vmem>>, vector<1x128xf32>
    tpu.vector_store %arg16[%swap3A_250, %swap3A_251], %add3A_249 {strides = array<i32>} : memref<8x128xf32, #tpu.memory_space<vmem>>, vector<1x128xf32>,
    %get3A_253 = arith.constant 2 : index
    %get3A_254 = arith.constant 0 : index
    %get3A_255 = vector.load %arg17[%get3A_253, %get3A_254] : memref<8x128xf32, #tpu.memory_space<vmem>>, vector<1x128xf32>
    %mul3A_256 = arith.mulf %mul3A_242, %add3A_158 : vector<400x128xf32>
    %reduce_sum3A_257 = arith.constant dense<0.000000e+00> : vector<128xf32>
    %reduce_sum3A_258 = vector.multi_reduction <add>, %mul3A_256, %reduce_sum3A_257 [0] : vector<400x128xf32> to vector<128xf32>
    %broadcast_in_dim3A_259 = vector.shape_cast %reduce_sum3A_258 : vector<128xf32> to vector<1x128xf32>
    %add3A_260 = arith.addf %get3A_255, %broadcast_in_dim3A_259 : vector<1x128xf32>
    %swap3A_261 = arith.constant 2 : index
    %swap3A_262 = arith.constant 0 : index
    %swap3A_263 = vector.load %arg17[%swap3A_261, %swap3A_262] : memref<8x128xf32, #tpu.memory_space<vmem>>, vector<1x128xf32>
    tpu.vector_store %arg17[%swap3A_261, %swap3A_262], %add3A_260 {strides = array<i32>} : memref<8x128xf32, #tpu.memory_space<vmem>>, vector<1x128xf32>,
    %get3A_264 = arith.constant 2 : index
    %get3A_265 = arith.constant 0 : index
    %get3A_266 = vector.load %arg18[%get3A_264, %get3A_265] : memref<8x128xf32, #tpu.memory_space<vmem>>, vector<1x128xf32>
    %reduce_sum3A_267 = arith.constant dense<0.000000e+00> : vector<128xf32>
    %reduce_sum3A_268 = vector.multi_reduction <add>, %convert_element_type3A_241, %reduce_sum3A_267 [0] : vector<400x128xf32> to vector<128xf32>
    %broadcast_in_dim3A_269 = vector.shape_cast %reduce_sum3A_268 : vector<128xf32> to vector<1x128xf32>
    %add3A_270 = arith.addf %get3A_266, %broadcast_in_dim3A_269 : vector<1x128xf32>
    %swap3A_271 = arith.constant 2 : index
    %swap3A_272 = arith.constant 0 : index
    %swap3A_273 = vector.load %arg18[%swap3A_271, %swap3A_272] : memref<8x128xf32, #tpu.memory_space<vmem>>, vector<1x128xf32>
    tpu.vector_store %arg18[%swap3A_271, %swap3A_272], %add3A_270 {strides = array<i32>} : memref<8x128xf32, #tpu.memory_space<vmem>>, vector<1x128xf32>,
    %eq3A_274 = arith.constant 3 : i32
    %eq3A_275 = vector.broadcast %eq3A_274 : i32 to vector<400x128xi32>
    %eq3A_276 = arith.cmpi eq, %get3A_1, %eq3A_275 : vector<400x128xi32>
    %convert_element_type3A_277 = arith.extui %eq3A_276 : vector<400x128xi1> to vector<400x128xi32>
    %convert_element_type3A_278 = arith.sitofp %convert_element_type3A_277 : vector<400x128xi32> to vector<400x128xf32>
    %mul3A_279 = arith.mulf %add3A_158, %convert_element_type3A_278 : vector<400x128xf32>
    %get3A_280 = arith.constant 3 : index
    %get3A_281 = arith.constant 0 : index
    %get3A_282 = vector.load %arg16[%get3A_280, %get3A_281] : memref<8x128xf32, #tpu.memory_space<vmem>>, vector<1x128xf32>
    %reduce_sum3A_283 = arith.constant dense<0.000000e+00> : vector<128xf32>
    %reduce_sum3A_284 = vector.multi_reduction <add>, %mul3A_279, %reduce_sum3A_283 [0] : vector<400x128xf32> to vector<128xf32>
    %broadcast_in_dim3A_285 = vector.shape_cast %reduce_sum3A_284 : vector<128xf32> to vector<1x128xf32>
    %add3A_286 = arith.addf %get3A_282, %broadcast_in_dim3A_285 : vector<1x128xf32>
    %swap3A_287 = arith.constant 3 : index
    %swap3A_288 = arith.constant 0 : index
    %swap3A_289 = vector.load %arg16[%swap3A_287, %swap3A_288] : memref<8x128xf32, #tpu.memory_space<vmem>>, vector<1x128xf32>
    tpu.vector_store %arg16[%swap3A_287, %swap3A_288], %add3A_286 {strides = array<i32>} : memref<8x128xf32, #tpu.memory_space<vmem>>, vector<1x128xf32>,
    %get3A_290 = arith.constant 3 : index
    %get3A_291 = arith.constant 0 : index
    %get3A_292 = vector.load %arg17[%get3A_290, %get3A_291] : memref<8x128xf32, #tpu.memory_space<vmem>>, vector<1x128xf32>
    %mul3A_293 = arith.mulf %mul3A_279, %add3A_158 : vector<400x128xf32>
    %reduce_sum3A_294 = arith.constant dense<0.000000e+00> : vector<128xf32>
    %reduce_sum3A_295 = vector.multi_reduction <add>, %mul3A_293, %reduce_sum3A_294 [0] : vector<400x128xf32> to vector<128xf32>
    %broadcast_in_dim3A_296 = vector.shape_cast %reduce_sum3A_295 : vector<128xf32> to vector<1x128xf32>
    %add3A_297 = arith.addf %get3A_292, %broadcast_in_dim3A_296 : vector<1x128xf32>
    %swap3A_298 = arith.constant 3 : index
    %swap3A_299 = arith.constant 0 : index
    %swap3A_300 = vector.load %arg17[%swap3A_298, %swap3A_299] : memref<8x128xf32, #tpu.memory_space<vmem>>, vector<1x128xf32>
    tpu.vector_store %arg17[%swap3A_298, %swap3A_299], %add3A_297 {strides = array<i32>} : memref<8x128xf32, #tpu.memory_space<vmem>>, vector<1x128xf32>,
    %get3A_301 = arith.constant 3 : index
    %get3A_302 = arith.constant 0 : index
    %get3A_303 = vector.load %arg18[%get3A_301, %get3A_302] : memref<8x128xf32, #tpu.memory_space<vmem>>, vector<1x128xf32>
    %reduce_sum3A_304 = arith.constant dense<0.000000e+00> : vector<128xf32>
    %reduce_sum3A_305 = vector.multi_reduction <add>, %convert_element_type3A_278, %reduce_sum3A_304 [0] : vector<400x128xf32> to vector<128xf32>
    %broadcast_in_dim3A_306 = vector.shape_cast %reduce_sum3A_305 : vector<128xf32> to vector<1x128xf32>
    %add3A_307 = arith.addf %get3A_303, %broadcast_in_dim3A_306 : vector<1x128xf32>
    %swap3A_308 = arith.constant 3 : index
    %swap3A_309 = arith.constant 0 : index
    %swap3A_310 = vector.load %arg18[%swap3A_308, %swap3A_309] : memref<8x128xf32, #tpu.memory_space<vmem>>, vector<1x128xf32>
    tpu.vector_store %arg18[%swap3A_308, %swap3A_309], %add3A_307 {strides = array<i32>} : memref<8x128xf32, #tpu.memory_space<vmem>>, vector<1x128xf32>,
    %eq3A_311 = arith.constant 4 : i32
    %eq3A_312 = vector.broadcast %eq3A_311 : i32 to vector<400x128xi32>
    %eq3A_313 = arith.cmpi eq, %get3A_1, %eq3A_312 : vector<400x128xi32>
    %convert_element_type3A_314 = arith.extui %eq3A_313 : vector<400x128xi1> to vector<400x128xi32>
    %convert_element_type3A_315 = arith.sitofp %convert_element_type3A_314 : vector<400x128xi32> to vector<400x128xf32>
    %mul3A_316 = arith.mulf %add3A_158, %convert_element_type3A_315 : vector<400x128xf32>
    %get3A_317 = arith.constant 4 : index
    %get3A_318 = arith.constant 0 : index
    %get3A_319 = vector.load %arg16[%get3A_317, %get3A_318] : memref<8x128xf32, #tpu.memory_space<vmem>>, vector<1x128xf32>
    %reduce_sum3A_320 = arith.constant dense<0.000000e+00> : vector<128xf32>
    %reduce_sum3A_321 = vector.multi_reduction <add>, %mul3A_316, %reduce_sum3A_320 [0] : vector<400x128xf32> to vector<128xf32>
    %broadcast_in_dim3A_322 = vector.shape_cast %reduce_sum3A_321 : vector<128xf32> to vector<1x128xf32>
    %add3A_323 = arith.addf %get3A_319, %broadcast_in_dim3A_322 : vector<1x128xf32>
    %swap3A_324 = arith.constant 4 : index
    %swap3A_325 = arith.constant 0 : index
    %swap3A_326 = vector.load %arg16[%swap3A_324, %swap3A_325] : memref<8x128xf32, #tpu.memory_space<vmem>>, vector<1x128xf32>
    tpu.vector_store %arg16[%swap3A_324, %swap3A_325], %add3A_323 {strides = array<i32>} : memref<8x128xf32, #tpu.memory_space<vmem>>, vector<1x128xf32>,
    %get3A_327 = arith.constant 4 : index
    %get3A_328 = arith.constant 0 : index
    %get3A_329 = vector.load %arg17[%get3A_327, %get3A_328] : memref<8x128xf32, #tpu.memory_space<vmem>>, vector<1x128xf32>
    %mul3A_330 = arith.mulf %mul3A_316, %add3A_158 : vector<400x128xf32>
    %reduce_sum3A_331 = arith.constant dense<0.000000e+00> : vector<128xf32>
    %reduce_sum3A_332 = vector.multi_reduction <add>, %mul3A_330, %reduce_sum3A_331 [0] : vector<400x128xf32> to vector<128xf32>
    %broadcast_in_dim3A_333 = vector.shape_cast %reduce_sum3A_332 : vector<128xf32> to vector<1x128xf32>
    %add3A_334 = arith.addf %get3A_329, %broadcast_in_dim3A_333 : vector<1x128xf32>
    %swap3A_335 = arith.constant 4 : index
    %swap3A_336 = arith.constant 0 : index
    %swap3A_337 = vector.load %arg17[%swap3A_335, %swap3A_336] : memref<8x128xf32, #tpu.memory_space<vmem>>, vector<1x128xf32>
    tpu.vector_store %arg17[%swap3A_335, %swap3A_336], %add3A_334 {strides = array<i32>} : memref<8x128xf32, #tpu.memory_space<vmem>>, vector<1x128xf32>,
    %get3A_338 = arith.constant 4 : index
    %get3A_339 = arith.constant 0 : index
    %get3A_340 = vector.load %arg18[%get3A_338, %get3A_339] : memref<8x128xf32, #tpu.memory_space<vmem>>, vector<1x128xf32>
    %reduce_sum3A_341 = arith.constant dense<0.000000e+00> : vector<128xf32>
    %reduce_sum3A_342 = vector.multi_reduction <add>, %convert_element_type3A_315, %reduce_sum3A_341 [0] : vector<400x128xf32> to vector<128xf32>
    %broadcast_in_dim3A_343 = vector.shape_cast %reduce_sum3A_342 : vector<128xf32> to vector<1x128xf32>
    %add3A_344 = arith.addf %get3A_340, %broadcast_in_dim3A_343 : vector<1x128xf32>
    %swap3A_345 = arith.constant 4 : index
    %swap3A_346 = arith.constant 0 : index
    %swap3A_347 = vector.load %arg18[%swap3A_345, %swap3A_346] : memref<8x128xf32, #tpu.memory_space<vmem>>, vector<1x128xf32>
    tpu.vector_store %arg18[%swap3A_345, %swap3A_346], %add3A_344 {strides = array<i32>} : memref<8x128xf32, #tpu.memory_space<vmem>>, vector<1x128xf32>,
    %eq3A_348 = arith.constant 5 : i32
    %eq3A_349 = vector.broadcast %eq3A_348 : i32 to vector<400x128xi32>
    %eq3A_350 = arith.cmpi eq, %get3A_1, %eq3A_349 : vector<400x128xi32>
    %convert_element_type3A_351 = arith.extui %eq3A_350 : vector<400x128xi1> to vector<400x128xi32>
    %convert_element_type3A_352 = arith.sitofp %convert_element_type3A_351 : vector<400x128xi32> to vector<400x128xf32>
    %mul3A_353 = arith.mulf %add3A_158, %convert_element_type3A_352 : vector<400x128xf32>
    %get3A_354 = arith.constant 5 : index
    %get3A_355 = arith.constant 0 : index
    %get3A_356 = vector.load %arg16[%get3A_354, %get3A_355] : memref<8x128xf32, #tpu.memory_space<vmem>>, vector<1x128xf32>
    %reduce_sum3A_357 = arith.constant dense<0.000000e+00> : vector<128xf32>
    %reduce_sum3A_358 = vector.multi_reduction <add>, %mul3A_353, %reduce_sum3A_357 [0] : vector<400x128xf32> to vector<128xf32>
    %broadcast_in_dim3A_359 = vector.shape_cast %reduce_sum3A_358 : vector<128xf32> to vector<1x128xf32>
    %add3A_360 = arith.addf %get3A_356, %broadcast_in_dim3A_359 : vector<1x128xf32>
    %swap3A_361 = arith.constant 5 : index
    %swap3A_362 = arith.constant 0 : index
    %swap3A_363 = vector.load %arg16[%swap3A_361, %swap3A_362] : memref<8x128xf32, #tpu.memory_space<vmem>>, vector<1x128xf32>
    tpu.vector_store %arg16[%swap3A_361, %swap3A_362], %add3A_360 {strides = array<i32>} : memref<8x128xf32, #tpu.memory_space<vmem>>, vector<1x128xf32>,
    %get3A_364 = arith.constant 5 : index
    %get3A_365 = arith.constant 0 : index
    %get3A_366 = vector.load %arg17[%get3A_364, %get3A_365] : memref<8x128xf32, #tpu.memory_space<vmem>>, vector<1x128xf32>
    %mul3A_367 = arith.mulf %mul3A_353, %add3A_158 : vector<400x128xf32>
    %reduce_sum3A_368 = arith.constant dense<0.000000e+00> : vector<128xf32>
    %reduce_sum3A_369 = vector.multi_reduction <add>, %mul3A_367, %reduce_sum3A_368 [0] : vector<400x128xf32> to vector<128xf32>
    %broadcast_in_dim3A_370 = vector.shape_cast %reduce_sum3A_369 : vector<128xf32> to vector<1x128xf32>
    %add3A_371 = arith.addf %get3A_366, %broadcast_in_dim3A_370 : vector<1x128xf32>
    %swap3A_372 = arith.constant 5 : index
    %swap3A_373 = arith.constant 0 : index
    %swap3A_374 = vector.load %arg17[%swap3A_372, %swap3A_373] : memref<8x128xf32, #tpu.memory_space<vmem>>, vector<1x128xf32>
    tpu.vector_store %arg17[%swap3A_372, %swap3A_373], %add3A_371 {strides = array<i32>} : memref<8x128xf32, #tpu.memory_space<vmem>>, vector<1x128xf32>,
    %get3A_375 = arith.constant 5 : index
    %get3A_376 = arith.constant 0 : index
    %get3A_377 = vector.load %arg18[%get3A_375, %get3A_376] : memref<8x128xf32, #tpu.memory_space<vmem>>, vector<1x128xf32>
    %reduce_sum3A_378 = arith.constant dense<0.000000e+00> : vector<128xf32>
    %reduce_sum3A_379 = vector.multi_reduction <add>, %convert_element_type3A_352, %reduce_sum3A_378 [0] : vector<400x128xf32> to vector<128xf32>
    %broadcast_in_dim3A_380 = vector.shape_cast %reduce_sum3A_379 : vector<128xf32> to vector<1x128xf32>
    %add3A_381 = arith.addf %get3A_377, %broadcast_in_dim3A_380 : vector<1x128xf32>
    %swap3A_382 = arith.constant 5 : index
    %swap3A_383 = arith.constant 0 : index
    %swap3A_384 = vector.load %arg18[%swap3A_382, %swap3A_383] : memref<8x128xf32, #tpu.memory_space<vmem>>, vector<1x128xf32>
    tpu.vector_store %arg18[%swap3A_382, %swap3A_383], %add3A_381 {strides = array<i32>} : memref<8x128xf32, #tpu.memory_space<vmem>>, vector<1x128xf32>,
    %eq3A_385 = arith.constant 6 : i32
    %eq3A_386 = vector.broadcast %eq3A_385 : i32 to vector<400x128xi32>
    %eq3A_387 = arith.cmpi eq, %get3A_1, %eq3A_386 : vector<400x128xi32>
    %convert_element_type3A_388 = arith.extui %eq3A_387 : vector<400x128xi1> to vector<400x128xi32>
    %convert_element_type3A_389 = arith.sitofp %convert_element_type3A_388 : vector<400x128xi32> to vector<400x128xf32>
    %mul3A_390 = arith.mulf %add3A_158, %convert_element_type3A_389 : vector<400x128xf32>
    %get3A_391 = arith.constant 6 : index
    %get3A_392 = arith.constant 0 : index
    %get3A_393 = vector.load %arg16[%get3A_391, %get3A_392] : memref<8x128xf32, #tpu.memory_space<vmem>>, vector<1x128xf32>
    %reduce_sum3A_394 = arith.constant dense<0.000000e+00> : vector<128xf32>
    %reduce_sum3A_395 = vector.multi_reduction <add>, %mul3A_390, %reduce_sum3A_394 [0] : vector<400x128xf32> to vector<128xf32>
    %broadcast_in_dim3A_396 = vector.shape_cast %reduce_sum3A_395 : vector<128xf32> to vector<1x128xf32>
    %add3A_397 = arith.addf %get3A_393, %broadcast_in_dim3A_396 : vector<1x128xf32>
    %swap3A_398 = arith.constant 6 : index
    %swap3A_399 = arith.constant 0 : index
    %swap3A_400 = vector.load %arg16[%swap3A_398, %swap3A_399] : memref<8x128xf32, #tpu.memory_space<vmem>>, vector<1x128xf32>
    tpu.vector_store %arg16[%swap3A_398, %swap3A_399], %add3A_397 {strides = array<i32>} : memref<8x128xf32, #tpu.memory_space<vmem>>, vector<1x128xf32>,
    %get3A_401 = arith.constant 6 : index
    %get3A_402 = arith.constant 0 : index
    %get3A_403 = vector.load %arg17[%get3A_401, %get3A_402] : memref<8x128xf32, #tpu.memory_space<vmem>>, vector<1x128xf32>
    %mul3A_404 = arith.mulf %mul3A_390, %add3A_158 : vector<400x128xf32>
    %reduce_sum3A_405 = arith.constant dense<0.000000e+00> : vector<128xf32>
    %reduce_sum3A_406 = vector.multi_reduction <add>, %mul3A_404, %reduce_sum3A_405 [0] : vector<400x128xf32> to vector<128xf32>
    %broadcast_in_dim3A_407 = vector.shape_cast %reduce_sum3A_406 : vector<128xf32> to vector<1x128xf32>
    %add3A_408 = arith.addf %get3A_403, %broadcast_in_dim3A_407 : vector<1x128xf32>
    %swap3A_409 = arith.constant 6 : index
    %swap3A_410 = arith.constant 0 : index
    %swap3A_411 = vector.load %arg17[%swap3A_409, %swap3A_410] : memref<8x128xf32, #tpu.memory_space<vmem>>, vector<1x128xf32>
    tpu.vector_store %arg17[%swap3A_409, %swap3A_410], %add3A_408 {strides = array<i32>} : memref<8x128xf32, #tpu.memory_space<vmem>>, vector<1x128xf32>,
    %get3A_412 = arith.constant 6 : index
    %get3A_413 = arith.constant 0 : index
    %get3A_414 = vector.load %arg18[%get3A_412, %get3A_413] : memref<8x128xf32, #tpu.memory_space<vmem>>, vector<1x128xf32>
    %reduce_sum3A_415 = arith.constant dense<0.000000e+00> : vector<128xf32>
    %reduce_sum3A_416 = vector.multi_reduction <add>, %convert_element_type3A_389, %reduce_sum3A_415 [0] : vector<400x128xf32> to vector<128xf32>
    %broadcast_in_dim3A_417 = vector.shape_cast %reduce_sum3A_416 : vector<128xf32> to vector<1x128xf32>
    %add3A_418 = arith.addf %get3A_414, %broadcast_in_dim3A_417 : vector<1x128xf32>
    %swap3A_419 = arith.constant 6 : index
    %swap3A_420 = arith.constant 0 : index
    %swap3A_421 = vector.load %arg18[%swap3A_419, %swap3A_420] : memref<8x128xf32, #tpu.memory_space<vmem>>, vector<1x128xf32>
    tpu.vector_store %arg18[%swap3A_419, %swap3A_420], %add3A_418 {strides = array<i32>} : memref<8x128xf32, #tpu.memory_space<vmem>>, vector<1x128xf32>,
    %eq3A_422 = arith.constant 7 : i32
    %eq3A_423 = vector.broadcast %eq3A_422 : i32 to vector<400x128xi32>
    %eq3A_424 = arith.cmpi eq, %get3A_1, %eq3A_423 : vector<400x128xi32>
    %convert_element_type3A_425 = arith.extui %eq3A_424 : vector<400x128xi1> to vector<400x128xi32>
    %convert_element_type3A_426 = arith.sitofp %convert_element_type3A_425 : vector<400x128xi32> to vector<400x128xf32>
    %mul3A_427 = arith.mulf %add3A_158, %convert_element_type3A_426 : vector<400x128xf32>
    %get3A_428 = arith.constant 7 : index
    %get3A_429 = arith.constant 0 : index
    %get3A_430 = vector.load %arg16[%get3A_428, %get3A_429] : memref<8x128xf32, #tpu.memory_space<vmem>>, vector<1x128xf32>
    %reduce_sum3A_431 = arith.constant dense<0.000000e+00> : vector<128xf32>
    %reduce_sum3A_432 = vector.multi_reduction <add>, %mul3A_427, %reduce_sum3A_431 [0] : vector<400x128xf32> to vector<128xf32>
    %broadcast_in_dim3A_433 = vector.shape_cast %reduce_sum3A_432 : vector<128xf32> to vector<1x128xf32>
    %add3A_434 = arith.addf %get3A_430, %broadcast_in_dim3A_433 : vector<1x128xf32>
    %swap3A_435 = arith.constant 7 : index
    %swap3A_436 = arith.constant 0 : index
    %swap3A_437 = vector.load %arg16[%swap3A_435, %swap3A_436] : memref<8x128xf32, #tpu.memory_space<vmem>>, vector<1x128xf32>
    tpu.vector_store %arg16[%swap3A_435, %swap3A_436], %add3A_434 {strides = array<i32>} : memref<8x128xf32, #tpu.memory_space<vmem>>, vector<1x128xf32>,
    %get3A_438 = arith.constant 7 : index
    %get3A_439 = arith.constant 0 : index
    %get3A_440 = vector.load %arg17[%get3A_438, %get3A_439] : memref<8x128xf32, #tpu.memory_space<vmem>>, vector<1x128xf32>
    %mul3A_441 = arith.mulf %mul3A_427, %add3A_158 : vector<400x128xf32>
    %reduce_sum3A_442 = arith.constant dense<0.000000e+00> : vector<128xf32>
    %reduce_sum3A_443 = vector.multi_reduction <add>, %mul3A_441, %reduce_sum3A_442 [0] : vector<400x128xf32> to vector<128xf32>
    %broadcast_in_dim3A_444 = vector.shape_cast %reduce_sum3A_443 : vector<128xf32> to vector<1x128xf32>
    %add3A_445 = arith.addf %get3A_440, %broadcast_in_dim3A_444 : vector<1x128xf32>
    %swap3A_446 = arith.constant 7 : index
    %swap3A_447 = arith.constant 0 : index
    %swap3A_448 = vector.load %arg17[%swap3A_446, %swap3A_447] : memref<8x128xf32, #tpu.memory_space<vmem>>, vector<1x128xf32>
    tpu.vector_store %arg17[%swap3A_446, %swap3A_447], %add3A_445 {strides = array<i32>} : memref<8x128xf32, #tpu.memory_space<vmem>>, vector<1x128xf32>,
    %get3A_449 = arith.constant 7 : index
    %get3A_450 = arith.constant 0 : index
    %get3A_451 = vector.load %arg18[%get3A_449, %get3A_450] : memref<8x128xf32, #tpu.memory_space<vmem>>, vector<1x128xf32>
    %reduce_sum3A_452 = arith.constant dense<0.000000e+00> : vector<128xf32>
    %reduce_sum3A_453 = vector.multi_reduction <add>, %convert_element_type3A_426, %reduce_sum3A_452 [0] : vector<400x128xf32> to vector<128xf32>
    %broadcast_in_dim3A_454 = vector.shape_cast %reduce_sum3A_453 : vector<128xf32> to vector<1x128xf32>
    %add3A_455 = arith.addf %get3A_451, %broadcast_in_dim3A_454 : vector<1x128xf32>
    %swap3A_456 = arith.constant 7 : index
    %swap3A_457 = arith.constant 0 : index
    %swap3A_458 = vector.load %arg18[%swap3A_456, %swap3A_457] : memref<8x128xf32, #tpu.memory_space<vmem>>, vector<1x128xf32>
    tpu.vector_store %arg18[%swap3A_456, %swap3A_457], %add3A_455 {strides = array<i32>} : memref<8x128xf32, #tpu.memory_space<vmem>>, vector<1x128xf32>,
    %eq3A_459 = arith.constant 24 : i32
    %eq3A_460 = arith.cmpi eq, %arg0, %eq3A_459 : i32
    %convert_element_type3A_461 = arith.extui %eq3A_460 : i1 to i32
    %cond3A_462 = arith.constant 0 : i32
    %cond3A_463 = arith.cmpi ne, %convert_element_type3A_461, %cond3A_462 : i32
    scf.if %cond3A_463 {
      %get3A_464 = arith.constant 0 : index
      %get3A_465 = arith.constant 0 : index
      %get3A_466 = vector.load %arg18[%get3A_464, %get3A_465] : memref<8x128xf32, #tpu.memory_space<vmem>>, vector<8x128xf32>
      %max3A_467 = arith.constant 1.000000e+00 : f32
      %max3A_468 = vector.broadcast %max3A_467 : f32 to vector<8x128xf32>
      %max3A_469 = arith.maximumf %get3A_466, %max3A_468 : vector<8x128xf32>
      %get3A_470 = arith.constant 0 : index
      %get3A_471 = arith.constant 0 : index
      %get3A_472 = vector.load %arg16[%get3A_470, %get3A_471] : memref<8x128xf32, #tpu.memory_space<vmem>>, vector<8x128xf32>
      %div3A = arith.divf %get3A_472, %max3A_469 : vector<8x128xf32>
      %get3A_473 = arith.constant 0 : index
      %get3A_474 = arith.constant 0 : index
      %get3A_475 = vector.load %arg12[%get3A_473, %get3A_474] : memref<1x128xf32, #tpu.memory_space<vmem>>, vector<1x128xf32>
      %mul3A_476 = vector.broadcast %get3A_475 : vector<1x128xf32> to vector<8x128xf32>
      %mul3A_477 = arith.mulf %div3A, %mul3A_476 : vector<8x128xf32>
      %get3A_478 = arith.constant 0 : index
      %get3A_479 = arith.constant 0 : index
      %get3A_480 = vector.load %arg17[%get3A_478, %get3A_479] : memref<8x128xf32, #tpu.memory_space<vmem>>, vector<8x128xf32>
      %div3A_481 = arith.divf %get3A_480, %max3A_469 : vector<8x128xf32>
      %mul3A_482 = arith.constant 2.000000e+00 : f32
      %mul3A_483 = vector.broadcast %mul3A_482 : f32 to vector<8x128xf32>
      %mul3A_484 = arith.mulf %mul3A_483, %mul3A_477 : vector<8x128xf32>
      %mul3A_485 = arith.mulf %mul3A_484, %div3A : vector<8x128xf32>
      %sub3A_486 = arith.subf %div3A_481, %mul3A_485 : vector<8x128xf32>
      %mul3A_487 = arith.mulf %mul3A_477, %mul3A_477 : vector<8x128xf32>
      %add3A_488 = arith.addf %sub3A_486, %mul3A_487 : vector<8x128xf32>
      %swap3A_489 = arith.constant 0 : index
      %swap3A_490 = arith.constant 0 : index
      %swap3A_491 = vector.load %arg14[%swap3A_489, %swap3A_490] : memref<8x128xf32, #tpu.memory_space<vmem>>, vector<8x128xf32>
      tpu.vector_store %arg14[%swap3A_489, %swap3A_490], %mul3A_477 {strides = array<i32>} : memref<8x128xf32, #tpu.memory_space<vmem>>, vector<8x128xf32>,
      %add3A_492 = arith.constant 9.99999974E-6 : f32
      %add3A_493 = vector.broadcast %add3A_492 : f32 to vector<8x128xf32>
      %add3A_494 = arith.addf %add3A_488, %add3A_493 : vector<8x128xf32>
      %sqrt3A = math.sqrt %add3A_494 : vector<8x128xf32>
      %div3A_495 = arith.constant 1.000000e+00 : f32
      %div3A_496 = vector.broadcast %div3A_495 : f32 to vector<8x128xf32>
      %div3A_497 = arith.divf %div3A_496, %sqrt3A : vector<8x128xf32>
      %swap3A_498 = arith.constant 0 : index
      %swap3A_499 = arith.constant 0 : index
      %swap3A_500 = vector.load %arg15[%swap3A_498, %swap3A_499] : memref<8x128xf32, #tpu.memory_space<vmem>>, vector<8x128xf32>
      tpu.vector_store %arg15[%swap3A_498, %swap3A_499], %div3A_497 {strides = array<i32>} : memref<8x128xf32, #tpu.memory_space<vmem>>, vector<8x128xf32>,
    } else {
    }
    return
  }
  func.func @transform_0(%arg0: i32) -> (i32, i32) {
    %c0_i32 = arith.constant 0 : i32
    %c0_i32_0 = arith.constant 0 : i32
    return %arg0, %c0_i32 : i32, i32
  }
  func.func @transform_1(%arg0: i32) -> (i32, i32) {
    %c0_i32 = arith.constant 0 : i32
    %c0_i32_0 = arith.constant 0 : i32
    return %arg0, %c0_i32 : i32, i32
  }
  func.func @transform_2(%arg0: i32) -> (i32, i32) {
    %c0_i32 = arith.constant 0 : i32
    %c0_i32_0 = arith.constant 0 : i32
    return %arg0, %c0_i32 : i32, i32
  }
  func.func @transform_3(%arg0: i32) -> (i32, i32) {
    %c0_i32 = arith.constant 0 : i32
    %c0_i32_0 = arith.constant 0 : i32
    %c0_i32_1 = arith.constant 0 : i32
    return %c0_i32, %c0_i32_0 : i32, i32
  }
  func.func @transform_4(%arg0: i32) -> (i32, i32) {
    %c0_i32 = arith.constant 0 : i32
    %c0_i32_0 = arith.constant 0 : i32
    %c0_i32_1 = arith.constant 0 : i32
    return %c0_i32, %c0_i32_0 : i32, i32
  }
  func.func @transform_5(%arg0: i32) -> (i32, i32) {
    %c0_i32 = arith.constant 0 : i32
    %c0_i32_0 = arith.constant 0 : i32
    %c0_i32_1 = arith.constant 0 : i32
    return %c0_i32, %c0_i32_0 : i32, i32
  }
  func.func @transform_6(%arg0: i32) -> (i32, i32) {
    %c0_i32 = arith.constant 0 : i32
    %c0_i32_0 = arith.constant 0 : i32
    %c0_i32_1 = arith.constant 0 : i32
    return %c0_i32, %c0_i32_0 : i32, i32
  }
  func.func @transform_7(%arg0: i32) -> (i32, i32) {
    %c0_i32 = arith.constant 0 : i32
    %c0_i32_0 = arith.constant 0 : i32
    %c0_i32_1 = arith.constant 0 : i32
    return %c0_i32, %c0_i32_0 : i32, i32
  }
  func.func @transform_8(%arg0: i32) -> (i32, i32) {
    %c0_i32 = arith.constant 0 : i32
    %c0_i32_0 = arith.constant 0 : i32
    %c0_i32_1 = arith.constant 0 : i32
    return %c0_i32, %c0_i32_0 : i32, i32
  }
  func.func @transform_9(%arg0: i32) -> (i32, i32) {
    %c0_i32 = arith.constant 0 : i32
    %c0_i32_0 = arith.constant 0 : i32
    %c0_i32_1 = arith.constant 0 : i32
    return %c0_i32, %c0_i32_0 : i32, i32
  }
  func.func @transform_10(%arg0: i32) -> (i32, i32) {
    %c0_i32 = arith.constant 0 : i32
    %c0_i32_0 = arith.constant 0 : i32
    %c0_i32_1 = arith.constant 0 : i32
    return %c0_i32, %c0_i32_0 : i32, i32
  }
  func.func @transform_11(%arg0: i32) -> (i32, i32) {
    %c0_i32 = arith.constant 0 : i32
    %c0_i32_0 = arith.constant 0 : i32
    %c0_i32_1 = arith.constant 0 : i32
    return %c0_i32, %c0_i32_0 : i32, i32
  }
  func.func @transform_12(%arg0: i32) -> (i32, i32) {
    %c0_i32 = arith.constant 0 : i32
    %c0_i32_0 = arith.constant 0 : i32
    return %arg0, %c0_i32 : i32, i32
  }
  func.func @transform_13(%arg0: i32) -> (i32, i32) {
    %c0_i32 = arith.constant 0 : i32
    %c0_i32_0 = arith.constant 0 : i32
    %c0_i32_1 = arith.constant 0 : i32
    return %c0_i32, %c0_i32_0 : i32, i32
  }
  func.func @transform_14(%arg0: i32) -> (i32, i32) {
    %c0_i32 = arith.constant 0 : i32
    %c0_i32_0 = arith.constant 0 : i32
    %c0_i32_1 = arith.constant 0 : i32
    return %c0_i32, %c0_i32_0 : i32, i32
  }
}

module attributes {stable_mosaic.version = 14 : i64} {
  func.func @f(%arg0: i32, %arg1: memref<400x128xf32, #tpu.memory_space<vmem>>, %arg2: memref<400x128xi32, #tpu.memory_space<vmem>>, %arg3: memref<8x128xf32, #tpu.memory_space<vmem>>, %arg4: memref<8x128xf32, #tpu.memory_space<vmem>>, %arg5: memref<1x128xf32, #tpu.memory_space<vmem>>, %arg6: memref<1x128xf32, #tpu.memory_space<vmem>>, %arg7: memref<400x128xf32, #tpu.memory_space<vmem>>) attributes {dimension_semantics = [#tpu.dimension_semantics<arbitrary>], iteration_bounds = array<i64: 25>, scalar_prefetch = 0 : i64, scratch_operands = 0 : i64, tpu.core_type = #tpu.core_type<tc>, window_params = [{transform_indices = @transform_0, window_bounds = array<i64: 400, 128>}, {transform_indices = @transform_1, window_bounds = array<i64: 400, 128>}, {pipeline_mode = #tpu.pipeline_mode<synchronous>, transform_indices = @transform_2, window_bounds = array<i64: 8, 128>}, {pipeline_mode = #tpu.pipeline_mode<synchronous>, transform_indices = @transform_3, window_bounds = array<i64: 8, 128>}, {pipeline_mode = #tpu.pipeline_mode<synchronous>, transform_indices = @transform_4, window_bounds = array<i64: 1, 128>}, {pipeline_mode = #tpu.pipeline_mode<synchronous>, transform_indices = @transform_5, window_bounds = array<i64: 1, 128>}, {transform_indices = @transform_6, window_bounds = array<i64: 400, 128>}]} {
    %get3A = arith.constant 0 : index
    %get3A_0 = arith.constant 0 : index
    %get3A_1 = vector.load %arg2[%get3A, %get3A_0] : memref<400x128xi32, #tpu.memory_space<vmem>>, vector<400x128xi32>
    %get3A_2 = arith.constant 0 : index
    %get3A_3 = arith.constant 0 : index
    %get3A_4 = vector.load %arg3[%get3A_2, %get3A_3] : memref<8x128xf32, #tpu.memory_space<vmem>>, vector<8x128xf32>
    %broadcast_in_dim3A = arith.constant 0.000000e+00 : f32
    %broadcast_in_dim3A_5 = vector.broadcast %broadcast_in_dim3A : f32 to vector<400x128xf32>
    %eq3A = arith.constant 0 : i32
    %eq3A_6 = vector.broadcast %eq3A : i32 to vector<400x128xi32>
    %eq3A_7 = arith.cmpi eq, %get3A_1, %eq3A_6 : vector<400x128xi32>
    %slice3A = vector.extract_strided_slice %get3A_4 {offsets = [0, 0], sizes = [1, 128], strides = [1, 1]} : vector<8x128xf32> to vector<1x128xf32>
    %broadcast_in_dim3A_8 = vector.shape_cast %slice3A : vector<1x128xf32> to vector<1x128xf32>
    %broadcast_in_dim3A_9 = vector.broadcast %broadcast_in_dim3A_8 : vector<1x128xf32> to vector<400x128xf32>
    %select_n3A = arith.select %eq3A_7, %broadcast_in_dim3A_9, %broadcast_in_dim3A_5 : vector<400x128xi1>, vector<400x128xf32>
    %eq3A_10 = arith.constant 1 : i32
    %eq3A_11 = vector.broadcast %eq3A_10 : i32 to vector<400x128xi32>
    %eq3A_12 = arith.cmpi eq, %get3A_1, %eq3A_11 : vector<400x128xi32>
    %slice3A_13 = vector.extract_strided_slice %get3A_4 {offsets = [1, 0], sizes = [1, 128], strides = [1, 1]} : vector<8x128xf32> to vector<1x128xf32>
    %broadcast_in_dim3A_14 = vector.shape_cast %slice3A_13 : vector<1x128xf32> to vector<1x128xf32>
    %broadcast_in_dim3A_15 = vector.broadcast %broadcast_in_dim3A_14 : vector<1x128xf32> to vector<400x128xf32>
    %select_n3A_16 = arith.select %eq3A_12, %broadcast_in_dim3A_15, %select_n3A : vector<400x128xi1>, vector<400x128xf32>
    %eq3A_17 = arith.constant 2 : i32
    %eq3A_18 = vector.broadcast %eq3A_17 : i32 to vector<400x128xi32>
    %eq3A_19 = arith.cmpi eq, %get3A_1, %eq3A_18 : vector<400x128xi32>
    %slice3A_20 = vector.extract_strided_slice %get3A_4 {offsets = [2, 0], sizes = [1, 128], strides = [1, 1]} : vector<8x128xf32> to vector<1x128xf32>
    %broadcast_in_dim3A_21 = vector.shape_cast %slice3A_20 : vector<1x128xf32> to vector<1x128xf32>
    %broadcast_in_dim3A_22 = vector.broadcast %broadcast_in_dim3A_21 : vector<1x128xf32> to vector<400x128xf32>
    %select_n3A_23 = arith.select %eq3A_19, %broadcast_in_dim3A_22, %select_n3A_16 : vector<400x128xi1>, vector<400x128xf32>
    %eq3A_24 = arith.constant 3 : i32
    %eq3A_25 = vector.broadcast %eq3A_24 : i32 to vector<400x128xi32>
    %eq3A_26 = arith.cmpi eq, %get3A_1, %eq3A_25 : vector<400x128xi32>
    %slice3A_27 = vector.extract_strided_slice %get3A_4 {offsets = [3, 0], sizes = [1, 128], strides = [1, 1]} : vector<8x128xf32> to vector<1x128xf32>
    %broadcast_in_dim3A_28 = vector.shape_cast %slice3A_27 : vector<1x128xf32> to vector<1x128xf32>
    %broadcast_in_dim3A_29 = vector.broadcast %broadcast_in_dim3A_28 : vector<1x128xf32> to vector<400x128xf32>
    %select_n3A_30 = arith.select %eq3A_26, %broadcast_in_dim3A_29, %select_n3A_23 : vector<400x128xi1>, vector<400x128xf32>
    %eq3A_31 = arith.constant 4 : i32
    %eq3A_32 = vector.broadcast %eq3A_31 : i32 to vector<400x128xi32>
    %eq3A_33 = arith.cmpi eq, %get3A_1, %eq3A_32 : vector<400x128xi32>
    %slice3A_34 = vector.extract_strided_slice %get3A_4 {offsets = [4, 0], sizes = [1, 128], strides = [1, 1]} : vector<8x128xf32> to vector<1x128xf32>
    %broadcast_in_dim3A_35 = vector.shape_cast %slice3A_34 : vector<1x128xf32> to vector<1x128xf32>
    %broadcast_in_dim3A_36 = vector.broadcast %broadcast_in_dim3A_35 : vector<1x128xf32> to vector<400x128xf32>
    %select_n3A_37 = arith.select %eq3A_33, %broadcast_in_dim3A_36, %select_n3A_30 : vector<400x128xi1>, vector<400x128xf32>
    %eq3A_38 = arith.constant 5 : i32
    %eq3A_39 = vector.broadcast %eq3A_38 : i32 to vector<400x128xi32>
    %eq3A_40 = arith.cmpi eq, %get3A_1, %eq3A_39 : vector<400x128xi32>
    %slice3A_41 = vector.extract_strided_slice %get3A_4 {offsets = [5, 0], sizes = [1, 128], strides = [1, 1]} : vector<8x128xf32> to vector<1x128xf32>
    %broadcast_in_dim3A_42 = vector.shape_cast %slice3A_41 : vector<1x128xf32> to vector<1x128xf32>
    %broadcast_in_dim3A_43 = vector.broadcast %broadcast_in_dim3A_42 : vector<1x128xf32> to vector<400x128xf32>
    %select_n3A_44 = arith.select %eq3A_40, %broadcast_in_dim3A_43, %select_n3A_37 : vector<400x128xi1>, vector<400x128xf32>
    %eq3A_45 = arith.constant 6 : i32
    %eq3A_46 = vector.broadcast %eq3A_45 : i32 to vector<400x128xi32>
    %eq3A_47 = arith.cmpi eq, %get3A_1, %eq3A_46 : vector<400x128xi32>
    %slice3A_48 = vector.extract_strided_slice %get3A_4 {offsets = [6, 0], sizes = [1, 128], strides = [1, 1]} : vector<8x128xf32> to vector<1x128xf32>
    %broadcast_in_dim3A_49 = vector.shape_cast %slice3A_48 : vector<1x128xf32> to vector<1x128xf32>
    %broadcast_in_dim3A_50 = vector.broadcast %broadcast_in_dim3A_49 : vector<1x128xf32> to vector<400x128xf32>
    %select_n3A_51 = arith.select %eq3A_47, %broadcast_in_dim3A_50, %select_n3A_44 : vector<400x128xi1>, vector<400x128xf32>
    %eq3A_52 = arith.constant 7 : i32
    %eq3A_53 = vector.broadcast %eq3A_52 : i32 to vector<400x128xi32>
    %eq3A_54 = arith.cmpi eq, %get3A_1, %eq3A_53 : vector<400x128xi32>
    %slice3A_55 = vector.extract_strided_slice %get3A_4 {offsets = [7, 0], sizes = [1, 128], strides = [1, 1]} : vector<8x128xf32> to vector<1x128xf32>
    %broadcast_in_dim3A_56 = vector.shape_cast %slice3A_55 : vector<1x128xf32> to vector<1x128xf32>
    %broadcast_in_dim3A_57 = vector.broadcast %broadcast_in_dim3A_56 : vector<1x128xf32> to vector<400x128xf32>
    %select_n3A_58 = arith.select %eq3A_54, %broadcast_in_dim3A_57, %select_n3A_51 : vector<400x128xi1>, vector<400x128xf32>
    %get3A_59 = arith.constant 0 : index
    %get3A_60 = arith.constant 0 : index
    %get3A_61 = vector.load %arg4[%get3A_59, %get3A_60] : memref<8x128xf32, #tpu.memory_space<vmem>>, vector<8x128xf32>
    %broadcast_in_dim3A_62 = arith.constant 0.000000e+00 : f32
    %broadcast_in_dim3A_63 = vector.broadcast %broadcast_in_dim3A_62 : f32 to vector<400x128xf32>
    %eq3A_64 = arith.constant 0 : i32
    %eq3A_65 = vector.broadcast %eq3A_64 : i32 to vector<400x128xi32>
    %eq3A_66 = arith.cmpi eq, %get3A_1, %eq3A_65 : vector<400x128xi32>
    %slice3A_67 = vector.extract_strided_slice %get3A_61 {offsets = [0, 0], sizes = [1, 128], strides = [1, 1]} : vector<8x128xf32> to vector<1x128xf32>
    %broadcast_in_dim3A_68 = vector.shape_cast %slice3A_67 : vector<1x128xf32> to vector<1x128xf32>
    %broadcast_in_dim3A_69 = vector.broadcast %broadcast_in_dim3A_68 : vector<1x128xf32> to vector<400x128xf32>
    %select_n3A_70 = arith.select %eq3A_66, %broadcast_in_dim3A_69, %broadcast_in_dim3A_63 : vector<400x128xi1>, vector<400x128xf32>
    %eq3A_71 = arith.constant 1 : i32
    %eq3A_72 = vector.broadcast %eq3A_71 : i32 to vector<400x128xi32>
    %eq3A_73 = arith.cmpi eq, %get3A_1, %eq3A_72 : vector<400x128xi32>
    %slice3A_74 = vector.extract_strided_slice %get3A_61 {offsets = [1, 0], sizes = [1, 128], strides = [1, 1]} : vector<8x128xf32> to vector<1x128xf32>
    %broadcast_in_dim3A_75 = vector.shape_cast %slice3A_74 : vector<1x128xf32> to vector<1x128xf32>
    %broadcast_in_dim3A_76 = vector.broadcast %broadcast_in_dim3A_75 : vector<1x128xf32> to vector<400x128xf32>
    %select_n3A_77 = arith.select %eq3A_73, %broadcast_in_dim3A_76, %select_n3A_70 : vector<400x128xi1>, vector<400x128xf32>
    %eq3A_78 = arith.constant 2 : i32
    %eq3A_79 = vector.broadcast %eq3A_78 : i32 to vector<400x128xi32>
    %eq3A_80 = arith.cmpi eq, %get3A_1, %eq3A_79 : vector<400x128xi32>
    %slice3A_81 = vector.extract_strided_slice %get3A_61 {offsets = [2, 0], sizes = [1, 128], strides = [1, 1]} : vector<8x128xf32> to vector<1x128xf32>
    %broadcast_in_dim3A_82 = vector.shape_cast %slice3A_81 : vector<1x128xf32> to vector<1x128xf32>
    %broadcast_in_dim3A_83 = vector.broadcast %broadcast_in_dim3A_82 : vector<1x128xf32> to vector<400x128xf32>
    %select_n3A_84 = arith.select %eq3A_80, %broadcast_in_dim3A_83, %select_n3A_77 : vector<400x128xi1>, vector<400x128xf32>
    %eq3A_85 = arith.constant 3 : i32
    %eq3A_86 = vector.broadcast %eq3A_85 : i32 to vector<400x128xi32>
    %eq3A_87 = arith.cmpi eq, %get3A_1, %eq3A_86 : vector<400x128xi32>
    %slice3A_88 = vector.extract_strided_slice %get3A_61 {offsets = [3, 0], sizes = [1, 128], strides = [1, 1]} : vector<8x128xf32> to vector<1x128xf32>
    %broadcast_in_dim3A_89 = vector.shape_cast %slice3A_88 : vector<1x128xf32> to vector<1x128xf32>
    %broadcast_in_dim3A_90 = vector.broadcast %broadcast_in_dim3A_89 : vector<1x128xf32> to vector<400x128xf32>
    %select_n3A_91 = arith.select %eq3A_87, %broadcast_in_dim3A_90, %select_n3A_84 : vector<400x128xi1>, vector<400x128xf32>
    %eq3A_92 = arith.constant 4 : i32
    %eq3A_93 = vector.broadcast %eq3A_92 : i32 to vector<400x128xi32>
    %eq3A_94 = arith.cmpi eq, %get3A_1, %eq3A_93 : vector<400x128xi32>
    %slice3A_95 = vector.extract_strided_slice %get3A_61 {offsets = [4, 0], sizes = [1, 128], strides = [1, 1]} : vector<8x128xf32> to vector<1x128xf32>
    %broadcast_in_dim3A_96 = vector.shape_cast %slice3A_95 : vector<1x128xf32> to vector<1x128xf32>
    %broadcast_in_dim3A_97 = vector.broadcast %broadcast_in_dim3A_96 : vector<1x128xf32> to vector<400x128xf32>
    %select_n3A_98 = arith.select %eq3A_94, %broadcast_in_dim3A_97, %select_n3A_91 : vector<400x128xi1>, vector<400x128xf32>
    %eq3A_99 = arith.constant 5 : i32
    %eq3A_100 = vector.broadcast %eq3A_99 : i32 to vector<400x128xi32>
    %eq3A_101 = arith.cmpi eq, %get3A_1, %eq3A_100 : vector<400x128xi32>
    %slice3A_102 = vector.extract_strided_slice %get3A_61 {offsets = [5, 0], sizes = [1, 128], strides = [1, 1]} : vector<8x128xf32> to vector<1x128xf32>
    %broadcast_in_dim3A_103 = vector.shape_cast %slice3A_102 : vector<1x128xf32> to vector<1x128xf32>
    %broadcast_in_dim3A_104 = vector.broadcast %broadcast_in_dim3A_103 : vector<1x128xf32> to vector<400x128xf32>
    %select_n3A_105 = arith.select %eq3A_101, %broadcast_in_dim3A_104, %select_n3A_98 : vector<400x128xi1>, vector<400x128xf32>
    %eq3A_106 = arith.constant 6 : i32
    %eq3A_107 = vector.broadcast %eq3A_106 : i32 to vector<400x128xi32>
    %eq3A_108 = arith.cmpi eq, %get3A_1, %eq3A_107 : vector<400x128xi32>
    %slice3A_109 = vector.extract_strided_slice %get3A_61 {offsets = [6, 0], sizes = [1, 128], strides = [1, 1]} : vector<8x128xf32> to vector<1x128xf32>
    %broadcast_in_dim3A_110 = vector.shape_cast %slice3A_109 : vector<1x128xf32> to vector<1x128xf32>
    %broadcast_in_dim3A_111 = vector.broadcast %broadcast_in_dim3A_110 : vector<1x128xf32> to vector<400x128xf32>
    %select_n3A_112 = arith.select %eq3A_108, %broadcast_in_dim3A_111, %select_n3A_105 : vector<400x128xi1>, vector<400x128xf32>
    %eq3A_113 = arith.constant 7 : i32
    %eq3A_114 = vector.broadcast %eq3A_113 : i32 to vector<400x128xi32>
    %eq3A_115 = arith.cmpi eq, %get3A_1, %eq3A_114 : vector<400x128xi32>
    %slice3A_116 = vector.extract_strided_slice %get3A_61 {offsets = [7, 0], sizes = [1, 128], strides = [1, 1]} : vector<8x128xf32> to vector<1x128xf32>
    %broadcast_in_dim3A_117 = vector.shape_cast %slice3A_116 : vector<1x128xf32> to vector<1x128xf32>
    %broadcast_in_dim3A_118 = vector.broadcast %broadcast_in_dim3A_117 : vector<1x128xf32> to vector<400x128xf32>
    %select_n3A_119 = arith.select %eq3A_115, %broadcast_in_dim3A_118, %select_n3A_112 : vector<400x128xi1>, vector<400x128xf32>
    %get3A_120 = arith.constant 0 : index
    %get3A_121 = arith.constant 0 : index
    %get3A_122 = vector.load %arg5[%get3A_120, %get3A_121] : memref<1x128xf32, #tpu.memory_space<vmem>>, vector<1x128xf32>
    %get3A_123 = arith.constant 0 : index
    %get3A_124 = arith.constant 0 : index
    %get3A_125 = vector.load %arg1[%get3A_123, %get3A_124] : memref<400x128xf32, #tpu.memory_space<vmem>>, vector<400x128xf32>
    %sub3A = arith.subf %get3A_125, %select_n3A_58 : vector<400x128xf32>
    %mul3A = vector.broadcast %get3A_122 : vector<1x128xf32> to vector<400x128xf32>
    %mul3A_126 = arith.mulf %mul3A, %sub3A : vector<400x128xf32>
    %mul3A_127 = arith.mulf %mul3A_126, %select_n3A_119 : vector<400x128xf32>
    %get3A_128 = arith.constant 0 : index
    %get3A_129 = arith.constant 0 : index
    %get3A_130 = vector.load %arg6[%get3A_128, %get3A_129] : memref<1x128xf32, #tpu.memory_space<vmem>>, vector<1x128xf32>
    %add3A = vector.broadcast %get3A_130 : vector<1x128xf32> to vector<400x128xf32>
    %add3A_131 = arith.addf %mul3A_127, %add3A : vector<400x128xf32>
    %swap3A = arith.constant 0 : index
    %swap3A_132 = arith.constant 0 : index
    %swap3A_133 = vector.load %arg7[%swap3A, %swap3A_132] : memref<400x128xf32, #tpu.memory_space<vmem>>, vector<400x128xf32>
    tpu.vector_store %arg7[%swap3A, %swap3A_132], %add3A_131 {strides = array<i32>} : memref<400x128xf32, #tpu.memory_space<vmem>>, vector<400x128xf32>,
    return
  }
  func.func @transform_0(%arg0: i32) -> (i32, i32) {
    %c0_i32 = arith.constant 0 : i32
    %c0_i32_0 = arith.constant 0 : i32
    return %arg0, %c0_i32 : i32, i32
  }
  func.func @transform_1(%arg0: i32) -> (i32, i32) {
    %c0_i32 = arith.constant 0 : i32
    %c0_i32_0 = arith.constant 0 : i32
    return %arg0, %c0_i32 : i32, i32
  }
  func.func @transform_2(%arg0: i32) -> (i32, i32) {
    %c0_i32 = arith.constant 0 : i32
    %c0_i32_0 = arith.constant 0 : i32
    %c0_i32_1 = arith.constant 0 : i32
    return %c0_i32, %c0_i32_0 : i32, i32
  }
  func.func @transform_3(%arg0: i32) -> (i32, i32) {
    %c0_i32 = arith.constant 0 : i32
    %c0_i32_0 = arith.constant 0 : i32
    %c0_i32_1 = arith.constant 0 : i32
    return %c0_i32, %c0_i32_0 : i32, i32
  }
  func.func @transform_4(%arg0: i32) -> (i32, i32) {
    %c0_i32 = arith.constant 0 : i32
    %c0_i32_0 = arith.constant 0 : i32
    %c0_i32_1 = arith.constant 0 : i32
    return %c0_i32, %c0_i32_0 : i32, i32
  }
  func.func @transform_5(%arg0: i32) -> (i32, i32) {
    %c0_i32 = arith.constant 0 : i32
    %c0_i32_0 = arith.constant 0 : i32
    %c0_i32_1 = arith.constant 0 : i32
    return %c0_i32, %c0_i32_0 : i32, i32
  }
  func.func @transform_6(%arg0: i32) -> (i32, i32) {
    %c0_i32 = arith.constant 0 : i32
    %c0_i32_0 = arith.constant 0 : i32
    return %arg0, %c0_i32 : i32, i32
  }
}

</mosaic_0001>

<sc_bundles>
// kernel: kernel.12.cloned.1.call-start
scs
__scs_entry_jumppad:
0x0: {  	(pc) =	sbr.rel $0x88, $3  }
0x1: {  	(tag) =	ssettag $0x0;
	lr =	simm.s32 $0x1  }
0x2: {  	[smem:$0x3F82] =	sst lr;
	_ =	strace $0xD0000000  }
0x3: {  	_ = 	snop  }
0x4: {  	_ = 	snop  }
0x5: {  	_ = 	snop  }
0x6: {  	_ = 	snop  }
0x7: {  	_ = 	snop  }
__scs_overlays_trampoline_lowered:
0x8: {  	[smem:$0x3F91] =	sst s0  }
0x9: {  	[smem:$0x3F92] =	sst s1  }
0xa: {  	[smem:$0x3F93] =	sst s2  }
0xb: {  	[smem:$0x3F94] =	sst s3  }
0xc: {  	[smem:$0x3F95] =	sst s4  }
0xd: {  	[smem:$0x3F96] =	sst s5  }
0xe: {  	[smem:$0x3F97] =	sst s6  }
0xf: {  	[smem:$0x3F98] =	sst s7  }
0x10: {  	[smem:$0x3F99] =	sst s8  }
0x11: {  	[smem:$0x3F9A] =	sst s9;
	s0 =	simm.s32 @!p0 $0x0  }
0x12: {  	s1 =	sld [smem:$0x3F80];
	s0 =	simm.s32 @p0 $0x1  }
0x13: {  	[smem:$0x3F9B] =	sst s0;
	s0 =	simm.s32 @!p1 $0x0  }
0x14: {  	s2 =	sld [smem:$0x3F7F];
	s0 =	simm.s32 @p1 $0x1  }
0x15: {  	[smem:$0x3F9C] =	sst s0;
	s0 =	simm.s32 @!p2 $0x0  }
0x16: {  	s3 =	sld [smem:$0x3FDB];
	s0 =	simm.s32 @p2 $0x1  }
0x17: {  	s4 =	simm.s32 $0x1BF5;
	[smem:$0x3F9E] =	sst s0  }
0x18: {  	s0 =	sld [smem:$0x3F81];
	_ =	swait.ge [sflag:s4], $0x0  }
0x19: {  	s7 =	sld [smem:$0x3F82]  }
0x1a: {  	s8 =	sadd.s32 $0xFFFFE003, lr  }
0x1b: {  	s9 =	sadd.s32 $0xFFFFFEF7, lr;
	s5 =	simm.s32 $0xFFFFFFFF;
	p2 =	slt.u32 s8, $0xFFFFF086  }
0x1c: {  	p1 =	slt.u32 s9, $0xF7A;
	s5 =	simm.s32 @!p2 $0x0  }
0x1d: {  	s5 =	simm.s32 @p1 $0x1;
	p0 =	seq.s32 s7, s2  }
0x1e: {  	s7 =	smul.u32 @!p0 $0xF7A, s2;
	p2 =	seq.s32 @!p0 s5, $0x0  }
0x1f: {  	s9 =	smul.u32 $0xF7A, s1;
	s8 =	simm.s32 @!p0 $0x1BF5;
	p2 =	por !p2, p0  }
0x20: {  	[sflag:s8] =	ssyncset.s32 @!p0 $0xFFFFF086;
	s6 =	sadd.s32 @!p0 s3, s7;
	s7 =	simm.s32 @!p0 $0x108  }
0x21: {  	s3 =	sadd.s32 s3, s9;
	s6 =	sadd.s32 @!p0 $0x88, s6;
	s7 =	simm.s32 @p2 $0x1082  }
0x22: {  	[simem:s7], [sflag:s8] =	dma.local @!p0 [hbm:s6], $0xF7A  }
0x23: {  	s9 =	sor.u32 $0xD0000000, s2;
	s6 =	simm.s32 $0x108;
	_ =	swait.ge @!p0 [sflag:s8], $0x0  }
0x24: {  	s3 =	sadd.s32 $0x88, s3;
	s6 =	simm.s32 @!p1 $0x1082;
	[sflag:s4] =	ssyncset.s32 $0xFFFFF086  }
0x25: {  	[simem:s6], [sflag:s4] =	dma.local [hbm:s3], $0xF7A  }
0x26: {  	[smem:$0x3F82] =	sst s1;
	(tag) =	ssettag s2;
	_ =	strace s9  }
0x27: {  	s1 =	sld [smem:$0x3F92]  }
0x28: {  	s2 =	sld [smem:$0x3F93]  }
0x29: {  	s4 =	sld [smem:$0x3F95]  }
0x2a: {  	p0 =	seq.s32 s5, $0x0;
	s5 =	sld [smem:$0x3F96]  }
0x2b: {  	s6 =	sld [smem:$0x3F97]  }
0x2c: {  	s7 =	sld [smem:$0x3F98]  }
0x2d: {  	s3 =	simm.s32 $0x108;
	s8 =	sld [smem:$0x3F99]  }
0x2e: {  	s3 =	simm.s32 @!p0 $0x1082;
	s9 =	sld [smem:$0x3F9A]  }
0x2f: {  	lr =	sadd.s32 s0, s3;
	s0 =	sld [smem:$0x3F91]  }
0x30: {  	s3 =	sld [smem:$0x3F94]  }
0x31: {  	[smem:$0x3F9D] =	sst s10  }
0x32: {  	s10 =	sld [smem:$0x3F9B];
	_ =	sdelay $0x3  }
0x33: {  	p0 =	seq.s32 s10, $0x1;
	s10 =	sld [smem:$0x3F9D];
	_ =	sdelay $0x3  }
0x34: {  	[smem:$0x3F9D] =	sst s10  }
0x35: {  	s10 =	sld [smem:$0x3F9C];
	_ =	sdelay $0x3  }
0x36: {  	p1 =	seq.s32 s10, $0x1;
	s10 =	sld [smem:$0x3F9D];
	_ =	sdelay $0x3  }
0x37: {  	[smem:$0x3F9D] =	sst s10  }
0x38: {  	s10 =	sld [smem:$0x3F9E]  }
0x39: {  	_ = 	snop;
	(pc) =	sbr.ind lr, $3  }
0x3a: {  	_ = 	snop  }
0x3b: {  	_ = 	snop  }
0x3c: {  	p2 =	seq.s32 s10, $0x1;
	s10 =	sld [smem:$0x3F9D]  }
0x3d: {  	_ =	shalt  }
0x3e: {  	_ =	shalt  }
0x3f: {  	_ =	shalt  }
0x40: {  	_ =	shalt  }
0x41: {  	_ =	shalt  }
0x42: {  	_ =	shalt  }
0x43: {  	_ =	shalt  }
0x44: {  	_ =	shalt  }
0x45: {  	_ =	shalt  }
0x46: {  	_ =	shalt  }
0x47: {  	_ =	shalt  }
0x48: {  	_ =	shalt  }
0x49: {  	_ =	shalt  }
0x4a: {  	_ =	shalt  }
0x4b: {  	_ =	shalt  }
0x4c: {  	_ =	shalt  }
0x4d: {  	_ =	shalt  }
0x4e: {  	_ =	shalt  }
0x4f: {  	_ =	shalt  }
0x50: {  	_ =	shalt  }
0x51: {  	_ =	shalt  }
0x52: {  	_ =	shalt  }
0x53: {  	_ =	shalt  }
0x54: {  	_ =	shalt  }
0x55: {  	_ =	shalt  }
0x56: {  	_ =	shalt  }
0x57: {  	_ =	shalt  }
0x58: {  	_ =	shalt  }
0x59: {  	_ =	shalt  }
0x5a: {  	_ =	shalt  }
0x5b: {  	_ =	shalt  }
0x5c: {  	_ =	shalt  }
0x5d: {  	_ =	shalt  }
0x5e: {  	_ =	shalt  }
0x5f: {  	_ =	shalt  }
0x60: {  	_ =	shalt  }
0x61: {  	_ =	shalt  }
0x62: {  	_ =	shalt  }
0x63: {  	_ =	shalt  }
0x64: {  	_ =	shalt  }
0x65: {  	_ =	shalt  }
0x66: {  	_ =	shalt  }
0x67: {  	_ =	shalt  }
0x68: {  	_ =	shalt  }
0x69: {  	_ =	shalt  }
0x6a: {  	_ =	shalt  }
0x6b: {  	_ =	shalt  }
0x6c: {  	_ =	shalt  }
0x6d: {  	_ =	shalt  }
0x6e: {  	_ =	shalt  }
0x6f: {  	_ =	shalt  }
0x70: {  	_ =	shalt  }
0x71: {  	_ =	shalt  }
0x72: {  	_ =	shalt  }
0x73: {  	_ =	shalt  }
0x74: {  	_ =	shalt  }
0x75: {  	_ =	shalt  }
0x76: {  	_ =	shalt  }
0x77: {  	_ =	shalt  }
0x78: {  	_ =	shalt  }
0x79: {  	_ =	shalt  }
0x7a: {  	_ =	shalt  }
0x7b: {  	_ =	shalt  }
0x7c: {  	_ =	shalt  }
0x7d: {  	_ =	shalt  }
0x7e: {  	_ =	shalt  }
0x7f: {  	_ =	shalt  }
0x80: {  	_ =	shalt  }
0x81: {  	_ =	shalt  }
0x82: {  	_ =	shalt  }
0x83: {  	_ =	shalt  }
0x84: {  	_ =	shalt  }
0x85: {  	_ =	shalt  }
0x86: {  	_ =	shalt  }
0x87: {  	_ =	shalt  }
.Lfunc_end0:
.L_simem_size_0:
called_computation.1_lowered:
.L_overlay_start_0:
0x88: {  	s2 =	sld [smem:$0x3FD9]  }
0x89: {  	s3 =	sld [smem:$0x3FFE];
	_ =	sdelay $0x1  }
0x8a: {  	s1 =	srdreg.scid  }
0x8b: {  	s0 =	sand.u32 $0x1, s1  }
0x8c: {  	s14 =	sshll.u32 s0, $0xA;
	s2 =	sadd.s32 s3, s2  }
0x8d: {  	s2 =	sadd.s32 s2, s14  }
0x8e: {  	[smem:$0x3FA9] =	sst s2  }
0x8f: {  	_ = 	snop  }
0x90: {  	s2 =	sld [smem:$0x3FD0];
	_ =	sdelay $0x2  }
0x91: {  	s15 =	simm.s32 $0xA;
	s4 =	simm.s32 $0x10  }
0x92: {  	[smem:s4], [sflag:s15] =	dma.local [hbm:s2], $0x1  }
0x93: {  	_ =	swait.eq [sflag:s15], $0x1  }
0x94: {  	[sflag:s15] =	ssyncset.done $0x0  }
0x95: {  	[sflag:s15] =	ssyncadd.s32 $0xFFFFFFFF  }
0x96: {  	s16 =	sld [smem:$0x10];
	(tm) =	ssettm $0x1  }
0x97: {  	s17 =	sld [smem:$0x3FFB];
	_ =	sdelay $0x3  }
0x98: {  	_ =	strace s17  }
0x99: {  	s3 =	sld [smem:$0x3FFC];
	_ =	sdelay $0x3  }
0x9a: {  	_ =	strace s3  }
0x9b: {  	s3 =	sld [smem:$0x3FFD];
	_ =	sdelay $0x3  }
0x9c: {  	_ =	strace s3  }
0x9d: {  	_ =	strace $0x8FFFFFFF  }
0x9e: {  	s18 =	sld [smem:$0x3FDB];
	_ =	sdelay $0x1  }
0x9f: {  	s19 =	simm.s32 $_scs_section_size  }
0xa0: {  	s5 =	simm.s32 $_size__tile_overlayer_lowered;
	s6 =	simm.s32 $_tile_overlayer_lowered  }
0xa1: {  	s22 =	simm.s32 $0x1BFF;
	s21 =	sshll.u32 s6, $0x1;
	s3 =	sadd.s32 s19, s18  }
0xa2: {  	s7 =	simm.s32 $0x0;
	s20 =	sshll.u32 s5, $0x1;
	s5 =	sadd.s32 s21, s3  }
0xa3: {  	[timem:s7], [sflag:s22] =	dma.local [hbm:s5], s20  }
0xa4: {  	_ =	swait.ge [sflag:s22], s20  }
0xa5: {  	s4 =	ssub.s32 $0x0, s20;
	[sflag:s22] =	ssyncset.done $0x0  }
0xa6: {  	[sflag:s22] =	ssyncadd.s32 s4;
	_ =	sdelay $0x1  }
0xa7: {  	s23 =	simm.s32 $0x1B8B  }
0xa8: {  	_ =	swait.ge [sflag:s23], $0x1  }
0xa9: {  	[sflag:s23] =	ssyncset.done $0x0  }
0xaa: {  	s25 =	simm.s32 $0x1B8E;
	s24 =	sld [smem:$0x3FFE];
	[sflag:s23] =	ssyncadd.s32 $0xFFFFFFFF  }
0xab: {  	s26 =	simm.s32 $execute0_lowered;
	[smem:$0x3FD2] =	sst s25  }
0xac: {  	s5 =	sshll.u32 s26, $0x1;
	_ =	strace $0x80000049;
	[dreg:$0x1] =	wrdreg $0xFFFFFFFF  }
0xad: {  	s28 =	simm.s32 $_size_execute0_lowered;
	s3 =	sadd.s32 s3, s5;
	[dreg:$0x0] =	wrdreg $0x0  }
0xae: {  	s5 =	sshll.u32 s28, $0x1;
	[dreg:$0x2] =	wrdreg s3  }
0xaf: {  	[dreg:$0x3] =	wrdreg s5  }
0xb0: {  	[dreg:$0x4] =	wrdreg $0xC0  }
0xb1: {  	_ =	task [dreg:s7], $0x5FFFF  }
0xb2: {  	[dreg:$0x1] =	wrdreg $0xFFFFFFFF  }
0xb3: {  	[dreg:$0x0] =	wrdreg $0x60  }
0xb4: {  	[dreg:$0x2] =	wrdreg s24  }
0xb5: {  	[dreg:$0x3] =	wrdreg s16  }
0xb6: {  	[dreg:$0x4] =	wrdreg $0x81100  }
0xb7: {  	[dreg:$0x5] =	wrdreg $0x1B9900  }
0xb8: {  	[dreg:$0x6] =	wrdreg $0x9  }
0xb9: {  	_ =	task.clear_ibuf [dreg:s7], $0x7FFFF;
	_ =	strace $0x90000049  }
0xba: {  	s29 =	simm.s32 $0x9;
	_ =	strace $0x8000004B  }
0xbb: {  	_ =	swait.ge [sflag:s29], $0x1  }
0xbc: {  	[sflag:s29] =	ssyncadd.s32 $0xFFFFFFFF  }
0xbd: {  	_ =	strace $0x9000004B  }
0xbe: {  	_ =	sfence  }
0xbf: {  	s30 =	sld [smem:$0x0];
	_ =	sdelay $0x2  }
0xc0: {  	s31 =	sshll.u32 s1, $0xD;
	s1 =	sshrl.u32 s1, $0x2  }
0xc1: {  	s3 =	sand.u32 $0x4000, s31;
	s1 =	sadd.s32 s1, s30  }
0xc2: {  	s0 =	sor.u32 s3, s0;
	s1 =	sshll.u32 s1, $0x11  }
0xc3: {  	s0 =	sor.u32 s1, s0  }
0xc4: {  	s0 =	sadd.s32 $0x8F2B, s0  }
0xc5: {  	[sflag:s0] =	ssyncadd.remote.s32 $0x1  }
0xc6: {  	_ =	sfence.sel $0xFFFF  }
0xc7: {  	[dreg:$0x0] =	wrdreg $0xFFFFFFFF;
	(pc) =	sbr.abs _section_cstart, $3  }
0xc8: {  	[dreg:$0x1] =	wrdreg $0xFFFFFFFF  }
0xc9: {  	_ =	task.clear_ibuf [dreg:s7], $0x2FFFF;
	_ =	strace $0x9FFFFFFF  }
0xca: {  	(tm) =	ssettm $0x7FFFFFFF  }
0xcb: {  	_ =	shalt  }
tec
execute0_lowered:
.L_overlay_start_1:
0x0: {  	(tag) =	ssettag $0x1  }
0x1: {  	s0 =	rddreg [dreg:$0x0]  }
0x2: {  	s1 =	rddreg [dreg:$0x2];
	s2 =	srdreg.scid  }
0x3: {  	s14 =	stileid.u32;
	s4 =	rddreg [dreg:$0x3]  }
0x4: {  	s5 =	simm.s32 $0x0;
	s28 =	simm.s32 $0x3;
	s16 =	smul.u32 $0x13800, s14  }
0x5: {  	s29 =	simm.s32 $0x2710;
	s30 =	simm.s32 $0x4F10;
	s19 =	smul.u32 $0x4E20, s14  }
0x6: {  	s31 =	simm.s32 $0x5410;
	s2 =	sand.u32 $0x1, s2;
	s21 =	smul.u32 $0x2700, s14  }
0x7: {  	s3 =	sshll.u32 s14, $0x1;
	[smem:$0x7FF] =	sst s5;
	s10 =	smul.u32 $0x27100, s2  }
0x8: {  	s7 =	sadd.s32 $0x281B200, s0;
	s8 =	sadd.s32 $0x1B800, s0;
	s25 =	smul.u32 $0x4E20, s2  }
0x9: {  	s3 =	sor.u32 s2, s3;
	s12 =	ssub.s32 $0x2, s2;
	s2 =	smul.u32 $0x2710, s2  }
0xa: {  	s11 =	sadd.s32 $0x7C00, s0;
	p0 =	sne.s32 s14, $0x0;
	s6 =	smul.u32 $0x2710, s3  }
0xb: {  	p1 =	seq.s32 s14, $0xF;
	_ =	strace $0x8000004A;
	s13 =	smul.u32 $0x27100, s3  }
0xc: {  	[dreg:$0x5] =	wrdreg s11;
	s26 =	sshrl.u32 s12, $0x1;
	s3 =	smul.u32 $0x4E20, s3  }
0xd: {  	s10 =	sadd.s32 s10, s0;
	s11 =	ssub.s32 s12, s26;
	s2 =	sadd.s32 s2, s19  }
0xe: {  	s9 =	sshrl.u32 s6, $0x3;
	s13 =	sadd.s32 s7, s13;
	s3 =	sadd.s32 s8, s3  }
0xf: {  	s15 =	sadd.s32 $0x50, s6;
	s17 =	sadd.s32 $0xC1A00, s10;
	s6 =	sadd.s32 $0x26C0, s6  }
0x10: {  	s22 =	sadd.s32 $0xF0, s2;
	s2 =	sadd.s32 $0xA0, s2;
	s26 =	smax.u32 s11, $0x1  }
0x11: {  	s9 =	sadd.s32 s9, s0;
	s0 =	sadd.s32 s25, s0;
	[dreg:$0x7] =	wrdreg s13  }
0x12: {  	[dreg:$0x8] =	wrdreg s3;
	s18 =	sshll.u32 s15, $0x4;
	s3 =	sshll.u32 s15, $0x1  }
0x13: {  	s23 =	sshll.u32 s6, $0x1;
	s10 =	sshrl.u32 s22, $0x4;
	s2 =	sshrl.u32 s2, $0x4  }
0x14: {  	s6 =	sshll.u32 s6, $0x4;
	[dreg:$0xd] =	wrdreg s26;
	s9 =	sadd.s32 $0x11A00, s9  }
0x15: {  	s12 =	sadd.s32 s7, s18;
	s3 =	sadd.s32 s8, s3;
	s20 =	sadd.s32 $0xB7C00, s0  }
0x16: {  	s24 =	sshll.u32 s10, $0x5;
	s25 =	sshll.u32 s2, $0x5;
	[dreg:$0x6] =	wrdreg s9  }
0x17: {  	s0 =	sadd.s32 s21, s4;
	s10 =	sshll.u32 s10, $0x8;
	[dreg:$0x9] =	wrdreg s12  }
0x18: {  	s6 =	sadd.s32 s7, s6;
	s2 =	sshll.u32 s2, $0x8;
	[dreg:$0xa] =	wrdreg s3  }
0x19: {  	s3 =	sshrl.u32 s16, $0x3;
	s9 =	sadd.s32 s16, s1;
	s12 =	sadd.s32 s8, s23  }
0x1a: {  	s15 =	sadd.s32 s24, s8;
	s16 =	sadd.s32 s25, s8;
	s8 =	sshrl.u32 s21, $0x3  }
0x1b: {  	[dreg:$0xc] =	wrdreg s6;
	s18 =	sadd.s32 s10, s7;
	s19 =	sadd.s32 s2, s7  }
0x1c: {  	s2 =	sadd.s32 $0x124800, s1;
	s6 =	sadd.s32 $0x24900, s4;
	s21 =	smov.u32 s17  }
0x1d: {  	s22 =	smov.u32 s20;
	s26 =	sshrl.u32 @!p1 s0, $0x3;
	s0 =	simm.s32 $0x1  }
0x1e: {  	s7 =	simm.s32 $0x2620;
	s10 =	simm.s32 $0x0;
	[dreg:$0xb] =	wrdreg s12  }
0x1f: {  	s2 =	sshrl.u32 @p1 s2, $0x3;
	s23 =	sadd.s32 @!p1 s3, s17;
	s24 =	sshrl.u32 @!p1 s9, $0x3  }
0x20: {  	s25 =	sadd.s32 @!p1 s8, s20;
	s3 =	simm.s32 $0x50;
	s8 =	simm.s32 $0x2670  }
0x21: {  	s9 =	simm.s32 $0x26C0;
	[dreg:$0xe] =	wrdreg s2;
	s2 =	sshrl.u32 @p1 s6, $0x3  }
0x22: {  	s6 =	simm.s32 $0x2;
	[dreg:$0xf] =	wrdreg s2;
	s2 =	simm.s32 $0x7C10  }
.LBB2_1:
0x23: {  	s11 =	sshrl.u32 @!p0 s1, $0x3;
	s12 =	simm.s32 @!p0 $0x1C03;
	s13 =	rddreg [dreg:$0x1]  }
0x24: {  	[spmem:s11], [sflag:s12] =	dma.local @!p0 [hbm:s13], $0x27100  }
0x25: {  	s11 =	simm.s32 @!p0 $0x3  }
0x26: {  	_ =	swait.ge @!p0 [sflag:s11], $0x27100  }
0x27: {  	[sflag:s11] =	ssyncset.done @!p0 $0x0  }
0x28: {  	s13 =	sshrl.u32 @!p0 s4, $0x3;
	s14 =	rddreg [dreg:$0x5];
	[sflag:s11] =	ssyncadd.s32 @!p0 $0xFFFD8F00  }
0x29: {  	[spmem:s13], [sflag:s12] =	dma.local @!p0 [hbm:s14], $0x4E20  }
0x2a: {  	_ =	swait.ge @!p0 [sflag:s11], $0x4E20  }
0x2b: {  	[sflag:s11] =	ssyncset.done @!p0 $0x0  }
0x2c: {  	[sflag:s11] =	ssyncadd.s32 @!p0 $0xFFFFB1E0  }
0x2d: {  	[bflag:$0x0] =	sbarrier.arrive $0xFFFF  }
0x2e: {  	s17 =	rddreg [dreg:$0x6]  }
0x2f: {  	[tilespmem:s5], [sflag:$0x3] =	stream.linear.gather [hbm4b:s17+s5], $0x2710, $0x38;
	[tilespmem:$0x1E0A0] =	vst v63  }
0x30: {  	_ =	swait.ge [sflag:s28], $0x2710  }
0x31: {  	[sflag:s28] =	ssyncset.done $0x0  }
0x32: {  	s20 =	rddreg [dreg:$0x7];
	[sflag:s28] =	ssyncadd.s32 $0xFFFFD8F0  }
0x33: {  	[tilespmem:s29], [sflag:$0x1] =	stream.linear.gather [hbm4b:s20+s5], $0x2800, $0x38;
	[tilespmem:$0x1E0A0] =	vst v63  }
0x34: {  	s12 =	rddreg [dreg:$0x8]  }
0x35: {  	[tilespmem:s30], [sflag:$0x1] =	stream.linear.gather [hbm4b:s12+s5], $0x500, $0x38;
	[tilespmem:$0x1E0A0] =	vst v63  }
0x36: {  	s13 =	rddreg [dreg:$0x9]  }
0x37: {  	[tilespmem:s31], [sflag:$0x2] =	stream.linear.gather [hbm4b:s13+s5], $0x2800, $0x38;
	[tilespmem:$0x1E0A0] =	vst v63  }
0x38: {  	s14 =	rddreg [dreg:$0xa]  }
0x39: {  	[tilespmem:s2], [sflag:$0x2] =	stream.linear.gather [hbm4b:s14+s5], $0x500, $0x38;
	[tilespmem:$0x1E0A0] =	vst v63  }
0x3a: {  	_ =	swait.ge [sflag:s0], $0x2800  }
0x3b: {  	[sflag:s0] =	ssyncset.done $0x0  }
0x3c: {  	[sflag:s0] =	ssyncadd.s32 $0xFFFFD800  }
0x3d: {  	_ =	swait.ge [sflag:s0], $0x500  }
0x3e: {  	[sflag:s0] =	ssyncset.done $0x0  }
0x3f: {  	s17 =	simm.s32 $0x0;
	[sflag:s0] =	ssyncadd.s32 $0xFFFFFB00  }
0x40: {  	[spmem:s1] =	stream.indirect.scatter.add.f32 [tilespmem:s29], [sflag:$0x3], $0x80, s17, s3, $0xb8;
	[tilespmem:$0x1E0A0] =	vst v63  }
0x41: {  	_ =	swait.ge [sflag:s28], $0x2800  }
0x42: {  	[sflag:s28] =	ssyncset.done $0x0  }
0x43: {  	[sflag:s28] =	ssyncadd.s32 $0xFFFFD800  }
0x44: {  	[spmem:s4] =	stream.indirect.scatter.add.f32 [tilespmem:s30], [sflag:$0x3], $0x10, s17, s3, $0xb8;
	[tilespmem:$0x1E0A0] =	vst v63  }
0x45: {  	_ =	swait.ge [sflag:s28], $0x500  }
0x46: {  	[sflag:s28] =	ssyncset.done $0x0  }
0x47: {  	[sflag:s28] =	ssyncadd.s32 $0xFFFFFB00  }
0x48: {  	[tilespmem:s29], [sflag:$0x1] =	stream.linear.gather [hbm4b:s19+s5], $0x2800, $0x38;
	[tilespmem:$0x1E0A0] =	vst v63  }
0x49: {  	s20 =	sadd.s32 $0x0, s16  }
0x4a: {  	[tilespmem:s30], [sflag:$0x1] =	stream.linear.gather [hbm4b:s20+s5], $0x500, $0x38;
	[tilespmem:$0x1E0A0] =	vst v63  }
0x4b: {  	_ =	swait.ge [sflag:s6], $0x2800  }
0x4c: {  	[sflag:s6] =	ssyncset.done $0x0  }
0x4d: {  	[sflag:s6] =	ssyncadd.s32 $0xFFFFD800  }
0x4e: {  	_ =	swait.ge [sflag:s6], $0x500  }
0x4f: {  	[sflag:s6] =	ssyncset.done $0x0  }
0x50: {  	[sflag:s6] =	ssyncadd.s32 $0xFFFFFB00  }
0x51: {  	[spmem:s1] =	stream.indirect.scatter.add.f32 [tilespmem:s31], [sflag:$0x3], $0x80, s3, s3, $0xb8;
	[tilespmem:$0x1E0A0] =	vst v63  }
0x52: {  	_ =	swait.ge [sflag:s28], $0x2800  }
0x53: {  	[sflag:s28] =	ssyncset.done $0x0  }
0x54: {  	[sflag:s28] =	ssyncadd.s32 $0xFFFFD800  }
0x55: {  	[spmem:s4] =	stream.indirect.scatter.add.f32 [tilespmem:s2], [sflag:$0x3], $0x10, s3, s3, $0xb8;
	[tilespmem:$0x1E0A0] =	vst v63  }
0x56: {  	s11 =	simm.s32 $0x140;
	_ =	swait.ge [sflag:s28], $0x500  }
0x57: {  	s12 =	simm.s32 $0xF0;
	s13 =	sadd.s32 $0xA00, s18;
	[sflag:s28] =	ssyncset.done $0x0  }
0x58: {  	s14 =	sadd.s32 $0xA00, s19;
	s17 =	sadd.s32 $0x0, s15;
	[sflag:s28] =	ssyncadd.s32 $0xFFFFFB00  }
0x59: {  	[tilespmem:s31], [sflag:$0x2] =	stream.linear.gather [hbm4b:s18+s5], $0x2800, $0x38;
	[tilespmem:$0x1E0A0] =	vst v63  }
.LBB2_2:
0x5a: {  	[tilespmem:s2], [sflag:$0x2] =	stream.linear.gather [hbm4b:s17+s5], $0x500, $0x38;
	[tilespmem:$0x1E0A0] =	vst v63  }
0x5b: {  	s17 =	smov.u32 s11  }
0x5c: {  	p2 =	sne.s32 s11, $0x4B00;
	s11 =	sadd.s32 $0x140, s11;
	_ =	swait.ge [sflag:s0], $0x2800  }
0x5d: {  	[sflag:s0] =	ssyncset.done $0x0  }
0x5e: {  	[sflag:s0] =	ssyncadd.s32 $0xFFFFD800  }
0x5f: {  	_ =	swait.ge [sflag:s0], $0x500  }
0x60: {  	[sflag:s0] =	ssyncset.done $0x0  }
0x61: {  	s20 =	sadd.s32 $0xFFFFFFB0, s12;
	[sflag:s0] =	ssyncadd.s32 $0xFFFFFB00  }
0x62: {  	[spmem:s1] =	stream.indirect.scatter.add.f32 [tilespmem:s29], [sflag:$0x3], $0x80, s20, s3, $0xb8;
	[tilespmem:$0x1E0A0] =	vst v63  }
0x63: {  	_ =	swait.ge [sflag:s28], $0x2800  }
0x64: {  	[sflag:s28] =	ssyncset.done $0x0  }
0x65: {  	[sflag:s28] =	ssyncadd.s32 $0xFFFFD800  }
0x66: {  	[spmem:s4] =	stream.indirect.scatter.add.f32 [tilespmem:s30], [sflag:$0x3], $0x10, s20, s3, $0xb8;
	[tilespmem:$0x1E0A0] =	vst v63  }
0x67: {  	_ =	swait.ge [sflag:s28], $0x500  }
0x68: {  	[sflag:s28] =	ssyncset.done $0x0  }
0x69: {  	[sflag:s28] =	ssyncadd.s32 $0xFFFFFB00  }
0x6a: {  	[tilespmem:s29], [sflag:$0x1] =	stream.linear.gather [hbm4b:s14+s5], $0x2800, $0x38;
	[tilespmem:$0x1E0A0] =	vst v63  }
0x6b: {  	s20 =	sadd.s32 s17, s16  }
0x6c: {  	[tilespmem:s30], [sflag:$0x1] =	stream.linear.gather [hbm4b:s20+s5], $0x500, $0x38;
	[tilespmem:$0x1E0A0] =	vst v63  }
0x6d: {  	_ =	swait.ge [sflag:s6], $0x2800  }
0x6e: {  	[sflag:s6] =	ssyncset.done $0x0  }
0x6f: {  	[sflag:s6] =	ssyncadd.s32 $0xFFFFD800  }
0x70: {  	_ =	swait.ge [sflag:s6], $0x500  }
0x71: {  	[sflag:s6] =	ssyncset.done $0x0  }
0x72: {  	[sflag:s6] =	ssyncadd.s32 $0xFFFFFB00  }
0x73: {  	[spmem:s1] =	stream.indirect.scatter.add.f32 [tilespmem:s31], [sflag:$0x3], $0x80, s12, s3, $0xb8;
	[tilespmem:$0x1E0A0] =	vst v63  }
0x74: {  	_ =	swait.ge [sflag:s28], $0x2800  }
0x75: {  	[sflag:s28] =	ssyncset.done $0x0  }
0x76: {  	[sflag:s28] =	ssyncadd.s32 $0xFFFFD800  }
0x77: {  	[spmem:s4] =	stream.indirect.scatter.add.f32 [tilespmem:s2], [sflag:$0x3], $0x10, s12, s3, $0xb8;
	[tilespmem:$0x1E0A0] =	vst v63  }
.Ltmp0:
0x78: {  	_ =	swait.ge [sflag:s28], $0x500;
	(pc) =	sbr.rel @p2 .LBB2_2-.Ltmp0, $4  }
0x79: {  	[sflag:s28] =	ssyncset.done $0x0  }
0x7a: {  	s12 =	sadd.s32 $0xA0, s12;
	[sflag:s28] =	ssyncadd.s32 $0xFFFFFB00  }
0x7b: {  	[tilespmem:s31], [sflag:$0x2] =	stream.linear.gather [hbm4b:s13+s5], $0x2800, $0x38;
	[tilespmem:$0x1E0A0] =	vst v63  }
0x7c: {  	s17 =	sadd.s32 s17, s15;
	s14 =	sadd.s32 $0xA00, s14;
	s13 =	sadd.s32 $0xA00, s13  }
0x7d: {  	[tilespmem:s2], [sflag:$0x2] =	stream.linear.gather [hbm4b:s17+s5], $0x500, $0x38;
	[tilespmem:$0x1E0A0] =	vst v63  }
0x7e: {  	_ =	swait.ge [sflag:s0], $0x2800  }
0x7f: {  	[sflag:s0] =	ssyncset.done $0x0  }
0x80: {  	[sflag:s0] =	ssyncadd.s32 $0xFFFFD800  }
0x81: {  	_ =	swait.ge [sflag:s0], $0x500  }
0x82: {  	[sflag:s0] =	ssyncset.done $0x0  }
0x83: {  	[sflag:s0] =	ssyncadd.s32 $0xFFFFFB00  }
0x84: {  	[spmem:s1] =	stream.indirect.scatter.add.f32 [tilespmem:s29], [sflag:$0x3], $0x80, s7, s3, $0xb8;
	[tilespmem:$0x1E0A0] =	vst v63  }
0x85: {  	_ =	swait.ge [sflag:s28], $0x2800  }
0x86: {  	[sflag:s28] =	ssyncset.done $0x0  }
0x87: {  	[sflag:s28] =	ssyncadd.s32 $0xFFFFD800  }
0x88: {  	[spmem:s4] =	stream.indirect.scatter.add.f32 [tilespmem:s30], [sflag:$0x3], $0x10, s7, s3, $0xb8;
	[tilespmem:$0x1E0A0] =	vst v63  }
0x89: {  	_ =	swait.ge [sflag:s28], $0x500  }
0x8a: {  	[sflag:s28] =	ssyncset.done $0x0  }
0x8b: {  	s11 =	rddreg [dreg:$0xc];
	[sflag:s28] =	ssyncadd.s32 $0xFFFFFB00  }
0x8c: {  	[tilespmem:s29], [sflag:$0x1] =	stream.linear.gather [hbm4b:s11+s5], $0x2800, $0x38;
	[tilespmem:$0x1E0A0] =	vst v63  }
0x8d: {  	s17 =	rddreg [dreg:$0xb]  }
0x8e: {  	[tilespmem:s30], [sflag:$0x1] =	stream.linear.gather [hbm4b:s17+s5], $0x500, $0x38;
	[tilespmem:$0x1E0A0] =	vst v63  }
0x8f: {  	_ =	swait.ge [sflag:s6], $0x2800  }
0x90: {  	[sflag:s6] =	ssyncset.done $0x0  }
0x91: {  	[sflag:s6] =	ssyncadd.s32 $0xFFFFD800  }
0x92: {  	_ =	swait.ge [sflag:s6], $0x500  }
0x93: {  	[sflag:s6] =	ssyncset.done $0x0  }
0x94: {  	[sflag:s6] =	ssyncadd.s32 $0xFFFFFB00  }
0x95: {  	[spmem:s1] =	stream.indirect.scatter.add.f32 [tilespmem:s31], [sflag:$0x3], $0x80, s8, s3, $0xb8;
	[tilespmem:$0x1E0A0] =	vst v63  }
0x96: {  	_ =	swait.ge [sflag:s28], $0x2800  }
0x97: {  	[sflag:s28] =	ssyncset.done $0x0  }
0x98: {  	[sflag:s28] =	ssyncadd.s32 $0xFFFFD800  }
0x99: {  	[spmem:s4] =	stream.indirect.scatter.add.f32 [tilespmem:s2], [sflag:$0x3], $0x10, s8, s3, $0xb8;
	[tilespmem:$0x1E0A0] =	vst v63  }
0x9a: {  	_ =	swait.ge [sflag:s28], $0x500  }
0x9b: {  	[sflag:s28] =	ssyncset.done $0x0  }
0x9c: {  	[sflag:s28] =	ssyncadd.s32 $0xFFFFFB00  }
0x9d: {  	_ =	swait.ge [sflag:s0], $0x2800  }
0x9e: {  	[sflag:s0] =	ssyncset.done $0x0  }
0x9f: {  	[sflag:s0] =	ssyncadd.s32 $0xFFFFD800  }
0xa0: {  	_ =	swait.ge [sflag:s0], $0x500  }
0xa1: {  	[sflag:s0] =	ssyncset.done $0x0  }
0xa2: {  	[sflag:s0] =	ssyncadd.s32 $0xFFFFFB00  }
0xa3: {  	[spmem:s1] =	stream.indirect.scatter.add.f32 [tilespmem:s29], [sflag:$0x3], $0x80, s9, s3, $0xb8;
	[tilespmem:$0x1E0A0] =	vst v63  }
0xa4: {  	_ =	swait.ge [sflag:s28], $0x2800  }
0xa5: {  	[sflag:s28] =	ssyncset.done $0x0  }
0xa6: {  	[sflag:s28] =	ssyncadd.s32 $0xFFFFD800  }
0xa7: {  	[spmem:s4] =	stream.indirect.scatter.add.f32 [tilespmem:s30], [sflag:$0x3], $0x10, s9, s3, $0xb8;
	[tilespmem:$0x1E0A0] =	vst v63  }
0xa8: {  	_ =	swait.ge [sflag:s28], $0x500  }
0xa9: {  	[sflag:s28] =	ssyncset.done $0x0  }
0xaa: {  	[sflag:s28] =	ssyncadd.s32 $0xFFFFFB00  }
0xab: {  	[bflag:$0x0] =	sbarrier.arrive $0xFFFF  }
0xac: {  	s12 =	simm.s32 @p1 $0x1FC3;
	s11 =	sadd.s32 @p1 $0x24900, s21;
	s13 =	rddreg [dreg:$0xe]  }
0xad: {  	[hbm:s11], [sflag:s12] =	dma.local @p1 [spmem:s13], $0x2800  }
0xae: {  	s11 =	simm.s32 @p1 $0x3  }
0xaf: {  	_ =	swait.ge @p1 [sflag:s11], $0x2800  }
0xb0: {  	[sflag:s11] =	ssyncset.done @p1 $0x0  }
0xb1: {  	s13 =	sadd.s32 @p1 $0x4920, s22;
	s14 =	rddreg [dreg:$0xf];
	[sflag:s11] =	ssyncadd.s32 @p1 $0xFFFFD800  }
0xb2: {  	[hbm:s13], [sflag:s12] =	dma.local @p1 [spmem:s14], $0x500  }
0xb3: {  	s12 =	stileid.u32;
	_ =	swait.ge @p1 [sflag:s11], $0x500  }
0xb4: {  	s12 =	sshll.u32 @!p1 s12, $0x6;
	[sflag:s11] =	ssyncset.done @p1 $0x0  }
0xb5: {  	[sflag:s11] =	ssyncadd.s32 @p1 $0xFFFFFB00;
	s11 =	sor.u32 @!p1 $0x1C03, s12;
	s12 =	simm.s32 @!p1 $0x3  }
0xb6: {  	[hbm:s23], [sflag:s11] =	dma.local @!p1 [spmem:s24], $0x2700  }
0xb7: {  	_ =	swait.ge @!p1 [sflag:s12], $0x2700  }
0xb8: {  	[sflag:s12] =	ssyncset.done @!p1 $0x0  }
0xb9: {  	[sflag:s12] =	ssyncadd.s32 @!p1 $0xFFFFD900  }
0xba: {  	[hbm:s25], [sflag:s11] =	dma.local @!p1 [spmem:s26], $0x4E0  }
0xbb: {  	_ =	swait.ge @!p1 [sflag:s12], $0x4E0  }
0xbc: {  	s10 =	sadd.s32 $0x1, s10;
	s20 =	rddreg [dreg:$0xd]  }
0xbd: {  	p2 =	sne.s32 s10, s20  }
.Ltmp1:
0xbe: {  	_ = 	snop;
	(pc) =	sbr.rel @p2 .LBB2_1-.Ltmp1, $3  }
0xbf: {  	_ =	sdelay $0x1  }
0xc0: {  	[sflag:s12] =	ssyncset.done @!p1 $0x0  }
0xc1: {  	[sflag:s12] =	ssyncadd.s32 @!p1 $0xFFFFFB20  }
0xc2: {  	_ =	sfence.sel $0x180000  }
0xc3: {  	[bflag:$0x0] =	sbarrier.arrive $0xFFFF  }
0xc4: {  	_ =	strace $0x9000004A  }
0xc5: {  	[bflag:$0x2] =	sbarrier.arrive $0xFFFF  }
0xc6: {  	s0 =	rddreg [dreg:$0x4]  }
0xc7: {  	s0 =	sadd.s32 @!p0 $0x100000, s0  }
0xc8: {  	[sflag:s0] =	ssyncadd.tile.s32 @!p0 $0x1;
	_ =	shalt  }
.Lfunc_end2:
_tile_overlayer_lowered:
.L_overlay_start_2:
0xc9: {  	(tag) =	ssettag $0x2  }
0xca: {  	s0 =	rddreg [dreg:$0x0];
	s2 =	stileid.u32  }
0xcb: {  	s1 =	rddreg [dreg:$0x1];
	p0 =	sne.s32 s2, $0x0  }
0xcc: {  	s3 =	rddreg [dreg:$0x2];
	[bflag:$0x3] =	sbarrier.arrive $0xFFFF;
	s2 =	simm.s32 @!p0 $0x1C03  }
0xcd: {  	[timem:s3], [sflag:s2] =	dma.local @!p0 [hbm:s0], s1  }
0xce: {  	s0 =	simm.s32 @!p0 $0x3  }
0xcf: {  	_ =	swait.ge @!p0 [sflag:s0], s1  }
0xd0: {  	s1 =	ssub.s32 @!p0 $0x0, s1;
	[sflag:s0] =	ssyncset.done @!p0 $0x0  }
0xd1: {  	[sflag:s0] =	ssyncadd.s32 @!p0 s1  }
0xd2: {  	[bflag:$0x3] =	sbarrier.arrive $0xFFFF  }
0xd3: {  	_ =	shalt  }

// kernel: kernel.9.cloned.1.call-start
scs
__scs_entry_jumppad:
0x0: {  	(pc) =	sbr.rel $0x88, $3  }
0x1: {  	(tag) =	ssettag $0x0;
	lr =	simm.s32 $0x1  }
0x2: {  	[smem:$0x3F82] =	sst lr;
	_ =	strace $0xD0000000  }
0x3: {  	_ = 	snop  }
0x4: {  	_ = 	snop  }
0x5: {  	_ = 	snop  }
0x6: {  	_ = 	snop  }
0x7: {  	_ = 	snop  }
__scs_overlays_trampoline_lowered:
0x8: {  	[smem:$0x3F91] =	sst s0  }
0x9: {  	[smem:$0x3F92] =	sst s1  }
0xa: {  	[smem:$0x3F93] =	sst s2  }
0xb: {  	[smem:$0x3F94] =	sst s3  }
0xc: {  	[smem:$0x3F95] =	sst s4  }
0xd: {  	[smem:$0x3F96] =	sst s5  }
0xe: {  	[smem:$0x3F97] =	sst s6  }
0xf: {  	[smem:$0x3F98] =	sst s7  }
0x10: {  	[smem:$0x3F99] =	sst s8  }
0x11: {  	[smem:$0x3F9A] =	sst s9;
	s0 =	simm.s32 @!p0 $0x0  }
0x12: {  	s1 =	sld [smem:$0x3F80];
	s0 =	simm.s32 @p0 $0x1  }
0x13: {  	[smem:$0x3F9B] =	sst s0;
	s0 =	simm.s32 @!p1 $0x0  }
0x14: {  	s2 =	sld [smem:$0x3F7F];
	s0 =	simm.s32 @p1 $0x1  }
0x15: {  	[smem:$0x3F9C] =	sst s0;
	s0 =	simm.s32 @!p2 $0x0  }
0x16: {  	s3 =	sld [smem:$0x3FDB];
	s0 =	simm.s32 @p2 $0x1  }
0x17: {  	s4 =	simm.s32 $0x1BF5;
	[smem:$0x3F9E] =	sst s0  }
0x18: {  	s0 =	sld [smem:$0x3F81];
	_ =	swait.ge [sflag:s4], $0x0  }
0x19: {  	s7 =	sld [smem:$0x3F82]  }
0x1a: {  	s8 =	sadd.s32 $0xFFFFE003, lr  }
0x1b: {  	s9 =	sadd.s32 $0xFFFFFEF7, lr;
	s5 =	simm.s32 $0xFFFFFFFF;
	p2 =	slt.u32 s8, $0xFFFFF086  }
0x1c: {  	p1 =	slt.u32 s9, $0xF7A;
	s5 =	simm.s32 @!p2 $0x0  }
0x1d: {  	s5 =	simm.s32 @p1 $0x1;
	p0 =	seq.s32 s7, s2  }
0x1e: {  	s7 =	smul.u32 @!p0 $0xF7A, s2;
	p2 =	seq.s32 @!p0 s5, $0x0  }
0x1f: {  	s9 =	smul.u32 $0xF7A, s1;
	s8 =	simm.s32 @!p0 $0x1BF5;
	p2 =	por !p2, p0  }
0x20: {  	[sflag:s8] =	ssyncset.s32 @!p0 $0xFFFFF086;
	s6 =	sadd.s32 @!p0 s3, s7;
	s7 =	simm.s32 @!p0 $0x108  }
0x21: {  	s3 =	sadd.s32 s3, s9;
	s6 =	sadd.s32 @!p0 $0x88, s6;
	s7 =	simm.s32 @p2 $0x1082  }
0x22: {  	[simem:s7], [sflag:s8] =	dma.local @!p0 [hbm:s6], $0xF7A  }
0x23: {  	s9 =	sor.u32 $0xD0000000, s2;
	s6 =	simm.s32 $0x108;
	_ =	swait.ge @!p0 [sflag:s8], $0x0  }
0x24: {  	s3 =	sadd.s32 $0x88, s3;
	s6 =	simm.s32 @!p1 $0x1082;
	[sflag:s4] =	ssyncset.s32 $0xFFFFF086  }
0x25: {  	[simem:s6], [sflag:s4] =	dma.local [hbm:s3], $0xF7A  }
0x26: {  	[smem:$0x3F82] =	sst s1;
	(tag) =	ssettag s2;
	_ =	strace s9  }
0x27: {  	s1 =	sld [smem:$0x3F92]  }
0x28: {  	s2 =	sld [smem:$0x3F93]  }
0x29: {  	s4 =	sld [smem:$0x3F95]  }
0x2a: {  	p0 =	seq.s32 s5, $0x0;
	s5 =	sld [smem:$0x3F96]  }
0x2b: {  	s6 =	sld [smem:$0x3F97]  }
0x2c: {  	s7 =	sld [smem:$0x3F98]  }
0x2d: {  	s3 =	simm.s32 $0x108;
	s8 =	sld [smem:$0x3F99]  }
0x2e: {  	s3 =	simm.s32 @!p0 $0x1082;
	s9 =	sld [smem:$0x3F9A]  }
0x2f: {  	lr =	sadd.s32 s0, s3;
	s0 =	sld [smem:$0x3F91]  }
0x30: {  	s3 =	sld [smem:$0x3F94]  }
0x31: {  	[smem:$0x3F9D] =	sst s10  }
0x32: {  	s10 =	sld [smem:$0x3F9B];
	_ =	sdelay $0x3  }
0x33: {  	p0 =	seq.s32 s10, $0x1;
	s10 =	sld [smem:$0x3F9D];
	_ =	sdelay $0x3  }
0x34: {  	[smem:$0x3F9D] =	sst s10  }
0x35: {  	s10 =	sld [smem:$0x3F9C];
	_ =	sdelay $0x3  }
0x36: {  	p1 =	seq.s32 s10, $0x1;
	s10 =	sld [smem:$0x3F9D];
	_ =	sdelay $0x3  }
0x37: {  	[smem:$0x3F9D] =	sst s10  }
0x38: {  	s10 =	sld [smem:$0x3F9E]  }
0x39: {  	_ = 	snop;
	(pc) =	sbr.ind lr, $3  }
0x3a: {  	_ = 	snop  }
0x3b: {  	_ = 	snop  }
0x3c: {  	p2 =	seq.s32 s10, $0x1;
	s10 =	sld [smem:$0x3F9D]  }
0x3d: {  	_ =	shalt  }
0x3e: {  	_ =	shalt  }
0x3f: {  	_ =	shalt  }
0x40: {  	_ =	shalt  }
0x41: {  	_ =	shalt  }
0x42: {  	_ =	shalt  }
0x43: {  	_ =	shalt  }
0x44: {  	_ =	shalt  }
0x45: {  	_ =	shalt  }
0x46: {  	_ =	shalt  }
0x47: {  	_ =	shalt  }
0x48: {  	_ =	shalt  }
0x49: {  	_ =	shalt  }
0x4a: {  	_ =	shalt  }
0x4b: {  	_ =	shalt  }
0x4c: {  	_ =	shalt  }
0x4d: {  	_ =	shalt  }
0x4e: {  	_ =	shalt  }
0x4f: {  	_ =	shalt  }
0x50: {  	_ =	shalt  }
0x51: {  	_ =	shalt  }
0x52: {  	_ =	shalt  }
0x53: {  	_ =	shalt  }
0x54: {  	_ =	shalt  }
0x55: {  	_ =	shalt  }
0x56: {  	_ =	shalt  }
0x57: {  	_ =	shalt  }
0x58: {  	_ =	shalt  }
0x59: {  	_ =	shalt  }
0x5a: {  	_ =	shalt  }
0x5b: {  	_ =	shalt  }
0x5c: {  	_ =	shalt  }
0x5d: {  	_ =	shalt  }
0x5e: {  	_ =	shalt  }
0x5f: {  	_ =	shalt  }
0x60: {  	_ =	shalt  }
0x61: {  	_ =	shalt  }
0x62: {  	_ =	shalt  }
0x63: {  	_ =	shalt  }
0x64: {  	_ =	shalt  }
0x65: {  	_ =	shalt  }
0x66: {  	_ =	shalt  }
0x67: {  	_ =	shalt  }
0x68: {  	_ =	shalt  }
0x69: {  	_ =	shalt  }
0x6a: {  	_ =	shalt  }
0x6b: {  	_ =	shalt  }
0x6c: {  	_ =	shalt  }
0x6d: {  	_ =	shalt  }
0x6e: {  	_ =	shalt  }
0x6f: {  	_ =	shalt  }
0x70: {  	_ =	shalt  }
0x71: {  	_ =	shalt  }
0x72: {  	_ =	shalt  }
0x73: {  	_ =	shalt  }
0x74: {  	_ =	shalt  }
0x75: {  	_ =	shalt  }
0x76: {  	_ =	shalt  }
0x77: {  	_ =	shalt  }
0x78: {  	_ =	shalt  }
0x79: {  	_ =	shalt  }
0x7a: {  	_ =	shalt  }
0x7b: {  	_ =	shalt  }
0x7c: {  	_ =	shalt  }
0x7d: {  	_ =	shalt  }
0x7e: {  	_ =	shalt  }
0x7f: {  	_ =	shalt  }
0x80: {  	_ =	shalt  }
0x81: {  	_ =	shalt  }
0x82: {  	_ =	shalt  }
0x83: {  	_ =	shalt  }
0x84: {  	_ =	shalt  }
0x85: {  	_ =	shalt  }
0x86: {  	_ =	shalt  }
0x87: {  	_ =	shalt  }
.Lfunc_end0:
.L_simem_size_0:
called_computation_lowered:
.L_overlay_start_0:
0x88: {  	s2 =	sld [smem:$0x3FD9]  }
0x89: {  	s3 =	sld [smem:$0x3FFE];
	_ =	sdelay $0x1  }
0x8a: {  	s1 =	srdreg.scid  }
0x8b: {  	s0 =	sand.u32 $0x1, s1  }
0x8c: {  	s14 =	sshll.u32 s0, $0xA;
	s2 =	sadd.s32 s3, s2  }
0x8d: {  	s2 =	sadd.s32 s2, s14  }
0x8e: {  	[smem:$0x3FA9] =	sst s2  }
0x8f: {  	_ = 	snop  }
0x90: {  	s2 =	sld [smem:$0x3FD0];
	_ =	sdelay $0x2  }
0x91: {  	s15 =	simm.s32 $0xA;
	s4 =	simm.s32 $0x10  }
0x92: {  	[smem:s4], [sflag:s15] =	dma.local [hbm:s2], $0x1  }
0x93: {  	_ =	swait.eq [sflag:s15], $0x1  }
0x94: {  	[sflag:s15] =	ssyncset.done $0x0  }
0x95: {  	s16 =	sld [smem:$0x10];
	[sflag:s15] =	ssyncadd.s32 $0xFFFFFFFF  }
0x96: {  	s17 =	sld [smem:$0x11];
	(tm) =	ssettm $0x1  }
0x97: {  	s18 =	sld [smem:$0x3FFB];
	_ =	sdelay $0x3  }
0x98: {  	_ =	strace s18  }
0x99: {  	s4 =	sld [smem:$0x3FFC];
	_ =	sdelay $0x3  }
0x9a: {  	_ =	strace s4  }
0x9b: {  	s4 =	sld [smem:$0x3FFD];
	_ =	sdelay $0x3  }
0x9c: {  	_ =	strace s4  }
0x9d: {  	_ =	strace $0x8FFFFFFF  }
0x9e: {  	s19 =	sld [smem:$0x3FDB];
	_ =	sdelay $0x1  }
0x9f: {  	s5 =	simm.s32 $_scs_section_size  }
0xa0: {  	s6 =	simm.s32 $_size__tile_overlayer_lowered;
	s7 =	simm.s32 $_tile_overlayer_lowered  }
0xa1: {  	s22 =	simm.s32 $0x1BFF;
	s21 =	sshll.u32 s7, $0x1;
	s4 =	sadd.s32 s5, s19  }
0xa2: {  	s8 =	simm.s32 $0x0;
	s20 =	sshll.u32 s6, $0x1;
	s6 =	sadd.s32 s21, s4  }
0xa3: {  	[timem:s8], [sflag:s22] =	dma.local [hbm:s6], s20  }
0xa4: {  	_ =	swait.ge [sflag:s22], s20  }
0xa5: {  	s5 =	ssub.s32 $0x0, s20;
	[sflag:s22] =	ssyncset.done $0x0  }
0xa6: {  	[sflag:s22] =	ssyncadd.s32 s5;
	_ =	sdelay $0x1  }
0xa7: {  	s23 =	simm.s32 $0x1B8B  }
0xa8: {  	_ =	swait.ge [sflag:s23], $0x1  }
0xa9: {  	[sflag:s23] =	ssyncset.done $0x0  }
0xaa: {  	s25 =	simm.s32 $0x1B8E;
	s24 =	sld [smem:$0x3FFE];
	[sflag:s23] =	ssyncadd.s32 $0xFFFFFFFF  }
0xab: {  	s26 =	simm.s32 $execute0_lowered;
	[smem:$0x3FD2] =	sst s25  }
0xac: {  	s6 =	sshll.u32 s26, $0x1;
	_ =	strace $0x80000046;
	[dreg:$0x1] =	wrdreg $0xFFFFFFFF  }
0xad: {  	s28 =	simm.s32 $_size_execute0_lowered;
	s4 =	sadd.s32 s4, s6;
	[dreg:$0x0] =	wrdreg $0x0  }
0xae: {  	s6 =	sshll.u32 s28, $0x1;
	[dreg:$0x2] =	wrdreg s4  }
0xaf: {  	[dreg:$0x3] =	wrdreg s6  }
0xb0: {  	[dreg:$0x4] =	wrdreg $0xC0  }
0xb1: {  	_ =	task [dreg:s8], $0x5FFFF  }
0xb2: {  	[dreg:$0x1] =	wrdreg $0xFFFFFFFF  }
0xb3: {  	[dreg:$0x0] =	wrdreg $0x60  }
0xb4: {  	[dreg:$0x2] =	wrdreg s24  }
0xb5: {  	[dreg:$0x3] =	wrdreg s16  }
0xb6: {  	[dreg:$0x4] =	wrdreg s17  }
0xb7: {  	[dreg:$0x5] =	wrdreg $0x9  }
0xb8: {  	_ =	task.clear_ibuf [dreg:s8], $0x6FFFF;
	_ =	strace $0x90000046  }
0xb9: {  	s29 =	simm.s32 $0x9;
	_ =	strace $0x80000048  }
0xba: {  	_ =	swait.ge [sflag:s29], $0x1  }
0xbb: {  	[sflag:s29] =	ssyncadd.s32 $0xFFFFFFFF  }
0xbc: {  	_ =	strace $0x90000048  }
0xbd: {  	_ =	sfence  }
0xbe: {  	s30 =	sld [smem:$0x0];
	_ =	sdelay $0x2  }
0xbf: {  	s31 =	sshll.u32 s1, $0xD;
	s1 =	sshrl.u32 s1, $0x2  }
0xc0: {  	s3 =	sand.u32 $0x4000, s31;
	s1 =	sadd.s32 s1, s30  }
0xc1: {  	s0 =	sor.u32 s3, s0;
	s1 =	sshll.u32 s1, $0x11  }
0xc2: {  	s0 =	sor.u32 s1, s0  }
0xc3: {  	s0 =	sadd.s32 $0x8F2B, s0  }
0xc4: {  	[sflag:s0] =	ssyncadd.remote.s32 $0x1  }
0xc5: {  	_ =	sfence.sel $0xFFFF  }
0xc6: {  	[dreg:$0x0] =	wrdreg $0xFFFFFFFF;
	(pc) =	sbr.abs _section_cstart, $3  }
0xc7: {  	[dreg:$0x1] =	wrdreg $0xFFFFFFFF  }
0xc8: {  	_ =	task.clear_ibuf [dreg:s8], $0x2FFFF;
	_ =	strace $0x9FFFFFFF  }
0xc9: {  	(tm) =	ssettm $0x7FFFFFFF  }
tec
execute0_lowered:
.L_overlay_start_1:
0x0: {  	(tag) =	ssettag $0x1  }
0x1: {  	s0 =	rddreg [dreg:$0x0];
	s1 =	srdreg.scid  }
0x2: {  	s18 =	stileid.u32;
	s16 =	rddreg [dreg:$0x1]  }
0x3: {  	s7 =	rddreg [dreg:$0x2];
	s3 =	simm.s32 $0x0;
	s28 =	simm.s32 $0x50  }
0x4: {  	s29 =	simm.s32 $0x4E20;
	s30 =	simm.s32 $0x5320;
	s31 =	simm.s32 $0x5820  }
0x5: {  	s1 =	sand.u32 $0x1, s1;
	s2 =	sshll.u32 s18, $0x1;
	[smem:$0x7FF] =	sst s3  }
0x6: {  	s4 =	sadd.s32 $0x1B800, s0;
	s5 =	sadd.s32 $0x20800, s0;
	s11 =	smul.u32 $0x4E20, s18  }
0x7: {  	s6 =	sadd.s32 $0x47A00, s0;
	s9 =	sadd.s32 $0x6EC00, s0;
	s14 =	smul.u32 $0x2710, s1  }
0x8: {  	s10 =	sadd.s32 $0x10B000, s0;
	s2 =	sor.u32 s1, s2;
	s25 =	smul.u32 $0x27100, s1  }
0x9: {  	s12 =	sadd.s32 $0x5ED000, s0;
	s13 =	ssub.s32 $0x2, s1;
	s2 =	smul.u32 $0x2710, s2  }
0xa: {  	_ =	strace $0x80000047;
	s1 =	smul.u32 $0x4E20, s1;
	s15 =	sshrl.u32 s13, $0x1  }
0xb: {  	s11 =	sadd.s32 s14, s11;
	s8 =	sshrl.u32 s2, $0x3;
	s2 =	sadd.s32 $0x26C0, s2  }
0xc: {  	s13 =	ssub.s32 s13, s15;
	s11 =	sadd.s32 $0x50, s11;
	s17 =	sshll.u32 s2, $0x1  }
0xd: {  	s8 =	sadd.s32 s8, s0;
	s0 =	sadd.s32 $0xACF000, s0;
	s19 =	sadd.s32 s7, s17  }
0xe: {  	s2 =	sshll.u32 s2, $0x4;
	s20 =	sadd.s32 s9, s17;
	[dreg:$0x4] =	wrdreg s19  }
0xf: {  	s11 =	sshrl.u32 s11, $0x4;
	s21 =	sadd.s32 s10, s2;
	[dreg:$0x5] =	wrdreg s20  }
0x10: {  	s22 =	sadd.s32 s12, s2;
	s23 =	sshll.u32 s11, $0x8;
	[dreg:$0x6] =	wrdreg s21  }
0x11: {  	s17 =	smul.u32 $0x4E200, s18;
	s2 =	sadd.s32 s0, s2;
	[dreg:$0x7] =	wrdreg s22  }
0x12: {  	s11 =	sshll.u32 s11, $0x5;
	[dreg:$0x8] =	wrdreg s2;
	s24 =	sadd.s32 s23, s10  }
0x13: {  	s26 =	sadd.s32 s23, s12;
	s14 =	sadd.s32 s23, s0;
	[dreg:$0x9] =	wrdreg s24  }
0x14: {  	s20 =	smul.u32 $0x9C40, s18;
	s18 =	sadd.s32 s11, s7;
	[dreg:$0xa] =	wrdreg s26  }
0x15: {  	[dreg:$0xb] =	wrdreg s14;
	s0 =	sadd.s32 s17, s0;
	s15 =	sadd.s32 s17, s12  }
0x16: {  	s19 =	sadd.s32 s17, s10;
	s24 =	sadd.s32 $0x11A00, s8;
	s26 =	smax.u32 s13, $0x1  }
0x17: {  	s10 =	simm.s32 $0xDA20;
	s12 =	simm.s32 $0x0;
	s0 =	sadd.s32 s25, s0  }
0x18: {  	s17 =	sadd.s32 s25, s19;
	s19 =	sadd.s32 s11, s9;
	[dreg:$0xe] =	wrdreg s24  }
0x19: {  	s21 =	sadd.s32 s20, s9;
	s22 =	sadd.s32 s20, s7;
	[dreg:$0x10] =	wrdreg s26  }
0x1a: {  	s7 =	simm.s32 $0xD020;
	s9 =	simm.s32 $0xD520;
	s11 =	simm.s32 $0x10220  }
.Ltmp0:
0x1b: {  	s20 =	simm.s32 $0x12A20;
	s26 =	simm.s32 $0x4;
	(pc) =	sbr.rel .LBB2_1-.Ltmp0, $4  }
0x1c: {  	[dreg:$0xc] =	wrdreg s0;
	s0 =	sadd.s32 s25, s15;
	s25 =	sadd.s32 $0x7C00, s8  }
0x1d: {  	s23 =	sadd.s32 s1, s21;
	s24 =	sadd.s32 s1, s22;
	s1 =	simm.s32 $0x8020  }
0x1e: {  	s21 =	simm.s32 $0x1;
	s22 =	simm.s32 $0x2;
	[dreg:$0xd] =	wrdreg s0  }
0x1f: {  	s8 =	simm.s32 $0x3;
	[dreg:$0xf] =	wrdreg s25;
	s0 =	simm.s32 $0xA820  }
.LBB2_4:
0x20: {  	_ =	swait.ge [sflag:s21], $0x500  }
0x21: {  	[sflag:s21] =	ssyncset.done $0x0  }
0x22: {  	[sflag:s21] =	ssyncadd.s32 $0xFFFFFB00  }
0x23: {  	_ =	swait.ge [sflag:s21], $0x500  }
0x24: {  	[sflag:s21] =	ssyncset.done $0x0  }
0x25: {  	[sflag:s21] =	ssyncadd.s32 $0xFFFFFB00  }
0x26: {  	_ =	swait.ge [sflag:s21], $0x2800  }
0x27: {  	[sflag:s21] =	ssyncset.done $0x0  }
0x28: {  	[sflag:s21] =	ssyncadd.s32 $0xFFFFD800  }
0x29: {  	_ =	swait.ge [sflag:s21], $0x2800  }
0x2a: {  	[sflag:s21] =	ssyncset.done $0x0  }
0x2b: {  	[sflag:s21] =	ssyncadd.s32 $0xFFFFD800  }
0x2c: {  	_ =	swait.ge [sflag:s21], $0x2800  }
0x2d: {  	[sflag:s21] =	ssyncset.done $0x0  }
0x2e: {  	s2 =	rddreg [dreg:$0x4];
	[sflag:s21] =	ssyncadd.s32 $0xFFFFD800  }
0x2f: {  	[hbm4b:s2+s3] =	stream.linear.scatter [tilespmem:s29], [sflag:$0x3], $0x500, $0x38;
	[tilespmem:$0x15220] =	vst v63  }
0x30: {  	s12 =	rddreg [dreg:$0x5]  }
0x31: {  	[hbm4b:s12+s3] =	stream.linear.scatter [tilespmem:s30], [sflag:$0x3], $0x500, $0x38;
	[tilespmem:$0x15220] =	vst v63  }
0x32: {  	s13 =	rddreg [dreg:$0x6]  }
0x33: {  	[hbm4b:s13+s3] =	stream.linear.scatter [tilespmem:s31], [sflag:$0x3], $0x2800, $0x38;
	[tilespmem:$0x15220] =	vst v63  }
0x34: {  	s14 =	rddreg [dreg:$0x7]  }
0x35: {  	[hbm4b:s14+s3] =	stream.linear.scatter [tilespmem:s1], [sflag:$0x3], $0x2800, $0x38;
	[tilespmem:$0x15220] =	vst v63  }
0x36: {  	s15 =	rddreg [dreg:$0x8]  }
0x37: {  	[hbm4b:s15+s3] =	stream.linear.scatter [tilespmem:s0], [sflag:$0x3], $0x2800, $0x38;
	[tilespmem:$0x15220] =	vst v63  }
0x38: {  	_ =	swait.ge [sflag:s26], $0x500  }
0x39: {  	[sflag:s26] =	ssyncset.done $0x0  }
0x3a: {  	[sflag:s26] =	ssyncadd.s32 $0xFFFFFB00  }
0x3b: {  	_ =	swait.ge [sflag:s26], $0x500  }
0x3c: {  	[sflag:s26] =	ssyncset.done $0x0  }
0x3d: {  	[sflag:s26] =	ssyncadd.s32 $0xFFFFFB00  }
0x3e: {  	_ =	swait.ge [sflag:s26], $0x2800  }
0x3f: {  	[sflag:s26] =	ssyncset.done $0x0  }
0x40: {  	[sflag:s26] =	ssyncadd.s32 $0xFFFFD800  }
0x41: {  	_ =	swait.ge [sflag:s26], $0x2800  }
0x42: {  	[sflag:s26] =	ssyncset.done $0x0  }
0x43: {  	[sflag:s26] =	ssyncadd.s32 $0xFFFFD800  }
0x44: {  	_ =	swait.ge [sflag:s26], $0x2800  }
0x45: {  	[sflag:s26] =	ssyncset.done $0x0  }
0x46: {  	[sflag:s26] =	ssyncadd.s32 $0xFFFFD800  }
0x47: {  	_ =	swait.ge [sflag:s8], $0x500  }
0x48: {  	[sflag:s8] =	ssyncset.done $0x0  }
0x49: {  	[sflag:s8] =	ssyncadd.s32 $0xFFFFFB00  }
0x4a: {  	_ =	swait.ge [sflag:s8], $0x500  }
0x4b: {  	[sflag:s8] =	ssyncset.done $0x0  }
0x4c: {  	[sflag:s8] =	ssyncadd.s32 $0xFFFFFB00  }
0x4d: {  	_ =	swait.ge [sflag:s8], $0x2800  }
0x4e: {  	[sflag:s8] =	ssyncset.done $0x0  }
0x4f: {  	[sflag:s8] =	ssyncadd.s32 $0xFFFFD800  }
0x50: {  	_ =	swait.ge [sflag:s8], $0x2800  }
0x51: {  	[sflag:s8] =	ssyncset.done $0x0  }
0x52: {  	[sflag:s8] =	ssyncadd.s32 $0xFFFFD800  }
0x53: {  	_ =	swait.ge [sflag:s8], $0x2800  }
0x54: {  	s12 =	rddreg [dreg:$0x11]  }
0x55: {  	s25 =	rddreg [dreg:$0x10];
	s12 =	sadd.s32 $0x1, s12  }
0x56: {  	p0 =	sne.s32 s12, s25  }
.Ltmp1:
0x57: {  	_ = 	snop;
	(pc) =	sbr.rel @!p0 .LBB2_5-.Ltmp1, $3  }
0x58: {  	_ =	sdelay $0x1  }
0x59: {  	[sflag:s8] =	ssyncset.done $0x0  }
0x5a: {  	[sflag:s8] =	ssyncadd.s32 $0xFFFFD800  }
.LBB2_1:
0x5b: {  	[dreg:$0x11] =	wrdreg s12  }
0x5c: {  	s2 =	rddreg [dreg:$0xe];
	s14 =	simm.s32 $0x5  }
0x5d: {  	[tilespmem:s3], [sflag:$0x5] =	stream.linear.gather [hbm4b:s2+s3], $0x2710, $0x38;
	[tilespmem:$0x15220] =	vst v63  }
0x5e: {  	_ =	swait.ge [sflag:s14], $0x2710  }
0x5f: {  	[sflag:s14] =	ssyncset.done $0x0  }
0x60: {  	s13 =	simm.s32 $0x2710;
	s15 =	rddreg [dreg:$0xf];
	[sflag:s14] =	ssyncadd.s32 $0xFFFFD8F0  }
0x61: {  	[tilespmem:s13], [sflag:$0x5] =	stream.linear.gather [hbm4b:s15+s3], $0x2710, $0x38;
	[tilespmem:$0x15220] =	vst v63  }
0x62: {  	_ =	swait.ge [sflag:s14], $0x2710  }
0x63: {  	[sflag:s14] =	ssyncset.done $0x0  }
0x64: {  	[sflag:s14] =	ssyncadd.s32 $0xFFFFD8F0  }
0x65: {  	[tilespmem:s29], [sflag:$0x1] =	stream.indirect.gather [hbm4b:s4+s28], $0x10, s3, s28, $0xb8;
	[tilespmem:$0x15220] =	vst v63  }
0x66: {  	_ = 	snop  }
0x67: {  	[tilespmem:s30], [sflag:$0x1] =	stream.indirect.gather [hbm4b:s4+s28], $0x10, s13, s28, $0xb8;
	[tilespmem:$0x15220] =	vst v63  }
0x68: {  	_ = 	snop  }
0x69: {  	[tilespmem:s31], [sflag:$0x1] =	stream.indirect.gather [hbm4b:s16+s28], $0x80, s13, s28, $0xb8;
	[tilespmem:$0x15220] =	vst v63  }
0x6a: {  	_ = 	snop  }
0x6b: {  	[tilespmem:s1], [sflag:$0x1] =	stream.indirect.gather [hbm4b:s5+s28], $0x80, s3, s28, $0xb8;
	[tilespmem:$0x15220] =	vst v63  }
0x6c: {  	_ = 	snop  }
0x6d: {  	[tilespmem:s0], [sflag:$0x1] =	stream.indirect.gather [hbm4b:s6+s28], $0x80, s13, s28, $0xb8;
	[tilespmem:$0x15220] =	vst v63  }
0x6e: {  	_ = 	snop  }
0x6f: {  	[tilespmem:s7], [sflag:$0x2] =	stream.indirect.gather [hbm4b:s4+s28], $0x10, s28, s28, $0xb8;
	[tilespmem:$0x15220] =	vst v63  }
0x70: {  	s25 =	simm.s32 $0x2760  }
0x71: {  	[tilespmem:s9], [sflag:$0x2] =	stream.indirect.gather [hbm4b:s4+s28], $0x10, s25, s28, $0xb8;
	[tilespmem:$0x15220] =	vst v63  }
0x72: {  	_ = 	snop  }
0x73: {  	[tilespmem:s10], [sflag:$0x2] =	stream.indirect.gather [hbm4b:s16+s28], $0x80, s25, s28, $0xb8;
	[tilespmem:$0x15220] =	vst v63  }
0x74: {  	_ = 	snop  }
0x75: {  	[tilespmem:s11], [sflag:$0x2] =	stream.indirect.gather [hbm4b:s5+s28], $0x80, s28, s28, $0xb8;
	[tilespmem:$0x15220] =	vst v63  }
0x76: {  	s12 =	simm.s32 $0x0  }
0x77: {  	[tilespmem:s20], [sflag:$0x2] =	stream.indirect.gather [hbm4b:s6+s28], $0x80, s25, s28, $0xb8;
	[tilespmem:$0x15220] =	vst v63  }
0x78: {  	s2 =	simm.s32 $0x2800;
	s13 =	simm.s32 $0x0;
	s25 =	simm.s32 $0xF0  }
.LBB2_2:
0x79: {  	_ =	swait.ge [sflag:s21], $0x500  }
0x7a: {  	[sflag:s21] =	ssyncset.done $0x0  }
0x7b: {  	[sflag:s21] =	ssyncadd.s32 $0xFFFFFB00  }
0x7c: {  	_ =	swait.ge [sflag:s21], $0x500  }
0x7d: {  	[sflag:s21] =	ssyncset.done $0x0  }
0x7e: {  	[sflag:s21] =	ssyncadd.s32 $0xFFFFFB00  }
0x7f: {  	_ =	swait.ge [sflag:s21], $0x2800  }
0x80: {  	[sflag:s21] =	ssyncset.done $0x0  }
0x81: {  	[sflag:s21] =	ssyncadd.s32 $0xFFFFD800  }
0x82: {  	_ =	swait.ge [sflag:s21], $0x2800  }
0x83: {  	[sflag:s21] =	ssyncset.done $0x0  }
0x84: {  	[sflag:s21] =	ssyncadd.s32 $0xFFFFD800  }
0x85: {  	_ =	swait.ge [sflag:s21], $0x2800  }
0x86: {  	[sflag:s21] =	ssyncset.done $0x0  }
0x87: {  	s14 =	sadd.s32 s12, s24;
	[sflag:s21] =	ssyncadd.s32 $0xFFFFD800  }
0x88: {  	[hbm4b:s14+s3] =	stream.linear.scatter [tilespmem:s29], [sflag:$0x3], $0x500, $0x38;
	[tilespmem:$0x15220] =	vst v63  }
0x89: {  	s15 =	sadd.s32 s12, s23  }
0x8a: {  	[hbm4b:s15+s3] =	stream.linear.scatter [tilespmem:s30], [sflag:$0x3], $0x500, $0x38;
	[tilespmem:$0x15220] =	vst v63  }
0x8b: {  	s15 =	sadd.s32 s13, s17  }
0x8c: {  	[hbm4b:s15+s3] =	stream.linear.scatter [tilespmem:s31], [sflag:$0x3], $0x2800, $0x38;
	[tilespmem:$0x15220] =	vst v63  }
0x8d: {  	s15 =	rddreg [dreg:$0xd]  }
0x8e: {  	s14 =	sadd.s32 s13, s15;
	s15 =	rddreg [dreg:$0xc]  }
0x8f: {  	[hbm4b:s14+s3] =	stream.linear.scatter [tilespmem:s1], [sflag:$0x3], $0x2800, $0x38;
	[tilespmem:$0x15220] =	vst v63  }
0x90: {  	s14 =	sadd.s32 s13, s15  }
0x91: {  	[hbm4b:s14+s3] =	stream.linear.scatter [tilespmem:s0], [sflag:$0x3], $0x2800, $0x38;
	[tilespmem:$0x15220] =	vst v63  }
0x92: {  	_ =	swait.ge [sflag:s22], $0x500  }
0x93: {  	[sflag:s22] =	ssyncset.done $0x0  }
0x94: {  	[sflag:s22] =	ssyncadd.s32 $0xFFFFFB00  }
0x95: {  	_ =	swait.ge [sflag:s22], $0x500  }
0x96: {  	[sflag:s22] =	ssyncset.done $0x0  }
0x97: {  	[sflag:s22] =	ssyncadd.s32 $0xFFFFFB00  }
0x98: {  	_ =	swait.ge [sflag:s22], $0x2800  }
0x99: {  	[sflag:s22] =	ssyncset.done $0x0  }
0x9a: {  	[sflag:s22] =	ssyncadd.s32 $0xFFFFD800  }
0x9b: {  	_ =	swait.ge [sflag:s22], $0x2800  }
0x9c: {  	[sflag:s22] =	ssyncset.done $0x0  }
0x9d: {  	[sflag:s22] =	ssyncadd.s32 $0xFFFFD800  }
0x9e: {  	_ =	swait.ge [sflag:s22], $0x2800  }
0x9f: {  	[sflag:s22] =	ssyncset.done $0x0  }
0xa0: {  	s15 =	sadd.s32 s12, s18;
	[sflag:s22] =	ssyncadd.s32 $0xFFFFD800  }
0xa1: {  	[hbm4b:s15+s3] =	stream.linear.scatter [tilespmem:s7], [sflag:$0x4], $0x500, $0x38;
	[tilespmem:$0x15220] =	vst v63  }
0xa2: {  	s15 =	sadd.s32 s12, s19  }
0xa3: {  	[hbm4b:s15+s3] =	stream.linear.scatter [tilespmem:s9], [sflag:$0x4], $0x500, $0x38;
	[tilespmem:$0x15220] =	vst v63  }
0xa4: {  	s15 =	rddreg [dreg:$0x9]  }
0xa5: {  	s14 =	sadd.s32 s13, s15;
	s15 =	rddreg [dreg:$0xa]  }
0xa6: {  	[hbm4b:s14+s3] =	stream.linear.scatter [tilespmem:s10], [sflag:$0x4], $0x2800, $0x38;
	[tilespmem:$0x15220] =	vst v63  }
0xa7: {  	s14 =	sadd.s32 s13, s15;
	s15 =	rddreg [dreg:$0xb]  }
0xa8: {  	[hbm4b:s14+s3] =	stream.linear.scatter [tilespmem:s11], [sflag:$0x4], $0x2800, $0x38;
	[tilespmem:$0x15220] =	vst v63  }
0xa9: {  	s14 =	sadd.s32 s13, s15  }
0xaa: {  	[hbm4b:s14+s3] =	stream.linear.scatter [tilespmem:s20], [sflag:$0x4], $0x2800, $0x38;
	[tilespmem:$0x15220] =	vst v63  }
0xab: {  	_ =	swait.ge [sflag:s8], $0x500  }
0xac: {  	[sflag:s8] =	ssyncset.done $0x0  }
0xad: {  	[sflag:s8] =	ssyncadd.s32 $0xFFFFFB00  }
0xae: {  	_ =	swait.ge [sflag:s8], $0x500  }
0xaf: {  	[sflag:s8] =	ssyncset.done $0x0  }
0xb0: {  	[sflag:s8] =	ssyncadd.s32 $0xFFFFFB00  }
0xb1: {  	_ =	swait.ge [sflag:s8], $0x2800  }
0xb2: {  	[sflag:s8] =	ssyncset.done $0x0  }
0xb3: {  	[sflag:s8] =	ssyncadd.s32 $0xFFFFD800  }
0xb4: {  	_ =	swait.ge [sflag:s8], $0x2800  }
0xb5: {  	[sflag:s8] =	ssyncset.done $0x0  }
0xb6: {  	[sflag:s8] =	ssyncadd.s32 $0xFFFFD800  }
0xb7: {  	_ =	swait.ge [sflag:s8], $0x2800  }
0xb8: {  	[sflag:s8] =	ssyncset.done $0x0  }
0xb9: {  	s14 =	sadd.s32 $0xFFFFFFB0, s25;
	[sflag:s8] =	ssyncadd.s32 $0xFFFFD800  }
0xba: {  	[tilespmem:s29], [sflag:$0x1] =	stream.indirect.gather [hbm4b:s4+s28], $0x10, s14, s28, $0xb8;
	[tilespmem:$0x15220] =	vst v63  }
0xbb: {  	s15 =	sadd.s32 $0xFFFFFFB0, s2  }
0xbc: {  	[tilespmem:s30], [sflag:$0x1] =	stream.indirect.gather [hbm4b:s4+s28], $0x10, s15, s28, $0xb8;
	[tilespmem:$0x15220] =	vst v63  }
0xbd: {  	p0 =	seq.s32 s13, $0x26200  }
0xbe: {  	[tilespmem:s31], [sflag:$0x1] =	stream.indirect.gather [hbm4b:s16+s28], $0x80, s15, s28, $0xb8;
	[tilespmem:$0x15220] =	vst v63  }
.Ltmp2:
0xbf: {  	_ = 	snop;
	(pc) =	sbr.rel @p0 .LBB2_4-.Ltmp2, $4  }
0xc0: {  	_ = 	snop  }
0xc1: {  	[tilespmem:s1], [sflag:$0x1] =	stream.indirect.gather [hbm4b:s5+s28], $0x80, s14, s28, $0xb8;
	[tilespmem:$0x15220] =	vst v63  }
0xc2: {  	_ = 	snop  }
0xc3: {  	[tilespmem:s0], [sflag:$0x1] =	stream.indirect.gather [hbm4b:s6+s28], $0x80, s15, s28, $0xb8;
	[tilespmem:$0x15220] =	vst v63  }
0xc4: {  	_ =	swait.ge [sflag:s26], $0x500  }
0xc5: {  	[sflag:s26] =	ssyncset.done $0x0  }
0xc6: {  	[sflag:s26] =	ssyncadd.s32 $0xFFFFFB00  }
0xc7: {  	_ =	swait.ge [sflag:s26], $0x500  }
0xc8: {  	[sflag:s26] =	ssyncset.done $0x0  }
0xc9: {  	[sflag:s26] =	ssyncadd.s32 $0xFFFFFB00  }
0xca: {  	_ =	swait.ge [sflag:s26], $0x2800  }
0xcb: {  	[sflag:s26] =	ssyncset.done $0x0  }
0xcc: {  	[sflag:s26] =	ssyncadd.s32 $0xFFFFD800  }
0xcd: {  	_ =	swait.ge [sflag:s26], $0x2800  }
0xce: {  	[sflag:s26] =	ssyncset.done $0x0  }
0xcf: {  	[sflag:s26] =	ssyncadd.s32 $0xFFFFD800  }
0xd0: {  	_ =	swait.ge [sflag:s26], $0x2800  }
0xd1: {  	[sflag:s26] =	ssyncset.done $0x0  }
0xd2: {  	[sflag:s26] =	ssyncadd.s32 $0xFFFFD800  }
0xd3: {  	[tilespmem:s7], [sflag:$0x2] =	stream.indirect.gather [hbm4b:s4+s28], $0x10, s25, s28, $0xb8;
	[tilespmem:$0x15220] =	vst v63  }
0xd4: {  	_ = 	snop  }
0xd5: {  	[tilespmem:s9], [sflag:$0x2] =	stream.indirect.gather [hbm4b:s4+s28], $0x10, s2, s28, $0xb8;
	[tilespmem:$0x15220] =	vst v63  }
0xd6: {  	_ = 	snop  }
0xd7: {  	[tilespmem:s10], [sflag:$0x2] =	stream.indirect.gather [hbm4b:s16+s28], $0x80, s2, s28, $0xb8;
	[tilespmem:$0x15220] =	vst v63  }
.Ltmp3:
0xd8: {  	_ = 	snop;
	(pc) =	sbr.rel .LBB2_2-.Ltmp3, $4  }
0xd9: {  	[tilespmem:s11], [sflag:$0x2] =	stream.indirect.gather [hbm4b:s5+s28], $0x80, s25, s28, $0xb8;
	[tilespmem:$0x15220] =	vst v63  }
0xda: {  	s13 =	sadd.s32 $0xA00, s13  }
0xdb: {  	[tilespmem:s20], [sflag:$0x2] =	stream.indirect.gather [hbm4b:s6+s28], $0x80, s2, s28, $0xb8;
	[tilespmem:$0x15220] =	vst v63  }
0xdc: {  	s12 =	sadd.s32 $0x140, s12;
	s25 =	sadd.s32 $0xA0, s25;
	s2 =	sadd.s32 $0xA0, s2  }
.LBB2_5:
0xdd: {  	_ =	sfence.sel $0x180000  }
0xde: {  	[bflag:$0x0] =	sbarrier.arrive $0xFFFF  }
0xdf: {  	_ =	strace $0x90000047  }
0xe0: {  	s0 =	stileid.u32;
	[bflag:$0x2] =	sbarrier.arrive $0xFFFF  }
0xe1: {  	p0 =	sne.s32 s0, $0x0;
	s0 =	rddreg [dreg:$0x3]  }
0xe2: {  	s0 =	sadd.s32 @!p0 $0x100000, s0  }
0xe3: {  	[sflag:s0] =	ssyncadd.tile.s32 @!p0 $0x1;
	_ =	shalt  }
.Lfunc_end2:
_tile_overlayer_lowered:
.L_overlay_start_2:
0xe4: {  	(tag) =	ssettag $0x2  }
0xe5: {  	s0 =	rddreg [dreg:$0x0];
	s2 =	stileid.u32  }
0xe6: {  	s1 =	rddreg [dreg:$0x1];
	p0 =	sne.s32 s2, $0x0  }
0xe7: {  	s3 =	rddreg [dreg:$0x2];
	[bflag:$0x3] =	sbarrier.arrive $0xFFFF;
	s2 =	simm.s32 @!p0 $0x1C05  }
0xe8: {  	[timem:s3], [sflag:s2] =	dma.local @!p0 [hbm:s0], s1  }
0xe9: {  	s0 =	simm.s32 @!p0 $0x5  }
0xea: {  	_ =	swait.ge @!p0 [sflag:s0], s1  }
0xeb: {  	s1 =	ssub.s32 @!p0 $0x0, s1;
	[sflag:s0] =	ssyncset.done @!p0 $0x0  }
0xec: {  	[sflag:s0] =	ssyncadd.s32 @!p0 s1  }
0xed: {  	[bflag:$0x3] =	sbarrier.arrive $0xFFFF  }
0xee: {  	_ =	shalt  }

</sc_bundles>
